<compile_context>
chip_gen: v7x
topology: tpu7x:2x2x1
jax: 0.10.2.dev20260603
libtpu: 0.0.44.dev20260713+nightly
codegen_flags: <defaults>
</compile_context>

<pallas_src>
import functools

import jax
import jax.numpy as jnp
from jax import lax
from jax.experimental import pallas as pl
from jax.experimental.pallas import tpu as pltpu
from jax.experimental.pallas import tpu_sc as plsc

B, L, D = 16, 512, 1024
MROWS = 32

NW = 32
RPW = B * L // NW
RB = 16
ITERS = RPW // RB
NBUF = 2


def _interleave_sc_body(x_hbm, tokp_hbm, seq_hbm, out_hbm, len_hbm,
                        buf, lenv, insem, outsem):
    wid = lax.axis_index("s") * 2 + lax.axis_index("c")
    b = wid // 2
    base = (wid % 2) * RPW

    def in_cp(it, k):
        return pltpu.make_async_copy(
            x_hbm.at[b, pl.ds(base + it * RB, RB), :],
            buf.at[k, :, 0, :], insem.at[k])

    def out_cp(it, k):
        r0 = base + it * RB
        return pltpu.make_async_copy(
            buf.at[k].reshape(2 * RB, D),
            out_hbm.at[b, pl.ds(2 * r0, 2 * RB), :],
            outsem.at[k])

    for k in range(NBUF):
        pltpu.make_async_copy(tokp_hbm, buf.at[k, :, 1, :],
                              insem.at[k]).start()
    for k in range(NBUF):
        pltpu.make_async_copy(tokp_hbm, buf.at[k, :, 1, :],
                              insem.at[k]).wait()

    in_cp(0, 0).start()
    in_cp(1, 1).start()
    for it in range(ITERS):
        k = it % NBUF
        nxt = it + NBUF - 1
        if nxt < ITERS:
            if it >= 1:
                out_cp(it - 1, (it - 1) % NBUF).wait()
            in_cp(nxt, nxt % NBUF).start()
        in_cp(it, k).wait()
        out_cp(it, k).start()
    for j in range(max(ITERS - NBUF, 0), ITERS):
        out_cp(j, j % NBUF).wait()

    @pl.when(wid == B)
    def _():
        pltpu.sync_copy(seq_hbm, lenv)
        lenv[...] = lenv[...] * 2
        pltpu.sync_copy(lenv, len_hbm)


def _mask_body(ns_ref, ts_ref, mask_ref, ts2_ref):
    i = pl.program_id(0)
    ncol = 2 * L
    r = i * MROWS + jax.lax.broadcasted_iota(jnp.int32, (MROWS, ncol), 0)
    c = jax.lax.broadcasted_iota(jnp.int32, (MROWS, ncol), 1)
    n2 = ns_ref[...] * 2
    nm1 = jnp.maximum(n2 - 1, 0)
    re = 1 - (r & 1)

    def _nz(d):
        return ((d | -d) >> 31) & 1

    def mbit(c):
        odd_c = c & 1
        lt = ((c - n2) >> 31) & 1
        m_even = (lt | odd_c) & _nz(c - nm1)
        m_odd = odd_c & _nz(c - r)
        return re * m_even + (1 - re) * m_odd

    mask_ref[...] = mbit(c).astype(jnp.int8)

    @pl.when(i == 0)
    def _():
        tsb = ts_ref[...]
        ts2_ref[...] = jnp.stack([tsb, tsb], axis=-1).reshape(B, 2 * L)


def kernel(x, timestamps, seq_lens, token):
    mk = jax.random.key(42)
    ka, kb = jax.random.split(mk)
    n_summarize = jnp.round(
        jax.random.uniform(ka, (L,)) * jnp.arange(L, dtype=jnp.float32)
    ).astype(jnp.int32)
    gate = jax.random.uniform(kb, ())
    n_summarize = jnp.where(gate > 0.5, jnp.zeros_like(n_summarize), n_summarize)
    nsrep = jnp.repeat(n_summarize, 2).reshape(2 * L, 1)

    tokplane = jnp.broadcast_to(token[None, :], (RB, D))

    mesh = plsc.VectorSubcoreMesh(core_axis_name="c", subcore_axis_name="s")
    new_x, new_lengths = functools.partial(
        pl.kernel,
        mesh=mesh,
        out_type=[
            jax.ShapeDtypeStruct((B, 2 * L, D), jnp.float32),
            jax.ShapeDtypeStruct((B,), jnp.int32),
        ],
        scratch_types=[
            pltpu.VMEM((NBUF, RB, 2, D), jnp.float32),
            pltpu.VMEM((B,), jnp.int32),
            pltpu.SemaphoreType.DMA((NBUF,)),
            pltpu.SemaphoreType.DMA((NBUF,)),
        ],
    )(_interleave_sc_body)(x, tokplane, seq_lens)

    mask, new_timestamps = pl.pallas_call(
        _mask_body,
        grid=(2 * L // MROWS,),
        in_specs=[
            pl.BlockSpec((MROWS, 1), lambda i: (i, 0)),
            pl.BlockSpec((B, L), lambda i: (0, 0)),
        ],
        out_specs=[
            pl.BlockSpec((MROWS, 2 * L), lambda i: (i, 0)),
            pl.BlockSpec((B, 2 * L), lambda i: (0, 0)),
        ],
        out_shape=[
            jax.ShapeDtypeStruct((2 * L, 2 * L), jnp.int8),
            jax.ShapeDtypeStruct((B, 2 * L), jnp.float32),
        ],
    )(nsrep, timestamps)

    attention_mask = mask.astype(jnp.bool_)
    return (new_x, new_timestamps, new_lengths, attention_mask)

# --- scband reference (transcript-rebuilt; emitter-appended) ---
"""Pipeline reference for scband-full-htstrategy-5145370821180 (READ-ONLY COPY).

The authoritative reference and input builder live on the scoring server;
editing this copy changes nothing except your own understanding.
"""

import jax, jax.numpy as jnp
import numpy as np


def _make_attention_mask_impl(n_summarize):
    l = n_summarize.shape[0]
    n2 = n_summarize * 2
    mask = jnp.arange(2 * l)[None, :] < n2[:, None]
    mask = mask.at[:, 1::2].set(True)
    mask = mask.at[jnp.arange(l), jnp.clip(n2 - 1, 0)].set(False)
    ht_mask = jnp.zeros((l, 2 * l), dtype=bool)
    ht_mask = ht_mask.at[:, 1::2].set(~jnp.eye(l, dtype=bool))
    mask = jnp.concatenate([mask, ht_mask], axis=1).reshape(2 * l, 2 * l)
    return mask


def setup_inputs(seed: int = 0) -> dict:
    key = jax.random.key(seed)
    k1, k2, k3, k4 = jax.random.split(key, 4)
    B, L, D = 16, 512, 1024
    x = jax.random.normal(k1, (B, L, D), dtype=jnp.float32)
    timestamps = jnp.sort(jax.random.uniform(k2, (B, L), dtype=jnp.float32) * 1000.0, axis=1)
    seq_lens = jax.random.randint(k3, (B,), 1, L + 1).astype(jnp.int32)
    token = jax.random.uniform(k4, (D,), dtype=jnp.float32)
    return {"x": x, "timestamps": timestamps, "seq_lens": seq_lens, "token": token}


def reference(x, timestamps, seq_lens, token):
    # FullHTStrategy.forward -> apply() in pretrain (non-embedding) mode.
    b, l, d = x.shape
    # insert_tokens: interleave a learned history token after every real token
    tok = jnp.broadcast_to(token[None, None, :], (b, l, d))
    new_x = jnp.stack([x, tok], axis=2).reshape(b, 2 * l, d)
    new_timestamps = jnp.repeat(timestamps, 2, axis=1)
    new_lengths = seq_lens * 2
    # make_attention_mask: sample n_summarize per position (fixed key for determinism)
    mk = jax.random.key(42)
    ka, kb = jax.random.split(mk)
    n_summarize = jnp.round(jax.random.uniform(ka, (l,)) * jnp.arange(l, dtype=jnp.float32)).astype(jnp.int32)
    gate = jax.random.uniform(kb, ())
    apply_probability = 0.5
    n_summarize = jnp.where(gate > apply_probability, jnp.zeros_like(n_summarize), n_summarize)
    attention_mask = _make_attention_mask_impl(n_summarize)
    return (new_x, new_timestamps, new_lengths, attention_mask)

if __name__ == "__main__":
    import jax
    _d = setup_inputs()
    print(jax.jit(kernel)(*tuple(_d.values())))

</pallas_src>

<mosaic_0001>
#map = affine_map<(d0, d1) -> (0, 0, 0)>
#map1 = affine_map<(d0, d1) -> (0, 0)>
#map2 = affine_map<(d0, d1) -> (0)>
module attributes {stable_mosaic.version = 14 : i64} {
  func.func @_interleave_sc_body(%arg0: i32, %arg1: i32, %arg2: memref<16x512x1024xf32, #tpu.memory_space<hbm>>, %arg3: memref<16x1024xf32, #tpu.memory_space<hbm>>, %arg4: memref<16xi32, #tpu.memory_space<hbm>>, %arg5: memref<16x1024x1024xf32, #tpu.memory_space<hbm>>, %arg6: memref<16xi32, #tpu.memory_space<hbm>>, %arg7: memref<2x16x2x1024xf32, #tpu.memory_space<vmem>>, %arg8: memref<16xi32, #tpu.memory_space<vmem>>, %arg9: memref<2x!tpu.dma_semaphore, #tpu.memory_space<semaphore_mem>>, %arg10: memref<2x!tpu.dma_semaphore, #tpu.memory_space<semaphore_mem>>) attributes {dimension_semantics = [#tpu.dimension_semantics<core_parallel>, #tpu.dimension_semantics<subcore_parallel>], iteration_bounds = array<i64: 2, 16>, scalar_prefetch = 0 : i64, scratch_operands = 4 : i64, tpu.core_type = #tpu.core_type<sc_vector_subcore>, window_params = [{transform_indices = #map}, {transform_indices = #map1}, {transform_indices = #map2}, {transform_indices = #map}, {transform_indices = #map2}]} {
    %mul3A = arith.constant 2 : i32
    %mul3A_0 = arith.muli %arg1, %mul3A : i32
    %add3A = arith.addi %mul3A_0, %arg0 : i32
    %jit3A = arith.constant 2 : i32
    %div3A = arith.divsi %add3A, %jit3A : i32
    %sign3A = arith.constant 0 : i32
    %sign3A_1 = arith.cmpi sgt, %add3A, %sign3A : i32
    %sign3A_2 = arith.extui %sign3A_1 : i1 to i32
    %sign3A_3 = arith.constant 0 : i32
    %sign3A_4 = arith.cmpi slt, %add3A, %sign3A_3 : i32
    %sign3A_5 = arith.extui %sign3A_4 : i1 to i32
    %sign3A_6 = arith.subi %sign3A_2, %sign3A_5 : i32
    %sign3A_7 = arith.constant 0 : i32
    %sign3A_8 = arith.cmpi sgt, %jit3A, %sign3A_7 : i32
    %sign3A_9 = arith.extui %sign3A_8 : i1 to i32
    %sign3A_10 = arith.constant 0 : i32
    %sign3A_11 = arith.cmpi slt, %jit3A, %sign3A_10 : i32
    %sign3A_12 = arith.extui %sign3A_11 : i1 to i32
    %sign3A_13 = arith.subi %sign3A_9, %sign3A_12 : i32
    %ne3A = arith.cmpi ne, %sign3A_6, %sign3A_13 : i32
    %rem3A = arith.remsi %add3A, %jit3A : i32
    %ne3A_14 = arith.constant 0 : i32
    %ne3A_15 = arith.cmpi ne, %rem3A, %ne3A_14 : i32
    %and3A = arith.andi %ne3A, %ne3A_15 : i1
    %sub3A = arith.constant 1 : i32
    %sub3A_16 = arith.subi %div3A, %sub3A : i32
    %select_n3A = arith.select %and3A, %sub3A_16, %div3A : i32
    %jit3A_17 = arith.constant 2 : i32
    %eq3A = arith.constant 0 : i32
    %eq3A_18 = arith.cmpi eq, %jit3A_17, %eq3A : i32
    %jit3A_19 = arith.constant 1 : i32
    %select_n3A_20 = arith.select %eq3A_18, %jit3A_19, %jit3A_17 : i32
    %rem3A_21 = arith.remsi %add3A, %select_n3A_20 : i32
    %ne3A_22 = arith.constant 0 : i32
    %ne3A_23 = arith.cmpi ne, %rem3A_21, %ne3A_22 : i32
    %lt3A = arith.constant 0 : i32
    %lt3A_24 = arith.cmpi slt, %rem3A_21, %lt3A : i32
    %lt3A_25 = arith.constant 0 : i32
    %lt3A_26 = arith.cmpi slt, %select_n3A_20, %lt3A_25 : i32
    %ne3A_27 = arith.xori %lt3A_24, %lt3A_26 : i1
    %and3A_28 = arith.andi %ne3A_27, %ne3A_23 : i1
    %add3A_29 = arith.addi %rem3A_21, %select_n3A_20 : i32
    %select_n3A_30 = arith.select %and3A_28, %add3A_29, %rem3A_21 : i32
    %mul3A_31 = arith.constant 256 : i32
    %mul3A_32 = arith.muli %select_n3A_30, %mul3A_31 : i32
    %dma_start3A = arith.constant 0 : i32
    %dma_start3A_33 = arith.constant 1 : i32
    %dma_start3A_34 = arith.constant 0 : i32
    %dma_start3A_35 = arith.constant 0 : i32
    %dma_start3A_36 = arith.constant 0 : i32
    %dma_start3A_37 = tpu.memref_slice %arg7[%dma_start3A, %dma_start3A_35, %dma_start3A_33, %dma_start3A_36] : memref<2x16x2x1024xf32, #tpu.memory_space<vmem>> -> memref<1x16x1x1024xf32, #tpu.memory_space<vmem>>
    %dma_start3A_38 = tpu.memref_squeeze %dma_start3A_37 : memref<1x16x1x1024xf32, #tpu.memory_space<vmem>> -> memref<16x1024xf32, #tpu.memory_space<vmem>>
    %dma_start3A_39 = tpu.memref_slice %arg9[%dma_start3A_34] : memref<2x!tpu.dma_semaphore, #tpu.memory_space<semaphore_mem>> -> memref<1x!tpu.dma_semaphore, #tpu.memory_space<semaphore_mem>>
    %dma_start3A_40 = tpu.memref_squeeze %dma_start3A_39 : memref<1x!tpu.dma_semaphore, #tpu.memory_space<semaphore_mem>> -> memref<!tpu.dma_semaphore, #tpu.memory_space<semaphore_mem>>
    %dma_start3A_41 = arith.constant 0 : i32
    %dma_start3A_42 = arith.constant 0 : i32
    %dma_start3A_43 = tpu.memref_slice %arg7[%dma_start3A, %dma_start3A_41, %dma_start3A_33, %dma_start3A_42] : memref<2x16x2x1024xf32, #tpu.memory_space<vmem>> -> memref<1x16x1x1024xf32, #tpu.memory_space<vmem>>
    %dma_start3A_44 = tpu.memref_squeeze %dma_start3A_43 : memref<1x16x1x1024xf32, #tpu.memory_space<vmem>> -> memref<16x1024xf32, #tpu.memory_space<vmem>>
    tpu.enqueue_dma source(%arg3 : memref<16x1024xf32, #tpu.memory_space<hbm>>) target(%dma_start3A_44 : memref<16x1024xf32, #tpu.memory_space<vmem>>) target_semaphore(%dma_start3A_40 : memref<!tpu.dma_semaphore, #tpu.memory_space<semaphore_mem>>)
    %dma_start3A_45 = arith.constant 1 : i32
    %dma_start3A_46 = arith.constant 1 : i32
    %dma_start3A_47 = arith.constant 1 : i32
    %dma_start3A_48 = arith.constant 0 : i32
    %dma_start3A_49 = arith.constant 0 : i32
    %dma_start3A_50 = tpu.memref_slice %arg7[%dma_start3A_45, %dma_start3A_48, %dma_start3A_46, %dma_start3A_49] : memref<2x16x2x1024xf32, #tpu.memory_space<vmem>> -> memref<1x16x1x1024xf32, #tpu.memory_space<vmem>>
    %dma_start3A_51 = tpu.memref_squeeze %dma_start3A_50 : memref<1x16x1x1024xf32, #tpu.memory_space<vmem>> -> memref<16x1024xf32, #tpu.memory_space<vmem>>
    %dma_start3A_52 = tpu.memref_slice %arg9[%dma_start3A_47] : memref<2x!tpu.dma_semaphore, #tpu.memory_space<semaphore_mem>> -> memref<1x!tpu.dma_semaphore, #tpu.memory_space<semaphore_mem>>
    %dma_start3A_53 = tpu.memref_squeeze %dma_start3A_52 : memref<1x!tpu.dma_semaphore, #tpu.memory_space<semaphore_mem>> -> memref<!tpu.dma_semaphore, #tpu.memory_space<semaphore_mem>>
    %dma_start3A_54 = arith.constant 0 : i32
    %dma_start3A_55 = arith.constant 0 : i32
    %dma_start3A_56 = tpu.memref_slice %arg7[%dma_start3A_45, %dma_start3A_54, %dma_start3A_46, %dma_start3A_55] : memref<2x16x2x1024xf32, #tpu.memory_space<vmem>> -> memref<1x16x1x1024xf32, #tpu.memory_space<vmem>>
    %dma_start3A_57 = tpu.memref_squeeze %dma_start3A_56 : memref<1x16x1x1024xf32, #tpu.memory_space<vmem>> -> memref<16x1024xf32, #tpu.memory_space<vmem>>
    tpu.enqueue_dma source(%arg3 : memref<16x1024xf32, #tpu.memory_space<hbm>>) target(%dma_start3A_57 : memref<16x1024xf32, #tpu.memory_space<vmem>>) target_semaphore(%dma_start3A_53 : memref<!tpu.dma_semaphore, #tpu.memory_space<semaphore_mem>>)
    %dma_wait3A = arith.constant 0 : i32
    %dma_wait3A_58 = arith.constant 1 : i32
    %dma_wait3A_59 = arith.constant 0 : i32
    %dma_wait3A_60 = arith.constant 0 : i32
    %dma_wait3A_61 = arith.constant 0 : i32
    %dma_wait3A_62 = tpu.memref_slice %arg7[%dma_wait3A, %dma_wait3A_60, %dma_wait3A_58, %dma_wait3A_61] : memref<2x16x2x1024xf32, #tpu.memory_space<vmem>> -> memref<1x16x1x1024xf32, #tpu.memory_space<vmem>>
    %dma_wait3A_63 = tpu.memref_squeeze %dma_wait3A_62 : memref<1x16x1x1024xf32, #tpu.memory_space<vmem>> -> memref<16x1024xf32, #tpu.memory_space<vmem>>
    %dma_wait3A_64 = tpu.memref_slice %arg9[%dma_wait3A_59] : memref<2x!tpu.dma_semaphore, #tpu.memory_space<semaphore_mem>> -> memref<1x!tpu.dma_semaphore, #tpu.memory_space<semaphore_mem>>
    %dma_wait3A_65 = tpu.memref_squeeze %dma_wait3A_64 : memref<1x!tpu.dma_semaphore, #tpu.memory_space<semaphore_mem>> -> memref<!tpu.dma_semaphore, #tpu.memory_space<semaphore_mem>>
    %dma_wait3A_66 = arith.constant 0 : i32
    %dma_wait3A_67 = arith.constant 0 : i32
    %dma_wait3A_68 = tpu.memref_slice %arg7[%dma_wait3A, %dma_wait3A_66, %dma_wait3A_58, %dma_wait3A_67] : memref<2x16x2x1024xf32, #tpu.memory_space<vmem>> -> memref<1x16x1x1024xf32, #tpu.memory_space<vmem>>
    %dma_wait3A_69 = tpu.memref_squeeze %dma_wait3A_68 : memref<1x16x1x1024xf32, #tpu.memory_space<vmem>> -> memref<16x1024xf32, #tpu.memory_space<vmem>>
    tpu.wait_dma2 semaphore(%dma_wait3A_65 : memref<!tpu.dma_semaphore, #tpu.memory_space<semaphore_mem>>) src(%arg3 : memref<16x1024xf32, #tpu.memory_space<hbm>>) dst(%dma_wait3A_69 : memref<16x1024xf32, #tpu.memory_space<vmem>>)
    %dma_wait3A_70 = arith.constant 1 : i32
    %dma_wait3A_71 = arith.constant 1 : i32
    %dma_wait3A_72 = arith.constant 1 : i32
    %dma_wait3A_73 = arith.constant 0 : i32
    %dma_wait3A_74 = arith.constant 0 : i32
    %dma_wait3A_75 = tpu.memref_slice %arg7[%dma_wait3A_70, %dma_wait3A_73, %dma_wait3A_71, %dma_wait3A_74] : memref<2x16x2x1024xf32, #tpu.memory_space<vmem>> -> memref<1x16x1x1024xf32, #tpu.memory_space<vmem>>
    %dma_wait3A_76 = tpu.memref_squeeze %dma_wait3A_75 : memref<1x16x1x1024xf32, #tpu.memory_space<vmem>> -> memref<16x1024xf32, #tpu.memory_space<vmem>>
    %dma_wait3A_77 = tpu.memref_slice %arg9[%dma_wait3A_72] : memref<2x!tpu.dma_semaphore, #tpu.memory_space<semaphore_mem>> -> memref<1x!tpu.dma_semaphore, #tpu.memory_space<semaphore_mem>>
    %dma_wait3A_78 = tpu.memref_squeeze %dma_wait3A_77 : memref<1x!tpu.dma_semaphore, #tpu.memory_space<semaphore_mem>> -> memref<!tpu.dma_semaphore, #tpu.memory_space<semaphore_mem>>
    %dma_wait3A_79 = arith.constant 0 : i32
    %dma_wait3A_80 = arith.constant 0 : i32
    %dma_wait3A_81 = tpu.memref_slice %arg7[%dma_wait3A_70, %dma_wait3A_79, %dma_wait3A_71, %dma_wait3A_80] : memref<2x16x2x1024xf32, #tpu.memory_space<vmem>> -> memref<1x16x1x1024xf32, #tpu.memory_space<vmem>>
    %dma_wait3A_82 = tpu.memref_squeeze %dma_wait3A_81 : memref<1x16x1x1024xf32, #tpu.memory_space<vmem>> -> memref<16x1024xf32, #tpu.memory_space<vmem>>
    tpu.wait_dma2 semaphore(%dma_wait3A_78 : memref<!tpu.dma_semaphore, #tpu.memory_space<semaphore_mem>>) src(%arg3 : memref<16x1024xf32, #tpu.memory_space<hbm>>) dst(%dma_wait3A_82 : memref<16x1024xf32, #tpu.memory_space<vmem>>)
    %add3A_83 = arith.constant 0 : i32
    %add3A_84 = arith.addi %mul3A_32, %add3A_83 : i32
    %dma_start3A_85 = arith.constant 0 : i32
    %dma_start3A_86 = arith.constant 0 : i32
    %dma_start3A_87 = arith.constant 0 : i32
    %dma_start3A_88 = arith.constant 0 : i32
    %dma_start3A_89 = arith.constant 0 : i32
    %dma_start3A_90 = tpu.memref_slice %arg7[%dma_start3A_85, %dma_start3A_88, %dma_start3A_86, %dma_start3A_89] : memref<2x16x2x1024xf32, #tpu.memory_space<vmem>> -> memref<1x16x1x1024xf32, #tpu.memory_space<vmem>>
    %dma_start3A_91 = tpu.memref_squeeze %dma_start3A_90 : memref<1x16x1x1024xf32, #tpu.memory_space<vmem>> -> memref<16x1024xf32, #tpu.memory_space<vmem>>
    %dma_start3A_92 = arith.constant 0 : i32
    %dma_start3A_93 = tpu.memref_slice %arg2[%select_n3A, %add3A_84, %dma_start3A_92] : memref<16x512x1024xf32, #tpu.memory_space<hbm>> -> memref<1x16x1024xf32, #tpu.memory_space<hbm>>
    %dma_start3A_94 = tpu.memref_squeeze %dma_start3A_93 : memref<1x16x1024xf32, #tpu.memory_space<hbm>> -> memref<16x1024xf32, #tpu.memory_space<hbm>>
    %dma_start3A_95 = tpu.memref_slice %arg9[%dma_start3A_87] : memref<2x!tpu.dma_semaphore, #tpu.memory_space<semaphore_mem>> -> memref<1x!tpu.dma_semaphore, #tpu.memory_space<semaphore_mem>>
    %dma_start3A_96 = tpu.memref_squeeze %dma_start3A_95 : memref<1x!tpu.dma_semaphore, #tpu.memory_space<semaphore_mem>> -> memref<!tpu.dma_semaphore, #tpu.memory_space<semaphore_mem>>
    %dma_start3A_97 = arith.constant 0 : i32
    %dma_start3A_98 = arith.constant 0 : i32
    %dma_start3A_99 = tpu.memref_slice %arg7[%dma_start3A_85, %dma_start3A_97, %dma_start3A_86, %dma_start3A_98] : memref<2x16x2x1024xf32, #tpu.memory_space<vmem>> -> memref<1x16x1x1024xf32, #tpu.memory_space<vmem>>
    %dma_start3A_100 = tpu.memref_squeeze %dma_start3A_99 : memref<1x16x1x1024xf32, #tpu.memory_space<vmem>> -> memref<16x1024xf32, #tpu.memory_space<vmem>>
    %dma_start3A_101 = arith.constant 0 : i32
    %dma_start3A_102 = tpu.memref_slice %arg2[%select_n3A, %add3A_84, %dma_start3A_101] : memref<16x512x1024xf32, #tpu.memory_space<hbm>> -> memref<1x16x1024xf32, #tpu.memory_space<hbm>>
    %dma_start3A_103 = tpu.memref_squeeze %dma_start3A_102 : memref<1x16x1024xf32, #tpu.memory_space<hbm>> -> memref<16x1024xf32, #tpu.memory_space<hbm>>
    tpu.enqueue_dma source(%dma_start3A_103 : memref<16x1024xf32, #tpu.memory_space<hbm>>) target(%dma_start3A_100 : memref<16x1024xf32, #tpu.memory_space<vmem>>) target_semaphore(%dma_start3A_96 : memref<!tpu.dma_semaphore, #tpu.memory_space<semaphore_mem>>)
    %add3A_104 = arith.constant 16 : i32
    %add3A_105 = arith.addi %mul3A_32, %add3A_104 : i32
    %dma_start3A_106 = arith.constant 1 : i32
    %dma_start3A_107 = arith.constant 0 : i32
    %dma_start3A_108 = arith.constant 1 : i32
    %dma_start3A_109 = arith.constant 0 : i32
    %dma_start3A_110 = arith.constant 0 : i32
    %dma_start3A_111 = tpu.memref_slice %arg7[%dma_start3A_106, %dma_start3A_109, %dma_start3A_107, %dma_start3A_110] : memref<2x16x2x1024xf32, #tpu.memory_space<vmem>> -> memref<1x16x1x1024xf32, #tpu.memory_space<vmem>>
    %dma_start3A_112 = tpu.memref_squeeze %dma_start3A_111 : memref<1x16x1x1024xf32, #tpu.memory_space<vmem>> -> memref<16x1024xf32, #tpu.memory_space<vmem>>
    %dma_start3A_113 = arith.constant 0 : i32
    %dma_start3A_114 = tpu.memref_slice %arg2[%select_n3A, %add3A_105, %dma_start3A_113] : memref<16x512x1024xf32, #tpu.memory_space<hbm>> -> memref<1x16x1024xf32, #tpu.memory_space<hbm>>
    %dma_start3A_115 = tpu.memref_squeeze %dma_start3A_114 : memref<1x16x1024xf32, #tpu.memory_space<hbm>> -> memref<16x1024xf32, #tpu.memory_space<hbm>>
    %dma_start3A_116 = tpu.memref_slice %arg9[%dma_start3A_108] : memref<2x!tpu.dma_semaphore, #tpu.memory_space<semaphore_mem>> -> memref<1x!tpu.dma_semaphore, #tpu.memory_space<semaphore_mem>>
    %dma_start3A_117 = tpu.memref_squeeze %dma_start3A_116 : memref<1x!tpu.dma_semaphore, #tpu.memory_space<semaphore_mem>> -> memref<!tpu.dma_semaphore, #tpu.memory_space<semaphore_mem>>
    %dma_start3A_118 = arith.constant 0 : i32
    %dma_start3A_119 = arith.constant 0 : i32
    %dma_start3A_120 = tpu.memref_slice %arg7[%dma_start3A_106, %dma_start3A_118, %dma_start3A_107, %dma_start3A_119] : memref<2x16x2x1024xf32, #tpu.memory_space<vmem>> -> memref<1x16x1x1024xf32, #tpu.memory_space<vmem>>
    %dma_start3A_121 = tpu.memref_squeeze %dma_start3A_120 : memref<1x16x1x1024xf32, #tpu.memory_space<vmem>> -> memref<16x1024xf32, #tpu.memory_space<vmem>>
    %dma_start3A_122 = arith.constant 0 : i32
    %dma_start3A_123 = tpu.memref_slice %arg2[%select_n3A, %add3A_105, %dma_start3A_122] : memref<16x512x1024xf32, #tpu.memory_space<hbm>> -> memref<1x16x1024xf32, #tpu.memory_space<hbm>>
    %dma_start3A_124 = tpu.memref_squeeze %dma_start3A_123 : memref<1x16x1024xf32, #tpu.memory_space<hbm>> -> memref<16x1024xf32, #tpu.memory_space<hbm>>
    tpu.enqueue_dma source(%dma_start3A_124 : memref<16x1024xf32, #tpu.memory_space<hbm>>) target(%dma_start3A_121 : memref<16x1024xf32, #tpu.memory_space<vmem>>) target_semaphore(%dma_start3A_117 : memref<!tpu.dma_semaphore, #tpu.memory_space<semaphore_mem>>)
    %add3A_125 = arith.constant 16 : i32
    %add3A_126 = arith.addi %mul3A_32, %add3A_125 : i32
    %dma_start3A_127 = arith.constant 1 : i32
    %dma_start3A_128 = arith.constant 0 : i32
    %dma_start3A_129 = arith.constant 1 : i32
    %dma_start3A_130 = arith.constant 0 : i32
    %dma_start3A_131 = arith.constant 0 : i32
    %dma_start3A_132 = tpu.memref_slice %arg7[%dma_start3A_127, %dma_start3A_130, %dma_start3A_128, %dma_start3A_131] : memref<2x16x2x1024xf32, #tpu.memory_space<vmem>> -> memref<1x16x1x1024xf32, #tpu.memory_space<vmem>>
    %dma_start3A_133 = tpu.memref_squeeze %dma_start3A_132 : memref<1x16x1x1024xf32, #tpu.memory_space<vmem>> -> memref<16x1024xf32, #tpu.memory_space<vmem>>
    %dma_start3A_134 = arith.constant 0 : i32
    %dma_start3A_135 = tpu.memref_slice %arg2[%select_n3A, %add3A_126, %dma_start3A_134] : memref<16x512x1024xf32, #tpu.memory_space<hbm>> -> memref<1x16x1024xf32, #tpu.memory_space<hbm>>
    %dma_start3A_136 = tpu.memref_squeeze %dma_start3A_135 : memref<1x16x1024xf32, #tpu.memory_space<hbm>> -> memref<16x1024xf32, #tpu.memory_space<hbm>>
    %dma_start3A_137 = tpu.memref_slice %arg9[%dma_start3A_129] : memref<2x!tpu.dma_semaphore, #tpu.memory_space<semaphore_mem>> -> memref<1x!tpu.dma_semaphore, #tpu.memory_space<semaphore_mem>>
    %dma_start3A_138 = tpu.memref_squeeze %dma_start3A_137 : memref<1x!tpu.dma_semaphore, #tpu.memory_space<semaphore_mem>> -> memref<!tpu.dma_semaphore, #tpu.memory_space<semaphore_mem>>
    %dma_start3A_139 = arith.constant 0 : i32
    %dma_start3A_140 = arith.constant 0 : i32
    %dma_start3A_141 = tpu.memref_slice %arg7[%dma_start3A_127, %dma_start3A_139, %dma_start3A_128, %dma_start3A_140] : memref<2x16x2x1024xf32, #tpu.memory_space<vmem>> -> memref<1x16x1x1024xf32, #tpu.memory_space<vmem>>
    %dma_start3A_142 = tpu.memref_squeeze %dma_start3A_141 : memref<1x16x1x1024xf32, #tpu.memory_space<vmem>> -> memref<16x1024xf32, #tpu.memory_space<vmem>>
    %dma_start3A_143 = arith.constant 0 : i32
    %dma_start3A_144 = tpu.memref_slice %arg2[%select_n3A, %add3A_126, %dma_start3A_143] : memref<16x512x1024xf32, #tpu.memory_space<hbm>> -> memref<1x16x1024xf32, #tpu.memory_space<hbm>>
    %dma_start3A_145 = tpu.memref_squeeze %dma_start3A_144 : memref<1x16x1024xf32, #tpu.memory_space<hbm>> -> memref<16x1024xf32, #tpu.memory_space<hbm>>
    tpu.enqueue_dma source(%dma_start3A_145 : memref<16x1024xf32, #tpu.memory_space<hbm>>) target(%dma_start3A_142 : memref<16x1024xf32, #tpu.memory_space<vmem>>) target_semaphore(%dma_start3A_138 : memref<!tpu.dma_semaphore, #tpu.memory_space<semaphore_mem>>)
    %add3A_146 = arith.constant 0 : i32
    %add3A_147 = arith.addi %mul3A_32, %add3A_146 : i32
    %dma_wait3A_148 = arith.constant 0 : i32
    %dma_wait3A_149 = arith.constant 0 : i32
    %dma_wait3A_150 = arith.constant 0 : i32
    %dma_wait3A_151 = arith.constant 0 : i32
    %dma_wait3A_152 = arith.constant 0 : i32
    %dma_wait3A_153 = tpu.memref_slice %arg7[%dma_wait3A_148, %dma_wait3A_151, %dma_wait3A_149, %dma_wait3A_152] : memref<2x16x2x1024xf32, #tpu.memory_space<vmem>> -> memref<1x16x1x1024xf32, #tpu.memory_space<vmem>>
    %dma_wait3A_154 = tpu.memref_squeeze %dma_wait3A_153 : memref<1x16x1x1024xf32, #tpu.memory_space<vmem>> -> memref<16x1024xf32, #tpu.memory_space<vmem>>
    %dma_wait3A_155 = arith.constant 0 : i32
    %dma_wait3A_156 = tpu.memref_slice %arg2[%select_n3A, %add3A_147, %dma_wait3A_155] : memref<16x512x1024xf32, #tpu.memory_space<hbm>> -> memref<1x16x1024xf32, #tpu.memory_space<hbm>>
    %dma_wait3A_157 = tpu.memref_squeeze %dma_wait3A_156 : memref<1x16x1024xf32, #tpu.memory_space<hbm>> -> memref<16x1024xf32, #tpu.memory_space<hbm>>
    %dma_wait3A_158 = tpu.memref_slice %arg9[%dma_wait3A_150] : memref<2x!tpu.dma_semaphore, #tpu.memory_space<semaphore_mem>> -> memref<1x!tpu.dma_semaphore, #tpu.memory_space<semaphore_mem>>
    %dma_wait3A_159 = tpu.memref_squeeze %dma_wait3A_158 : memref<1x!tpu.dma_semaphore, #tpu.memory_space<semaphore_mem>> -> memref<!tpu.dma_semaphore, #tpu.memory_space<semaphore_mem>>
    %dma_wait3A_160 = arith.constant 0 : i32
    %dma_wait3A_161 = arith.constant 0 : i32
    %dma_wait3A_162 = tpu.memref_slice %arg7[%dma_wait3A_148, %dma_wait3A_160, %dma_wait3A_149, %dma_wait3A_161] : memref<2x16x2x1024xf32, #tpu.memory_space<vmem>> -> memref<1x16x1x1024xf32, #tpu.memory_space<vmem>>
    %dma_wait3A_163 = tpu.memref_squeeze %dma_wait3A_162 : memref<1x16x1x1024xf32, #tpu.memory_space<vmem>> -> memref<16x1024xf32, #tpu.memory_space<vmem>>
    %dma_wait3A_164 = arith.constant 0 : i32
    %dma_wait3A_165 = tpu.memref_slice %arg2[%select_n3A, %add3A_147, %dma_wait3A_164] : memref<16x512x1024xf32, #tpu.memory_space<hbm>> -> memref<1x16x1024xf32, #tpu.memory_space<hbm>>
    %dma_wait3A_166 = tpu.memref_squeeze %dma_wait3A_165 : memref<1x16x1024xf32, #tpu.memory_space<hbm>> -> memref<16x1024xf32, #tpu.memory_space<hbm>>
    tpu.wait_dma2 semaphore(%dma_wait3A_159 : memref<!tpu.dma_semaphore, #tpu.memory_space<semaphore_mem>>) src(%dma_wait3A_166 : memref<16x1024xf32, #tpu.memory_space<hbm>>) dst(%dma_wait3A_163 : memref<16x1024xf32, #tpu.memory_space<vmem>>)
    %add3A_167 = arith.constant 0 : i32
    %add3A_168 = arith.addi %mul3A_32, %add3A_167 : i32
    %mul3A_169 = arith.constant 2 : i32
    %mul3A_170 = arith.muli %mul3A_169, %add3A_168 : i32
    %dma_start3A_171 = arith.constant 0 : i32
    %dma_start3A_172 = arith.constant 0 : i32
    %dma_start3A_173 = arith.constant 0 : i32
    %dma_start3A_174 = arith.constant 0 : i32
    %dma_start3A_175 = arith.constant 0 : i32
    %dma_start3A_176 = tpu.memref_slice %arg7[%dma_start3A_171, %dma_start3A_173, %dma_start3A_174, %dma_start3A_175] : memref<2x16x2x1024xf32, #tpu.memory_space<vmem>> -> memref<1x16x2x1024xf32, #tpu.memory_space<vmem>>
    %dma_start3A_177 = tpu.memref_squeeze %dma_start3A_176 : memref<1x16x2x1024xf32, #tpu.memory_space<vmem>> -> memref<16x2x1024xf32, #tpu.memory_space<vmem>>
    %dma_start3A_178 = tpu.memref_reshape %dma_start3A_177 : memref<16x2x1024xf32, #tpu.memory_space<vmem>> -> memref<32x1024xf32, #tpu.memory_space<vmem>>
    %dma_start3A_179 = arith.constant 0 : i32
    %dma_start3A_180 = tpu.memref_slice %arg5[%select_n3A, %mul3A_170, %dma_start3A_179] : memref<16x1024x1024xf32, #tpu.memory_space<hbm>> -> memref<1x32x1024xf32, #tpu.memory_space<hbm>>
    %dma_start3A_181 = tpu.memref_squeeze %dma_start3A_180 : memref<1x32x1024xf32, #tpu.memory_space<hbm>> -> memref<32x1024xf32, #tpu.memory_space<hbm>>
    %dma_start3A_182 = tpu.memref_slice %arg10[%dma_start3A_172] : memref<2x!tpu.dma_semaphore, #tpu.memory_space<semaphore_mem>> -> memref<1x!tpu.dma_semaphore, #tpu.memory_space<semaphore_mem>>
    %dma_start3A_183 = tpu.memref_squeeze %dma_start3A_182 : memref<1x!tpu.dma_semaphore, #tpu.memory_space<semaphore_mem>> -> memref<!tpu.dma_semaphore, #tpu.memory_space<semaphore_mem>>
    %dma_start3A_184 = arith.constant 0 : i32
    %dma_start3A_185 = tpu.memref_slice %arg5[%select_n3A, %mul3A_170, %dma_start3A_184] : memref<16x1024x1024xf32, #tpu.memory_space<hbm>> -> memref<1x32x1024xf32, #tpu.memory_space<hbm>>
    %dma_start3A_186 = tpu.memref_squeeze %dma_start3A_185 : memref<1x32x1024xf32, #tpu.memory_space<hbm>> -> memref<32x1024xf32, #tpu.memory_space<hbm>>
    %dma_start3A_187 = arith.constant 0 : i32
    %dma_start3A_188 = arith.constant 0 : i32
    %dma_start3A_189 = arith.constant 0 : i32
    %dma_start3A_190 = tpu.memref_slice %arg7[%dma_start3A_171, %dma_start3A_187, %dma_start3A_188, %dma_start3A_189] : memref<2x16x2x1024xf32, #tpu.memory_space<vmem>> -> memref<1x16x2x1024xf32, #tpu.memory_space<vmem>>
    %dma_start3A_191 = tpu.memref_squeeze %dma_start3A_190 : memref<1x16x2x1024xf32, #tpu.memory_space<vmem>> -> memref<16x2x1024xf32, #tpu.memory_space<vmem>>
    %dma_start3A_192 = tpu.memref_reshape %dma_start3A_191 : memref<16x2x1024xf32, #tpu.memory_space<vmem>> -> memref<32x1024xf32, #tpu.memory_space<vmem>>
    tpu.enqueue_dma source(%dma_start3A_192 : memref<32x1024xf32, #tpu.memory_space<vmem>>) target(%dma_start3A_186 : memref<32x1024xf32, #tpu.memory_space<hbm>>) target_semaphore(%dma_start3A_183 : memref<!tpu.dma_semaphore, #tpu.memory_space<semaphore_mem>>)
    %add3A_193 = arith.constant 0 : i32
    %add3A_194 = arith.addi %mul3A_32, %add3A_193 : i32
    %mul3A_195 = arith.constant 2 : i32
    %mul3A_196 = arith.muli %mul3A_195, %add3A_194 : i32
    %dma_wait3A_197 = arith.constant 0 : i32
    %dma_wait3A_198 = arith.constant 0 : i32
    %dma_wait3A_199 = arith.constant 0 : i32
    %dma_wait3A_200 = arith.constant 0 : i32
    %dma_wait3A_201 = arith.constant 0 : i32
    %dma_wait3A_202 = tpu.memref_slice %arg7[%dma_wait3A_197, %dma_wait3A_199, %dma_wait3A_200, %dma_wait3A_201] : memref<2x16x2x1024xf32, #tpu.memory_space<vmem>> -> memref<1x16x2x1024xf32, #tpu.memory_space<vmem>>
    %dma_wait3A_203 = tpu.memref_squeeze %dma_wait3A_202 : memref<1x16x2x1024xf32, #tpu.memory_space<vmem>> -> memref<16x2x1024xf32, #tpu.memory_space<vmem>>
    %dma_wait3A_204 = tpu.memref_reshape %dma_wait3A_203 : memref<16x2x1024xf32, #tpu.memory_space<vmem>> -> memref<32x1024xf32, #tpu.memory_space<vmem>>
    %dma_wait3A_205 = arith.constant 0 : i32
    %dma_wait3A_206 = tpu.memref_slice %arg5[%select_n3A, %mul3A_196, %dma_wait3A_205] : memref<16x1024x1024xf32, #tpu.memory_space<hbm>> -> memref<1x32x1024xf32, #tpu.memory_space<hbm>>
    %dma_wait3A_207 = tpu.memref_squeeze %dma_wait3A_206 : memref<1x32x1024xf32, #tpu.memory_space<hbm>> -> memref<32x1024xf32, #tpu.memory_space<hbm>>
    %dma_wait3A_208 = tpu.memref_slice %arg10[%dma_wait3A_198] : memref<2x!tpu.dma_semaphore, #tpu.memory_space<semaphore_mem>> -> memref<1x!tpu.dma_semaphore, #tpu.memory_space<semaphore_mem>>
    %dma_wait3A_209 = tpu.memref_squeeze %dma_wait3A_208 : memref<1x!tpu.dma_semaphore, #tpu.memory_space<semaphore_mem>> -> memref<!tpu.dma_semaphore, #tpu.memory_space<semaphore_mem>>
    %dma_wait3A_210 = arith.constant 0 : i32
    %dma_wait3A_211 = tpu.memref_slice %arg5[%select_n3A, %mul3A_196, %dma_wait3A_210] : memref<16x1024x1024xf32, #tpu.memory_space<hbm>> -> memref<1x32x1024xf32, #tpu.memory_space<hbm>>
    %dma_wait3A_212 = tpu.memref_squeeze %dma_wait3A_211 : memref<1x32x1024xf32, #tpu.memory_space<hbm>> -> memref<32x1024xf32, #tpu.memory_space<hbm>>
    %dma_wait3A_213 = arith.constant 0 : i32
    %dma_wait3A_214 = arith.constant 0 : i32
    %dma_wait3A_215 = arith.constant 0 : i32
    %dma_wait3A_216 = tpu.memref_slice %arg7[%dma_wait3A_197, %dma_wait3A_213, %dma_wait3A_214, %dma_wait3A_215] : memref<2x16x2x1024xf32, #tpu.memory_space<vmem>> -> memref<1x16x2x1024xf32, #tpu.memory_space<vmem>>
    %dma_wait3A_217 = tpu.memref_squeeze %dma_wait3A_216 : memref<1x16x2x1024xf32, #tpu.memory_space<vmem>> -> memref<16x2x1024xf32, #tpu.memory_space<vmem>>
    %dma_wait3A_218 = tpu.memref_reshape %dma_wait3A_217 : memref<16x2x1024xf32, #tpu.memory_space<vmem>> -> memref<32x1024xf32, #tpu.memory_space<vmem>>
    tpu.wait_dma2 semaphore(%dma_wait3A_209 : memref<!tpu.dma_semaphore, #tpu.memory_space<semaphore_mem>>) src(%dma_wait3A_218 : memref<32x1024xf32, #tpu.memory_space<vmem>>) dst(%dma_wait3A_212 : memref<32x1024xf32, #tpu.memory_space<hbm>>)
    %add3A_219 = arith.constant 32 : i32
    %add3A_220 = arith.addi %mul3A_32, %add3A_219 : i32
    %dma_start3A_221 = arith.constant 0 : i32
    %dma_start3A_222 = arith.constant 0 : i32
    %dma_start3A_223 = arith.constant 0 : i32
    %dma_start3A_224 = arith.constant 0 : i32
    %dma_start3A_225 = arith.constant 0 : i32
    %dma_start3A_226 = tpu.memref_slice %arg7[%dma_start3A_221, %dma_start3A_224, %dma_start3A_222, %dma_start3A_225] : memref<2x16x2x1024xf32, #tpu.memory_space<vmem>> -> memref<1x16x1x1024xf32, #tpu.memory_space<vmem>>
    %dma_start3A_227 = tpu.memref_squeeze %dma_start3A_226 : memref<1x16x1x1024xf32, #tpu.memory_space<vmem>> -> memref<16x1024xf32, #tpu.memory_space<vmem>>
    %dma_start3A_228 = arith.constant 0 : i32
    %dma_start3A_229 = tpu.memref_slice %arg2[%select_n3A, %add3A_220, %dma_start3A_228] : memref<16x512x1024xf32, #tpu.memory_space<hbm>> -> memref<1x16x1024xf32, #tpu.memory_space<hbm>>
    %dma_start3A_230 = tpu.memref_squeeze %dma_start3A_229 : memref<1x16x1024xf32, #tpu.memory_space<hbm>> -> memref<16x1024xf32, #tpu.memory_space<hbm>>
    %dma_start3A_231 = tpu.memref_slice %arg9[%dma_start3A_223] : memref<2x!tpu.dma_semaphore, #tpu.memory_space<semaphore_mem>> -> memref<1x!tpu.dma_semaphore, #tpu.memory_space<semaphore_mem>>
    %dma_start3A_232 = tpu.memref_squeeze %dma_start3A_231 : memref<1x!tpu.dma_semaphore, #tpu.memory_space<semaphore_mem>> -> memref<!tpu.dma_semaphore, #tpu.memory_space<semaphore_mem>>
    %dma_start3A_233 = arith.constant 0 : i32
    %dma_start3A_234 = arith.constant 0 : i32
    %dma_start3A_235 = tpu.memref_slice %arg7[%dma_start3A_221, %dma_start3A_233, %dma_start3A_222, %dma_start3A_234] : memref<2x16x2x1024xf32, #tpu.memory_space<vmem>> -> memref<1x16x1x1024xf32, #tpu.memory_space<vmem>>
    %dma_start3A_236 = tpu.memref_squeeze %dma_start3A_235 : memref<1x16x1x1024xf32, #tpu.memory_space<vmem>> -> memref<16x1024xf32, #tpu.memory_space<vmem>>
    %dma_start3A_237 = arith.constant 0 : i32
    %dma_start3A_238 = tpu.memref_slice %arg2[%select_n3A, %add3A_220, %dma_start3A_237] : memref<16x512x1024xf32, #tpu.memory_space<hbm>> -> memref<1x16x1024xf32, #tpu.memory_space<hbm>>
    %dma_start3A_239 = tpu.memref_squeeze %dma_start3A_238 : memref<1x16x1024xf32, #tpu.memory_space<hbm>> -> memref<16x1024xf32, #tpu.memory_space<hbm>>
    tpu.enqueue_dma source(%dma_start3A_239 : memref<16x1024xf32, #tpu.memory_space<hbm>>) target(%dma_start3A_236 : memref<16x1024xf32, #tpu.memory_space<vmem>>) target_semaphore(%dma_start3A_232 : memref<!tpu.dma_semaphore, #tpu.memory_space<semaphore_mem>>)
    %add3A_240 = arith.constant 16 : i32
    %add3A_241 = arith.addi %mul3A_32, %add3A_240 : i32
    %dma_wait3A_242 = arith.constant 1 : i32
    %dma_wait3A_243 = arith.constant 0 : i32
    %dma_wait3A_244 = arith.constant 1 : i32
    %dma_wait3A_245 = arith.constant 0 : i32
    %dma_wait3A_246 = arith.constant 0 : i32
    %dma_wait3A_247 = tpu.memref_slice %arg7[%dma_wait3A_242, %dma_wait3A_245, %dma_wait3A_243, %dma_wait3A_246] : memref<2x16x2x1024xf32, #tpu.memory_space<vmem>> -> memref<1x16x1x1024xf32, #tpu.memory_space<vmem>>
    %dma_wait3A_248 = tpu.memref_squeeze %dma_wait3A_247 : memref<1x16x1x1024xf32, #tpu.memory_space<vmem>> -> memref<16x1024xf32, #tpu.memory_space<vmem>>
    %dma_wait3A_249 = arith.constant 0 : i32
    %dma_wait3A_250 = tpu.memref_slice %arg2[%select_n3A, %add3A_241, %dma_wait3A_249] : memref<16x512x1024xf32, #tpu.memory_space<hbm>> -> memref<1x16x1024xf32, #tpu.memory_space<hbm>>
    %dma_wait3A_251 = tpu.memref_squeeze %dma_wait3A_250 : memref<1x16x1024xf32, #tpu.memory_space<hbm>> -> memref<16x1024xf32, #tpu.memory_space<hbm>>
    %dma_wait3A_252 = tpu.memref_slice %arg9[%dma_wait3A_244] : memref<2x!tpu.dma_semaphore, #tpu.memory_space<semaphore_mem>> -> memref<1x!tpu.dma_semaphore, #tpu.memory_space<semaphore_mem>>
    %dma_wait3A_253 = tpu.memref_squeeze %dma_wait3A_252 : memref<1x!tpu.dma_semaphore, #tpu.memory_space<semaphore_mem>> -> memref<!tpu.dma_semaphore, #tpu.memory_space<semaphore_mem>>
    %dma_wait3A_254 = arith.constant 0 : i32
    %dma_wait3A_255 = arith.constant 0 : i32
    %dma_wait3A_256 = tpu.memref_slice %arg7[%dma_wait3A_242, %dma_wait3A_254, %dma_wait3A_243, %dma_wait3A_255] : memref<2x16x2x1024xf32, #tpu.memory_space<vmem>> -> memref<1x16x1x1024xf32, #tpu.memory_space<vmem>>
    %dma_wait3A_257 = tpu.memref_squeeze %dma_wait3A_256 : memref<1x16x1x1024xf32, #tpu.memory_space<vmem>> -> memref<16x1024xf32, #tpu.memory_space<vmem>>
    %dma_wait3A_258 = arith.constant 0 : i32
    %dma_wait3A_259 = tpu.memref_slice %arg2[%select_n3A, %add3A_241, %dma_wait3A_258] : memref<16x512x1024xf32, #tpu.memory_space<hbm>> -> memref<1x16x1024xf32, #tpu.memory_space<hbm>>
    %dma_wait3A_260 = tpu.memref_squeeze %dma_wait3A_259 : memref<1x16x1024xf32, #tpu.memory_space<hbm>> -> memref<16x1024xf32, #tpu.memory_space<hbm>>
    tpu.wait_dma2 semaphore(%dma_wait3A_253 : memref<!tpu.dma_semaphore, #tpu.memory_space<semaphore_mem>>) src(%dma_wait3A_260 : memref<16x1024xf32, #tpu.memory_space<hbm>>) dst(%dma_wait3A_257 : memref<16x1024xf32, #tpu.memory_space<vmem>>)
    %add3A_261 = arith.constant 16 : i32
    %add3A_262 = arith.addi %mul3A_32, %add3A_261 : i32
    %mul3A_263 = arith.constant 2 : i32
    %mul3A_264 = arith.muli %mul3A_263, %add3A_262 : i32
    %dma_start3A_265 = arith.constant 1 : i32
    %dma_start3A_266 = arith.constant 1 : i32
    %dma_start3A_267 = arith.constant 0 : i32
    %dma_start3A_268 = arith.constant 0 : i32
    %dma_start3A_269 = arith.constant 0 : i32
    %dma_start3A_270 = tpu.memref_slice %arg7[%dma_start3A_265, %dma_start3A_267, %dma_start3A_268, %dma_start3A_269] : memref<2x16x2x1024xf32, #tpu.memory_space<vmem>> -> memref<1x16x2x1024xf32, #tpu.memory_space<vmem>>
    %dma_start3A_271 = tpu.memref_squeeze %dma_start3A_270 : memref<1x16x2x1024xf32, #tpu.memory_space<vmem>> -> memref<16x2x1024xf32, #tpu.memory_space<vmem>>
    %dma_start3A_272 = tpu.memref_reshape %dma_start3A_271 : memref<16x2x1024xf32, #tpu.memory_space<vmem>> -> memref<32x1024xf32, #tpu.memory_space<vmem>>
    %dma_start3A_273 = arith.constant 0 : i32
    %dma_start3A_274 = tpu.memref_slice %arg5[%select_n3A, %mul3A_264, %dma_start3A_273] : memref<16x1024x1024xf32, #tpu.memory_space<hbm>> -> memref<1x32x1024xf32, #tpu.memory_space<hbm>>
    %dma_start3A_275 = tpu.memref_squeeze %dma_start3A_274 : memref<1x32x1024xf32, #tpu.memory_space<hbm>> -> memref<32x1024xf32, #tpu.memory_space<hbm>>
    %dma_start3A_276 = tpu.memref_slice %arg10[%dma_start3A_266] : memref<2x!tpu.dma_semaphore, #tpu.memory_space<semaphore_mem>> -> memref<1x!tpu.dma_semaphore, #tpu.memory_space<semaphore_mem>>
    %dma_start3A_277 = tpu.memref_squeeze %dma_start3A_276 : memref<1x!tpu.dma_semaphore, #tpu.memory_space<semaphore_mem>> -> memref<!tpu.dma_semaphore, #tpu.memory_space<semaphore_mem>>
    %dma_start3A_278 = arith.constant 0 : i32
    %dma_start3A_279 = tpu.memref_slice %arg5[%select_n3A, %mul3A_264, %dma_start3A_278] : memref<16x1024x1024xf32, #tpu.memory_space<hbm>> -> memref<1x32x1024xf32, #tpu.memory_space<hbm>>
    %dma_start3A_280 = tpu.memref_squeeze %dma_start3A_279 : memref<1x32x1024xf32, #tpu.memory_space<hbm>> -> memref<32x1024xf32, #tpu.memory_space<hbm>>
    %dma_start3A_281 = arith.constant 0 : i32
    %dma_start3A_282 = arith.constant 0 : i32
    %dma_start3A_283 = arith.constant 0 : i32
    %dma_start3A_284 = tpu.memref_slice %arg7[%dma_start3A_265, %dma_start3A_281, %dma_start3A_282, %dma_start3A_283] : memref<2x16x2x1024xf32, #tpu.memory_space<vmem>> -> memref<1x16x2x1024xf32, #tpu.memory_space<vmem>>
    %dma_start3A_285 = tpu.memref_squeeze %dma_start3A_284 : memref<1x16x2x1024xf32, #tpu.memory_space<vmem>> -> memref<16x2x1024xf32, #tpu.memory_space<vmem>>
    %dma_start3A_286 = tpu.memref_reshape %dma_start3A_285 : memref<16x2x1024xf32, #tpu.memory_space<vmem>> -> memref<32x1024xf32, #tpu.memory_space<vmem>>
    tpu.enqueue_dma source(%dma_start3A_286 : memref<32x1024xf32, #tpu.memory_space<vmem>>) target(%dma_start3A_280 : memref<32x1024xf32, #tpu.memory_space<hbm>>) target_semaphore(%dma_start3A_277 : memref<!tpu.dma_semaphore, #tpu.memory_space<semaphore_mem>>)
    %add3A_287 = arith.constant 16 : i32
    %add3A_288 = arith.addi %mul3A_32, %add3A_287 : i32
    %mul3A_289 = arith.constant 2 : i32
    %mul3A_290 = arith.muli %mul3A_289, %add3A_288 : i32
    %dma_wait3A_291 = arith.constant 1 : i32
    %dma_wait3A_292 = arith.constant 1 : i32
    %dma_wait3A_293 = arith.constant 0 : i32
    %dma_wait3A_294 = arith.constant 0 : i32
    %dma_wait3A_295 = arith.constant 0 : i32
    %dma_wait3A_296 = tpu.memref_slice %arg7[%dma_wait3A_291, %dma_wait3A_293, %dma_wait3A_294, %dma_wait3A_295] : memref<2x16x2x1024xf32, #tpu.memory_space<vmem>> -> memref<1x16x2x1024xf32, #tpu.memory_space<vmem>>
    %dma_wait3A_297 = tpu.memref_squeeze %dma_wait3A_296 : memref<1x16x2x1024xf32, #tpu.memory_space<vmem>> -> memref<16x2x1024xf32, #tpu.memory_space<vmem>>
    %dma_wait3A_298 = tpu.memref_reshape %dma_wait3A_297 : memref<16x2x1024xf32, #tpu.memory_space<vmem>> -> memref<32x1024xf32, #tpu.memory_space<vmem>>
    %dma_wait3A_299 = arith.constant 0 : i32
    %dma_wait3A_300 = tpu.memref_slice %arg5[%select_n3A, %mul3A_290, %dma_wait3A_299] : memref<16x1024x1024xf32, #tpu.memory_space<hbm>> -> memref<1x32x1024xf32, #tpu.memory_space<hbm>>
    %dma_wait3A_301 = tpu.memref_squeeze %dma_wait3A_300 : memref<1x32x1024xf32, #tpu.memory_space<hbm>> -> memref<32x1024xf32, #tpu.memory_space<hbm>>
    %dma_wait3A_302 = tpu.memref_slice %arg10[%dma_wait3A_292] : memref<2x!tpu.dma_semaphore, #tpu.memory_space<semaphore_mem>> -> memref<1x!tpu.dma_semaphore, #tpu.memory_space<semaphore_mem>>
    %dma_wait3A_303 = tpu.memref_squeeze %dma_wait3A_302 : memref<1x!tpu.dma_semaphore, #tpu.memory_space<semaphore_mem>> -> memref<!tpu.dma_semaphore, #tpu.memory_space<semaphore_mem>>
    %dma_wait3A_304 = arith.constant 0 : i32
    %dma_wait3A_305 = tpu.memref_slice %arg5[%select_n3A, %mul3A_290, %dma_wait3A_304] : memref<16x1024x1024xf32, #tpu.memory_space<hbm>> -> memref<1x32x1024xf32, #tpu.memory_space<hbm>>
    %dma_wait3A_306 = tpu.memref_squeeze %dma_wait3A_305 : memref<1x32x1024xf32, #tpu.memory_space<hbm>> -> memref<32x1024xf32, #tpu.memory_space<hbm>>
    %dma_wait3A_307 = arith.constant 0 : i32
    %dma_wait3A_308 = arith.constant 0 : i32
    %dma_wait3A_309 = arith.constant 0 : i32
    %dma_wait3A_310 = tpu.memref_slice %arg7[%dma_wait3A_291, %dma_wait3A_307, %dma_wait3A_308, %dma_wait3A_309] : memref<2x16x2x1024xf32, #tpu.memory_space<vmem>> -> memref<1x16x2x1024xf32, #tpu.memory_space<vmem>>
    %dma_wait3A_311 = tpu.memref_squeeze %dma_wait3A_310 : memref<1x16x2x1024xf32, #tpu.memory_space<vmem>> -> memref<16x2x1024xf32, #tpu.memory_space<vmem>>
    %dma_wait3A_312 = tpu.memref_reshape %dma_wait3A_311 : memref<16x2x1024xf32, #tpu.memory_space<vmem>> -> memref<32x1024xf32, #tpu.memory_space<vmem>>
    tpu.wait_dma2 semaphore(%dma_wait3A_303 : memref<!tpu.dma_semaphore, #tpu.memory_space<semaphore_mem>>) src(%dma_wait3A_312 : memref<32x1024xf32, #tpu.memory_space<vmem>>) dst(%dma_wait3A_306 : memref<32x1024xf32, #tpu.memory_space<hbm>>)
    %add3A_313 = arith.constant 48 : i32
    %add3A_314 = arith.addi %mul3A_32, %add3A_313 : i32
    %dma_start3A_315 = arith.constant 1 : i32
    %dma_start3A_316 = arith.constant 0 : i32
    %dma_start3A_317 = arith.constant 1 : i32
    %dma_start3A_318 = arith.constant 0 : i32
    %dma_start3A_319 = arith.constant 0 : i32
    %dma_start3A_320 = tpu.memref_slice %arg7[%dma_start3A_315, %dma_start3A_318, %dma_start3A_316, %dma_start3A_319] : memref<2x16x2x1024xf32, #tpu.memory_space<vmem>> -> memref<1x16x1x1024xf32, #tpu.memory_space<vmem>>
    %dma_start3A_321 = tpu.memref_squeeze %dma_start3A_320 : memref<1x16x1x1024xf32, #tpu.memory_space<vmem>> -> memref<16x1024xf32, #tpu.memory_space<vmem>>
    %dma_start3A_322 = arith.constant 0 : i32
    %dma_start3A_323 = tpu.memref_slice %arg2[%select_n3A, %add3A_314, %dma_start3A_322] : memref<16x512x1024xf32, #tpu.memory_space<hbm>> -> memref<1x16x1024xf32, #tpu.memory_space<hbm>>
    %dma_start3A_324 = tpu.memref_squeeze %dma_start3A_323 : memref<1x16x1024xf32, #tpu.memory_space<hbm>> -> memref<16x1024xf32, #tpu.memory_space<hbm>>
    %dma_start3A_325 = tpu.memref_slice %arg9[%dma_start3A_317] : memref<2x!tpu.dma_semaphore, #tpu.memory_space<semaphore_mem>> -> memref<1x!tpu.dma_semaphore, #tpu.memory_space<semaphore_mem>>
    %dma_start3A_326 = tpu.memref_squeeze %dma_start3A_325 : memref<1x!tpu.dma_semaphore, #tpu.memory_space<semaphore_mem>> -> memref<!tpu.dma_semaphore, #tpu.memory_space<semaphore_mem>>
    %dma_start3A_327 = arith.constant 0 : i32
    %dma_start3A_328 = arith.constant 0 : i32
    %dma_start3A_329 = tpu.memref_slice %arg7[%dma_start3A_315, %dma_start3A_327, %dma_start3A_316, %dma_start3A_328] : memref<2x16x2x1024xf32, #tpu.memory_space<vmem>> -> memref<1x16x1x1024xf32, #tpu.memory_space<vmem>>
    %dma_start3A_330 = tpu.memref_squeeze %dma_start3A_329 : memref<1x16x1x1024xf32, #tpu.memory_space<vmem>> -> memref<16x1024xf32, #tpu.memory_space<vmem>>
    %dma_start3A_331 = arith.constant 0 : i32
    %dma_start3A_332 = tpu.memref_slice %arg2[%select_n3A, %add3A_314, %dma_start3A_331] : memref<16x512x1024xf32, #tpu.memory_space<hbm>> -> memref<1x16x1024xf32, #tpu.memory_space<hbm>>
    %dma_start3A_333 = tpu.memref_squeeze %dma_start3A_332 : memref<1x16x1024xf32, #tpu.memory_space<hbm>> -> memref<16x1024xf32, #tpu.memory_space<hbm>>
    tpu.enqueue_dma source(%dma_start3A_333 : memref<16x1024xf32, #tpu.memory_space<hbm>>) target(%dma_start3A_330 : memref<16x1024xf32, #tpu.memory_space<vmem>>) target_semaphore(%dma_start3A_326 : memref<!tpu.dma_semaphore, #tpu.memory_space<semaphore_mem>>)
    %add3A_334 = arith.constant 32 : i32
    %add3A_335 = arith.addi %mul3A_32, %add3A_334 : i32
    %dma_wait3A_336 = arith.constant 0 : i32
    %dma_wait3A_337 = arith.constant 0 : i32
    %dma_wait3A_338 = arith.constant 0 : i32
    %dma_wait3A_339 = arith.constant 0 : i32
    %dma_wait3A_340 = arith.constant 0 : i32
    %dma_wait3A_341 = tpu.memref_slice %arg7[%dma_wait3A_336, %dma_wait3A_339, %dma_wait3A_337, %dma_wait3A_340] : memref<2x16x2x1024xf32, #tpu.memory_space<vmem>> -> memref<1x16x1x1024xf32, #tpu.memory_space<vmem>>
    %dma_wait3A_342 = tpu.memref_squeeze %dma_wait3A_341 : memref<1x16x1x1024xf32, #tpu.memory_space<vmem>> -> memref<16x1024xf32, #tpu.memory_space<vmem>>
    %dma_wait3A_343 = arith.constant 0 : i32
    %dma_wait3A_344 = tpu.memref_slice %arg2[%select_n3A, %add3A_335, %dma_wait3A_343] : memref<16x512x1024xf32, #tpu.memory_space<hbm>> -> memref<1x16x1024xf32, #tpu.memory_space<hbm>>
    %dma_wait3A_345 = tpu.memref_squeeze %dma_wait3A_344 : memref<1x16x1024xf32, #tpu.memory_space<hbm>> -> memref<16x1024xf32, #tpu.memory_space<hbm>>
    %dma_wait3A_346 = tpu.memref_slice %arg9[%dma_wait3A_338] : memref<2x!tpu.dma_semaphore, #tpu.memory_space<semaphore_mem>> -> memref<1x!tpu.dma_semaphore, #tpu.memory_space<semaphore_mem>>
    %dma_wait3A_347 = tpu.memref_squeeze %dma_wait3A_346 : memref<1x!tpu.dma_semaphore, #tpu.memory_space<semaphore_mem>> -> memref<!tpu.dma_semaphore, #tpu.memory_space<semaphore_mem>>
    %dma_wait3A_348 = arith.constant 0 : i32
    %dma_wait3A_349 = arith.constant 0 : i32
    %dma_wait3A_350 = tpu.memref_slice %arg7[%dma_wait3A_336, %dma_wait3A_348, %dma_wait3A_337, %dma_wait3A_349] : memref<2x16x2x1024xf32, #tpu.memory_space<vmem>> -> memref<1x16x1x1024xf32, #tpu.memory_space<vmem>>
    %dma_wait3A_351 = tpu.memref_squeeze %dma_wait3A_350 : memref<1x16x1x1024xf32, #tpu.memory_space<vmem>> -> memref<16x1024xf32, #tpu.memory_space<vmem>>
    %dma_wait3A_352 = arith.constant 0 : i32
    %dma_wait3A_353 = tpu.memref_slice %arg2[%select_n3A, %add3A_335, %dma_wait3A_352] : memref<16x512x1024xf32, #tpu.memory_space<hbm>> -> memref<1x16x1024xf32, #tpu.memory_space<hbm>>
    %dma_wait3A_354 = tpu.memref_squeeze %dma_wait3A_353 : memref<1x16x1024xf32, #tpu.memory_space<hbm>> -> memref<16x1024xf32, #tpu.memory_space<hbm>>
    tpu.wait_dma2 semaphore(%dma_wait3A_347 : memref<!tpu.dma_semaphore, #tpu.memory_space<semaphore_mem>>) src(%dma_wait3A_354 : memref<16x1024xf32, #tpu.memory_space<hbm>>) dst(%dma_wait3A_351 : memref<16x1024xf32, #tpu.memory_space<vmem>>)
    %add3A_355 = arith.constant 32 : i32
    %add3A_356 = arith.addi %mul3A_32, %add3A_355 : i32
    %mul3A_357 = arith.constant 2 : i32
    %mul3A_358 = arith.muli %mul3A_357, %add3A_356 : i32
    %dma_start3A_359 = arith.constant 0 : i32
    %dma_start3A_360 = arith.constant 0 : i32
    %dma_start3A_361 = arith.constant 0 : i32
    %dma_start3A_362 = arith.constant 0 : i32
    %dma_start3A_363 = arith.constant 0 : i32
    %dma_start3A_364 = tpu.memref_slice %arg7[%dma_start3A_359, %dma_start3A_361, %dma_start3A_362, %dma_start3A_363] : memref<2x16x2x1024xf32, #tpu.memory_space<vmem>> -> memref<1x16x2x1024xf32, #tpu.memory_space<vmem>>
    %dma_start3A_365 = tpu.memref_squeeze %dma_start3A_364 : memref<1x16x2x1024xf32, #tpu.memory_space<vmem>> -> memref<16x2x1024xf32, #tpu.memory_space<vmem>>
    %dma_start3A_366 = tpu.memref_reshape %dma_start3A_365 : memref<16x2x1024xf32, #tpu.memory_space<vmem>> -> memref<32x1024xf32, #tpu.memory_space<vmem>>
    %dma_start3A_367 = arith.constant 0 : i32
    %dma_start3A_368 = tpu.memref_slice %arg5[%select_n3A, %mul3A_358, %dma_start3A_367] : memref<16x1024x1024xf32, #tpu.memory_space<hbm>> -> memref<1x32x1024xf32, #tpu.memory_space<hbm>>
    %dma_start3A_369 = tpu.memref_squeeze %dma_start3A_368 : memref<1x32x1024xf32, #tpu.memory_space<hbm>> -> memref<32x1024xf32, #tpu.memory_space<hbm>>
    %dma_start3A_370 = tpu.memref_slice %arg10[%dma_start3A_360] : memref<2x!tpu.dma_semaphore, #tpu.memory_space<semaphore_mem>> -> memref<1x!tpu.dma_semaphore, #tpu.memory_space<semaphore_mem>>
    %dma_start3A_371 = tpu.memref_squeeze %dma_start3A_370 : memref<1x!tpu.dma_semaphore, #tpu.memory_space<semaphore_mem>> -> memref<!tpu.dma_semaphore, #tpu.memory_space<semaphore_mem>>
    %dma_start3A_372 = arith.constant 0 : i32
    %dma_start3A_373 = tpu.memref_slice %arg5[%select_n3A, %mul3A_358, %dma_start3A_372] : memref<16x1024x1024xf32, #tpu.memory_space<hbm>> -> memref<1x32x1024xf32, #tpu.memory_space<hbm>>
    %dma_start3A_374 = tpu.memref_squeeze %dma_start3A_373 : memref<1x32x1024xf32, #tpu.memory_space<hbm>> -> memref<32x1024xf32, #tpu.memory_space<hbm>>
    %dma_start3A_375 = arith.constant 0 : i32
    %dma_start3A_376 = arith.constant 0 : i32
    %dma_start3A_377 = arith.constant 0 : i32
    %dma_start3A_378 = tpu.memref_slice %arg7[%dma_start3A_359, %dma_start3A_375, %dma_start3A_376, %dma_start3A_377] : memref<2x16x2x1024xf32, #tpu.memory_space<vmem>> -> memref<1x16x2x1024xf32, #tpu.memory_space<vmem>>
    %dma_start3A_379 = tpu.memref_squeeze %dma_start3A_378 : memref<1x16x2x1024xf32, #tpu.memory_space<vmem>> -> memref<16x2x1024xf32, #tpu.memory_space<vmem>>
    %dma_start3A_380 = tpu.memref_reshape %dma_start3A_379 : memref<16x2x1024xf32, #tpu.memory_space<vmem>> -> memref<32x1024xf32, #tpu.memory_space<vmem>>
    tpu.enqueue_dma source(%dma_start3A_380 : memref<32x1024xf32, #tpu.memory_space<vmem>>) target(%dma_start3A_374 : memref<32x1024xf32, #tpu.memory_space<hbm>>) target_semaphore(%dma_start3A_371 : memref<!tpu.dma_semaphore, #tpu.memory_space<semaphore_mem>>)
    %add3A_381 = arith.constant 32 : i32
    %add3A_382 = arith.addi %mul3A_32, %add3A_381 : i32
    %mul3A_383 = arith.constant 2 : i32
    %mul3A_384 = arith.muli %mul3A_383, %add3A_382 : i32
    %dma_wait3A_385 = arith.constant 0 : i32
    %dma_wait3A_386 = arith.constant 0 : i32
    %dma_wait3A_387 = arith.constant 0 : i32
    %dma_wait3A_388 = arith.constant 0 : i32
    %dma_wait3A_389 = arith.constant 0 : i32
    %dma_wait3A_390 = tpu.memref_slice %arg7[%dma_wait3A_385, %dma_wait3A_387, %dma_wait3A_388, %dma_wait3A_389] : memref<2x16x2x1024xf32, #tpu.memory_space<vmem>> -> memref<1x16x2x1024xf32, #tpu.memory_space<vmem>>
    %dma_wait3A_391 = tpu.memref_squeeze %dma_wait3A_390 : memref<1x16x2x1024xf32, #tpu.memory_space<vmem>> -> memref<16x2x1024xf32, #tpu.memory_space<vmem>>
    %dma_wait3A_392 = tpu.memref_reshape %dma_wait3A_391 : memref<16x2x1024xf32, #tpu.memory_space<vmem>> -> memref<32x1024xf32, #tpu.memory_space<vmem>>
    %dma_wait3A_393 = arith.constant 0 : i32
    %dma_wait3A_394 = tpu.memref_slice %arg5[%select_n3A, %mul3A_384, %dma_wait3A_393] : memref<16x1024x1024xf32, #tpu.memory_space<hbm>> -> memref<1x32x1024xf32, #tpu.memory_space<hbm>>
    %dma_wait3A_395 = tpu.memref_squeeze %dma_wait3A_394 : memref<1x32x1024xf32, #tpu.memory_space<hbm>> -> memref<32x1024xf32, #tpu.memory_space<hbm>>
    %dma_wait3A_396 = tpu.memref_slice %arg10[%dma_wait3A_386] : memref<2x!tpu.dma_semaphore, #tpu.memory_space<semaphore_mem>> -> memref<1x!tpu.dma_semaphore, #tpu.memory_space<semaphore_mem>>
    %dma_wait3A_397 = tpu.memref_squeeze %dma_wait3A_396 : memref<1x!tpu.dma_semaphore, #tpu.memory_space<semaphore_mem>> -> memref<!tpu.dma_semaphore, #tpu.memory_space<semaphore_mem>>
    %dma_wait3A_398 = arith.constant 0 : i32
    %dma_wait3A_399 = tpu.memref_slice %arg5[%select_n3A, %mul3A_384, %dma_wait3A_398] : memref<16x1024x1024xf32, #tpu.memory_space<hbm>> -> memref<1x32x1024xf32, #tpu.memory_space<hbm>>
    %dma_wait3A_400 = tpu.memref_squeeze %dma_wait3A_399 : memref<1x32x1024xf32, #tpu.memory_space<hbm>> -> memref<32x1024xf32, #tpu.memory_space<hbm>>
    %dma_wait3A_401 = arith.constant 0 : i32
    %dma_wait3A_402 = arith.constant 0 : i32
    %dma_wait3A_403 = arith.constant 0 : i32
    %dma_wait3A_404 = tpu.memref_slice %arg7[%dma_wait3A_385, %dma_wait3A_401, %dma_wait3A_402, %dma_wait3A_403] : memref<2x16x2x1024xf32, #tpu.memory_space<vmem>> -> memref<1x16x2x1024xf32, #tpu.memory_space<vmem>>
    %dma_wait3A_405 = tpu.memref_squeeze %dma_wait3A_404 : memref<1x16x2x1024xf32, #tpu.memory_space<vmem>> -> memref<16x2x1024xf32, #tpu.memory_space<vmem>>
    %dma_wait3A_406 = tpu.memref_reshape %dma_wait3A_405 : memref<16x2x1024xf32, #tpu.memory_space<vmem>> -> memref<32x1024xf32, #tpu.memory_space<vmem>>
    tpu.wait_dma2 semaphore(%dma_wait3A_397 : memref<!tpu.dma_semaphore, #tpu.memory_space<semaphore_mem>>) src(%dma_wait3A_406 : memref<32x1024xf32, #tpu.memory_space<vmem>>) dst(%dma_wait3A_400 : memref<32x1024xf32, #tpu.memory_space<hbm>>)
    %add3A_407 = arith.constant 64 : i32
    %add3A_408 = arith.addi %mul3A_32, %add3A_407 : i32
    %dma_start3A_409 = arith.constant 0 : i32
    %dma_start3A_410 = arith.constant 0 : i32
    %dma_start3A_411 = arith.constant 0 : i32
    %dma_start3A_412 = arith.constant 0 : i32
    %dma_start3A_413 = arith.constant 0 : i32
    %dma_start3A_414 = tpu.memref_slice %arg7[%dma_start3A_409, %dma_start3A_412, %dma_start3A_410, %dma_start3A_413] : memref<2x16x2x1024xf32, #tpu.memory_space<vmem>> -> memref<1x16x1x1024xf32, #tpu.memory_space<vmem>>
    %dma_start3A_415 = tpu.memref_squeeze %dma_start3A_414 : memref<1x16x1x1024xf32, #tpu.memory_space<vmem>> -> memref<16x1024xf32, #tpu.memory_space<vmem>>
    %dma_start3A_416 = arith.constant 0 : i32
    %dma_start3A_417 = tpu.memref_slice %arg2[%select_n3A, %add3A_408, %dma_start3A_416] : memref<16x512x1024xf32, #tpu.memory_space<hbm>> -> memref<1x16x1024xf32, #tpu.memory_space<hbm>>
    %dma_start3A_418 = tpu.memref_squeeze %dma_start3A_417 : memref<1x16x1024xf32, #tpu.memory_space<hbm>> -> memref<16x1024xf32, #tpu.memory_space<hbm>>
    %dma_start3A_419 = tpu.memref_slice %arg9[%dma_start3A_411] : memref<2x!tpu.dma_semaphore, #tpu.memory_space<semaphore_mem>> -> memref<1x!tpu.dma_semaphore, #tpu.memory_space<semaphore_mem>>
    %dma_start3A_420 = tpu.memref_squeeze %dma_start3A_419 : memref<1x!tpu.dma_semaphore, #tpu.memory_space<semaphore_mem>> -> memref<!tpu.dma_semaphore, #tpu.memory_space<semaphore_mem>>
    %dma_start3A_421 = arith.constant 0 : i32
    %dma_start3A_422 = arith.constant 0 : i32
    %dma_start3A_423 = tpu.memref_slice %arg7[%dma_start3A_409, %dma_start3A_421, %dma_start3A_410, %dma_start3A_422] : memref<2x16x2x1024xf32, #tpu.memory_space<vmem>> -> memref<1x16x1x1024xf32, #tpu.memory_space<vmem>>
    %dma_start3A_424 = tpu.memref_squeeze %dma_start3A_423 : memref<1x16x1x1024xf32, #tpu.memory_space<vmem>> -> memref<16x1024xf32, #tpu.memory_space<vmem>>
    %dma_start3A_425 = arith.constant 0 : i32
    %dma_start3A_426 = tpu.memref_slice %arg2[%select_n3A, %add3A_408, %dma_start3A_425] : memref<16x512x1024xf32, #tpu.memory_space<hbm>> -> memref<1x16x1024xf32, #tpu.memory_space<hbm>>
    %dma_start3A_427 = tpu.memref_squeeze %dma_start3A_426 : memref<1x16x1024xf32, #tpu.memory_space<hbm>> -> memref<16x1024xf32, #tpu.memory_space<hbm>>
    tpu.enqueue_dma source(%dma_start3A_427 : memref<16x1024xf32, #tpu.memory_space<hbm>>) target(%dma_start3A_424 : memref<16x1024xf32, #tpu.memory_space<vmem>>) target_semaphore(%dma_start3A_420 : memref<!tpu.dma_semaphore, #tpu.memory_space<semaphore_mem>>)
    %add3A_428 = arith.constant 48 : i32
    %add3A_429 = arith.addi %mul3A_32, %add3A_428 : i32
    %dma_wait3A_430 = arith.constant 1 : i32
    %dma_wait3A_431 = arith.constant 0 : i32
    %dma_wait3A_432 = arith.constant 1 : i32
    %dma_wait3A_433 = arith.constant 0 : i32
    %dma_wait3A_434 = arith.constant 0 : i32
    %dma_wait3A_435 = tpu.memref_slice %arg7[%dma_wait3A_430, %dma_wait3A_433, %dma_wait3A_431, %dma_wait3A_434] : memref<2x16x2x1024xf32, #tpu.memory_space<vmem>> -> memref<1x16x1x1024xf32, #tpu.memory_space<vmem>>
    %dma_wait3A_436 = tpu.memref_squeeze %dma_wait3A_435 : memref<1x16x1x1024xf32, #tpu.memory_space<vmem>> -> memref<16x1024xf32, #tpu.memory_space<vmem>>
    %dma_wait3A_437 = arith.constant 0 : i32
    %dma_wait3A_438 = tpu.memref_slice %arg2[%select_n3A, %add3A_429, %dma_wait3A_437] : memref<16x512x1024xf32, #tpu.memory_space<hbm>> -> memref<1x16x1024xf32, #tpu.memory_space<hbm>>
    %dma_wait3A_439 = tpu.memref_squeeze %dma_wait3A_438 : memref<1x16x1024xf32, #tpu.memory_space<hbm>> -> memref<16x1024xf32, #tpu.memory_space<hbm>>
    %dma_wait3A_440 = tpu.memref_slice %arg9[%dma_wait3A_432] : memref<2x!tpu.dma_semaphore, #tpu.memory_space<semaphore_mem>> -> memref<1x!tpu.dma_semaphore, #tpu.memory_space<semaphore_mem>>
    %dma_wait3A_441 = tpu.memref_squeeze %dma_wait3A_440 : memref<1x!tpu.dma_semaphore, #tpu.memory_space<semaphore_mem>> -> memref<!tpu.dma_semaphore, #tpu.memory_space<semaphore_mem>>
    %dma_wait3A_442 = arith.constant 0 : i32
    %dma_wait3A_443 = arith.constant 0 : i32
    %dma_wait3A_444 = tpu.memref_slice %arg7[%dma_wait3A_430, %dma_wait3A_442, %dma_wait3A_431, %dma_wait3A_443] : memref<2x16x2x1024xf32, #tpu.memory_space<vmem>> -> memref<1x16x1x1024xf32, #tpu.memory_space<vmem>>
    %dma_wait3A_445 = tpu.memref_squeeze %dma_wait3A_444 : memref<1x16x1x1024xf32, #tpu.memory_space<vmem>> -> memref<16x1024xf32, #tpu.memory_space<vmem>>
    %dma_wait3A_446 = arith.constant 0 : i32
    %dma_wait3A_447 = tpu.memref_slice %arg2[%select_n3A, %add3A_429, %dma_wait3A_446] : memref<16x512x1024xf32, #tpu.memory_space<hbm>> -> memref<1x16x1024xf32, #tpu.memory_space<hbm>>
    %dma_wait3A_448 = tpu.memref_squeeze %dma_wait3A_447 : memref<1x16x1024xf32, #tpu.memory_space<hbm>> -> memref<16x1024xf32, #tpu.memory_space<hbm>>
    tpu.wait_dma2 semaphore(%dma_wait3A_441 : memref<!tpu.dma_semaphore, #tpu.memory_space<semaphore_mem>>) src(%dma_wait3A_448 : memref<16x1024xf32, #tpu.memory_space<hbm>>) dst(%dma_wait3A_445 : memref<16x1024xf32, #tpu.memory_space<vmem>>)
    %add3A_449 = arith.constant 48 : i32
    %add3A_450 = arith.addi %mul3A_32, %add3A_449 : i32
    %mul3A_451 = arith.constant 2 : i32
    %mul3A_452 = arith.muli %mul3A_451, %add3A_450 : i32
    %dma_start3A_453 = arith.constant 1 : i32
    %dma_start3A_454 = arith.constant 1 : i32
    %dma_start3A_455 = arith.constant 0 : i32
    %dma_start3A_456 = arith.constant 0 : i32
    %dma_start3A_457 = arith.constant 0 : i32
    %dma_start3A_458 = tpu.memref_slice %arg7[%dma_start3A_453, %dma_start3A_455, %dma_start3A_456, %dma_start3A_457] : memref<2x16x2x1024xf32, #tpu.memory_space<vmem>> -> memref<1x16x2x1024xf32, #tpu.memory_space<vmem>>
    %dma_start3A_459 = tpu.memref_squeeze %dma_start3A_458 : memref<1x16x2x1024xf32, #tpu.memory_space<vmem>> -> memref<16x2x1024xf32, #tpu.memory_space<vmem>>
    %dma_start3A_460 = tpu.memref_reshape %dma_start3A_459 : memref<16x2x1024xf32, #tpu.memory_space<vmem>> -> memref<32x1024xf32, #tpu.memory_space<vmem>>
    %dma_start3A_461 = arith.constant 0 : i32
    %dma_start3A_462 = tpu.memref_slice %arg5[%select_n3A, %mul3A_452, %dma_start3A_461] : memref<16x1024x1024xf32, #tpu.memory_space<hbm>> -> memref<1x32x1024xf32, #tpu.memory_space<hbm>>
    %dma_start3A_463 = tpu.memref_squeeze %dma_start3A_462 : memref<1x32x1024xf32, #tpu.memory_space<hbm>> -> memref<32x1024xf32, #tpu.memory_space<hbm>>
    %dma_start3A_464 = tpu.memref_slice %arg10[%dma_start3A_454] : memref<2x!tpu.dma_semaphore, #tpu.memory_space<semaphore_mem>> -> memref<1x!tpu.dma_semaphore, #tpu.memory_space<semaphore_mem>>
    %dma_start3A_465 = tpu.memref_squeeze %dma_start3A_464 : memref<1x!tpu.dma_semaphore, #tpu.memory_space<semaphore_mem>> -> memref<!tpu.dma_semaphore, #tpu.memory_space<semaphore_mem>>
    %dma_start3A_466 = arith.constant 0 : i32
    %dma_start3A_467 = tpu.memref_slice %arg5[%select_n3A, %mul3A_452, %dma_start3A_466] : memref<16x1024x1024xf32, #tpu.memory_space<hbm>> -> memref<1x32x1024xf32, #tpu.memory_space<hbm>>
    %dma_start3A_468 = tpu.memref_squeeze %dma_start3A_467 : memref<1x32x1024xf32, #tpu.memory_space<hbm>> -> memref<32x1024xf32, #tpu.memory_space<hbm>>
    %dma_start3A_469 = arith.constant 0 : i32
    %dma_start3A_470 = arith.constant 0 : i32
    %dma_start3A_471 = arith.constant 0 : i32
    %dma_start3A_472 = tpu.memref_slice %arg7[%dma_start3A_453, %dma_start3A_469, %dma_start3A_470, %dma_start3A_471] : memref<2x16x2x1024xf32, #tpu.memory_space<vmem>> -> memref<1x16x2x1024xf32, #tpu.memory_space<vmem>>
    %dma_start3A_473 = tpu.memref_squeeze %dma_start3A_472 : memref<1x16x2x1024xf32, #tpu.memory_space<vmem>> -> memref<16x2x1024xf32, #tpu.memory_space<vmem>>
    %dma_start3A_474 = tpu.memref_reshape %dma_start3A_473 : memref<16x2x1024xf32, #tpu.memory_space<vmem>> -> memref<32x1024xf32, #tpu.memory_space<vmem>>
    tpu.enqueue_dma source(%dma_start3A_474 : memref<32x1024xf32, #tpu.memory_space<vmem>>) target(%dma_start3A_468 : memref<32x1024xf32, #tpu.memory_space<hbm>>) target_semaphore(%dma_start3A_465 : memref<!tpu.dma_semaphore, #tpu.memory_space<semaphore_mem>>)
    %add3A_475 = arith.constant 48 : i32
    %add3A_476 = arith.addi %mul3A_32, %add3A_475 : i32
    %mul3A_477 = arith.constant 2 : i32
    %mul3A_478 = arith.muli %mul3A_477, %add3A_476 : i32
    %dma_wait3A_479 = arith.constant 1 : i32
    %dma_wait3A_480 = arith.constant 1 : i32
    %dma_wait3A_481 = arith.constant 0 : i32
    %dma_wait3A_482 = arith.constant 0 : i32
    %dma_wait3A_483 = arith.constant 0 : i32
    %dma_wait3A_484 = tpu.memref_slice %arg7[%dma_wait3A_479, %dma_wait3A_481, %dma_wait3A_482, %dma_wait3A_483] : memref<2x16x2x1024xf32, #tpu.memory_space<vmem>> -> memref<1x16x2x1024xf32, #tpu.memory_space<vmem>>
    %dma_wait3A_485 = tpu.memref_squeeze %dma_wait3A_484 : memref<1x16x2x1024xf32, #tpu.memory_space<vmem>> -> memref<16x2x1024xf32, #tpu.memory_space<vmem>>
    %dma_wait3A_486 = tpu.memref_reshape %dma_wait3A_485 : memref<16x2x1024xf32, #tpu.memory_space<vmem>> -> memref<32x1024xf32, #tpu.memory_space<vmem>>
    %dma_wait3A_487 = arith.constant 0 : i32
    %dma_wait3A_488 = tpu.memref_slice %arg5[%select_n3A, %mul3A_478, %dma_wait3A_487] : memref<16x1024x1024xf32, #tpu.memory_space<hbm>> -> memref<1x32x1024xf32, #tpu.memory_space<hbm>>
    %dma_wait3A_489 = tpu.memref_squeeze %dma_wait3A_488 : memref<1x32x1024xf32, #tpu.memory_space<hbm>> -> memref<32x1024xf32, #tpu.memory_space<hbm>>
    %dma_wait3A_490 = tpu.memref_slice %arg10[%dma_wait3A_480] : memref<2x!tpu.dma_semaphore, #tpu.memory_space<semaphore_mem>> -> memref<1x!tpu.dma_semaphore, #tpu.memory_space<semaphore_mem>>
    %dma_wait3A_491 = tpu.memref_squeeze %dma_wait3A_490 : memref<1x!tpu.dma_semaphore, #tpu.memory_space<semaphore_mem>> -> memref<!tpu.dma_semaphore, #tpu.memory_space<semaphore_mem>>
    %dma_wait3A_492 = arith.constant 0 : i32
    %dma_wait3A_493 = tpu.memref_slice %arg5[%select_n3A, %mul3A_478, %dma_wait3A_492] : memref<16x1024x1024xf32, #tpu.memory_space<hbm>> -> memref<1x32x1024xf32, #tpu.memory_space<hbm>>
    %dma_wait3A_494 = tpu.memref_squeeze %dma_wait3A_493 : memref<1x32x1024xf32, #tpu.memory_space<hbm>> -> memref<32x1024xf32, #tpu.memory_space<hbm>>
    %dma_wait3A_495 = arith.constant 0 : i32
    %dma_wait3A_496 = arith.constant 0 : i32
    %dma_wait3A_497 = arith.constant 0 : i32
    %dma_wait3A_498 = tpu.memref_slice %arg7[%dma_wait3A_479, %dma_wait3A_495, %dma_wait3A_496, %dma_wait3A_497] : memref<2x16x2x1024xf32, #tpu.memory_space<vmem>> -> memref<1x16x2x1024xf32, #tpu.memory_space<vmem>>
    %dma_wait3A_499 = tpu.memref_squeeze %dma_wait3A_498 : memref<1x16x2x1024xf32, #tpu.memory_space<vmem>> -> memref<16x2x1024xf32, #tpu.memory_space<vmem>>
    %dma_wait3A_500 = tpu.memref_reshape %dma_wait3A_499 : memref<16x2x1024xf32, #tpu.memory_space<vmem>> -> memref<32x1024xf32, #tpu.memory_space<vmem>>
    tpu.wait_dma2 semaphore(%dma_wait3A_491 : memref<!tpu.dma_semaphore, #tpu.memory_space<semaphore_mem>>) src(%dma_wait3A_500 : memref<32x1024xf32, #tpu.memory_space<vmem>>) dst(%dma_wait3A_494 : memref<32x1024xf32, #tpu.memory_space<hbm>>)
    %add3A_501 = arith.constant 80 : i32
    %add3A_502 = arith.addi %mul3A_32, %add3A_501 : i32
    %dma_start3A_503 = arith.constant 1 : i32
    %dma_start3A_504 = arith.constant 0 : i32
    %dma_start3A_505 = arith.constant 1 : i32
    %dma_start3A_506 = arith.constant 0 : i32
    %dma_start3A_507 = arith.constant 0 : i32
    %dma_start3A_508 = tpu.memref_slice %arg7[%dma_start3A_503, %dma_start3A_506, %dma_start3A_504, %dma_start3A_507] : memref<2x16x2x1024xf32, #tpu.memory_space<vmem>> -> memref<1x16x1x1024xf32, #tpu.memory_space<vmem>>
    %dma_start3A_509 = tpu.memref_squeeze %dma_start3A_508 : memref<1x16x1x1024xf32, #tpu.memory_space<vmem>> -> memref<16x1024xf32, #tpu.memory_space<vmem>>
    %dma_start3A_510 = arith.constant 0 : i32
    %dma_start3A_511 = tpu.memref_slice %arg2[%select_n3A, %add3A_502, %dma_start3A_510] : memref<16x512x1024xf32, #tpu.memory_space<hbm>> -> memref<1x16x1024xf32, #tpu.memory_space<hbm>>
    %dma_start3A_512 = tpu.memref_squeeze %dma_start3A_511 : memref<1x16x1024xf32, #tpu.memory_space<hbm>> -> memref<16x1024xf32, #tpu.memory_space<hbm>>
    %dma_start3A_513 = tpu.memref_slice %arg9[%dma_start3A_505] : memref<2x!tpu.dma_semaphore, #tpu.memory_space<semaphore_mem>> -> memref<1x!tpu.dma_semaphore, #tpu.memory_space<semaphore_mem>>
    %dma_start3A_514 = tpu.memref_squeeze %dma_start3A_513 : memref<1x!tpu.dma_semaphore, #tpu.memory_space<semaphore_mem>> -> memref<!tpu.dma_semaphore, #tpu.memory_space<semaphore_mem>>
    %dma_start3A_515 = arith.constant 0 : i32
    %dma_start3A_516 = arith.constant 0 : i32
    %dma_start3A_517 = tpu.memref_slice %arg7[%dma_start3A_503, %dma_start3A_515, %dma_start3A_504, %dma_start3A_516] : memref<2x16x2x1024xf32, #tpu.memory_space<vmem>> -> memref<1x16x1x1024xf32, #tpu.memory_space<vmem>>
    %dma_start3A_518 = tpu.memref_squeeze %dma_start3A_517 : memref<1x16x1x1024xf32, #tpu.memory_space<vmem>> -> memref<16x1024xf32, #tpu.memory_space<vmem>>
    %dma_start3A_519 = arith.constant 0 : i32
    %dma_start3A_520 = tpu.memref_slice %arg2[%select_n3A, %add3A_502, %dma_start3A_519] : memref<16x512x1024xf32, #tpu.memory_space<hbm>> -> memref<1x16x1024xf32, #tpu.memory_space<hbm>>
    %dma_start3A_521 = tpu.memref_squeeze %dma_start3A_520 : memref<1x16x1024xf32, #tpu.memory_space<hbm>> -> memref<16x1024xf32, #tpu.memory_space<hbm>>
    tpu.enqueue_dma source(%dma_start3A_521 : memref<16x1024xf32, #tpu.memory_space<hbm>>) target(%dma_start3A_518 : memref<16x1024xf32, #tpu.memory_space<vmem>>) target_semaphore(%dma_start3A_514 : memref<!tpu.dma_semaphore, #tpu.memory_space<semaphore_mem>>)
    %add3A_522 = arith.constant 64 : i32
    %add3A_523 = arith.addi %mul3A_32, %add3A_522 : i32
    %dma_wait3A_524 = arith.constant 0 : i32
    %dma_wait3A_525 = arith.constant 0 : i32
    %dma_wait3A_526 = arith.constant 0 : i32
    %dma_wait3A_527 = arith.constant 0 : i32
    %dma_wait3A_528 = arith.constant 0 : i32
    %dma_wait3A_529 = tpu.memref_slice %arg7[%dma_wait3A_524, %dma_wait3A_527, %dma_wait3A_525, %dma_wait3A_528] : memref<2x16x2x1024xf32, #tpu.memory_space<vmem>> -> memref<1x16x1x1024xf32, #tpu.memory_space<vmem>>
    %dma_wait3A_530 = tpu.memref_squeeze %dma_wait3A_529 : memref<1x16x1x1024xf32, #tpu.memory_space<vmem>> -> memref<16x1024xf32, #tpu.memory_space<vmem>>
    %dma_wait3A_531 = arith.constant 0 : i32
    %dma_wait3A_532 = tpu.memref_slice %arg2[%select_n3A, %add3A_523, %dma_wait3A_531] : memref<16x512x1024xf32, #tpu.memory_space<hbm>> -> memref<1x16x1024xf32, #tpu.memory_space<hbm>>
    %dma_wait3A_533 = tpu.memref_squeeze %dma_wait3A_532 : memref<1x16x1024xf32, #tpu.memory_space<hbm>> -> memref<16x1024xf32, #tpu.memory_space<hbm>>
    %dma_wait3A_534 = tpu.memref_slice %arg9[%dma_wait3A_526] : memref<2x!tpu.dma_semaphore, #tpu.memory_space<semaphore_mem>> -> memref<1x!tpu.dma_semaphore, #tpu.memory_space<semaphore_mem>>
    %dma_wait3A_535 = tpu.memref_squeeze %dma_wait3A_534 : memref<1x!tpu.dma_semaphore, #tpu.memory_space<semaphore_mem>> -> memref<!tpu.dma_semaphore, #tpu.memory_space<semaphore_mem>>
    %dma_wait3A_536 = arith.constant 0 : i32
    %dma_wait3A_537 = arith.constant 0 : i32
    %dma_wait3A_538 = tpu.memref_slice %arg7[%dma_wait3A_524, %dma_wait3A_536, %dma_wait3A_525, %dma_wait3A_537] : memref<2x16x2x1024xf32, #tpu.memory_space<vmem>> -> memref<1x16x1x1024xf32, #tpu.memory_space<vmem>>
    %dma_wait3A_539 = tpu.memref_squeeze %dma_wait3A_538 : memref<1x16x1x1024xf32, #tpu.memory_space<vmem>> -> memref<16x1024xf32, #tpu.memory_space<vmem>>
    %dma_wait3A_540 = arith.constant 0 : i32
    %dma_wait3A_541 = tpu.memref_slice %arg2[%select_n3A, %add3A_523, %dma_wait3A_540] : memref<16x512x1024xf32, #tpu.memory_space<hbm>> -> memref<1x16x1024xf32, #tpu.memory_space<hbm>>
    %dma_wait3A_542 = tpu.memref_squeeze %dma_wait3A_541 : memref<1x16x1024xf32, #tpu.memory_space<hbm>> -> memref<16x1024xf32, #tpu.memory_space<hbm>>
    tpu.wait_dma2 semaphore(%dma_wait3A_535 : memref<!tpu.dma_semaphore, #tpu.memory_space<semaphore_mem>>) src(%dma_wait3A_542 : memref<16x1024xf32, #tpu.memory_space<hbm>>) dst(%dma_wait3A_539 : memref<16x1024xf32, #tpu.memory_space<vmem>>)
    %add3A_543 = arith.constant 64 : i32
    %add3A_544 = arith.addi %mul3A_32, %add3A_543 : i32
    %mul3A_545 = arith.constant 2 : i32
    %mul3A_546 = arith.muli %mul3A_545, %add3A_544 : i32
    %dma_start3A_547 = arith.constant 0 : i32
    %dma_start3A_548 = arith.constant 0 : i32
    %dma_start3A_549 = arith.constant 0 : i32
    %dma_start3A_550 = arith.constant 0 : i32
    %dma_start3A_551 = arith.constant 0 : i32
    %dma_start3A_552 = tpu.memref_slice %arg7[%dma_start3A_547, %dma_start3A_549, %dma_start3A_550, %dma_start3A_551] : memref<2x16x2x1024xf32, #tpu.memory_space<vmem>> -> memref<1x16x2x1024xf32, #tpu.memory_space<vmem>>
    %dma_start3A_553 = tpu.memref_squeeze %dma_start3A_552 : memref<1x16x2x1024xf32, #tpu.memory_space<vmem>> -> memref<16x2x1024xf32, #tpu.memory_space<vmem>>
    %dma_start3A_554 = tpu.memref_reshape %dma_start3A_553 : memref<16x2x1024xf32, #tpu.memory_space<vmem>> -> memref<32x1024xf32, #tpu.memory_space<vmem>>
    %dma_start3A_555 = arith.constant 0 : i32
    %dma_start3A_556 = tpu.memref_slice %arg5[%select_n3A, %mul3A_546, %dma_start3A_555] : memref<16x1024x1024xf32, #tpu.memory_space<hbm>> -> memref<1x32x1024xf32, #tpu.memory_space<hbm>>
    %dma_start3A_557 = tpu.memref_squeeze %dma_start3A_556 : memref<1x32x1024xf32, #tpu.memory_space<hbm>> -> memref<32x1024xf32, #tpu.memory_space<hbm>>
    %dma_start3A_558 = tpu.memref_slice %arg10[%dma_start3A_548] : memref<2x!tpu.dma_semaphore, #tpu.memory_space<semaphore_mem>> -> memref<1x!tpu.dma_semaphore, #tpu.memory_space<semaphore_mem>>
    %dma_start3A_559 = tpu.memref_squeeze %dma_start3A_558 : memref<1x!tpu.dma_semaphore, #tpu.memory_space<semaphore_mem>> -> memref<!tpu.dma_semaphore, #tpu.memory_space<semaphore_mem>>
    %dma_start3A_560 = arith.constant 0 : i32
    %dma_start3A_561 = tpu.memref_slice %arg5[%select_n3A, %mul3A_546, %dma_start3A_560] : memref<16x1024x1024xf32, #tpu.memory_space<hbm>> -> memref<1x32x1024xf32, #tpu.memory_space<hbm>>
    %dma_start3A_562 = tpu.memref_squeeze %dma_start3A_561 : memref<1x32x1024xf32, #tpu.memory_space<hbm>> -> memref<32x1024xf32, #tpu.memory_space<hbm>>
    %dma_start3A_563 = arith.constant 0 : i32
    %dma_start3A_564 = arith.constant 0 : i32
    %dma_start3A_565 = arith.constant 0 : i32
    %dma_start3A_566 = tpu.memref_slice %arg7[%dma_start3A_547, %dma_start3A_563, %dma_start3A_564, %dma_start3A_565] : memref<2x16x2x1024xf32, #tpu.memory_space<vmem>> -> memref<1x16x2x1024xf32, #tpu.memory_space<vmem>>
    %dma_start3A_567 = tpu.memref_squeeze %dma_start3A_566 : memref<1x16x2x1024xf32, #tpu.memory_space<vmem>> -> memref<16x2x1024xf32, #tpu.memory_space<vmem>>
    %dma_start3A_568 = tpu.memref_reshape %dma_start3A_567 : memref<16x2x1024xf32, #tpu.memory_space<vmem>> -> memref<32x1024xf32, #tpu.memory_space<vmem>>
    tpu.enqueue_dma source(%dma_start3A_568 : memref<32x1024xf32, #tpu.memory_space<vmem>>) target(%dma_start3A_562 : memref<32x1024xf32, #tpu.memory_space<hbm>>) target_semaphore(%dma_start3A_559 : memref<!tpu.dma_semaphore, #tpu.memory_space<semaphore_mem>>)
    %add3A_569 = arith.constant 64 : i32
    %add3A_570 = arith.addi %mul3A_32, %add3A_569 : i32
    %mul3A_571 = arith.constant 2 : i32
    %mul3A_572 = arith.muli %mul3A_571, %add3A_570 : i32
    %dma_wait3A_573 = arith.constant 0 : i32
    %dma_wait3A_574 = arith.constant 0 : i32
    %dma_wait3A_575 = arith.constant 0 : i32
    %dma_wait3A_576 = arith.constant 0 : i32
    %dma_wait3A_577 = arith.constant 0 : i32
    %dma_wait3A_578 = tpu.memref_slice %arg7[%dma_wait3A_573, %dma_wait3A_575, %dma_wait3A_576, %dma_wait3A_577] : memref<2x16x2x1024xf32, #tpu.memory_space<vmem>> -> memref<1x16x2x1024xf32, #tpu.memory_space<vmem>>
    %dma_wait3A_579 = tpu.memref_squeeze %dma_wait3A_578 : memref<1x16x2x1024xf32, #tpu.memory_space<vmem>> -> memref<16x2x1024xf32, #tpu.memory_space<vmem>>
    %dma_wait3A_580 = tpu.memref_reshape %dma_wait3A_579 : memref<16x2x1024xf32, #tpu.memory_space<vmem>> -> memref<32x1024xf32, #tpu.memory_space<vmem>>
    %dma_wait3A_581 = arith.constant 0 : i32
    %dma_wait3A_582 = tpu.memref_slice %arg5[%select_n3A, %mul3A_572, %dma_wait3A_581] : memref<16x1024x1024xf32, #tpu.memory_space<hbm>> -> memref<1x32x1024xf32, #tpu.memory_space<hbm>>
    %dma_wait3A_583 = tpu.memref_squeeze %dma_wait3A_582 : memref<1x32x1024xf32, #tpu.memory_space<hbm>> -> memref<32x1024xf32, #tpu.memory_space<hbm>>
    %dma_wait3A_584 = tpu.memref_slice %arg10[%dma_wait3A_574] : memref<2x!tpu.dma_semaphore, #tpu.memory_space<semaphore_mem>> -> memref<1x!tpu.dma_semaphore, #tpu.memory_space<semaphore_mem>>
    %dma_wait3A_585 = tpu.memref_squeeze %dma_wait3A_584 : memref<1x!tpu.dma_semaphore, #tpu.memory_space<semaphore_mem>> -> memref<!tpu.dma_semaphore, #tpu.memory_space<semaphore_mem>>
    %dma_wait3A_586 = arith.constant 0 : i32
    %dma_wait3A_587 = tpu.memref_slice %arg5[%select_n3A, %mul3A_572, %dma_wait3A_586] : memref<16x1024x1024xf32, #tpu.memory_space<hbm>> -> memref<1x32x1024xf32, #tpu.memory_space<hbm>>
    %dma_wait3A_588 = tpu.memref_squeeze %dma_wait3A_587 : memref<1x32x1024xf32, #tpu.memory_space<hbm>> -> memref<32x1024xf32, #tpu.memory_space<hbm>>
    %dma_wait3A_589 = arith.constant 0 : i32
    %dma_wait3A_590 = arith.constant 0 : i32
    %dma_wait3A_591 = arith.constant 0 : i32
    %dma_wait3A_592 = tpu.memref_slice %arg7[%dma_wait3A_573, %dma_wait3A_589, %dma_wait3A_590, %dma_wait3A_591] : memref<2x16x2x1024xf32, #tpu.memory_space<vmem>> -> memref<1x16x2x1024xf32, #tpu.memory_space<vmem>>
    %dma_wait3A_593 = tpu.memref_squeeze %dma_wait3A_592 : memref<1x16x2x1024xf32, #tpu.memory_space<vmem>> -> memref<16x2x1024xf32, #tpu.memory_space<vmem>>
    %dma_wait3A_594 = tpu.memref_reshape %dma_wait3A_593 : memref<16x2x1024xf32, #tpu.memory_space<vmem>> -> memref<32x1024xf32, #tpu.memory_space<vmem>>
    tpu.wait_dma2 semaphore(%dma_wait3A_585 : memref<!tpu.dma_semaphore, #tpu.memory_space<semaphore_mem>>) src(%dma_wait3A_594 : memref<32x1024xf32, #tpu.memory_space<vmem>>) dst(%dma_wait3A_588 : memref<32x1024xf32, #tpu.memory_space<hbm>>)
    %add3A_595 = arith.constant 96 : i32
    %add3A_596 = arith.addi %mul3A_32, %add3A_595 : i32
    %dma_start3A_597 = arith.constant 0 : i32
    %dma_start3A_598 = arith.constant 0 : i32
    %dma_start3A_599 = arith.constant 0 : i32
    %dma_start3A_600 = arith.constant 0 : i32
    %dma_start3A_601 = arith.constant 0 : i32
    %dma_start3A_602 = tpu.memref_slice %arg7[%dma_start3A_597, %dma_start3A_600, %dma_start3A_598, %dma_start3A_601] : memref<2x16x2x1024xf32, #tpu.memory_space<vmem>> -> memref<1x16x1x1024xf32, #tpu.memory_space<vmem>>
    %dma_start3A_603 = tpu.memref_squeeze %dma_start3A_602 : memref<1x16x1x1024xf32, #tpu.memory_space<vmem>> -> memref<16x1024xf32, #tpu.memory_space<vmem>>
    %dma_start3A_604 = arith.constant 0 : i32
    %dma_start3A_605 = tpu.memref_slice %arg2[%select_n3A, %add3A_596, %dma_start3A_604] : memref<16x512x1024xf32, #tpu.memory_space<hbm>> -> memref<1x16x1024xf32, #tpu.memory_space<hbm>>
    %dma_start3A_606 = tpu.memref_squeeze %dma_start3A_605 : memref<1x16x1024xf32, #tpu.memory_space<hbm>> -> memref<16x1024xf32, #tpu.memory_space<hbm>>
    %dma_start3A_607 = tpu.memref_slice %arg9[%dma_start3A_599] : memref<2x!tpu.dma_semaphore, #tpu.memory_space<semaphore_mem>> -> memref<1x!tpu.dma_semaphore, #tpu.memory_space<semaphore_mem>>
    %dma_start3A_608 = tpu.memref_squeeze %dma_start3A_607 : memref<1x!tpu.dma_semaphore, #tpu.memory_space<semaphore_mem>> -> memref<!tpu.dma_semaphore, #tpu.memory_space<semaphore_mem>>
    %dma_start3A_609 = arith.constant 0 : i32
    %dma_start3A_610 = arith.constant 0 : i32
    %dma_start3A_611 = tpu.memref_slice %arg7[%dma_start3A_597, %dma_start3A_609, %dma_start3A_598, %dma_start3A_610] : memref<2x16x2x1024xf32, #tpu.memory_space<vmem>> -> memref<1x16x1x1024xf32, #tpu.memory_space<vmem>>
    %dma_start3A_612 = tpu.memref_squeeze %dma_start3A_611 : memref<1x16x1x1024xf32, #tpu.memory_space<vmem>> -> memref<16x1024xf32, #tpu.memory_space<vmem>>
    %dma_start3A_613 = arith.constant 0 : i32
    %dma_start3A_614 = tpu.memref_slice %arg2[%select_n3A, %add3A_596, %dma_start3A_613] : memref<16x512x1024xf32, #tpu.memory_space<hbm>> -> memref<1x16x1024xf32, #tpu.memory_space<hbm>>
    %dma_start3A_615 = tpu.memref_squeeze %dma_start3A_614 : memref<1x16x1024xf32, #tpu.memory_space<hbm>> -> memref<16x1024xf32, #tpu.memory_space<hbm>>
    tpu.enqueue_dma source(%dma_start3A_615 : memref<16x1024xf32, #tpu.memory_space<hbm>>) target(%dma_start3A_612 : memref<16x1024xf32, #tpu.memory_space<vmem>>) target_semaphore(%dma_start3A_608 : memref<!tpu.dma_semaphore, #tpu.memory_space<semaphore_mem>>)
    %add3A_616 = arith.constant 80 : i32
    %add3A_617 = arith.addi %mul3A_32, %add3A_616 : i32
    %dma_wait3A_618 = arith.constant 1 : i32
    %dma_wait3A_619 = arith.constant 0 : i32
    %dma_wait3A_620 = arith.constant 1 : i32
    %dma_wait3A_621 = arith.constant 0 : i32
    %dma_wait3A_622 = arith.constant 0 : i32
    %dma_wait3A_623 = tpu.memref_slice %arg7[%dma_wait3A_618, %dma_wait3A_621, %dma_wait3A_619, %dma_wait3A_622] : memref<2x16x2x1024xf32, #tpu.memory_space<vmem>> -> memref<1x16x1x1024xf32, #tpu.memory_space<vmem>>
    %dma_wait3A_624 = tpu.memref_squeeze %dma_wait3A_623 : memref<1x16x1x1024xf32, #tpu.memory_space<vmem>> -> memref<16x1024xf32, #tpu.memory_space<vmem>>
    %dma_wait3A_625 = arith.constant 0 : i32
    %dma_wait3A_626 = tpu.memref_slice %arg2[%select_n3A, %add3A_617, %dma_wait3A_625] : memref<16x512x1024xf32, #tpu.memory_space<hbm>> -> memref<1x16x1024xf32, #tpu.memory_space<hbm>>
    %dma_wait3A_627 = tpu.memref_squeeze %dma_wait3A_626 : memref<1x16x1024xf32, #tpu.memory_space<hbm>> -> memref<16x1024xf32, #tpu.memory_space<hbm>>
    %dma_wait3A_628 = tpu.memref_slice %arg9[%dma_wait3A_620] : memref<2x!tpu.dma_semaphore, #tpu.memory_space<semaphore_mem>> -> memref<1x!tpu.dma_semaphore, #tpu.memory_space<semaphore_mem>>
    %dma_wait3A_629 = tpu.memref_squeeze %dma_wait3A_628 : memref<1x!tpu.dma_semaphore, #tpu.memory_space<semaphore_mem>> -> memref<!tpu.dma_semaphore, #tpu.memory_space<semaphore_mem>>
    %dma_wait3A_630 = arith.constant 0 : i32
    %dma_wait3A_631 = arith.constant 0 : i32
    %dma_wait3A_632 = tpu.memref_slice %arg7[%dma_wait3A_618, %dma_wait3A_630, %dma_wait3A_619, %dma_wait3A_631] : memref<2x16x2x1024xf32, #tpu.memory_space<vmem>> -> memref<1x16x1x1024xf32, #tpu.memory_space<vmem>>
    %dma_wait3A_633 = tpu.memref_squeeze %dma_wait3A_632 : memref<1x16x1x1024xf32, #tpu.memory_space<vmem>> -> memref<16x1024xf32, #tpu.memory_space<vmem>>
    %dma_wait3A_634 = arith.constant 0 : i32
    %dma_wait3A_635 = tpu.memref_slice %arg2[%select_n3A, %add3A_617, %dma_wait3A_634] : memref<16x512x1024xf32, #tpu.memory_space<hbm>> -> memref<1x16x1024xf32, #tpu.memory_space<hbm>>
    %dma_wait3A_636 = tpu.memref_squeeze %dma_wait3A_635 : memref<1x16x1024xf32, #tpu.memory_space<hbm>> -> memref<16x1024xf32, #tpu.memory_space<hbm>>
    tpu.wait_dma2 semaphore(%dma_wait3A_629 : memref<!tpu.dma_semaphore, #tpu.memory_space<semaphore_mem>>) src(%dma_wait3A_636 : memref<16x1024xf32, #tpu.memory_space<hbm>>) dst(%dma_wait3A_633 : memref<16x1024xf32, #tpu.memory_space<vmem>>)
    %add3A_637 = arith.constant 80 : i32
    %add3A_638 = arith.addi %mul3A_32, %add3A_637 : i32
    %mul3A_639 = arith.constant 2 : i32
    %mul3A_640 = arith.muli %mul3A_639, %add3A_638 : i32
    %dma_start3A_641 = arith.constant 1 : i32
    %dma_start3A_642 = arith.constant 1 : i32
    %dma_start3A_643 = arith.constant 0 : i32
    %dma_start3A_644 = arith.constant 0 : i32
    %dma_start3A_645 = arith.constant 0 : i32
    %dma_start3A_646 = tpu.memref_slice %arg7[%dma_start3A_641, %dma_start3A_643, %dma_start3A_644, %dma_start3A_645] : memref<2x16x2x1024xf32, #tpu.memory_space<vmem>> -> memref<1x16x2x1024xf32, #tpu.memory_space<vmem>>
    %dma_start3A_647 = tpu.memref_squeeze %dma_start3A_646 : memref<1x16x2x1024xf32, #tpu.memory_space<vmem>> -> memref<16x2x1024xf32, #tpu.memory_space<vmem>>
    %dma_start3A_648 = tpu.memref_reshape %dma_start3A_647 : memref<16x2x1024xf32, #tpu.memory_space<vmem>> -> memref<32x1024xf32, #tpu.memory_space<vmem>>
    %dma_start3A_649 = arith.constant 0 : i32
    %dma_start3A_650 = tpu.memref_slice %arg5[%select_n3A, %mul3A_640, %dma_start3A_649] : memref<16x1024x1024xf32, #tpu.memory_space<hbm>> -> memref<1x32x1024xf32, #tpu.memory_space<hbm>>
    %dma_start3A_651 = tpu.memref_squeeze %dma_start3A_650 : memref<1x32x1024xf32, #tpu.memory_space<hbm>> -> memref<32x1024xf32, #tpu.memory_space<hbm>>
    %dma_start3A_652 = tpu.memref_slice %arg10[%dma_start3A_642] : memref<2x!tpu.dma_semaphore, #tpu.memory_space<semaphore_mem>> -> memref<1x!tpu.dma_semaphore, #tpu.memory_space<semaphore_mem>>
    %dma_start3A_653 = tpu.memref_squeeze %dma_start3A_652 : memref<1x!tpu.dma_semaphore, #tpu.memory_space<semaphore_mem>> -> memref<!tpu.dma_semaphore, #tpu.memory_space<semaphore_mem>>
    %dma_start3A_654 = arith.constant 0 : i32
    %dma_start3A_655 = tpu.memref_slice %arg5[%select_n3A, %mul3A_640, %dma_start3A_654] : memref<16x1024x1024xf32, #tpu.memory_space<hbm>> -> memref<1x32x1024xf32, #tpu.memory_space<hbm>>
    %dma_start3A_656 = tpu.memref_squeeze %dma_start3A_655 : memref<1x32x1024xf32, #tpu.memory_space<hbm>> -> memref<32x1024xf32, #tpu.memory_space<hbm>>
    %dma_start3A_657 = arith.constant 0 : i32
    %dma_start3A_658 = arith.constant 0 : i32
    %dma_start3A_659 = arith.constant 0 : i32
    %dma_start3A_660 = tpu.memref_slice %arg7[%dma_start3A_641, %dma_start3A_657, %dma_start3A_658, %dma_start3A_659] : memref<2x16x2x1024xf32, #tpu.memory_space<vmem>> -> memref<1x16x2x1024xf32, #tpu.memory_space<vmem>>
    %dma_start3A_661 = tpu.memref_squeeze %dma_start3A_660 : memref<1x16x2x1024xf32, #tpu.memory_space<vmem>> -> memref<16x2x1024xf32, #tpu.memory_space<vmem>>
    %dma_start3A_662 = tpu.memref_reshape %dma_start3A_661 : memref<16x2x1024xf32, #tpu.memory_space<vmem>> -> memref<32x1024xf32, #tpu.memory_space<vmem>>
    tpu.enqueue_dma source(%dma_start3A_662 : memref<32x1024xf32, #tpu.memory_space<vmem>>) target(%dma_start3A_656 : memref<32x1024xf32, #tpu.memory_space<hbm>>) target_semaphore(%dma_start3A_653 : memref<!tpu.dma_semaphore, #tpu.memory_space<semaphore_mem>>)
    %add3A_663 = arith.constant 80 : i32
    %add3A_664 = arith.addi %mul3A_32, %add3A_663 : i32
    %mul3A_665 = arith.constant 2 : i32
    %mul3A_666 = arith.muli %mul3A_665, %add3A_664 : i32
    %dma_wait3A_667 = arith.constant 1 : i32
    %dma_wait3A_668 = arith.constant 1 : i32
    %dma_wait3A_669 = arith.constant 0 : i32
    %dma_wait3A_670 = arith.constant 0 : i32
    %dma_wait3A_671 = arith.constant 0 : i32
    %dma_wait3A_672 = tpu.memref_slice %arg7[%dma_wait3A_667, %dma_wait3A_669, %dma_wait3A_670, %dma_wait3A_671] : memref<2x16x2x1024xf32, #tpu.memory_space<vmem>> -> memref<1x16x2x1024xf32, #tpu.memory_space<vmem>>
    %dma_wait3A_673 = tpu.memref_squeeze %dma_wait3A_672 : memref<1x16x2x1024xf32, #tpu.memory_space<vmem>> -> memref<16x2x1024xf32, #tpu.memory_space<vmem>>
    %dma_wait3A_674 = tpu.memref_reshape %dma_wait3A_673 : memref<16x2x1024xf32, #tpu.memory_space<vmem>> -> memref<32x1024xf32, #tpu.memory_space<vmem>>
    %dma_wait3A_675 = arith.constant 0 : i32
    %dma_wait3A_676 = tpu.memref_slice %arg5[%select_n3A, %mul3A_666, %dma_wait3A_675] : memref<16x1024x1024xf32, #tpu.memory_space<hbm>> -> memref<1x32x1024xf32, #tpu.memory_space<hbm>>
    %dma_wait3A_677 = tpu.memref_squeeze %dma_wait3A_676 : memref<1x32x1024xf32, #tpu.memory_space<hbm>> -> memref<32x1024xf32, #tpu.memory_space<hbm>>
    %dma_wait3A_678 = tpu.memref_slice %arg10[%dma_wait3A_668] : memref<2x!tpu.dma_semaphore, #tpu.memory_space<semaphore_mem>> -> memref<1x!tpu.dma_semaphore, #tpu.memory_space<semaphore_mem>>
    %dma_wait3A_679 = tpu.memref_squeeze %dma_wait3A_678 : memref<1x!tpu.dma_semaphore, #tpu.memory_space<semaphore_mem>> -> memref<!tpu.dma_semaphore, #tpu.memory_space<semaphore_mem>>
    %dma_wait3A_680 = arith.constant 0 : i32
    %dma_wait3A_681 = tpu.memref_slice %arg5[%select_n3A, %mul3A_666, %dma_wait3A_680] : memref<16x1024x1024xf32, #tpu.memory_space<hbm>> -> memref<1x32x1024xf32, #tpu.memory_space<hbm>>
    %dma_wait3A_682 = tpu.memref_squeeze %dma_wait3A_681 : memref<1x32x1024xf32, #tpu.memory_space<hbm>> -> memref<32x1024xf32, #tpu.memory_space<hbm>>
    %dma_wait3A_683 = arith.constant 0 : i32
    %dma_wait3A_684 = arith.constant 0 : i32
    %dma_wait3A_685 = arith.constant 0 : i32
    %dma_wait3A_686 = tpu.memref_slice %arg7[%dma_wait3A_667, %dma_wait3A_683, %dma_wait3A_684, %dma_wait3A_685] : memref<2x16x2x1024xf32, #tpu.memory_space<vmem>> -> memref<1x16x2x1024xf32, #tpu.memory_space<vmem>>
    %dma_wait3A_687 = tpu.memref_squeeze %dma_wait3A_686 : memref<1x16x2x1024xf32, #tpu.memory_space<vmem>> -> memref<16x2x1024xf32, #tpu.memory_space<vmem>>
    %dma_wait3A_688 = tpu.memref_reshape %dma_wait3A_687 : memref<16x2x1024xf32, #tpu.memory_space<vmem>> -> memref<32x1024xf32, #tpu.memory_space<vmem>>
    tpu.wait_dma2 semaphore(%dma_wait3A_679 : memref<!tpu.dma_semaphore, #tpu.memory_space<semaphore_mem>>) src(%dma_wait3A_688 : memref<32x1024xf32, #tpu.memory_space<vmem>>) dst(%dma_wait3A_682 : memref<32x1024xf32, #tpu.memory_space<hbm>>)
    %add3A_689 = arith.constant 112 : i32
    %add3A_690 = arith.addi %mul3A_32, %add3A_689 : i32
    %dma_start3A_691 = arith.constant 1 : i32
    %dma_start3A_692 = arith.constant 0 : i32
    %dma_start3A_693 = arith.constant 1 : i32
    %dma_start3A_694 = arith.constant 0 : i32
    %dma_start3A_695 = arith.constant 0 : i32
    %dma_start3A_696 = tpu.memref_slice %arg7[%dma_start3A_691, %dma_start3A_694, %dma_start3A_692, %dma_start3A_695] : memref<2x16x2x1024xf32, #tpu.memory_space<vmem>> -> memref<1x16x1x1024xf32, #tpu.memory_space<vmem>>
    %dma_start3A_697 = tpu.memref_squeeze %dma_start3A_696 : memref<1x16x1x1024xf32, #tpu.memory_space<vmem>> -> memref<16x1024xf32, #tpu.memory_space<vmem>>
    %dma_start3A_698 = arith.constant 0 : i32
    %dma_start3A_699 = tpu.memref_slice %arg2[%select_n3A, %add3A_690, %dma_start3A_698] : memref<16x512x1024xf32, #tpu.memory_space<hbm>> -> memref<1x16x1024xf32, #tpu.memory_space<hbm>>
    %dma_start3A_700 = tpu.memref_squeeze %dma_start3A_699 : memref<1x16x1024xf32, #tpu.memory_space<hbm>> -> memref<16x1024xf32, #tpu.memory_space<hbm>>
    %dma_start3A_701 = tpu.memref_slice %arg9[%dma_start3A_693] : memref<2x!tpu.dma_semaphore, #tpu.memory_space<semaphore_mem>> -> memref<1x!tpu.dma_semaphore, #tpu.memory_space<semaphore_mem>>
    %dma_start3A_702 = tpu.memref_squeeze %dma_start3A_701 : memref<1x!tpu.dma_semaphore, #tpu.memory_space<semaphore_mem>> -> memref<!tpu.dma_semaphore, #tpu.memory_space<semaphore_mem>>
    %dma_start3A_703 = arith.constant 0 : i32
    %dma_start3A_704 = arith.constant 0 : i32
    %dma_start3A_705 = tpu.memref_slice %arg7[%dma_start3A_691, %dma_start3A_703, %dma_start3A_692, %dma_start3A_704] : memref<2x16x2x1024xf32, #tpu.memory_space<vmem>> -> memref<1x16x1x1024xf32, #tpu.memory_space<vmem>>
    %dma_start3A_706 = tpu.memref_squeeze %dma_start3A_705 : memref<1x16x1x1024xf32, #tpu.memory_space<vmem>> -> memref<16x1024xf32, #tpu.memory_space<vmem>>
    %dma_start3A_707 = arith.constant 0 : i32
    %dma_start3A_708 = tpu.memref_slice %arg2[%select_n3A, %add3A_690, %dma_start3A_707] : memref<16x512x1024xf32, #tpu.memory_space<hbm>> -> memref<1x16x1024xf32, #tpu.memory_space<hbm>>
    %dma_start3A_709 = tpu.memref_squeeze %dma_start3A_708 : memref<1x16x1024xf32, #tpu.memory_space<hbm>> -> memref<16x1024xf32, #tpu.memory_space<hbm>>
    tpu.enqueue_dma source(%dma_start3A_709 : memref<16x1024xf32, #tpu.memory_space<hbm>>) target(%dma_start3A_706 : memref<16x1024xf32, #tpu.memory_space<vmem>>) target_semaphore(%dma_start3A_702 : memref<!tpu.dma_semaphore, #tpu.memory_space<semaphore_mem>>)
    %add3A_710 = arith.constant 96 : i32
    %add3A_711 = arith.addi %mul3A_32, %add3A_710 : i32
    %dma_wait3A_712 = arith.constant 0 : i32
    %dma_wait3A_713 = arith.constant 0 : i32
    %dma_wait3A_714 = arith.constant 0 : i32
    %dma_wait3A_715 = arith.constant 0 : i32
    %dma_wait3A_716 = arith.constant 0 : i32
    %dma_wait3A_717 = tpu.memref_slice %arg7[%dma_wait3A_712, %dma_wait3A_715, %dma_wait3A_713, %dma_wait3A_716] : memref<2x16x2x1024xf32, #tpu.memory_space<vmem>> -> memref<1x16x1x1024xf32, #tpu.memory_space<vmem>>
    %dma_wait3A_718 = tpu.memref_squeeze %dma_wait3A_717 : memref<1x16x1x1024xf32, #tpu.memory_space<vmem>> -> memref<16x1024xf32, #tpu.memory_space<vmem>>
    %dma_wait3A_719 = arith.constant 0 : i32
    %dma_wait3A_720 = tpu.memref_slice %arg2[%select_n3A, %add3A_711, %dma_wait3A_719] : memref<16x512x1024xf32, #tpu.memory_space<hbm>> -> memref<1x16x1024xf32, #tpu.memory_space<hbm>>
    %dma_wait3A_721 = tpu.memref_squeeze %dma_wait3A_720 : memref<1x16x1024xf32, #tpu.memory_space<hbm>> -> memref<16x1024xf32, #tpu.memory_space<hbm>>
    %dma_wait3A_722 = tpu.memref_slice %arg9[%dma_wait3A_714] : memref<2x!tpu.dma_semaphore, #tpu.memory_space<semaphore_mem>> -> memref<1x!tpu.dma_semaphore, #tpu.memory_space<semaphore_mem>>
    %dma_wait3A_723 = tpu.memref_squeeze %dma_wait3A_722 : memref<1x!tpu.dma_semaphore, #tpu.memory_space<semaphore_mem>> -> memref<!tpu.dma_semaphore, #tpu.memory_space<semaphore_mem>>
    %dma_wait3A_724 = arith.constant 0 : i32
    %dma_wait3A_725 = arith.constant 0 : i32
    %dma_wait3A_726 = tpu.memref_slice %arg7[%dma_wait3A_712, %dma_wait3A_724, %dma_wait3A_713, %dma_wait3A_725] : memref<2x16x2x1024xf32, #tpu.memory_space<vmem>> -> memref<1x16x1x1024xf32, #tpu.memory_space<vmem>>
    %dma_wait3A_727 = tpu.memref_squeeze %dma_wait3A_726 : memref<1x16x1x1024xf32, #tpu.memory_space<vmem>> -> memref<16x1024xf32, #tpu.memory_space<vmem>>
    %dma_wait3A_728 = arith.constant 0 : i32
    %dma_wait3A_729 = tpu.memref_slice %arg2[%select_n3A, %add3A_711, %dma_wait3A_728] : memref<16x512x1024xf32, #tpu.memory_space<hbm>> -> memref<1x16x1024xf32, #tpu.memory_space<hbm>>
    %dma_wait3A_730 = tpu.memref_squeeze %dma_wait3A_729 : memref<1x16x1024xf32, #tpu.memory_space<hbm>> -> memref<16x1024xf32, #tpu.memory_space<hbm>>
    tpu.wait_dma2 semaphore(%dma_wait3A_723 : memref<!tpu.dma_semaphore, #tpu.memory_space<semaphore_mem>>) src(%dma_wait3A_730 : memref<16x1024xf32, #tpu.memory_space<hbm>>) dst(%dma_wait3A_727 : memref<16x1024xf32, #tpu.memory_space<vmem>>)
    %add3A_731 = arith.constant 96 : i32
    %add3A_732 = arith.addi %mul3A_32, %add3A_731 : i32
    %mul3A_733 = arith.constant 2 : i32
    %mul3A_734 = arith.muli %mul3A_733, %add3A_732 : i32
    %dma_start3A_735 = arith.constant 0 : i32
    %dma_start3A_736 = arith.constant 0 : i32
    %dma_start3A_737 = arith.constant 0 : i32
    %dma_start3A_738 = arith.constant 0 : i32
    %dma_start3A_739 = arith.constant 0 : i32
    %dma_start3A_740 = tpu.memref_slice %arg7[%dma_start3A_735, %dma_start3A_737, %dma_start3A_738, %dma_start3A_739] : memref<2x16x2x1024xf32, #tpu.memory_space<vmem>> -> memref<1x16x2x1024xf32, #tpu.memory_space<vmem>>
    %dma_start3A_741 = tpu.memref_squeeze %dma_start3A_740 : memref<1x16x2x1024xf32, #tpu.memory_space<vmem>> -> memref<16x2x1024xf32, #tpu.memory_space<vmem>>
    %dma_start3A_742 = tpu.memref_reshape %dma_start3A_741 : memref<16x2x1024xf32, #tpu.memory_space<vmem>> -> memref<32x1024xf32, #tpu.memory_space<vmem>>
    %dma_start3A_743 = arith.constant 0 : i32
    %dma_start3A_744 = tpu.memref_slice %arg5[%select_n3A, %mul3A_734, %dma_start3A_743] : memref<16x1024x1024xf32, #tpu.memory_space<hbm>> -> memref<1x32x1024xf32, #tpu.memory_space<hbm>>
    %dma_start3A_745 = tpu.memref_squeeze %dma_start3A_744 : memref<1x32x1024xf32, #tpu.memory_space<hbm>> -> memref<32x1024xf32, #tpu.memory_space<hbm>>
    %dma_start3A_746 = tpu.memref_slice %arg10[%dma_start3A_736] : memref<2x!tpu.dma_semaphore, #tpu.memory_space<semaphore_mem>> -> memref<1x!tpu.dma_semaphore, #tpu.memory_space<semaphore_mem>>
    %dma_start3A_747 = tpu.memref_squeeze %dma_start3A_746 : memref<1x!tpu.dma_semaphore, #tpu.memory_space<semaphore_mem>> -> memref<!tpu.dma_semaphore, #tpu.memory_space<semaphore_mem>>
    %dma_start3A_748 = arith.constant 0 : i32
    %dma_start3A_749 = tpu.memref_slice %arg5[%select_n3A, %mul3A_734, %dma_start3A_748] : memref<16x1024x1024xf32, #tpu.memory_space<hbm>> -> memref<1x32x1024xf32, #tpu.memory_space<hbm>>
    %dma_start3A_750 = tpu.memref_squeeze %dma_start3A_749 : memref<1x32x1024xf32, #tpu.memory_space<hbm>> -> memref<32x1024xf32, #tpu.memory_space<hbm>>
    %dma_start3A_751 = arith.constant 0 : i32
    %dma_start3A_752 = arith.constant 0 : i32
    %dma_start3A_753 = arith.constant 0 : i32
    %dma_start3A_754 = tpu.memref_slice %arg7[%dma_start3A_735, %dma_start3A_751, %dma_start3A_752, %dma_start3A_753] : memref<2x16x2x1024xf32, #tpu.memory_space<vmem>> -> memref<1x16x2x1024xf32, #tpu.memory_space<vmem>>
    %dma_start3A_755 = tpu.memref_squeeze %dma_start3A_754 : memref<1x16x2x1024xf32, #tpu.memory_space<vmem>> -> memref<16x2x1024xf32, #tpu.memory_space<vmem>>
    %dma_start3A_756 = tpu.memref_reshape %dma_start3A_755 : memref<16x2x1024xf32, #tpu.memory_space<vmem>> -> memref<32x1024xf32, #tpu.memory_space<vmem>>
    tpu.enqueue_dma source(%dma_start3A_756 : memref<32x1024xf32, #tpu.memory_space<vmem>>) target(%dma_start3A_750 : memref<32x1024xf32, #tpu.memory_space<hbm>>) target_semaphore(%dma_start3A_747 : memref<!tpu.dma_semaphore, #tpu.memory_space<semaphore_mem>>)
    %add3A_757 = arith.constant 96 : i32
    %add3A_758 = arith.addi %mul3A_32, %add3A_757 : i32
    %mul3A_759 = arith.constant 2 : i32
    %mul3A_760 = arith.muli %mul3A_759, %add3A_758 : i32
    %dma_wait3A_761 = arith.constant 0 : i32
    %dma_wait3A_762 = arith.constant 0 : i32
    %dma_wait3A_763 = arith.constant 0 : i32
    %dma_wait3A_764 = arith.constant 0 : i32
    %dma_wait3A_765 = arith.constant 0 : i32
    %dma_wait3A_766 = tpu.memref_slice %arg7[%dma_wait3A_761, %dma_wait3A_763, %dma_wait3A_764, %dma_wait3A_765] : memref<2x16x2x1024xf32, #tpu.memory_space<vmem>> -> memref<1x16x2x1024xf32, #tpu.memory_space<vmem>>
    %dma_wait3A_767 = tpu.memref_squeeze %dma_wait3A_766 : memref<1x16x2x1024xf32, #tpu.memory_space<vmem>> -> memref<16x2x1024xf32, #tpu.memory_space<vmem>>
    %dma_wait3A_768 = tpu.memref_reshape %dma_wait3A_767 : memref<16x2x1024xf32, #tpu.memory_space<vmem>> -> memref<32x1024xf32, #tpu.memory_space<vmem>>
    %dma_wait3A_769 = arith.constant 0 : i32
    %dma_wait3A_770 = tpu.memref_slice %arg5[%select_n3A, %mul3A_760, %dma_wait3A_769] : memref<16x1024x1024xf32, #tpu.memory_space<hbm>> -> memref<1x32x1024xf32, #tpu.memory_space<hbm>>
    %dma_wait3A_771 = tpu.memref_squeeze %dma_wait3A_770 : memref<1x32x1024xf32, #tpu.memory_space<hbm>> -> memref<32x1024xf32, #tpu.memory_space<hbm>>
    %dma_wait3A_772 = tpu.memref_slice %arg10[%dma_wait3A_762] : memref<2x!tpu.dma_semaphore, #tpu.memory_space<semaphore_mem>> -> memref<1x!tpu.dma_semaphore, #tpu.memory_space<semaphore_mem>>
    %dma_wait3A_773 = tpu.memref_squeeze %dma_wait3A_772 : memref<1x!tpu.dma_semaphore, #tpu.memory_space<semaphore_mem>> -> memref<!tpu.dma_semaphore, #tpu.memory_space<semaphore_mem>>
    %dma_wait3A_774 = arith.constant 0 : i32
    %dma_wait3A_775 = tpu.memref_slice %arg5[%select_n3A, %mul3A_760, %dma_wait3A_774] : memref<16x1024x1024xf32, #tpu.memory_space<hbm>> -> memref<1x32x1024xf32, #tpu.memory_space<hbm>>
    %dma_wait3A_776 = tpu.memref_squeeze %dma_wait3A_775 : memref<1x32x1024xf32, #tpu.memory_space<hbm>> -> memref<32x1024xf32, #tpu.memory_space<hbm>>
    %dma_wait3A_777 = arith.constant 0 : i32
    %dma_wait3A_778 = arith.constant 0 : i32
    %dma_wait3A_779 = arith.constant 0 : i32
    %dma_wait3A_780 = tpu.memref_slice %arg7[%dma_wait3A_761, %dma_wait3A_777, %dma_wait3A_778, %dma_wait3A_779] : memref<2x16x2x1024xf32, #tpu.memory_space<vmem>> -> memref<1x16x2x1024xf32, #tpu.memory_space<vmem>>
    %dma_wait3A_781 = tpu.memref_squeeze %dma_wait3A_780 : memref<1x16x2x1024xf32, #tpu.memory_space<vmem>> -> memref<16x2x1024xf32, #tpu.memory_space<vmem>>
    %dma_wait3A_782 = tpu.memref_reshape %dma_wait3A_781 : memref<16x2x1024xf32, #tpu.memory_space<vmem>> -> memref<32x1024xf32, #tpu.memory_space<vmem>>
    tpu.wait_dma2 semaphore(%dma_wait3A_773 : memref<!tpu.dma_semaphore, #tpu.memory_space<semaphore_mem>>) src(%dma_wait3A_782 : memref<32x1024xf32, #tpu.memory_space<vmem>>) dst(%dma_wait3A_776 : memref<32x1024xf32, #tpu.memory_space<hbm>>)
    %add3A_783 = arith.constant 128 : i32
    %add3A_784 = arith.addi %mul3A_32, %add3A_783 : i32
    %dma_start3A_785 = arith.constant 0 : i32
    %dma_start3A_786 = arith.constant 0 : i32
    %dma_start3A_787 = arith.constant 0 : i32
    %dma_start3A_788 = arith.constant 0 : i32
    %dma_start3A_789 = arith.constant 0 : i32
    %dma_start3A_790 = tpu.memref_slice %arg7[%dma_start3A_785, %dma_start3A_788, %dma_start3A_786, %dma_start3A_789] : memref<2x16x2x1024xf32, #tpu.memory_space<vmem>> -> memref<1x16x1x1024xf32, #tpu.memory_space<vmem>>
    %dma_start3A_791 = tpu.memref_squeeze %dma_start3A_790 : memref<1x16x1x1024xf32, #tpu.memory_space<vmem>> -> memref<16x1024xf32, #tpu.memory_space<vmem>>
    %dma_start3A_792 = arith.constant 0 : i32
    %dma_start3A_793 = tpu.memref_slice %arg2[%select_n3A, %add3A_784, %dma_start3A_792] : memref<16x512x1024xf32, #tpu.memory_space<hbm>> -> memref<1x16x1024xf32, #tpu.memory_space<hbm>>
    %dma_start3A_794 = tpu.memref_squeeze %dma_start3A_793 : memref<1x16x1024xf32, #tpu.memory_space<hbm>> -> memref<16x1024xf32, #tpu.memory_space<hbm>>
    %dma_start3A_795 = tpu.memref_slice %arg9[%dma_start3A_787] : memref<2x!tpu.dma_semaphore, #tpu.memory_space<semaphore_mem>> -> memref<1x!tpu.dma_semaphore, #tpu.memory_space<semaphore_mem>>
    %dma_start3A_796 = tpu.memref_squeeze %dma_start3A_795 : memref<1x!tpu.dma_semaphore, #tpu.memory_space<semaphore_mem>> -> memref<!tpu.dma_semaphore, #tpu.memory_space<semaphore_mem>>
    %dma_start3A_797 = arith.constant 0 : i32
    %dma_start3A_798 = arith.constant 0 : i32
    %dma_start3A_799 = tpu.memref_slice %arg7[%dma_start3A_785, %dma_start3A_797, %dma_start3A_786, %dma_start3A_798] : memref<2x16x2x1024xf32, #tpu.memory_space<vmem>> -> memref<1x16x1x1024xf32, #tpu.memory_space<vmem>>
    %dma_start3A_800 = tpu.memref_squeeze %dma_start3A_799 : memref<1x16x1x1024xf32, #tpu.memory_space<vmem>> -> memref<16x1024xf32, #tpu.memory_space<vmem>>
    %dma_start3A_801 = arith.constant 0 : i32
    %dma_start3A_802 = tpu.memref_slice %arg2[%select_n3A, %add3A_784, %dma_start3A_801] : memref<16x512x1024xf32, #tpu.memory_space<hbm>> -> memref<1x16x1024xf32, #tpu.memory_space<hbm>>
    %dma_start3A_803 = tpu.memref_squeeze %dma_start3A_802 : memref<1x16x1024xf32, #tpu.memory_space<hbm>> -> memref<16x1024xf32, #tpu.memory_space<hbm>>
    tpu.enqueue_dma source(%dma_start3A_803 : memref<16x1024xf32, #tpu.memory_space<hbm>>) target(%dma_start3A_800 : memref<16x1024xf32, #tpu.memory_space<vmem>>) target_semaphore(%dma_start3A_796 : memref<!tpu.dma_semaphore, #tpu.memory_space<semaphore_mem>>)
    %add3A_804 = arith.constant 112 : i32
    %add3A_805 = arith.addi %mul3A_32, %add3A_804 : i32
    %dma_wait3A_806 = arith.constant 1 : i32
    %dma_wait3A_807 = arith.constant 0 : i32
    %dma_wait3A_808 = arith.constant 1 : i32
    %dma_wait3A_809 = arith.constant 0 : i32
    %dma_wait3A_810 = arith.constant 0 : i32
    %dma_wait3A_811 = tpu.memref_slice %arg7[%dma_wait3A_806, %dma_wait3A_809, %dma_wait3A_807, %dma_wait3A_810] : memref<2x16x2x1024xf32, #tpu.memory_space<vmem>> -> memref<1x16x1x1024xf32, #tpu.memory_space<vmem>>
    %dma_wait3A_812 = tpu.memref_squeeze %dma_wait3A_811 : memref<1x16x1x1024xf32, #tpu.memory_space<vmem>> -> memref<16x1024xf32, #tpu.memory_space<vmem>>
    %dma_wait3A_813 = arith.constant 0 : i32
    %dma_wait3A_814 = tpu.memref_slice %arg2[%select_n3A, %add3A_805, %dma_wait3A_813] : memref<16x512x1024xf32, #tpu.memory_space<hbm>> -> memref<1x16x1024xf32, #tpu.memory_space<hbm>>
    %dma_wait3A_815 = tpu.memref_squeeze %dma_wait3A_814 : memref<1x16x1024xf32, #tpu.memory_space<hbm>> -> memref<16x1024xf32, #tpu.memory_space<hbm>>
    %dma_wait3A_816 = tpu.memref_slice %arg9[%dma_wait3A_808] : memref<2x!tpu.dma_semaphore, #tpu.memory_space<semaphore_mem>> -> memref<1x!tpu.dma_semaphore, #tpu.memory_space<semaphore_mem>>
    %dma_wait3A_817 = tpu.memref_squeeze %dma_wait3A_816 : memref<1x!tpu.dma_semaphore, #tpu.memory_space<semaphore_mem>> -> memref<!tpu.dma_semaphore, #tpu.memory_space<semaphore_mem>>
    %dma_wait3A_818 = arith.constant 0 : i32
    %dma_wait3A_819 = arith.constant 0 : i32
    %dma_wait3A_820 = tpu.memref_slice %arg7[%dma_wait3A_806, %dma_wait3A_818, %dma_wait3A_807, %dma_wait3A_819] : memref<2x16x2x1024xf32, #tpu.memory_space<vmem>> -> memref<1x16x1x1024xf32, #tpu.memory_space<vmem>>
    %dma_wait3A_821 = tpu.memref_squeeze %dma_wait3A_820 : memref<1x16x1x1024xf32, #tpu.memory_space<vmem>> -> memref<16x1024xf32, #tpu.memory_space<vmem>>
    %dma_wait3A_822 = arith.constant 0 : i32
    %dma_wait3A_823 = tpu.memref_slice %arg2[%select_n3A, %add3A_805, %dma_wait3A_822] : memref<16x512x1024xf32, #tpu.memory_space<hbm>> -> memref<1x16x1024xf32, #tpu.memory_space<hbm>>
    %dma_wait3A_824 = tpu.memref_squeeze %dma_wait3A_823 : memref<1x16x1024xf32, #tpu.memory_space<hbm>> -> memref<16x1024xf32, #tpu.memory_space<hbm>>
    tpu.wait_dma2 semaphore(%dma_wait3A_817 : memref<!tpu.dma_semaphore, #tpu.memory_space<semaphore_mem>>) src(%dma_wait3A_824 : memref<16x1024xf32, #tpu.memory_space<hbm>>) dst(%dma_wait3A_821 : memref<16x1024xf32, #tpu.memory_space<vmem>>)
    %add3A_825 = arith.constant 112 : i32
    %add3A_826 = arith.addi %mul3A_32, %add3A_825 : i32
    %mul3A_827 = arith.constant 2 : i32
    %mul3A_828 = arith.muli %mul3A_827, %add3A_826 : i32
    %dma_start3A_829 = arith.constant 1 : i32
    %dma_start3A_830 = arith.constant 1 : i32
    %dma_start3A_831 = arith.constant 0 : i32
    %dma_start3A_832 = arith.constant 0 : i32
    %dma_start3A_833 = arith.constant 0 : i32
    %dma_start3A_834 = tpu.memref_slice %arg7[%dma_start3A_829, %dma_start3A_831, %dma_start3A_832, %dma_start3A_833] : memref<2x16x2x1024xf32, #tpu.memory_space<vmem>> -> memref<1x16x2x1024xf32, #tpu.memory_space<vmem>>
    %dma_start3A_835 = tpu.memref_squeeze %dma_start3A_834 : memref<1x16x2x1024xf32, #tpu.memory_space<vmem>> -> memref<16x2x1024xf32, #tpu.memory_space<vmem>>
    %dma_start3A_836 = tpu.memref_reshape %dma_start3A_835 : memref<16x2x1024xf32, #tpu.memory_space<vmem>> -> memref<32x1024xf32, #tpu.memory_space<vmem>>
    %dma_start3A_837 = arith.constant 0 : i32
    %dma_start3A_838 = tpu.memref_slice %arg5[%select_n3A, %mul3A_828, %dma_start3A_837] : memref<16x1024x1024xf32, #tpu.memory_space<hbm>> -> memref<1x32x1024xf32, #tpu.memory_space<hbm>>
    %dma_start3A_839 = tpu.memref_squeeze %dma_start3A_838 : memref<1x32x1024xf32, #tpu.memory_space<hbm>> -> memref<32x1024xf32, #tpu.memory_space<hbm>>
    %dma_start3A_840 = tpu.memref_slice %arg10[%dma_start3A_830] : memref<2x!tpu.dma_semaphore, #tpu.memory_space<semaphore_mem>> -> memref<1x!tpu.dma_semaphore, #tpu.memory_space<semaphore_mem>>
    %dma_start3A_841 = tpu.memref_squeeze %dma_start3A_840 : memref<1x!tpu.dma_semaphore, #tpu.memory_space<semaphore_mem>> -> memref<!tpu.dma_semaphore, #tpu.memory_space<semaphore_mem>>
    %dma_start3A_842 = arith.constant 0 : i32
    %dma_start3A_843 = tpu.memref_slice %arg5[%select_n3A, %mul3A_828, %dma_start3A_842] : memref<16x1024x1024xf32, #tpu.memory_space<hbm>> -> memref<1x32x1024xf32, #tpu.memory_space<hbm>>
    %dma_start3A_844 = tpu.memref_squeeze %dma_start3A_843 : memref<1x32x1024xf32, #tpu.memory_space<hbm>> -> memref<32x1024xf32, #tpu.memory_space<hbm>>
    %dma_start3A_845 = arith.constant 0 : i32
    %dma_start3A_846 = arith.constant 0 : i32
    %dma_start3A_847 = arith.constant 0 : i32
    %dma_start3A_848 = tpu.memref_slice %arg7[%dma_start3A_829, %dma_start3A_845, %dma_start3A_846, %dma_start3A_847] : memref<2x16x2x1024xf32, #tpu.memory_space<vmem>> -> memref<1x16x2x1024xf32, #tpu.memory_space<vmem>>
    %dma_start3A_849 = tpu.memref_squeeze %dma_start3A_848 : memref<1x16x2x1024xf32, #tpu.memory_space<vmem>> -> memref<16x2x1024xf32, #tpu.memory_space<vmem>>
    %dma_start3A_850 = tpu.memref_reshape %dma_start3A_849 : memref<16x2x1024xf32, #tpu.memory_space<vmem>> -> memref<32x1024xf32, #tpu.memory_space<vmem>>
    tpu.enqueue_dma source(%dma_start3A_850 : memref<32x1024xf32, #tpu.memory_space<vmem>>) target(%dma_start3A_844 : memref<32x1024xf32, #tpu.memory_space<hbm>>) target_semaphore(%dma_start3A_841 : memref<!tpu.dma_semaphore, #tpu.memory_space<semaphore_mem>>)
    %add3A_851 = arith.constant 112 : i32
    %add3A_852 = arith.addi %mul3A_32, %add3A_851 : i32
    %mul3A_853 = arith.constant 2 : i32
    %mul3A_854 = arith.muli %mul3A_853, %add3A_852 : i32
    %dma_wait3A_855 = arith.constant 1 : i32
    %dma_wait3A_856 = arith.constant 1 : i32
    %dma_wait3A_857 = arith.constant 0 : i32
    %dma_wait3A_858 = arith.constant 0 : i32
    %dma_wait3A_859 = arith.constant 0 : i32
    %dma_wait3A_860 = tpu.memref_slice %arg7[%dma_wait3A_855, %dma_wait3A_857, %dma_wait3A_858, %dma_wait3A_859] : memref<2x16x2x1024xf32, #tpu.memory_space<vmem>> -> memref<1x16x2x1024xf32, #tpu.memory_space<vmem>>
    %dma_wait3A_861 = tpu.memref_squeeze %dma_wait3A_860 : memref<1x16x2x1024xf32, #tpu.memory_space<vmem>> -> memref<16x2x1024xf32, #tpu.memory_space<vmem>>
    %dma_wait3A_862 = tpu.memref_reshape %dma_wait3A_861 : memref<16x2x1024xf32, #tpu.memory_space<vmem>> -> memref<32x1024xf32, #tpu.memory_space<vmem>>
    %dma_wait3A_863 = arith.constant 0 : i32
    %dma_wait3A_864 = tpu.memref_slice %arg5[%select_n3A, %mul3A_854, %dma_wait3A_863] : memref<16x1024x1024xf32, #tpu.memory_space<hbm>> -> memref<1x32x1024xf32, #tpu.memory_space<hbm>>
    %dma_wait3A_865 = tpu.memref_squeeze %dma_wait3A_864 : memref<1x32x1024xf32, #tpu.memory_space<hbm>> -> memref<32x1024xf32, #tpu.memory_space<hbm>>
    %dma_wait3A_866 = tpu.memref_slice %arg10[%dma_wait3A_856] : memref<2x!tpu.dma_semaphore, #tpu.memory_space<semaphore_mem>> -> memref<1x!tpu.dma_semaphore, #tpu.memory_space<semaphore_mem>>
    %dma_wait3A_867 = tpu.memref_squeeze %dma_wait3A_866 : memref<1x!tpu.dma_semaphore, #tpu.memory_space<semaphore_mem>> -> memref<!tpu.dma_semaphore, #tpu.memory_space<semaphore_mem>>
    %dma_wait3A_868 = arith.constant 0 : i32
    %dma_wait3A_869 = tpu.memref_slice %arg5[%select_n3A, %mul3A_854, %dma_wait3A_868] : memref<16x1024x1024xf32, #tpu.memory_space<hbm>> -> memref<1x32x1024xf32, #tpu.memory_space<hbm>>
    %dma_wait3A_870 = tpu.memref_squeeze %dma_wait3A_869 : memref<1x32x1024xf32, #tpu.memory_space<hbm>> -> memref<32x1024xf32, #tpu.memory_space<hbm>>
    %dma_wait3A_871 = arith.constant 0 : i32
    %dma_wait3A_872 = arith.constant 0 : i32
    %dma_wait3A_873 = arith.constant 0 : i32
    %dma_wait3A_874 = tpu.memref_slice %arg7[%dma_wait3A_855, %dma_wait3A_871, %dma_wait3A_872, %dma_wait3A_873] : memref<2x16x2x1024xf32, #tpu.memory_space<vmem>> -> memref<1x16x2x1024xf32, #tpu.memory_space<vmem>>
    %dma_wait3A_875 = tpu.memref_squeeze %dma_wait3A_874 : memref<1x16x2x1024xf32, #tpu.memory_space<vmem>> -> memref<16x2x1024xf32, #tpu.memory_space<vmem>>
    %dma_wait3A_876 = tpu.memref_reshape %dma_wait3A_875 : memref<16x2x1024xf32, #tpu.memory_space<vmem>> -> memref<32x1024xf32, #tpu.memory_space<vmem>>
    tpu.wait_dma2 semaphore(%dma_wait3A_867 : memref<!tpu.dma_semaphore, #tpu.memory_space<semaphore_mem>>) src(%dma_wait3A_876 : memref<32x1024xf32, #tpu.memory_space<vmem>>) dst(%dma_wait3A_870 : memref<32x1024xf32, #tpu.memory_space<hbm>>)
    %add3A_877 = arith.constant 144 : i32
    %add3A_878 = arith.addi %mul3A_32, %add3A_877 : i32
    %dma_start3A_879 = arith.constant 1 : i32
    %dma_start3A_880 = arith.constant 0 : i32
    %dma_start3A_881 = arith.constant 1 : i32
    %dma_start3A_882 = arith.constant 0 : i32
    %dma_start3A_883 = arith.constant 0 : i32
    %dma_start3A_884 = tpu.memref_slice %arg7[%dma_start3A_879, %dma_start3A_882, %dma_start3A_880, %dma_start3A_883] : memref<2x16x2x1024xf32, #tpu.memory_space<vmem>> -> memref<1x16x1x1024xf32, #tpu.memory_space<vmem>>
    %dma_start3A_885 = tpu.memref_squeeze %dma_start3A_884 : memref<1x16x1x1024xf32, #tpu.memory_space<vmem>> -> memref<16x1024xf32, #tpu.memory_space<vmem>>
    %dma_start3A_886 = arith.constant 0 : i32
    %dma_start3A_887 = tpu.memref_slice %arg2[%select_n3A, %add3A_878, %dma_start3A_886] : memref<16x512x1024xf32, #tpu.memory_space<hbm>> -> memref<1x16x1024xf32, #tpu.memory_space<hbm>>
    %dma_start3A_888 = tpu.memref_squeeze %dma_start3A_887 : memref<1x16x1024xf32, #tpu.memory_space<hbm>> -> memref<16x1024xf32, #tpu.memory_space<hbm>>
    %dma_start3A_889 = tpu.memref_slice %arg9[%dma_start3A_881] : memref<2x!tpu.dma_semaphore, #tpu.memory_space<semaphore_mem>> -> memref<1x!tpu.dma_semaphore, #tpu.memory_space<semaphore_mem>>
    %dma_start3A_890 = tpu.memref_squeeze %dma_start3A_889 : memref<1x!tpu.dma_semaphore, #tpu.memory_space<semaphore_mem>> -> memref<!tpu.dma_semaphore, #tpu.memory_space<semaphore_mem>>
    %dma_start3A_891 = arith.constant 0 : i32
    %dma_start3A_892 = arith.constant 0 : i32
    %dma_start3A_893 = tpu.memref_slice %arg7[%dma_start3A_879, %dma_start3A_891, %dma_start3A_880, %dma_start3A_892] : memref<2x16x2x1024xf32, #tpu.memory_space<vmem>> -> memref<1x16x1x1024xf32, #tpu.memory_space<vmem>>
    %dma_start3A_894 = tpu.memref_squeeze %dma_start3A_893 : memref<1x16x1x1024xf32, #tpu.memory_space<vmem>> -> memref<16x1024xf32, #tpu.memory_space<vmem>>
    %dma_start3A_895 = arith.constant 0 : i32
    %dma_start3A_896 = tpu.memref_slice %arg2[%select_n3A, %add3A_878, %dma_start3A_895] : memref<16x512x1024xf32, #tpu.memory_space<hbm>> -> memref<1x16x1024xf32, #tpu.memory_space<hbm>>
    %dma_start3A_897 = tpu.memref_squeeze %dma_start3A_896 : memref<1x16x1024xf32, #tpu.memory_space<hbm>> -> memref<16x1024xf32, #tpu.memory_space<hbm>>
    tpu.enqueue_dma source(%dma_start3A_897 : memref<16x1024xf32, #tpu.memory_space<hbm>>) target(%dma_start3A_894 : memref<16x1024xf32, #tpu.memory_space<vmem>>) target_semaphore(%dma_start3A_890 : memref<!tpu.dma_semaphore, #tpu.memory_space<semaphore_mem>>)
    %add3A_898 = arith.constant 128 : i32
    %add3A_899 = arith.addi %mul3A_32, %add3A_898 : i32
    %dma_wait3A_900 = arith.constant 0 : i32
    %dma_wait3A_901 = arith.constant 0 : i32
    %dma_wait3A_902 = arith.constant 0 : i32
    %dma_wait3A_903 = arith.constant 0 : i32
    %dma_wait3A_904 = arith.constant 0 : i32
    %dma_wait3A_905 = tpu.memref_slice %arg7[%dma_wait3A_900, %dma_wait3A_903, %dma_wait3A_901, %dma_wait3A_904] : memref<2x16x2x1024xf32, #tpu.memory_space<vmem>> -> memref<1x16x1x1024xf32, #tpu.memory_space<vmem>>
    %dma_wait3A_906 = tpu.memref_squeeze %dma_wait3A_905 : memref<1x16x1x1024xf32, #tpu.memory_space<vmem>> -> memref<16x1024xf32, #tpu.memory_space<vmem>>
    %dma_wait3A_907 = arith.constant 0 : i32
    %dma_wait3A_908 = tpu.memref_slice %arg2[%select_n3A, %add3A_899, %dma_wait3A_907] : memref<16x512x1024xf32, #tpu.memory_space<hbm>> -> memref<1x16x1024xf32, #tpu.memory_space<hbm>>
    %dma_wait3A_909 = tpu.memref_squeeze %dma_wait3A_908 : memref<1x16x1024xf32, #tpu.memory_space<hbm>> -> memref<16x1024xf32, #tpu.memory_space<hbm>>
    %dma_wait3A_910 = tpu.memref_slice %arg9[%dma_wait3A_902] : memref<2x!tpu.dma_semaphore, #tpu.memory_space<semaphore_mem>> -> memref<1x!tpu.dma_semaphore, #tpu.memory_space<semaphore_mem>>
    %dma_wait3A_911 = tpu.memref_squeeze %dma_wait3A_910 : memref<1x!tpu.dma_semaphore, #tpu.memory_space<semaphore_mem>> -> memref<!tpu.dma_semaphore, #tpu.memory_space<semaphore_mem>>
    %dma_wait3A_912 = arith.constant 0 : i32
    %dma_wait3A_913 = arith.constant 0 : i32
    %dma_wait3A_914 = tpu.memref_slice %arg7[%dma_wait3A_900, %dma_wait3A_912, %dma_wait3A_901, %dma_wait3A_913] : memref<2x16x2x1024xf32, #tpu.memory_space<vmem>> -> memref<1x16x1x1024xf32, #tpu.memory_space<vmem>>
    %dma_wait3A_915 = tpu.memref_squeeze %dma_wait3A_914 : memref<1x16x1x1024xf32, #tpu.memory_space<vmem>> -> memref<16x1024xf32, #tpu.memory_space<vmem>>
    %dma_wait3A_916 = arith.constant 0 : i32
    %dma_wait3A_917 = tpu.memref_slice %arg2[%select_n3A, %add3A_899, %dma_wait3A_916] : memref<16x512x1024xf32, #tpu.memory_space<hbm>> -> memref<1x16x1024xf32, #tpu.memory_space<hbm>>
    %dma_wait3A_918 = tpu.memref_squeeze %dma_wait3A_917 : memref<1x16x1024xf32, #tpu.memory_space<hbm>> -> memref<16x1024xf32, #tpu.memory_space<hbm>>
    tpu.wait_dma2 semaphore(%dma_wait3A_911 : memref<!tpu.dma_semaphore, #tpu.memory_space<semaphore_mem>>) src(%dma_wait3A_918 : memref<16x1024xf32, #tpu.memory_space<hbm>>) dst(%dma_wait3A_915 : memref<16x1024xf32, #tpu.memory_space<vmem>>)
    %add3A_919 = arith.constant 128 : i32
    %add3A_920 = arith.addi %mul3A_32, %add3A_919 : i32
    %mul3A_921 = arith.constant 2 : i32
    %mul3A_922 = arith.muli %mul3A_921, %add3A_920 : i32
    %dma_start3A_923 = arith.constant 0 : i32
    %dma_start3A_924 = arith.constant 0 : i32
    %dma_start3A_925 = arith.constant 0 : i32
    %dma_start3A_926 = arith.constant 0 : i32
    %dma_start3A_927 = arith.constant 0 : i32
    %dma_start3A_928 = tpu.memref_slice %arg7[%dma_start3A_923, %dma_start3A_925, %dma_start3A_926, %dma_start3A_927] : memref<2x16x2x1024xf32, #tpu.memory_space<vmem>> -> memref<1x16x2x1024xf32, #tpu.memory_space<vmem>>
    %dma_start3A_929 = tpu.memref_squeeze %dma_start3A_928 : memref<1x16x2x1024xf32, #tpu.memory_space<vmem>> -> memref<16x2x1024xf32, #tpu.memory_space<vmem>>
    %dma_start3A_930 = tpu.memref_reshape %dma_start3A_929 : memref<16x2x1024xf32, #tpu.memory_space<vmem>> -> memref<32x1024xf32, #tpu.memory_space<vmem>>
    %dma_start3A_931 = arith.constant 0 : i32
    %dma_start3A_932 = tpu.memref_slice %arg5[%select_n3A, %mul3A_922, %dma_start3A_931] : memref<16x1024x1024xf32, #tpu.memory_space<hbm>> -> memref<1x32x1024xf32, #tpu.memory_space<hbm>>
    %dma_start3A_933 = tpu.memref_squeeze %dma_start3A_932 : memref<1x32x1024xf32, #tpu.memory_space<hbm>> -> memref<32x1024xf32, #tpu.memory_space<hbm>>
    %dma_start3A_934 = tpu.memref_slice %arg10[%dma_start3A_924] : memref<2x!tpu.dma_semaphore, #tpu.memory_space<semaphore_mem>> -> memref<1x!tpu.dma_semaphore, #tpu.memory_space<semaphore_mem>>
    %dma_start3A_935 = tpu.memref_squeeze %dma_start3A_934 : memref<1x!tpu.dma_semaphore, #tpu.memory_space<semaphore_mem>> -> memref<!tpu.dma_semaphore, #tpu.memory_space<semaphore_mem>>
    %dma_start3A_936 = arith.constant 0 : i32
    %dma_start3A_937 = tpu.memref_slice %arg5[%select_n3A, %mul3A_922, %dma_start3A_936] : memref<16x1024x1024xf32, #tpu.memory_space<hbm>> -> memref<1x32x1024xf32, #tpu.memory_space<hbm>>
    %dma_start3A_938 = tpu.memref_squeeze %dma_start3A_937 : memref<1x32x1024xf32, #tpu.memory_space<hbm>> -> memref<32x1024xf32, #tpu.memory_space<hbm>>
    %dma_start3A_939 = arith.constant 0 : i32
    %dma_start3A_940 = arith.constant 0 : i32
    %dma_start3A_941 = arith.constant 0 : i32
    %dma_start3A_942 = tpu.memref_slice %arg7[%dma_start3A_923, %dma_start3A_939, %dma_start3A_940, %dma_start3A_941] : memref<2x16x2x1024xf32, #tpu.memory_space<vmem>> -> memref<1x16x2x1024xf32, #tpu.memory_space<vmem>>
    %dma_start3A_943 = tpu.memref_squeeze %dma_start3A_942 : memref<1x16x2x1024xf32, #tpu.memory_space<vmem>> -> memref<16x2x1024xf32, #tpu.memory_space<vmem>>
    %dma_start3A_944 = tpu.memref_reshape %dma_start3A_943 : memref<16x2x1024xf32, #tpu.memory_space<vmem>> -> memref<32x1024xf32, #tpu.memory_space<vmem>>
    tpu.enqueue_dma source(%dma_start3A_944 : memref<32x1024xf32, #tpu.memory_space<vmem>>) target(%dma_start3A_938 : memref<32x1024xf32, #tpu.memory_space<hbm>>) target_semaphore(%dma_start3A_935 : memref<!tpu.dma_semaphore, #tpu.memory_space<semaphore_mem>>)
    %add3A_945 = arith.constant 128 : i32
    %add3A_946 = arith.addi %mul3A_32, %add3A_945 : i32
    %mul3A_947 = arith.constant 2 : i32
    %mul3A_948 = arith.muli %mul3A_947, %add3A_946 : i32
    %dma_wait3A_949 = arith.constant 0 : i32
    %dma_wait3A_950 = arith.constant 0 : i32
    %dma_wait3A_951 = arith.constant 0 : i32
    %dma_wait3A_952 = arith.constant 0 : i32
    %dma_wait3A_953 = arith.constant 0 : i32
    %dma_wait3A_954 = tpu.memref_slice %arg7[%dma_wait3A_949, %dma_wait3A_951, %dma_wait3A_952, %dma_wait3A_953] : memref<2x16x2x1024xf32, #tpu.memory_space<vmem>> -> memref<1x16x2x1024xf32, #tpu.memory_space<vmem>>
    %dma_wait3A_955 = tpu.memref_squeeze %dma_wait3A_954 : memref<1x16x2x1024xf32, #tpu.memory_space<vmem>> -> memref<16x2x1024xf32, #tpu.memory_space<vmem>>
    %dma_wait3A_956 = tpu.memref_reshape %dma_wait3A_955 : memref<16x2x1024xf32, #tpu.memory_space<vmem>> -> memref<32x1024xf32, #tpu.memory_space<vmem>>
    %dma_wait3A_957 = arith.constant 0 : i32
    %dma_wait3A_958 = tpu.memref_slice %arg5[%select_n3A, %mul3A_948, %dma_wait3A_957] : memref<16x1024x1024xf32, #tpu.memory_space<hbm>> -> memref<1x32x1024xf32, #tpu.memory_space<hbm>>
    %dma_wait3A_959 = tpu.memref_squeeze %dma_wait3A_958 : memref<1x32x1024xf32, #tpu.memory_space<hbm>> -> memref<32x1024xf32, #tpu.memory_space<hbm>>
    %dma_wait3A_960 = tpu.memref_slice %arg10[%dma_wait3A_950] : memref<2x!tpu.dma_semaphore, #tpu.memory_space<semaphore_mem>> -> memref<1x!tpu.dma_semaphore, #tpu.memory_space<semaphore_mem>>
    %dma_wait3A_961 = tpu.memref_squeeze %dma_wait3A_960 : memref<1x!tpu.dma_semaphore, #tpu.memory_space<semaphore_mem>> -> memref<!tpu.dma_semaphore, #tpu.memory_space<semaphore_mem>>
    %dma_wait3A_962 = arith.constant 0 : i32
    %dma_wait3A_963 = tpu.memref_slice %arg5[%select_n3A, %mul3A_948, %dma_wait3A_962] : memref<16x1024x1024xf32, #tpu.memory_space<hbm>> -> memref<1x32x1024xf32, #tpu.memory_space<hbm>>
    %dma_wait3A_964 = tpu.memref_squeeze %dma_wait3A_963 : memref<1x32x1024xf32, #tpu.memory_space<hbm>> -> memref<32x1024xf32, #tpu.memory_space<hbm>>
    %dma_wait3A_965 = arith.constant 0 : i32
    %dma_wait3A_966 = arith.constant 0 : i32
    %dma_wait3A_967 = arith.constant 0 : i32
    %dma_wait3A_968 = tpu.memref_slice %arg7[%dma_wait3A_949, %dma_wait3A_965, %dma_wait3A_966, %dma_wait3A_967] : memref<2x16x2x1024xf32, #tpu.memory_space<vmem>> -> memref<1x16x2x1024xf32, #tpu.memory_space<vmem>>
    %dma_wait3A_969 = tpu.memref_squeeze %dma_wait3A_968 : memref<1x16x2x1024xf32, #tpu.memory_space<vmem>> -> memref<16x2x1024xf32, #tpu.memory_space<vmem>>
    %dma_wait3A_970 = tpu.memref_reshape %dma_wait3A_969 : memref<16x2x1024xf32, #tpu.memory_space<vmem>> -> memref<32x1024xf32, #tpu.memory_space<vmem>>
    tpu.wait_dma2 semaphore(%dma_wait3A_961 : memref<!tpu.dma_semaphore, #tpu.memory_space<semaphore_mem>>) src(%dma_wait3A_970 : memref<32x1024xf32, #tpu.memory_space<vmem>>) dst(%dma_wait3A_964 : memref<32x1024xf32, #tpu.memory_space<hbm>>)
    %add3A_971 = arith.constant 160 : i32
    %add3A_972 = arith.addi %mul3A_32, %add3A_971 : i32
    %dma_start3A_973 = arith.constant 0 : i32
    %dma_start3A_974 = arith.constant 0 : i32
    %dma_start3A_975 = arith.constant 0 : i32
    %dma_start3A_976 = arith.constant 0 : i32
    %dma_start3A_977 = arith.constant 0 : i32
    %dma_start3A_978 = tpu.memref_slice %arg7[%dma_start3A_973, %dma_start3A_976, %dma_start3A_974, %dma_start3A_977] : memref<2x16x2x1024xf32, #tpu.memory_space<vmem>> -> memref<1x16x1x1024xf32, #tpu.memory_space<vmem>>
    %dma_start3A_979 = tpu.memref_squeeze %dma_start3A_978 : memref<1x16x1x1024xf32, #tpu.memory_space<vmem>> -> memref<16x1024xf32, #tpu.memory_space<vmem>>
    %dma_start3A_980 = arith.constant 0 : i32
    %dma_start3A_981 = tpu.memref_slice %arg2[%select_n3A, %add3A_972, %dma_start3A_980] : memref<16x512x1024xf32, #tpu.memory_space<hbm>> -> memref<1x16x1024xf32, #tpu.memory_space<hbm>>
    %dma_start3A_982 = tpu.memref_squeeze %dma_start3A_981 : memref<1x16x1024xf32, #tpu.memory_space<hbm>> -> memref<16x1024xf32, #tpu.memory_space<hbm>>
    %dma_start3A_983 = tpu.memref_slice %arg9[%dma_start3A_975] : memref<2x!tpu.dma_semaphore, #tpu.memory_space<semaphore_mem>> -> memref<1x!tpu.dma_semaphore, #tpu.memory_space<semaphore_mem>>
    %dma_start3A_984 = tpu.memref_squeeze %dma_start3A_983 : memref<1x!tpu.dma_semaphore, #tpu.memory_space<semaphore_mem>> -> memref<!tpu.dma_semaphore, #tpu.memory_space<semaphore_mem>>
    %dma_start3A_985 = arith.constant 0 : i32
    %dma_start3A_986 = arith.constant 0 : i32
    %dma_start3A_987 = tpu.memref_slice %arg7[%dma_start3A_973, %dma_start3A_985, %dma_start3A_974, %dma_start3A_986] : memref<2x16x2x1024xf32, #tpu.memory_space<vmem>> -> memref<1x16x1x1024xf32, #tpu.memory_space<vmem>>
    %dma_start3A_988 = tpu.memref_squeeze %dma_start3A_987 : memref<1x16x1x1024xf32, #tpu.memory_space<vmem>> -> memref<16x1024xf32, #tpu.memory_space<vmem>>
    %dma_start3A_989 = arith.constant 0 : i32
    %dma_start3A_990 = tpu.memref_slice %arg2[%select_n3A, %add3A_972, %dma_start3A_989] : memref<16x512x1024xf32, #tpu.memory_space<hbm>> -> memref<1x16x1024xf32, #tpu.memory_space<hbm>>
    %dma_start3A_991 = tpu.memref_squeeze %dma_start3A_990 : memref<1x16x1024xf32, #tpu.memory_space<hbm>> -> memref<16x1024xf32, #tpu.memory_space<hbm>>
    tpu.enqueue_dma source(%dma_start3A_991 : memref<16x1024xf32, #tpu.memory_space<hbm>>) target(%dma_start3A_988 : memref<16x1024xf32, #tpu.memory_space<vmem>>) target_semaphore(%dma_start3A_984 : memref<!tpu.dma_semaphore, #tpu.memory_space<semaphore_mem>>)
    %add3A_992 = arith.constant 144 : i32
    %add3A_993 = arith.addi %mul3A_32, %add3A_992 : i32
    %dma_wait3A_994 = arith.constant 1 : i32
    %dma_wait3A_995 = arith.constant 0 : i32
    %dma_wait3A_996 = arith.constant 1 : i32
    %dma_wait3A_997 = arith.constant 0 : i32
    %dma_wait3A_998 = arith.constant 0 : i32
    %dma_wait3A_999 = tpu.memref_slice %arg7[%dma_wait3A_994, %dma_wait3A_997, %dma_wait3A_995, %dma_wait3A_998] : memref<2x16x2x1024xf32, #tpu.memory_space<vmem>> -> memref<1x16x1x1024xf32, #tpu.memory_space<vmem>>
    %dma_wait3A_1000 = tpu.memref_squeeze %dma_wait3A_999 : memref<1x16x1x1024xf32, #tpu.memory_space<vmem>> -> memref<16x1024xf32, #tpu.memory_space<vmem>>
    %dma_wait3A_1001 = arith.constant 0 : i32
    %dma_wait3A_1002 = tpu.memref_slice %arg2[%select_n3A, %add3A_993, %dma_wait3A_1001] : memref<16x512x1024xf32, #tpu.memory_space<hbm>> -> memref<1x16x1024xf32, #tpu.memory_space<hbm>>
    %dma_wait3A_1003 = tpu.memref_squeeze %dma_wait3A_1002 : memref<1x16x1024xf32, #tpu.memory_space<hbm>> -> memref<16x1024xf32, #tpu.memory_space<hbm>>
    %dma_wait3A_1004 = tpu.memref_slice %arg9[%dma_wait3A_996] : memref<2x!tpu.dma_semaphore, #tpu.memory_space<semaphore_mem>> -> memref<1x!tpu.dma_semaphore, #tpu.memory_space<semaphore_mem>>
    %dma_wait3A_1005 = tpu.memref_squeeze %dma_wait3A_1004 : memref<1x!tpu.dma_semaphore, #tpu.memory_space<semaphore_mem>> -> memref<!tpu.dma_semaphore, #tpu.memory_space<semaphore_mem>>
    %dma_wait3A_1006 = arith.constant 0 : i32
    %dma_wait3A_1007 = arith.constant 0 : i32
    %dma_wait3A_1008 = tpu.memref_slice %arg7[%dma_wait3A_994, %dma_wait3A_1006, %dma_wait3A_995, %dma_wait3A_1007] : memref<2x16x2x1024xf32, #tpu.memory_space<vmem>> -> memref<1x16x1x1024xf32, #tpu.memory_space<vmem>>
    %dma_wait3A_1009 = tpu.memref_squeeze %dma_wait3A_1008 : memref<1x16x1x1024xf32, #tpu.memory_space<vmem>> -> memref<16x1024xf32, #tpu.memory_space<vmem>>
    %dma_wait3A_1010 = arith.constant 0 : i32
    %dma_wait3A_1011 = tpu.memref_slice %arg2[%select_n3A, %add3A_993, %dma_wait3A_1010] : memref<16x512x1024xf32, #tpu.memory_space<hbm>> -> memref<1x16x1024xf32, #tpu.memory_space<hbm>>
    %dma_wait3A_1012 = tpu.memref_squeeze %dma_wait3A_1011 : memref<1x16x1024xf32, #tpu.memory_space<hbm>> -> memref<16x1024xf32, #tpu.memory_space<hbm>>
    tpu.wait_dma2 semaphore(%dma_wait3A_1005 : memref<!tpu.dma_semaphore, #tpu.memory_space<semaphore_mem>>) src(%dma_wait3A_1012 : memref<16x1024xf32, #tpu.memory_space<hbm>>) dst(%dma_wait3A_1009 : memref<16x1024xf32, #tpu.memory_space<vmem>>)
    %add3A_1013 = arith.constant 144 : i32
    %add3A_1014 = arith.addi %mul3A_32, %add3A_1013 : i32
    %mul3A_1015 = arith.constant 2 : i32
    %mul3A_1016 = arith.muli %mul3A_1015, %add3A_1014 : i32
    %dma_start3A_1017 = arith.constant 1 : i32
    %dma_start3A_1018 = arith.constant 1 : i32
    %dma_start3A_1019 = arith.constant 0 : i32
    %dma_start3A_1020 = arith.constant 0 : i32
    %dma_start3A_1021 = arith.constant 0 : i32
    %dma_start3A_1022 = tpu.memref_slice %arg7[%dma_start3A_1017, %dma_start3A_1019, %dma_start3A_1020, %dma_start3A_1021] : memref<2x16x2x1024xf32, #tpu.memory_space<vmem>> -> memref<1x16x2x1024xf32, #tpu.memory_space<vmem>>
    %dma_start3A_1023 = tpu.memref_squeeze %dma_start3A_1022 : memref<1x16x2x1024xf32, #tpu.memory_space<vmem>> -> memref<16x2x1024xf32, #tpu.memory_space<vmem>>
    %dma_start3A_1024 = tpu.memref_reshape %dma_start3A_1023 : memref<16x2x1024xf32, #tpu.memory_space<vmem>> -> memref<32x1024xf32, #tpu.memory_space<vmem>>
    %dma_start3A_1025 = arith.constant 0 : i32
    %dma_start3A_1026 = tpu.memref_slice %arg5[%select_n3A, %mul3A_1016, %dma_start3A_1025] : memref<16x1024x1024xf32, #tpu.memory_space<hbm>> -> memref<1x32x1024xf32, #tpu.memory_space<hbm>>
    %dma_start3A_1027 = tpu.memref_squeeze %dma_start3A_1026 : memref<1x32x1024xf32, #tpu.memory_space<hbm>> -> memref<32x1024xf32, #tpu.memory_space<hbm>>
    %dma_start3A_1028 = tpu.memref_slice %arg10[%dma_start3A_1018] : memref<2x!tpu.dma_semaphore, #tpu.memory_space<semaphore_mem>> -> memref<1x!tpu.dma_semaphore, #tpu.memory_space<semaphore_mem>>
    %dma_start3A_1029 = tpu.memref_squeeze %dma_start3A_1028 : memref<1x!tpu.dma_semaphore, #tpu.memory_space<semaphore_mem>> -> memref<!tpu.dma_semaphore, #tpu.memory_space<semaphore_mem>>
    %dma_start3A_1030 = arith.constant 0 : i32
    %dma_start3A_1031 = tpu.memref_slice %arg5[%select_n3A, %mul3A_1016, %dma_start3A_1030] : memref<16x1024x1024xf32, #tpu.memory_space<hbm>> -> memref<1x32x1024xf32, #tpu.memory_space<hbm>>
    %dma_start3A_1032 = tpu.memref_squeeze %dma_start3A_1031 : memref<1x32x1024xf32, #tpu.memory_space<hbm>> -> memref<32x1024xf32, #tpu.memory_space<hbm>>
    %dma_start3A_1033 = arith.constant 0 : i32
    %dma_start3A_1034 = arith.constant 0 : i32
    %dma_start3A_1035 = arith.constant 0 : i32
    %dma_start3A_1036 = tpu.memref_slice %arg7[%dma_start3A_1017, %dma_start3A_1033, %dma_start3A_1034, %dma_start3A_1035] : memref<2x16x2x1024xf32, #tpu.memory_space<vmem>> -> memref<1x16x2x1024xf32, #tpu.memory_space<vmem>>
    %dma_start3A_1037 = tpu.memref_squeeze %dma_start3A_1036 : memref<1x16x2x1024xf32, #tpu.memory_space<vmem>> -> memref<16x2x1024xf32, #tpu.memory_space<vmem>>
    %dma_start3A_1038 = tpu.memref_reshape %dma_start3A_1037 : memref<16x2x1024xf32, #tpu.memory_space<vmem>> -> memref<32x1024xf32, #tpu.memory_space<vmem>>
    tpu.enqueue_dma source(%dma_start3A_1038 : memref<32x1024xf32, #tpu.memory_space<vmem>>) target(%dma_start3A_1032 : memref<32x1024xf32, #tpu.memory_space<hbm>>) target_semaphore(%dma_start3A_1029 : memref<!tpu.dma_semaphore, #tpu.memory_space<semaphore_mem>>)
    %add3A_1039 = arith.constant 144 : i32
    %add3A_1040 = arith.addi %mul3A_32, %add3A_1039 : i32
    %mul3A_1041 = arith.constant 2 : i32
    %mul3A_1042 = arith.muli %mul3A_1041, %add3A_1040 : i32
    %dma_wait3A_1043 = arith.constant 1 : i32
    %dma_wait3A_1044 = arith.constant 1 : i32
    %dma_wait3A_1045 = arith.constant 0 : i32
    %dma_wait3A_1046 = arith.constant 0 : i32
    %dma_wait3A_1047 = arith.constant 0 : i32
    %dma_wait3A_1048 = tpu.memref_slice %arg7[%dma_wait3A_1043, %dma_wait3A_1045, %dma_wait3A_1046, %dma_wait3A_1047] : memref<2x16x2x1024xf32, #tpu.memory_space<vmem>> -> memref<1x16x2x1024xf32, #tpu.memory_space<vmem>>
    %dma_wait3A_1049 = tpu.memref_squeeze %dma_wait3A_1048 : memref<1x16x2x1024xf32, #tpu.memory_space<vmem>> -> memref<16x2x1024xf32, #tpu.memory_space<vmem>>
    %dma_wait3A_1050 = tpu.memref_reshape %dma_wait3A_1049 : memref<16x2x1024xf32, #tpu.memory_space<vmem>> -> memref<32x1024xf32, #tpu.memory_space<vmem>>
    %dma_wait3A_1051 = arith.constant 0 : i32
    %dma_wait3A_1052 = tpu.memref_slice %arg5[%select_n3A, %mul3A_1042, %dma_wait3A_1051] : memref<16x1024x1024xf32, #tpu.memory_space<hbm>> -> memref<1x32x1024xf32, #tpu.memory_space<hbm>>
    %dma_wait3A_1053 = tpu.memref_squeeze %dma_wait3A_1052 : memref<1x32x1024xf32, #tpu.memory_space<hbm>> -> memref<32x1024xf32, #tpu.memory_space<hbm>>
    %dma_wait3A_1054 = tpu.memref_slice %arg10[%dma_wait3A_1044] : memref<2x!tpu.dma_semaphore, #tpu.memory_space<semaphore_mem>> -> memref<1x!tpu.dma_semaphore, #tpu.memory_space<semaphore_mem>>
    %dma_wait3A_1055 = tpu.memref_squeeze %dma_wait3A_1054 : memref<1x!tpu.dma_semaphore, #tpu.memory_space<semaphore_mem>> -> memref<!tpu.dma_semaphore, #tpu.memory_space<semaphore_mem>>
    %dma_wait3A_1056 = arith.constant 0 : i32
    %dma_wait3A_1057 = tpu.memref_slice %arg5[%select_n3A, %mul3A_1042, %dma_wait3A_1056] : memref<16x1024x1024xf32, #tpu.memory_space<hbm>> -> memref<1x32x1024xf32, #tpu.memory_space<hbm>>
    %dma_wait3A_1058 = tpu.memref_squeeze %dma_wait3A_1057 : memref<1x32x1024xf32, #tpu.memory_space<hbm>> -> memref<32x1024xf32, #tpu.memory_space<hbm>>
    %dma_wait3A_1059 = arith.constant 0 : i32
    %dma_wait3A_1060 = arith.constant 0 : i32
    %dma_wait3A_1061 = arith.constant 0 : i32
    %dma_wait3A_1062 = tpu.memref_slice %arg7[%dma_wait3A_1043, %dma_wait3A_1059, %dma_wait3A_1060, %dma_wait3A_1061] : memref<2x16x2x1024xf32, #tpu.memory_space<vmem>> -> memref<1x16x2x1024xf32, #tpu.memory_space<vmem>>
    %dma_wait3A_1063 = tpu.memref_squeeze %dma_wait3A_1062 : memref<1x16x2x1024xf32, #tpu.memory_space<vmem>> -> memref<16x2x1024xf32, #tpu.memory_space<vmem>>
    %dma_wait3A_1064 = tpu.memref_reshape %dma_wait3A_1063 : memref<16x2x1024xf32, #tpu.memory_space<vmem>> -> memref<32x1024xf32, #tpu.memory_space<vmem>>
    tpu.wait_dma2 semaphore(%dma_wait3A_1055 : memref<!tpu.dma_semaphore, #tpu.memory_space<semaphore_mem>>) src(%dma_wait3A_1064 : memref<32x1024xf32, #tpu.memory_space<vmem>>) dst(%dma_wait3A_1058 : memref<32x1024xf32, #tpu.memory_space<hbm>>)
    %add3A_1065 = arith.constant 176 : i32
    %add3A_1066 = arith.addi %mul3A_32, %add3A_1065 : i32
    %dma_start3A_1067 = arith.constant 1 : i32
    %dma_start3A_1068 = arith.constant 0 : i32
    %dma_start3A_1069 = arith.constant 1 : i32
    %dma_start3A_1070 = arith.constant 0 : i32
    %dma_start3A_1071 = arith.constant 0 : i32
    %dma_start3A_1072 = tpu.memref_slice %arg7[%dma_start3A_1067, %dma_start3A_1070, %dma_start3A_1068, %dma_start3A_1071] : memref<2x16x2x1024xf32, #tpu.memory_space<vmem>> -> memref<1x16x1x1024xf32, #tpu.memory_space<vmem>>
    %dma_start3A_1073 = tpu.memref_squeeze %dma_start3A_1072 : memref<1x16x1x1024xf32, #tpu.memory_space<vmem>> -> memref<16x1024xf32, #tpu.memory_space<vmem>>
    %dma_start3A_1074 = arith.constant 0 : i32
    %dma_start3A_1075 = tpu.memref_slice %arg2[%select_n3A, %add3A_1066, %dma_start3A_1074] : memref<16x512x1024xf32, #tpu.memory_space<hbm>> -> memref<1x16x1024xf32, #tpu.memory_space<hbm>>
    %dma_start3A_1076 = tpu.memref_squeeze %dma_start3A_1075 : memref<1x16x1024xf32, #tpu.memory_space<hbm>> -> memref<16x1024xf32, #tpu.memory_space<hbm>>
    %dma_start3A_1077 = tpu.memref_slice %arg9[%dma_start3A_1069] : memref<2x!tpu.dma_semaphore, #tpu.memory_space<semaphore_mem>> -> memref<1x!tpu.dma_semaphore, #tpu.memory_space<semaphore_mem>>
    %dma_start3A_1078 = tpu.memref_squeeze %dma_start3A_1077 : memref<1x!tpu.dma_semaphore, #tpu.memory_space<semaphore_mem>> -> memref<!tpu.dma_semaphore, #tpu.memory_space<semaphore_mem>>
    %dma_start3A_1079 = arith.constant 0 : i32
    %dma_start3A_1080 = arith.constant 0 : i32
    %dma_start3A_1081 = tpu.memref_slice %arg7[%dma_start3A_1067, %dma_start3A_1079, %dma_start3A_1068, %dma_start3A_1080] : memref<2x16x2x1024xf32, #tpu.memory_space<vmem>> -> memref<1x16x1x1024xf32, #tpu.memory_space<vmem>>
    %dma_start3A_1082 = tpu.memref_squeeze %dma_start3A_1081 : memref<1x16x1x1024xf32, #tpu.memory_space<vmem>> -> memref<16x1024xf32, #tpu.memory_space<vmem>>
    %dma_start3A_1083 = arith.constant 0 : i32
    %dma_start3A_1084 = tpu.memref_slice %arg2[%select_n3A, %add3A_1066, %dma_start3A_1083] : memref<16x512x1024xf32, #tpu.memory_space<hbm>> -> memref<1x16x1024xf32, #tpu.memory_space<hbm>>
    %dma_start3A_1085 = tpu.memref_squeeze %dma_start3A_1084 : memref<1x16x1024xf32, #tpu.memory_space<hbm>> -> memref<16x1024xf32, #tpu.memory_space<hbm>>
    tpu.enqueue_dma source(%dma_start3A_1085 : memref<16x1024xf32, #tpu.memory_space<hbm>>) target(%dma_start3A_1082 : memref<16x1024xf32, #tpu.memory_space<vmem>>) target_semaphore(%dma_start3A_1078 : memref<!tpu.dma_semaphore, #tpu.memory_space<semaphore_mem>>)
    %add3A_1086 = arith.constant 160 : i32
    %add3A_1087 = arith.addi %mul3A_32, %add3A_1086 : i32
    %dma_wait3A_1088 = arith.constant 0 : i32
    %dma_wait3A_1089 = arith.constant 0 : i32
    %dma_wait3A_1090 = arith.constant 0 : i32
    %dma_wait3A_1091 = arith.constant 0 : i32
    %dma_wait3A_1092 = arith.constant 0 : i32
    %dma_wait3A_1093 = tpu.memref_slice %arg7[%dma_wait3A_1088, %dma_wait3A_1091, %dma_wait3A_1089, %dma_wait3A_1092] : memref<2x16x2x1024xf32, #tpu.memory_space<vmem>> -> memref<1x16x1x1024xf32, #tpu.memory_space<vmem>>
    %dma_wait3A_1094 = tpu.memref_squeeze %dma_wait3A_1093 : memref<1x16x1x1024xf32, #tpu.memory_space<vmem>> -> memref<16x1024xf32, #tpu.memory_space<vmem>>
    %dma_wait3A_1095 = arith.constant 0 : i32
    %dma_wait3A_1096 = tpu.memref_slice %arg2[%select_n3A, %add3A_1087, %dma_wait3A_1095] : memref<16x512x1024xf32, #tpu.memory_space<hbm>> -> memref<1x16x1024xf32, #tpu.memory_space<hbm>>
    %dma_wait3A_1097 = tpu.memref_squeeze %dma_wait3A_1096 : memref<1x16x1024xf32, #tpu.memory_space<hbm>> -> memref<16x1024xf32, #tpu.memory_space<hbm>>
    %dma_wait3A_1098 = tpu.memref_slice %arg9[%dma_wait3A_1090] : memref<2x!tpu.dma_semaphore, #tpu.memory_space<semaphore_mem>> -> memref<1x!tpu.dma_semaphore, #tpu.memory_space<semaphore_mem>>
    %dma_wait3A_1099 = tpu.memref_squeeze %dma_wait3A_1098 : memref<1x!tpu.dma_semaphore, #tpu.memory_space<semaphore_mem>> -> memref<!tpu.dma_semaphore, #tpu.memory_space<semaphore_mem>>
    %dma_wait3A_1100 = arith.constant 0 : i32
    %dma_wait3A_1101 = arith.constant 0 : i32
    %dma_wait3A_1102 = tpu.memref_slice %arg7[%dma_wait3A_1088, %dma_wait3A_1100, %dma_wait3A_1089, %dma_wait3A_1101] : memref<2x16x2x1024xf32, #tpu.memory_space<vmem>> -> memref<1x16x1x1024xf32, #tpu.memory_space<vmem>>
    %dma_wait3A_1103 = tpu.memref_squeeze %dma_wait3A_1102 : memref<1x16x1x1024xf32, #tpu.memory_space<vmem>> -> memref<16x1024xf32, #tpu.memory_space<vmem>>
    %dma_wait3A_1104 = arith.constant 0 : i32
    %dma_wait3A_1105 = tpu.memref_slice %arg2[%select_n3A, %add3A_1087, %dma_wait3A_1104] : memref<16x512x1024xf32, #tpu.memory_space<hbm>> -> memref<1x16x1024xf32, #tpu.memory_space<hbm>>
    %dma_wait3A_1106 = tpu.memref_squeeze %dma_wait3A_1105 : memref<1x16x1024xf32, #tpu.memory_space<hbm>> -> memref<16x1024xf32, #tpu.memory_space<hbm>>
    tpu.wait_dma2 semaphore(%dma_wait3A_1099 : memref<!tpu.dma_semaphore, #tpu.memory_space<semaphore_mem>>) src(%dma_wait3A_1106 : memref<16x1024xf32, #tpu.memory_space<hbm>>) dst(%dma_wait3A_1103 : memref<16x1024xf32, #tpu.memory_space<vmem>>)
    %add3A_1107 = arith.constant 160 : i32
    %add3A_1108 = arith.addi %mul3A_32, %add3A_1107 : i32
    %mul3A_1109 = arith.constant 2 : i32
    %mul3A_1110 = arith.muli %mul3A_1109, %add3A_1108 : i32
    %dma_start3A_1111 = arith.constant 0 : i32
    %dma_start3A_1112 = arith.constant 0 : i32
    %dma_start3A_1113 = arith.constant 0 : i32
    %dma_start3A_1114 = arith.constant 0 : i32
    %dma_start3A_1115 = arith.constant 0 : i32
    %dma_start3A_1116 = tpu.memref_slice %arg7[%dma_start3A_1111, %dma_start3A_1113, %dma_start3A_1114, %dma_start3A_1115] : memref<2x16x2x1024xf32, #tpu.memory_space<vmem>> -> memref<1x16x2x1024xf32, #tpu.memory_space<vmem>>
    %dma_start3A_1117 = tpu.memref_squeeze %dma_start3A_1116 : memref<1x16x2x1024xf32, #tpu.memory_space<vmem>> -> memref<16x2x1024xf32, #tpu.memory_space<vmem>>
    %dma_start3A_1118 = tpu.memref_reshape %dma_start3A_1117 : memref<16x2x1024xf32, #tpu.memory_space<vmem>> -> memref<32x1024xf32, #tpu.memory_space<vmem>>
    %dma_start3A_1119 = arith.constant 0 : i32
    %dma_start3A_1120 = tpu.memref_slice %arg5[%select_n3A, %mul3A_1110, %dma_start3A_1119] : memref<16x1024x1024xf32, #tpu.memory_space<hbm>> -> memref<1x32x1024xf32, #tpu.memory_space<hbm>>
    %dma_start3A_1121 = tpu.memref_squeeze %dma_start3A_1120 : memref<1x32x1024xf32, #tpu.memory_space<hbm>> -> memref<32x1024xf32, #tpu.memory_space<hbm>>
    %dma_start3A_1122 = tpu.memref_slice %arg10[%dma_start3A_1112] : memref<2x!tpu.dma_semaphore, #tpu.memory_space<semaphore_mem>> -> memref<1x!tpu.dma_semaphore, #tpu.memory_space<semaphore_mem>>
    %dma_start3A_1123 = tpu.memref_squeeze %dma_start3A_1122 : memref<1x!tpu.dma_semaphore, #tpu.memory_space<semaphore_mem>> -> memref<!tpu.dma_semaphore, #tpu.memory_space<semaphore_mem>>
    %dma_start3A_1124 = arith.constant 0 : i32
    %dma_start3A_1125 = tpu.memref_slice %arg5[%select_n3A, %mul3A_1110, %dma_start3A_1124] : memref<16x1024x1024xf32, #tpu.memory_space<hbm>> -> memref<1x32x1024xf32, #tpu.memory_space<hbm>>
    %dma_start3A_1126 = tpu.memref_squeeze %dma_start3A_1125 : memref<1x32x1024xf32, #tpu.memory_space<hbm>> -> memref<32x1024xf32, #tpu.memory_space<hbm>>
    %dma_start3A_1127 = arith.constant 0 : i32
    %dma_start3A_1128 = arith.constant 0 : i32
    %dma_start3A_1129 = arith.constant 0 : i32
    %dma_start3A_1130 = tpu.memref_slice %arg7[%dma_start3A_1111, %dma_start3A_1127, %dma_start3A_1128, %dma_start3A_1129] : memref<2x16x2x1024xf32, #tpu.memory_space<vmem>> -> memref<1x16x2x1024xf32, #tpu.memory_space<vmem>>
    %dma_start3A_1131 = tpu.memref_squeeze %dma_start3A_1130 : memref<1x16x2x1024xf32, #tpu.memory_space<vmem>> -> memref<16x2x1024xf32, #tpu.memory_space<vmem>>
    %dma_start3A_1132 = tpu.memref_reshape %dma_start3A_1131 : memref<16x2x1024xf32, #tpu.memory_space<vmem>> -> memref<32x1024xf32, #tpu.memory_space<vmem>>
    tpu.enqueue_dma source(%dma_start3A_1132 : memref<32x1024xf32, #tpu.memory_space<vmem>>) target(%dma_start3A_1126 : memref<32x1024xf32, #tpu.memory_space<hbm>>) target_semaphore(%dma_start3A_1123 : memref<!tpu.dma_semaphore, #tpu.memory_space<semaphore_mem>>)
    %add3A_1133 = arith.constant 160 : i32
    %add3A_1134 = arith.addi %mul3A_32, %add3A_1133 : i32
    %mul3A_1135 = arith.constant 2 : i32
    %mul3A_1136 = arith.muli %mul3A_1135, %add3A_1134 : i32
    %dma_wait3A_1137 = arith.constant 0 : i32
    %dma_wait3A_1138 = arith.constant 0 : i32
    %dma_wait3A_1139 = arith.constant 0 : i32
    %dma_wait3A_1140 = arith.constant 0 : i32
    %dma_wait3A_1141 = arith.constant 0 : i32
    %dma_wait3A_1142 = tpu.memref_slice %arg7[%dma_wait3A_1137, %dma_wait3A_1139, %dma_wait3A_1140, %dma_wait3A_1141] : memref<2x16x2x1024xf32, #tpu.memory_space<vmem>> -> memref<1x16x2x1024xf32, #tpu.memory_space<vmem>>
    %dma_wait3A_1143 = tpu.memref_squeeze %dma_wait3A_1142 : memref<1x16x2x1024xf32, #tpu.memory_space<vmem>> -> memref<16x2x1024xf32, #tpu.memory_space<vmem>>
    %dma_wait3A_1144 = tpu.memref_reshape %dma_wait3A_1143 : memref<16x2x1024xf32, #tpu.memory_space<vmem>> -> memref<32x1024xf32, #tpu.memory_space<vmem>>
    %dma_wait3A_1145 = arith.constant 0 : i32
    %dma_wait3A_1146 = tpu.memref_slice %arg5[%select_n3A, %mul3A_1136, %dma_wait3A_1145] : memref<16x1024x1024xf32, #tpu.memory_space<hbm>> -> memref<1x32x1024xf32, #tpu.memory_space<hbm>>
    %dma_wait3A_1147 = tpu.memref_squeeze %dma_wait3A_1146 : memref<1x32x1024xf32, #tpu.memory_space<hbm>> -> memref<32x1024xf32, #tpu.memory_space<hbm>>
    %dma_wait3A_1148 = tpu.memref_slice %arg10[%dma_wait3A_1138] : memref<2x!tpu.dma_semaphore, #tpu.memory_space<semaphore_mem>> -> memref<1x!tpu.dma_semaphore, #tpu.memory_space<semaphore_mem>>
    %dma_wait3A_1149 = tpu.memref_squeeze %dma_wait3A_1148 : memref<1x!tpu.dma_semaphore, #tpu.memory_space<semaphore_mem>> -> memref<!tpu.dma_semaphore, #tpu.memory_space<semaphore_mem>>
    %dma_wait3A_1150 = arith.constant 0 : i32
    %dma_wait3A_1151 = tpu.memref_slice %arg5[%select_n3A, %mul3A_1136, %dma_wait3A_1150] : memref<16x1024x1024xf32, #tpu.memory_space<hbm>> -> memref<1x32x1024xf32, #tpu.memory_space<hbm>>
    %dma_wait3A_1152 = tpu.memref_squeeze %dma_wait3A_1151 : memref<1x32x1024xf32, #tpu.memory_space<hbm>> -> memref<32x1024xf32, #tpu.memory_space<hbm>>
    %dma_wait3A_1153 = arith.constant 0 : i32
    %dma_wait3A_1154 = arith.constant 0 : i32
    %dma_wait3A_1155 = arith.constant 0 : i32
    %dma_wait3A_1156 = tpu.memref_slice %arg7[%dma_wait3A_1137, %dma_wait3A_1153, %dma_wait3A_1154, %dma_wait3A_1155] : memref<2x16x2x1024xf32, #tpu.memory_space<vmem>> -> memref<1x16x2x1024xf32, #tpu.memory_space<vmem>>
    %dma_wait3A_1157 = tpu.memref_squeeze %dma_wait3A_1156 : memref<1x16x2x1024xf32, #tpu.memory_space<vmem>> -> memref<16x2x1024xf32, #tpu.memory_space<vmem>>
    %dma_wait3A_1158 = tpu.memref_reshape %dma_wait3A_1157 : memref<16x2x1024xf32, #tpu.memory_space<vmem>> -> memref<32x1024xf32, #tpu.memory_space<vmem>>
    tpu.wait_dma2 semaphore(%dma_wait3A_1149 : memref<!tpu.dma_semaphore, #tpu.memory_space<semaphore_mem>>) src(%dma_wait3A_1158 : memref<32x1024xf32, #tpu.memory_space<vmem>>) dst(%dma_wait3A_1152 : memref<32x1024xf32, #tpu.memory_space<hbm>>)
    %add3A_1159 = arith.constant 192 : i32
    %add3A_1160 = arith.addi %mul3A_32, %add3A_1159 : i32
    %dma_start3A_1161 = arith.constant 0 : i32
    %dma_start3A_1162 = arith.constant 0 : i32
    %dma_start3A_1163 = arith.constant 0 : i32
    %dma_start3A_1164 = arith.constant 0 : i32
    %dma_start3A_1165 = arith.constant 0 : i32
    %dma_start3A_1166 = tpu.memref_slice %arg7[%dma_start3A_1161, %dma_start3A_1164, %dma_start3A_1162, %dma_start3A_1165] : memref<2x16x2x1024xf32, #tpu.memory_space<vmem>> -> memref<1x16x1x1024xf32, #tpu.memory_space<vmem>>
    %dma_start3A_1167 = tpu.memref_squeeze %dma_start3A_1166 : memref<1x16x1x1024xf32, #tpu.memory_space<vmem>> -> memref<16x1024xf32, #tpu.memory_space<vmem>>
    %dma_start3A_1168 = arith.constant 0 : i32
    %dma_start3A_1169 = tpu.memref_slice %arg2[%select_n3A, %add3A_1160, %dma_start3A_1168] : memref<16x512x1024xf32, #tpu.memory_space<hbm>> -> memref<1x16x1024xf32, #tpu.memory_space<hbm>>
    %dma_start3A_1170 = tpu.memref_squeeze %dma_start3A_1169 : memref<1x16x1024xf32, #tpu.memory_space<hbm>> -> memref<16x1024xf32, #tpu.memory_space<hbm>>
    %dma_start3A_1171 = tpu.memref_slice %arg9[%dma_start3A_1163] : memref<2x!tpu.dma_semaphore, #tpu.memory_space<semaphore_mem>> -> memref<1x!tpu.dma_semaphore, #tpu.memory_space<semaphore_mem>>
    %dma_start3A_1172 = tpu.memref_squeeze %dma_start3A_1171 : memref<1x!tpu.dma_semaphore, #tpu.memory_space<semaphore_mem>> -> memref<!tpu.dma_semaphore, #tpu.memory_space<semaphore_mem>>
    %dma_start3A_1173 = arith.constant 0 : i32
    %dma_start3A_1174 = arith.constant 0 : i32
    %dma_start3A_1175 = tpu.memref_slice %arg7[%dma_start3A_1161, %dma_start3A_1173, %dma_start3A_1162, %dma_start3A_1174] : memref<2x16x2x1024xf32, #tpu.memory_space<vmem>> -> memref<1x16x1x1024xf32, #tpu.memory_space<vmem>>
    %dma_start3A_1176 = tpu.memref_squeeze %dma_start3A_1175 : memref<1x16x1x1024xf32, #tpu.memory_space<vmem>> -> memref<16x1024xf32, #tpu.memory_space<vmem>>
    %dma_start3A_1177 = arith.constant 0 : i32
    %dma_start3A_1178 = tpu.memref_slice %arg2[%select_n3A, %add3A_1160, %dma_start3A_1177] : memref<16x512x1024xf32, #tpu.memory_space<hbm>> -> memref<1x16x1024xf32, #tpu.memory_space<hbm>>
    %dma_start3A_1179 = tpu.memref_squeeze %dma_start3A_1178 : memref<1x16x1024xf32, #tpu.memory_space<hbm>> -> memref<16x1024xf32, #tpu.memory_space<hbm>>
    tpu.enqueue_dma source(%dma_start3A_1179 : memref<16x1024xf32, #tpu.memory_space<hbm>>) target(%dma_start3A_1176 : memref<16x1024xf32, #tpu.memory_space<vmem>>) target_semaphore(%dma_start3A_1172 : memref<!tpu.dma_semaphore, #tpu.memory_space<semaphore_mem>>)
    %add3A_1180 = arith.constant 176 : i32
    %add3A_1181 = arith.addi %mul3A_32, %add3A_1180 : i32
    %dma_wait3A_1182 = arith.constant 1 : i32
    %dma_wait3A_1183 = arith.constant 0 : i32
    %dma_wait3A_1184 = arith.constant 1 : i32
    %dma_wait3A_1185 = arith.constant 0 : i32
    %dma_wait3A_1186 = arith.constant 0 : i32
    %dma_wait3A_1187 = tpu.memref_slice %arg7[%dma_wait3A_1182, %dma_wait3A_1185, %dma_wait3A_1183, %dma_wait3A_1186] : memref<2x16x2x1024xf32, #tpu.memory_space<vmem>> -> memref<1x16x1x1024xf32, #tpu.memory_space<vmem>>
    %dma_wait3A_1188 = tpu.memref_squeeze %dma_wait3A_1187 : memref<1x16x1x1024xf32, #tpu.memory_space<vmem>> -> memref<16x1024xf32, #tpu.memory_space<vmem>>
    %dma_wait3A_1189 = arith.constant 0 : i32
    %dma_wait3A_1190 = tpu.memref_slice %arg2[%select_n3A, %add3A_1181, %dma_wait3A_1189] : memref<16x512x1024xf32, #tpu.memory_space<hbm>> -> memref<1x16x1024xf32, #tpu.memory_space<hbm>>
    %dma_wait3A_1191 = tpu.memref_squeeze %dma_wait3A_1190 : memref<1x16x1024xf32, #tpu.memory_space<hbm>> -> memref<16x1024xf32, #tpu.memory_space<hbm>>
    %dma_wait3A_1192 = tpu.memref_slice %arg9[%dma_wait3A_1184] : memref<2x!tpu.dma_semaphore, #tpu.memory_space<semaphore_mem>> -> memref<1x!tpu.dma_semaphore, #tpu.memory_space<semaphore_mem>>
    %dma_wait3A_1193 = tpu.memref_squeeze %dma_wait3A_1192 : memref<1x!tpu.dma_semaphore, #tpu.memory_space<semaphore_mem>> -> memref<!tpu.dma_semaphore, #tpu.memory_space<semaphore_mem>>
    %dma_wait3A_1194 = arith.constant 0 : i32
    %dma_wait3A_1195 = arith.constant 0 : i32
    %dma_wait3A_1196 = tpu.memref_slice %arg7[%dma_wait3A_1182, %dma_wait3A_1194, %dma_wait3A_1183, %dma_wait3A_1195] : memref<2x16x2x1024xf32, #tpu.memory_space<vmem>> -> memref<1x16x1x1024xf32, #tpu.memory_space<vmem>>
    %dma_wait3A_1197 = tpu.memref_squeeze %dma_wait3A_1196 : memref<1x16x1x1024xf32, #tpu.memory_space<vmem>> -> memref<16x1024xf32, #tpu.memory_space<vmem>>
    %dma_wait3A_1198 = arith.constant 0 : i32
    %dma_wait3A_1199 = tpu.memref_slice %arg2[%select_n3A, %add3A_1181, %dma_wait3A_1198] : memref<16x512x1024xf32, #tpu.memory_space<hbm>> -> memref<1x16x1024xf32, #tpu.memory_space<hbm>>
    %dma_wait3A_1200 = tpu.memref_squeeze %dma_wait3A_1199 : memref<1x16x1024xf32, #tpu.memory_space<hbm>> -> memref<16x1024xf32, #tpu.memory_space<hbm>>
    tpu.wait_dma2 semaphore(%dma_wait3A_1193 : memref<!tpu.dma_semaphore, #tpu.memory_space<semaphore_mem>>) src(%dma_wait3A_1200 : memref<16x1024xf32, #tpu.memory_space<hbm>>) dst(%dma_wait3A_1197 : memref<16x1024xf32, #tpu.memory_space<vmem>>)
    %add3A_1201 = arith.constant 176 : i32
    %add3A_1202 = arith.addi %mul3A_32, %add3A_1201 : i32
    %mul3A_1203 = arith.constant 2 : i32
    %mul3A_1204 = arith.muli %mul3A_1203, %add3A_1202 : i32
    %dma_start3A_1205 = arith.constant 1 : i32
    %dma_start3A_1206 = arith.constant 1 : i32
    %dma_start3A_1207 = arith.constant 0 : i32
    %dma_start3A_1208 = arith.constant 0 : i32
    %dma_start3A_1209 = arith.constant 0 : i32
    %dma_start3A_1210 = tpu.memref_slice %arg7[%dma_start3A_1205, %dma_start3A_1207, %dma_start3A_1208, %dma_start3A_1209] : memref<2x16x2x1024xf32, #tpu.memory_space<vmem>> -> memref<1x16x2x1024xf32, #tpu.memory_space<vmem>>
    %dma_start3A_1211 = tpu.memref_squeeze %dma_start3A_1210 : memref<1x16x2x1024xf32, #tpu.memory_space<vmem>> -> memref<16x2x1024xf32, #tpu.memory_space<vmem>>
    %dma_start3A_1212 = tpu.memref_reshape %dma_start3A_1211 : memref<16x2x1024xf32, #tpu.memory_space<vmem>> -> memref<32x1024xf32, #tpu.memory_space<vmem>>
    %dma_start3A_1213 = arith.constant 0 : i32
    %dma_start3A_1214 = tpu.memref_slice %arg5[%select_n3A, %mul3A_1204, %dma_start3A_1213] : memref<16x1024x1024xf32, #tpu.memory_space<hbm>> -> memref<1x32x1024xf32, #tpu.memory_space<hbm>>
    %dma_start3A_1215 = tpu.memref_squeeze %dma_start3A_1214 : memref<1x32x1024xf32, #tpu.memory_space<hbm>> -> memref<32x1024xf32, #tpu.memory_space<hbm>>
    %dma_start3A_1216 = tpu.memref_slice %arg10[%dma_start3A_1206] : memref<2x!tpu.dma_semaphore, #tpu.memory_space<semaphore_mem>> -> memref<1x!tpu.dma_semaphore, #tpu.memory_space<semaphore_mem>>
    %dma_start3A_1217 = tpu.memref_squeeze %dma_start3A_1216 : memref<1x!tpu.dma_semaphore, #tpu.memory_space<semaphore_mem>> -> memref<!tpu.dma_semaphore, #tpu.memory_space<semaphore_mem>>
    %dma_start3A_1218 = arith.constant 0 : i32
    %dma_start3A_1219 = tpu.memref_slice %arg5[%select_n3A, %mul3A_1204, %dma_start3A_1218] : memref<16x1024x1024xf32, #tpu.memory_space<hbm>> -> memref<1x32x1024xf32, #tpu.memory_space<hbm>>
    %dma_start3A_1220 = tpu.memref_squeeze %dma_start3A_1219 : memref<1x32x1024xf32, #tpu.memory_space<hbm>> -> memref<32x1024xf32, #tpu.memory_space<hbm>>
    %dma_start3A_1221 = arith.constant 0 : i32
    %dma_start3A_1222 = arith.constant 0 : i32
    %dma_start3A_1223 = arith.constant 0 : i32
    %dma_start3A_1224 = tpu.memref_slice %arg7[%dma_start3A_1205, %dma_start3A_1221, %dma_start3A_1222, %dma_start3A_1223] : memref<2x16x2x1024xf32, #tpu.memory_space<vmem>> -> memref<1x16x2x1024xf32, #tpu.memory_space<vmem>>
    %dma_start3A_1225 = tpu.memref_squeeze %dma_start3A_1224 : memref<1x16x2x1024xf32, #tpu.memory_space<vmem>> -> memref<16x2x1024xf32, #tpu.memory_space<vmem>>
    %dma_start3A_1226 = tpu.memref_reshape %dma_start3A_1225 : memref<16x2x1024xf32, #tpu.memory_space<vmem>> -> memref<32x1024xf32, #tpu.memory_space<vmem>>
    tpu.enqueue_dma source(%dma_start3A_1226 : memref<32x1024xf32, #tpu.memory_space<vmem>>) target(%dma_start3A_1220 : memref<32x1024xf32, #tpu.memory_space<hbm>>) target_semaphore(%dma_start3A_1217 : memref<!tpu.dma_semaphore, #tpu.memory_space<semaphore_mem>>)
    %add3A_1227 = arith.constant 176 : i32
    %add3A_1228 = arith.addi %mul3A_32, %add3A_1227 : i32
    %mul3A_1229 = arith.constant 2 : i32
    %mul3A_1230 = arith.muli %mul3A_1229, %add3A_1228 : i32
    %dma_wait3A_1231 = arith.constant 1 : i32
    %dma_wait3A_1232 = arith.constant 1 : i32
    %dma_wait3A_1233 = arith.constant 0 : i32
    %dma_wait3A_1234 = arith.constant 0 : i32
    %dma_wait3A_1235 = arith.constant 0 : i32
    %dma_wait3A_1236 = tpu.memref_slice %arg7[%dma_wait3A_1231, %dma_wait3A_1233, %dma_wait3A_1234, %dma_wait3A_1235] : memref<2x16x2x1024xf32, #tpu.memory_space<vmem>> -> memref<1x16x2x1024xf32, #tpu.memory_space<vmem>>
    %dma_wait3A_1237 = tpu.memref_squeeze %dma_wait3A_1236 : memref<1x16x2x1024xf32, #tpu.memory_space<vmem>> -> memref<16x2x1024xf32, #tpu.memory_space<vmem>>
    %dma_wait3A_1238 = tpu.memref_reshape %dma_wait3A_1237 : memref<16x2x1024xf32, #tpu.memory_space<vmem>> -> memref<32x1024xf32, #tpu.memory_space<vmem>>
    %dma_wait3A_1239 = arith.constant 0 : i32
    %dma_wait3A_1240 = tpu.memref_slice %arg5[%select_n3A, %mul3A_1230, %dma_wait3A_1239] : memref<16x1024x1024xf32, #tpu.memory_space<hbm>> -> memref<1x32x1024xf32, #tpu.memory_space<hbm>>
    %dma_wait3A_1241 = tpu.memref_squeeze %dma_wait3A_1240 : memref<1x32x1024xf32, #tpu.memory_space<hbm>> -> memref<32x1024xf32, #tpu.memory_space<hbm>>
    %dma_wait3A_1242 = tpu.memref_slice %arg10[%dma_wait3A_1232] : memref<2x!tpu.dma_semaphore, #tpu.memory_space<semaphore_mem>> -> memref<1x!tpu.dma_semaphore, #tpu.memory_space<semaphore_mem>>
    %dma_wait3A_1243 = tpu.memref_squeeze %dma_wait3A_1242 : memref<1x!tpu.dma_semaphore, #tpu.memory_space<semaphore_mem>> -> memref<!tpu.dma_semaphore, #tpu.memory_space<semaphore_mem>>
    %dma_wait3A_1244 = arith.constant 0 : i32
    %dma_wait3A_1245 = tpu.memref_slice %arg5[%select_n3A, %mul3A_1230, %dma_wait3A_1244] : memref<16x1024x1024xf32, #tpu.memory_space<hbm>> -> memref<1x32x1024xf32, #tpu.memory_space<hbm>>
    %dma_wait3A_1246 = tpu.memref_squeeze %dma_wait3A_1245 : memref<1x32x1024xf32, #tpu.memory_space<hbm>> -> memref<32x1024xf32, #tpu.memory_space<hbm>>
    %dma_wait3A_1247 = arith.constant 0 : i32
    %dma_wait3A_1248 = arith.constant 0 : i32
    %dma_wait3A_1249 = arith.constant 0 : i32
    %dma_wait3A_1250 = tpu.memref_slice %arg7[%dma_wait3A_1231, %dma_wait3A_1247, %dma_wait3A_1248, %dma_wait3A_1249] : memref<2x16x2x1024xf32, #tpu.memory_space<vmem>> -> memref<1x16x2x1024xf32, #tpu.memory_space<vmem>>
    %dma_wait3A_1251 = tpu.memref_squeeze %dma_wait3A_1250 : memref<1x16x2x1024xf32, #tpu.memory_space<vmem>> -> memref<16x2x1024xf32, #tpu.memory_space<vmem>>
    %dma_wait3A_1252 = tpu.memref_reshape %dma_wait3A_1251 : memref<16x2x1024xf32, #tpu.memory_space<vmem>> -> memref<32x1024xf32, #tpu.memory_space<vmem>>
    tpu.wait_dma2 semaphore(%dma_wait3A_1243 : memref<!tpu.dma_semaphore, #tpu.memory_space<semaphore_mem>>) src(%dma_wait3A_1252 : memref<32x1024xf32, #tpu.memory_space<vmem>>) dst(%dma_wait3A_1246 : memref<32x1024xf32, #tpu.memory_space<hbm>>)
    %add3A_1253 = arith.constant 208 : i32
    %add3A_1254 = arith.addi %mul3A_32, %add3A_1253 : i32
    %dma_start3A_1255 = arith.constant 1 : i32
    %dma_start3A_1256 = arith.constant 0 : i32
    %dma_start3A_1257 = arith.constant 1 : i32
    %dma_start3A_1258 = arith.constant 0 : i32
    %dma_start3A_1259 = arith.constant 0 : i32
    %dma_start3A_1260 = tpu.memref_slice %arg7[%dma_start3A_1255, %dma_start3A_1258, %dma_start3A_1256, %dma_start3A_1259] : memref<2x16x2x1024xf32, #tpu.memory_space<vmem>> -> memref<1x16x1x1024xf32, #tpu.memory_space<vmem>>
    %dma_start3A_1261 = tpu.memref_squeeze %dma_start3A_1260 : memref<1x16x1x1024xf32, #tpu.memory_space<vmem>> -> memref<16x1024xf32, #tpu.memory_space<vmem>>
    %dma_start3A_1262 = arith.constant 0 : i32
    %dma_start3A_1263 = tpu.memref_slice %arg2[%select_n3A, %add3A_1254, %dma_start3A_1262] : memref<16x512x1024xf32, #tpu.memory_space<hbm>> -> memref<1x16x1024xf32, #tpu.memory_space<hbm>>
    %dma_start3A_1264 = tpu.memref_squeeze %dma_start3A_1263 : memref<1x16x1024xf32, #tpu.memory_space<hbm>> -> memref<16x1024xf32, #tpu.memory_space<hbm>>
    %dma_start3A_1265 = tpu.memref_slice %arg9[%dma_start3A_1257] : memref<2x!tpu.dma_semaphore, #tpu.memory_space<semaphore_mem>> -> memref<1x!tpu.dma_semaphore, #tpu.memory_space<semaphore_mem>>
    %dma_start3A_1266 = tpu.memref_squeeze %dma_start3A_1265 : memref<1x!tpu.dma_semaphore, #tpu.memory_space<semaphore_mem>> -> memref<!tpu.dma_semaphore, #tpu.memory_space<semaphore_mem>>
    %dma_start3A_1267 = arith.constant 0 : i32
    %dma_start3A_1268 = arith.constant 0 : i32
    %dma_start3A_1269 = tpu.memref_slice %arg7[%dma_start3A_1255, %dma_start3A_1267, %dma_start3A_1256, %dma_start3A_1268] : memref<2x16x2x1024xf32, #tpu.memory_space<vmem>> -> memref<1x16x1x1024xf32, #tpu.memory_space<vmem>>
    %dma_start3A_1270 = tpu.memref_squeeze %dma_start3A_1269 : memref<1x16x1x1024xf32, #tpu.memory_space<vmem>> -> memref<16x1024xf32, #tpu.memory_space<vmem>>
    %dma_start3A_1271 = arith.constant 0 : i32
    %dma_start3A_1272 = tpu.memref_slice %arg2[%select_n3A, %add3A_1254, %dma_start3A_1271] : memref<16x512x1024xf32, #tpu.memory_space<hbm>> -> memref<1x16x1024xf32, #tpu.memory_space<hbm>>
    %dma_start3A_1273 = tpu.memref_squeeze %dma_start3A_1272 : memref<1x16x1024xf32, #tpu.memory_space<hbm>> -> memref<16x1024xf32, #tpu.memory_space<hbm>>
    tpu.enqueue_dma source(%dma_start3A_1273 : memref<16x1024xf32, #tpu.memory_space<hbm>>) target(%dma_start3A_1270 : memref<16x1024xf32, #tpu.memory_space<vmem>>) target_semaphore(%dma_start3A_1266 : memref<!tpu.dma_semaphore, #tpu.memory_space<semaphore_mem>>)
    %add3A_1274 = arith.constant 192 : i32
    %add3A_1275 = arith.addi %mul3A_32, %add3A_1274 : i32
    %dma_wait3A_1276 = arith.constant 0 : i32
    %dma_wait3A_1277 = arith.constant 0 : i32
    %dma_wait3A_1278 = arith.constant 0 : i32
    %dma_wait3A_1279 = arith.constant 0 : i32
    %dma_wait3A_1280 = arith.constant 0 : i32
    %dma_wait3A_1281 = tpu.memref_slice %arg7[%dma_wait3A_1276, %dma_wait3A_1279, %dma_wait3A_1277, %dma_wait3A_1280] : memref<2x16x2x1024xf32, #tpu.memory_space<vmem>> -> memref<1x16x1x1024xf32, #tpu.memory_space<vmem>>
    %dma_wait3A_1282 = tpu.memref_squeeze %dma_wait3A_1281 : memref<1x16x1x1024xf32, #tpu.memory_space<vmem>> -> memref<16x1024xf32, #tpu.memory_space<vmem>>
    %dma_wait3A_1283 = arith.constant 0 : i32
    %dma_wait3A_1284 = tpu.memref_slice %arg2[%select_n3A, %add3A_1275, %dma_wait3A_1283] : memref<16x512x1024xf32, #tpu.memory_space<hbm>> -> memref<1x16x1024xf32, #tpu.memory_space<hbm>>
    %dma_wait3A_1285 = tpu.memref_squeeze %dma_wait3A_1284 : memref<1x16x1024xf32, #tpu.memory_space<hbm>> -> memref<16x1024xf32, #tpu.memory_space<hbm>>
    %dma_wait3A_1286 = tpu.memref_slice %arg9[%dma_wait3A_1278] : memref<2x!tpu.dma_semaphore, #tpu.memory_space<semaphore_mem>> -> memref<1x!tpu.dma_semaphore, #tpu.memory_space<semaphore_mem>>
    %dma_wait3A_1287 = tpu.memref_squeeze %dma_wait3A_1286 : memref<1x!tpu.dma_semaphore, #tpu.memory_space<semaphore_mem>> -> memref<!tpu.dma_semaphore, #tpu.memory_space<semaphore_mem>>
    %dma_wait3A_1288 = arith.constant 0 : i32
    %dma_wait3A_1289 = arith.constant 0 : i32
    %dma_wait3A_1290 = tpu.memref_slice %arg7[%dma_wait3A_1276, %dma_wait3A_1288, %dma_wait3A_1277, %dma_wait3A_1289] : memref<2x16x2x1024xf32, #tpu.memory_space<vmem>> -> memref<1x16x1x1024xf32, #tpu.memory_space<vmem>>
    %dma_wait3A_1291 = tpu.memref_squeeze %dma_wait3A_1290 : memref<1x16x1x1024xf32, #tpu.memory_space<vmem>> -> memref<16x1024xf32, #tpu.memory_space<vmem>>
    %dma_wait3A_1292 = arith.constant 0 : i32
    %dma_wait3A_1293 = tpu.memref_slice %arg2[%select_n3A, %add3A_1275, %dma_wait3A_1292] : memref<16x512x1024xf32, #tpu.memory_space<hbm>> -> memref<1x16x1024xf32, #tpu.memory_space<hbm>>
    %dma_wait3A_1294 = tpu.memref_squeeze %dma_wait3A_1293 : memref<1x16x1024xf32, #tpu.memory_space<hbm>> -> memref<16x1024xf32, #tpu.memory_space<hbm>>
    tpu.wait_dma2 semaphore(%dma_wait3A_1287 : memref<!tpu.dma_semaphore, #tpu.memory_space<semaphore_mem>>) src(%dma_wait3A_1294 : memref<16x1024xf32, #tpu.memory_space<hbm>>) dst(%dma_wait3A_1291 : memref<16x1024xf32, #tpu.memory_space<vmem>>)
    %add3A_1295 = arith.constant 192 : i32
    %add3A_1296 = arith.addi %mul3A_32, %add3A_1295 : i32
    %mul3A_1297 = arith.constant 2 : i32
    %mul3A_1298 = arith.muli %mul3A_1297, %add3A_1296 : i32
    %dma_start3A_1299 = arith.constant 0 : i32
    %dma_start3A_1300 = arith.constant 0 : i32
    %dma_start3A_1301 = arith.constant 0 : i32
    %dma_start3A_1302 = arith.constant 0 : i32
    %dma_start3A_1303 = arith.constant 0 : i32
    %dma_start3A_1304 = tpu.memref_slice %arg7[%dma_start3A_1299, %dma_start3A_1301, %dma_start3A_1302, %dma_start3A_1303] : memref<2x16x2x1024xf32, #tpu.memory_space<vmem>> -> memref<1x16x2x1024xf32, #tpu.memory_space<vmem>>
    %dma_start3A_1305 = tpu.memref_squeeze %dma_start3A_1304 : memref<1x16x2x1024xf32, #tpu.memory_space<vmem>> -> memref<16x2x1024xf32, #tpu.memory_space<vmem>>
    %dma_start3A_1306 = tpu.memref_reshape %dma_start3A_1305 : memref<16x2x1024xf32, #tpu.memory_space<vmem>> -> memref<32x1024xf32, #tpu.memory_space<vmem>>
    %dma_start3A_1307 = arith.constant 0 : i32
    %dma_start3A_1308 = tpu.memref_slice %arg5[%select_n3A, %mul3A_1298, %dma_start3A_1307] : memref<16x1024x1024xf32, #tpu.memory_space<hbm>> -> memref<1x32x1024xf32, #tpu.memory_space<hbm>>
    %dma_start3A_1309 = tpu.memref_squeeze %dma_start3A_1308 : memref<1x32x1024xf32, #tpu.memory_space<hbm>> -> memref<32x1024xf32, #tpu.memory_space<hbm>>
    %dma_start3A_1310 = tpu.memref_slice %arg10[%dma_start3A_1300] : memref<2x!tpu.dma_semaphore, #tpu.memory_space<semaphore_mem>> -> memref<1x!tpu.dma_semaphore, #tpu.memory_space<semaphore_mem>>
    %dma_start3A_1311 = tpu.memref_squeeze %dma_start3A_1310 : memref<1x!tpu.dma_semaphore, #tpu.memory_space<semaphore_mem>> -> memref<!tpu.dma_semaphore, #tpu.memory_space<semaphore_mem>>
    %dma_start3A_1312 = arith.constant 0 : i32
    %dma_start3A_1313 = tpu.memref_slice %arg5[%select_n3A, %mul3A_1298, %dma_start3A_1312] : memref<16x1024x1024xf32, #tpu.memory_space<hbm>> -> memref<1x32x1024xf32, #tpu.memory_space<hbm>>
    %dma_start3A_1314 = tpu.memref_squeeze %dma_start3A_1313 : memref<1x32x1024xf32, #tpu.memory_space<hbm>> -> memref<32x1024xf32, #tpu.memory_space<hbm>>
    %dma_start3A_1315 = arith.constant 0 : i32
    %dma_start3A_1316 = arith.constant 0 : i32
    %dma_start3A_1317 = arith.constant 0 : i32
    %dma_start3A_1318 = tpu.memref_slice %arg7[%dma_start3A_1299, %dma_start3A_1315, %dma_start3A_1316, %dma_start3A_1317] : memref<2x16x2x1024xf32, #tpu.memory_space<vmem>> -> memref<1x16x2x1024xf32, #tpu.memory_space<vmem>>
    %dma_start3A_1319 = tpu.memref_squeeze %dma_start3A_1318 : memref<1x16x2x1024xf32, #tpu.memory_space<vmem>> -> memref<16x2x1024xf32, #tpu.memory_space<vmem>>
    %dma_start3A_1320 = tpu.memref_reshape %dma_start3A_1319 : memref<16x2x1024xf32, #tpu.memory_space<vmem>> -> memref<32x1024xf32, #tpu.memory_space<vmem>>
    tpu.enqueue_dma source(%dma_start3A_1320 : memref<32x1024xf32, #tpu.memory_space<vmem>>) target(%dma_start3A_1314 : memref<32x1024xf32, #tpu.memory_space<hbm>>) target_semaphore(%dma_start3A_1311 : memref<!tpu.dma_semaphore, #tpu.memory_space<semaphore_mem>>)
    %add3A_1321 = arith.constant 192 : i32
    %add3A_1322 = arith.addi %mul3A_32, %add3A_1321 : i32
    %mul3A_1323 = arith.constant 2 : i32
    %mul3A_1324 = arith.muli %mul3A_1323, %add3A_1322 : i32
    %dma_wait3A_1325 = arith.constant 0 : i32
    %dma_wait3A_1326 = arith.constant 0 : i32
    %dma_wait3A_1327 = arith.constant 0 : i32
    %dma_wait3A_1328 = arith.constant 0 : i32
    %dma_wait3A_1329 = arith.constant 0 : i32
    %dma_wait3A_1330 = tpu.memref_slice %arg7[%dma_wait3A_1325, %dma_wait3A_1327, %dma_wait3A_1328, %dma_wait3A_1329] : memref<2x16x2x1024xf32, #tpu.memory_space<vmem>> -> memref<1x16x2x1024xf32, #tpu.memory_space<vmem>>
    %dma_wait3A_1331 = tpu.memref_squeeze %dma_wait3A_1330 : memref<1x16x2x1024xf32, #tpu.memory_space<vmem>> -> memref<16x2x1024xf32, #tpu.memory_space<vmem>>
    %dma_wait3A_1332 = tpu.memref_reshape %dma_wait3A_1331 : memref<16x2x1024xf32, #tpu.memory_space<vmem>> -> memref<32x1024xf32, #tpu.memory_space<vmem>>
    %dma_wait3A_1333 = arith.constant 0 : i32
    %dma_wait3A_1334 = tpu.memref_slice %arg5[%select_n3A, %mul3A_1324, %dma_wait3A_1333] : memref<16x1024x1024xf32, #tpu.memory_space<hbm>> -> memref<1x32x1024xf32, #tpu.memory_space<hbm>>
    %dma_wait3A_1335 = tpu.memref_squeeze %dma_wait3A_1334 : memref<1x32x1024xf32, #tpu.memory_space<hbm>> -> memref<32x1024xf32, #tpu.memory_space<hbm>>
    %dma_wait3A_1336 = tpu.memref_slice %arg10[%dma_wait3A_1326] : memref<2x!tpu.dma_semaphore, #tpu.memory_space<semaphore_mem>> -> memref<1x!tpu.dma_semaphore, #tpu.memory_space<semaphore_mem>>
    %dma_wait3A_1337 = tpu.memref_squeeze %dma_wait3A_1336 : memref<1x!tpu.dma_semaphore, #tpu.memory_space<semaphore_mem>> -> memref<!tpu.dma_semaphore, #tpu.memory_space<semaphore_mem>>
    %dma_wait3A_1338 = arith.constant 0 : i32
    %dma_wait3A_1339 = tpu.memref_slice %arg5[%select_n3A, %mul3A_1324, %dma_wait3A_1338] : memref<16x1024x1024xf32, #tpu.memory_space<hbm>> -> memref<1x32x1024xf32, #tpu.memory_space<hbm>>
    %dma_wait3A_1340 = tpu.memref_squeeze %dma_wait3A_1339 : memref<1x32x1024xf32, #tpu.memory_space<hbm>> -> memref<32x1024xf32, #tpu.memory_space<hbm>>
    %dma_wait3A_1341 = arith.constant 0 : i32
    %dma_wait3A_1342 = arith.constant 0 : i32
    %dma_wait3A_1343 = arith.constant 0 : i32
    %dma_wait3A_1344 = tpu.memref_slice %arg7[%dma_wait3A_1325, %dma_wait3A_1341, %dma_wait3A_1342, %dma_wait3A_1343] : memref<2x16x2x1024xf32, #tpu.memory_space<vmem>> -> memref<1x16x2x1024xf32, #tpu.memory_space<vmem>>
    %dma_wait3A_1345 = tpu.memref_squeeze %dma_wait3A_1344 : memref<1x16x2x1024xf32, #tpu.memory_space<vmem>> -> memref<16x2x1024xf32, #tpu.memory_space<vmem>>
    %dma_wait3A_1346 = tpu.memref_reshape %dma_wait3A_1345 : memref<16x2x1024xf32, #tpu.memory_space<vmem>> -> memref<32x1024xf32, #tpu.memory_space<vmem>>
    tpu.wait_dma2 semaphore(%dma_wait3A_1337 : memref<!tpu.dma_semaphore, #tpu.memory_space<semaphore_mem>>) src(%dma_wait3A_1346 : memref<32x1024xf32, #tpu.memory_space<vmem>>) dst(%dma_wait3A_1340 : memref<32x1024xf32, #tpu.memory_space<hbm>>)
    %add3A_1347 = arith.constant 224 : i32
    %add3A_1348 = arith.addi %mul3A_32, %add3A_1347 : i32
    %dma_start3A_1349 = arith.constant 0 : i32
    %dma_start3A_1350 = arith.constant 0 : i32
    %dma_start3A_1351 = arith.constant 0 : i32
    %dma_start3A_1352 = arith.constant 0 : i32
    %dma_start3A_1353 = arith.constant 0 : i32
    %dma_start3A_1354 = tpu.memref_slice %arg7[%dma_start3A_1349, %dma_start3A_1352, %dma_start3A_1350, %dma_start3A_1353] : memref<2x16x2x1024xf32, #tpu.memory_space<vmem>> -> memref<1x16x1x1024xf32, #tpu.memory_space<vmem>>
    %dma_start3A_1355 = tpu.memref_squeeze %dma_start3A_1354 : memref<1x16x1x1024xf32, #tpu.memory_space<vmem>> -> memref<16x1024xf32, #tpu.memory_space<vmem>>
    %dma_start3A_1356 = arith.constant 0 : i32
    %dma_start3A_1357 = tpu.memref_slice %arg2[%select_n3A, %add3A_1348, %dma_start3A_1356] : memref<16x512x1024xf32, #tpu.memory_space<hbm>> -> memref<1x16x1024xf32, #tpu.memory_space<hbm>>
    %dma_start3A_1358 = tpu.memref_squeeze %dma_start3A_1357 : memref<1x16x1024xf32, #tpu.memory_space<hbm>> -> memref<16x1024xf32, #tpu.memory_space<hbm>>
    %dma_start3A_1359 = tpu.memref_slice %arg9[%dma_start3A_1351] : memref<2x!tpu.dma_semaphore, #tpu.memory_space<semaphore_mem>> -> memref<1x!tpu.dma_semaphore, #tpu.memory_space<semaphore_mem>>
    %dma_start3A_1360 = tpu.memref_squeeze %dma_start3A_1359 : memref<1x!tpu.dma_semaphore, #tpu.memory_space<semaphore_mem>> -> memref<!tpu.dma_semaphore, #tpu.memory_space<semaphore_mem>>
    %dma_start3A_1361 = arith.constant 0 : i32
    %dma_start3A_1362 = arith.constant 0 : i32
    %dma_start3A_1363 = tpu.memref_slice %arg7[%dma_start3A_1349, %dma_start3A_1361, %dma_start3A_1350, %dma_start3A_1362] : memref<2x16x2x1024xf32, #tpu.memory_space<vmem>> -> memref<1x16x1x1024xf32, #tpu.memory_space<vmem>>
    %dma_start3A_1364 = tpu.memref_squeeze %dma_start3A_1363 : memref<1x16x1x1024xf32, #tpu.memory_space<vmem>> -> memref<16x1024xf32, #tpu.memory_space<vmem>>
    %dma_start3A_1365 = arith.constant 0 : i32
    %dma_start3A_1366 = tpu.memref_slice %arg2[%select_n3A, %add3A_1348, %dma_start3A_1365] : memref<16x512x1024xf32, #tpu.memory_space<hbm>> -> memref<1x16x1024xf32, #tpu.memory_space<hbm>>
    %dma_start3A_1367 = tpu.memref_squeeze %dma_start3A_1366 : memref<1x16x1024xf32, #tpu.memory_space<hbm>> -> memref<16x1024xf32, #tpu.memory_space<hbm>>
    tpu.enqueue_dma source(%dma_start3A_1367 : memref<16x1024xf32, #tpu.memory_space<hbm>>) target(%dma_start3A_1364 : memref<16x1024xf32, #tpu.memory_space<vmem>>) target_semaphore(%dma_start3A_1360 : memref<!tpu.dma_semaphore, #tpu.memory_space<semaphore_mem>>)
    %add3A_1368 = arith.constant 208 : i32
    %add3A_1369 = arith.addi %mul3A_32, %add3A_1368 : i32
    %dma_wait3A_1370 = arith.constant 1 : i32
    %dma_wait3A_1371 = arith.constant 0 : i32
    %dma_wait3A_1372 = arith.constant 1 : i32
    %dma_wait3A_1373 = arith.constant 0 : i32
    %dma_wait3A_1374 = arith.constant 0 : i32
    %dma_wait3A_1375 = tpu.memref_slice %arg7[%dma_wait3A_1370, %dma_wait3A_1373, %dma_wait3A_1371, %dma_wait3A_1374] : memref<2x16x2x1024xf32, #tpu.memory_space<vmem>> -> memref<1x16x1x1024xf32, #tpu.memory_space<vmem>>
    %dma_wait3A_1376 = tpu.memref_squeeze %dma_wait3A_1375 : memref<1x16x1x1024xf32, #tpu.memory_space<vmem>> -> memref<16x1024xf32, #tpu.memory_space<vmem>>
    %dma_wait3A_1377 = arith.constant 0 : i32
    %dma_wait3A_1378 = tpu.memref_slice %arg2[%select_n3A, %add3A_1369, %dma_wait3A_1377] : memref<16x512x1024xf32, #tpu.memory_space<hbm>> -> memref<1x16x1024xf32, #tpu.memory_space<hbm>>
    %dma_wait3A_1379 = tpu.memref_squeeze %dma_wait3A_1378 : memref<1x16x1024xf32, #tpu.memory_space<hbm>> -> memref<16x1024xf32, #tpu.memory_space<hbm>>
    %dma_wait3A_1380 = tpu.memref_slice %arg9[%dma_wait3A_1372] : memref<2x!tpu.dma_semaphore, #tpu.memory_space<semaphore_mem>> -> memref<1x!tpu.dma_semaphore, #tpu.memory_space<semaphore_mem>>
    %dma_wait3A_1381 = tpu.memref_squeeze %dma_wait3A_1380 : memref<1x!tpu.dma_semaphore, #tpu.memory_space<semaphore_mem>> -> memref<!tpu.dma_semaphore, #tpu.memory_space<semaphore_mem>>
    %dma_wait3A_1382 = arith.constant 0 : i32
    %dma_wait3A_1383 = arith.constant 0 : i32
    %dma_wait3A_1384 = tpu.memref_slice %arg7[%dma_wait3A_1370, %dma_wait3A_1382, %dma_wait3A_1371, %dma_wait3A_1383] : memref<2x16x2x1024xf32, #tpu.memory_space<vmem>> -> memref<1x16x1x1024xf32, #tpu.memory_space<vmem>>
    %dma_wait3A_1385 = tpu.memref_squeeze %dma_wait3A_1384 : memref<1x16x1x1024xf32, #tpu.memory_space<vmem>> -> memref<16x1024xf32, #tpu.memory_space<vmem>>
    %dma_wait3A_1386 = arith.constant 0 : i32
    %dma_wait3A_1387 = tpu.memref_slice %arg2[%select_n3A, %add3A_1369, %dma_wait3A_1386] : memref<16x512x1024xf32, #tpu.memory_space<hbm>> -> memref<1x16x1024xf32, #tpu.memory_space<hbm>>
    %dma_wait3A_1388 = tpu.memref_squeeze %dma_wait3A_1387 : memref<1x16x1024xf32, #tpu.memory_space<hbm>> -> memref<16x1024xf32, #tpu.memory_space<hbm>>
    tpu.wait_dma2 semaphore(%dma_wait3A_1381 : memref<!tpu.dma_semaphore, #tpu.memory_space<semaphore_mem>>) src(%dma_wait3A_1388 : memref<16x1024xf32, #tpu.memory_space<hbm>>) dst(%dma_wait3A_1385 : memref<16x1024xf32, #tpu.memory_space<vmem>>)
    %add3A_1389 = arith.constant 208 : i32
    %add3A_1390 = arith.addi %mul3A_32, %add3A_1389 : i32
    %mul3A_1391 = arith.constant 2 : i32
    %mul3A_1392 = arith.muli %mul3A_1391, %add3A_1390 : i32
    %dma_start3A_1393 = arith.constant 1 : i32
    %dma_start3A_1394 = arith.constant 1 : i32
    %dma_start3A_1395 = arith.constant 0 : i32
    %dma_start3A_1396 = arith.constant 0 : i32
    %dma_start3A_1397 = arith.constant 0 : i32
    %dma_start3A_1398 = tpu.memref_slice %arg7[%dma_start3A_1393, %dma_start3A_1395, %dma_start3A_1396, %dma_start3A_1397] : memref<2x16x2x1024xf32, #tpu.memory_space<vmem>> -> memref<1x16x2x1024xf32, #tpu.memory_space<vmem>>
    %dma_start3A_1399 = tpu.memref_squeeze %dma_start3A_1398 : memref<1x16x2x1024xf32, #tpu.memory_space<vmem>> -> memref<16x2x1024xf32, #tpu.memory_space<vmem>>
    %dma_start3A_1400 = tpu.memref_reshape %dma_start3A_1399 : memref<16x2x1024xf32, #tpu.memory_space<vmem>> -> memref<32x1024xf32, #tpu.memory_space<vmem>>
    %dma_start3A_1401 = arith.constant 0 : i32
    %dma_start3A_1402 = tpu.memref_slice %arg5[%select_n3A, %mul3A_1392, %dma_start3A_1401] : memref<16x1024x1024xf32, #tpu.memory_space<hbm>> -> memref<1x32x1024xf32, #tpu.memory_space<hbm>>
    %dma_start3A_1403 = tpu.memref_squeeze %dma_start3A_1402 : memref<1x32x1024xf32, #tpu.memory_space<hbm>> -> memref<32x1024xf32, #tpu.memory_space<hbm>>
    %dma_start3A_1404 = tpu.memref_slice %arg10[%dma_start3A_1394] : memref<2x!tpu.dma_semaphore, #tpu.memory_space<semaphore_mem>> -> memref<1x!tpu.dma_semaphore, #tpu.memory_space<semaphore_mem>>
    %dma_start3A_1405 = tpu.memref_squeeze %dma_start3A_1404 : memref<1x!tpu.dma_semaphore, #tpu.memory_space<semaphore_mem>> -> memref<!tpu.dma_semaphore, #tpu.memory_space<semaphore_mem>>
    %dma_start3A_1406 = arith.constant 0 : i32
    %dma_start3A_1407 = tpu.memref_slice %arg5[%select_n3A, %mul3A_1392, %dma_start3A_1406] : memref<16x1024x1024xf32, #tpu.memory_space<hbm>> -> memref<1x32x1024xf32, #tpu.memory_space<hbm>>
    %dma_start3A_1408 = tpu.memref_squeeze %dma_start3A_1407 : memref<1x32x1024xf32, #tpu.memory_space<hbm>> -> memref<32x1024xf32, #tpu.memory_space<hbm>>
    %dma_start3A_1409 = arith.constant 0 : i32
    %dma_start3A_1410 = arith.constant 0 : i32
    %dma_start3A_1411 = arith.constant 0 : i32
    %dma_start3A_1412 = tpu.memref_slice %arg7[%dma_start3A_1393, %dma_start3A_1409, %dma_start3A_1410, %dma_start3A_1411] : memref<2x16x2x1024xf32, #tpu.memory_space<vmem>> -> memref<1x16x2x1024xf32, #tpu.memory_space<vmem>>
    %dma_start3A_1413 = tpu.memref_squeeze %dma_start3A_1412 : memref<1x16x2x1024xf32, #tpu.memory_space<vmem>> -> memref<16x2x1024xf32, #tpu.memory_space<vmem>>
    %dma_start3A_1414 = tpu.memref_reshape %dma_start3A_1413 : memref<16x2x1024xf32, #tpu.memory_space<vmem>> -> memref<32x1024xf32, #tpu.memory_space<vmem>>
    tpu.enqueue_dma source(%dma_start3A_1414 : memref<32x1024xf32, #tpu.memory_space<vmem>>) target(%dma_start3A_1408 : memref<32x1024xf32, #tpu.memory_space<hbm>>) target_semaphore(%dma_start3A_1405 : memref<!tpu.dma_semaphore, #tpu.memory_space<semaphore_mem>>)
    %add3A_1415 = arith.constant 208 : i32
    %add3A_1416 = arith.addi %mul3A_32, %add3A_1415 : i32
    %mul3A_1417 = arith.constant 2 : i32
    %mul3A_1418 = arith.muli %mul3A_1417, %add3A_1416 : i32
    %dma_wait3A_1419 = arith.constant 1 : i32
    %dma_wait3A_1420 = arith.constant 1 : i32
    %dma_wait3A_1421 = arith.constant 0 : i32
    %dma_wait3A_1422 = arith.constant 0 : i32
    %dma_wait3A_1423 = arith.constant 0 : i32
    %dma_wait3A_1424 = tpu.memref_slice %arg7[%dma_wait3A_1419, %dma_wait3A_1421, %dma_wait3A_1422, %dma_wait3A_1423] : memref<2x16x2x1024xf32, #tpu.memory_space<vmem>> -> memref<1x16x2x1024xf32, #tpu.memory_space<vmem>>
    %dma_wait3A_1425 = tpu.memref_squeeze %dma_wait3A_1424 : memref<1x16x2x1024xf32, #tpu.memory_space<vmem>> -> memref<16x2x1024xf32, #tpu.memory_space<vmem>>
    %dma_wait3A_1426 = tpu.memref_reshape %dma_wait3A_1425 : memref<16x2x1024xf32, #tpu.memory_space<vmem>> -> memref<32x1024xf32, #tpu.memory_space<vmem>>
    %dma_wait3A_1427 = arith.constant 0 : i32
    %dma_wait3A_1428 = tpu.memref_slice %arg5[%select_n3A, %mul3A_1418, %dma_wait3A_1427] : memref<16x1024x1024xf32, #tpu.memory_space<hbm>> -> memref<1x32x1024xf32, #tpu.memory_space<hbm>>
    %dma_wait3A_1429 = tpu.memref_squeeze %dma_wait3A_1428 : memref<1x32x1024xf32, #tpu.memory_space<hbm>> -> memref<32x1024xf32, #tpu.memory_space<hbm>>
    %dma_wait3A_1430 = tpu.memref_slice %arg10[%dma_wait3A_1420] : memref<2x!tpu.dma_semaphore, #tpu.memory_space<semaphore_mem>> -> memref<1x!tpu.dma_semaphore, #tpu.memory_space<semaphore_mem>>
    %dma_wait3A_1431 = tpu.memref_squeeze %dma_wait3A_1430 : memref<1x!tpu.dma_semaphore, #tpu.memory_space<semaphore_mem>> -> memref<!tpu.dma_semaphore, #tpu.memory_space<semaphore_mem>>
    %dma_wait3A_1432 = arith.constant 0 : i32
    %dma_wait3A_1433 = tpu.memref_slice %arg5[%select_n3A, %mul3A_1418, %dma_wait3A_1432] : memref<16x1024x1024xf32, #tpu.memory_space<hbm>> -> memref<1x32x1024xf32, #tpu.memory_space<hbm>>
    %dma_wait3A_1434 = tpu.memref_squeeze %dma_wait3A_1433 : memref<1x32x1024xf32, #tpu.memory_space<hbm>> -> memref<32x1024xf32, #tpu.memory_space<hbm>>
    %dma_wait3A_1435 = arith.constant 0 : i32
    %dma_wait3A_1436 = arith.constant 0 : i32
    %dma_wait3A_1437 = arith.constant 0 : i32
    %dma_wait3A_1438 = tpu.memref_slice %arg7[%dma_wait3A_1419, %dma_wait3A_1435, %dma_wait3A_1436, %dma_wait3A_1437] : memref<2x16x2x1024xf32, #tpu.memory_space<vmem>> -> memref<1x16x2x1024xf32, #tpu.memory_space<vmem>>
    %dma_wait3A_1439 = tpu.memref_squeeze %dma_wait3A_1438 : memref<1x16x2x1024xf32, #tpu.memory_space<vmem>> -> memref<16x2x1024xf32, #tpu.memory_space<vmem>>
    %dma_wait3A_1440 = tpu.memref_reshape %dma_wait3A_1439 : memref<16x2x1024xf32, #tpu.memory_space<vmem>> -> memref<32x1024xf32, #tpu.memory_space<vmem>>
    tpu.wait_dma2 semaphore(%dma_wait3A_1431 : memref<!tpu.dma_semaphore, #tpu.memory_space<semaphore_mem>>) src(%dma_wait3A_1440 : memref<32x1024xf32, #tpu.memory_space<vmem>>) dst(%dma_wait3A_1434 : memref<32x1024xf32, #tpu.memory_space<hbm>>)
    %add3A_1441 = arith.constant 240 : i32
    %add3A_1442 = arith.addi %mul3A_32, %add3A_1441 : i32
    %dma_start3A_1443 = arith.constant 1 : i32
    %dma_start3A_1444 = arith.constant 0 : i32
    %dma_start3A_1445 = arith.constant 1 : i32
    %dma_start3A_1446 = arith.constant 0 : i32
    %dma_start3A_1447 = arith.constant 0 : i32
    %dma_start3A_1448 = tpu.memref_slice %arg7[%dma_start3A_1443, %dma_start3A_1446, %dma_start3A_1444, %dma_start3A_1447] : memref<2x16x2x1024xf32, #tpu.memory_space<vmem>> -> memref<1x16x1x1024xf32, #tpu.memory_space<vmem>>
    %dma_start3A_1449 = tpu.memref_squeeze %dma_start3A_1448 : memref<1x16x1x1024xf32, #tpu.memory_space<vmem>> -> memref<16x1024xf32, #tpu.memory_space<vmem>>
    %dma_start3A_1450 = arith.constant 0 : i32
    %dma_start3A_1451 = tpu.memref_slice %arg2[%select_n3A, %add3A_1442, %dma_start3A_1450] : memref<16x512x1024xf32, #tpu.memory_space<hbm>> -> memref<1x16x1024xf32, #tpu.memory_space<hbm>>
    %dma_start3A_1452 = tpu.memref_squeeze %dma_start3A_1451 : memref<1x16x1024xf32, #tpu.memory_space<hbm>> -> memref<16x1024xf32, #tpu.memory_space<hbm>>
    %dma_start3A_1453 = tpu.memref_slice %arg9[%dma_start3A_1445] : memref<2x!tpu.dma_semaphore, #tpu.memory_space<semaphore_mem>> -> memref<1x!tpu.dma_semaphore, #tpu.memory_space<semaphore_mem>>
    %dma_start3A_1454 = tpu.memref_squeeze %dma_start3A_1453 : memref<1x!tpu.dma_semaphore, #tpu.memory_space<semaphore_mem>> -> memref<!tpu.dma_semaphore, #tpu.memory_space<semaphore_mem>>
    %dma_start3A_1455 = arith.constant 0 : i32
    %dma_start3A_1456 = arith.constant 0 : i32
    %dma_start3A_1457 = tpu.memref_slice %arg7[%dma_start3A_1443, %dma_start3A_1455, %dma_start3A_1444, %dma_start3A_1456] : memref<2x16x2x1024xf32, #tpu.memory_space<vmem>> -> memref<1x16x1x1024xf32, #tpu.memory_space<vmem>>
    %dma_start3A_1458 = tpu.memref_squeeze %dma_start3A_1457 : memref<1x16x1x1024xf32, #tpu.memory_space<vmem>> -> memref<16x1024xf32, #tpu.memory_space<vmem>>
    %dma_start3A_1459 = arith.constant 0 : i32
    %dma_start3A_1460 = tpu.memref_slice %arg2[%select_n3A, %add3A_1442, %dma_start3A_1459] : memref<16x512x1024xf32, #tpu.memory_space<hbm>> -> memref<1x16x1024xf32, #tpu.memory_space<hbm>>
    %dma_start3A_1461 = tpu.memref_squeeze %dma_start3A_1460 : memref<1x16x1024xf32, #tpu.memory_space<hbm>> -> memref<16x1024xf32, #tpu.memory_space<hbm>>
    tpu.enqueue_dma source(%dma_start3A_1461 : memref<16x1024xf32, #tpu.memory_space<hbm>>) target(%dma_start3A_1458 : memref<16x1024xf32, #tpu.memory_space<vmem>>) target_semaphore(%dma_start3A_1454 : memref<!tpu.dma_semaphore, #tpu.memory_space<semaphore_mem>>)
    %add3A_1462 = arith.constant 224 : i32
    %add3A_1463 = arith.addi %mul3A_32, %add3A_1462 : i32
    %dma_wait3A_1464 = arith.constant 0 : i32
    %dma_wait3A_1465 = arith.constant 0 : i32
    %dma_wait3A_1466 = arith.constant 0 : i32
    %dma_wait3A_1467 = arith.constant 0 : i32
    %dma_wait3A_1468 = arith.constant 0 : i32
    %dma_wait3A_1469 = tpu.memref_slice %arg7[%dma_wait3A_1464, %dma_wait3A_1467, %dma_wait3A_1465, %dma_wait3A_1468] : memref<2x16x2x1024xf32, #tpu.memory_space<vmem>> -> memref<1x16x1x1024xf32, #tpu.memory_space<vmem>>
    %dma_wait3A_1470 = tpu.memref_squeeze %dma_wait3A_1469 : memref<1x16x1x1024xf32, #tpu.memory_space<vmem>> -> memref<16x1024xf32, #tpu.memory_space<vmem>>
    %dma_wait3A_1471 = arith.constant 0 : i32
    %dma_wait3A_1472 = tpu.memref_slice %arg2[%select_n3A, %add3A_1463, %dma_wait3A_1471] : memref<16x512x1024xf32, #tpu.memory_space<hbm>> -> memref<1x16x1024xf32, #tpu.memory_space<hbm>>
    %dma_wait3A_1473 = tpu.memref_squeeze %dma_wait3A_1472 : memref<1x16x1024xf32, #tpu.memory_space<hbm>> -> memref<16x1024xf32, #tpu.memory_space<hbm>>
    %dma_wait3A_1474 = tpu.memref_slice %arg9[%dma_wait3A_1466] : memref<2x!tpu.dma_semaphore, #tpu.memory_space<semaphore_mem>> -> memref<1x!tpu.dma_semaphore, #tpu.memory_space<semaphore_mem>>
    %dma_wait3A_1475 = tpu.memref_squeeze %dma_wait3A_1474 : memref<1x!tpu.dma_semaphore, #tpu.memory_space<semaphore_mem>> -> memref<!tpu.dma_semaphore, #tpu.memory_space<semaphore_mem>>
    %dma_wait3A_1476 = arith.constant 0 : i32
    %dma_wait3A_1477 = arith.constant 0 : i32
    %dma_wait3A_1478 = tpu.memref_slice %arg7[%dma_wait3A_1464, %dma_wait3A_1476, %dma_wait3A_1465, %dma_wait3A_1477] : memref<2x16x2x1024xf32, #tpu.memory_space<vmem>> -> memref<1x16x1x1024xf32, #tpu.memory_space<vmem>>
    %dma_wait3A_1479 = tpu.memref_squeeze %dma_wait3A_1478 : memref<1x16x1x1024xf32, #tpu.memory_space<vmem>> -> memref<16x1024xf32, #tpu.memory_space<vmem>>
    %dma_wait3A_1480 = arith.constant 0 : i32
    %dma_wait3A_1481 = tpu.memref_slice %arg2[%select_n3A, %add3A_1463, %dma_wait3A_1480] : memref<16x512x1024xf32, #tpu.memory_space<hbm>> -> memref<1x16x1024xf32, #tpu.memory_space<hbm>>
    %dma_wait3A_1482 = tpu.memref_squeeze %dma_wait3A_1481 : memref<1x16x1024xf32, #tpu.memory_space<hbm>> -> memref<16x1024xf32, #tpu.memory_space<hbm>>
    tpu.wait_dma2 semaphore(%dma_wait3A_1475 : memref<!tpu.dma_semaphore, #tpu.memory_space<semaphore_mem>>) src(%dma_wait3A_1482 : memref<16x1024xf32, #tpu.memory_space<hbm>>) dst(%dma_wait3A_1479 : memref<16x1024xf32, #tpu.memory_space<vmem>>)
    %add3A_1483 = arith.constant 224 : i32
    %add3A_1484 = arith.addi %mul3A_32, %add3A_1483 : i32
    %mul3A_1485 = arith.constant 2 : i32
    %mul3A_1486 = arith.muli %mul3A_1485, %add3A_1484 : i32
    %dma_start3A_1487 = arith.constant 0 : i32
    %dma_start3A_1488 = arith.constant 0 : i32
    %dma_start3A_1489 = arith.constant 0 : i32
    %dma_start3A_1490 = arith.constant 0 : i32
    %dma_start3A_1491 = arith.constant 0 : i32
    %dma_start3A_1492 = tpu.memref_slice %arg7[%dma_start3A_1487, %dma_start3A_1489, %dma_start3A_1490, %dma_start3A_1491] : memref<2x16x2x1024xf32, #tpu.memory_space<vmem>> -> memref<1x16x2x1024xf32, #tpu.memory_space<vmem>>
    %dma_start3A_1493 = tpu.memref_squeeze %dma_start3A_1492 : memref<1x16x2x1024xf32, #tpu.memory_space<vmem>> -> memref<16x2x1024xf32, #tpu.memory_space<vmem>>
    %dma_start3A_1494 = tpu.memref_reshape %dma_start3A_1493 : memref<16x2x1024xf32, #tpu.memory_space<vmem>> -> memref<32x1024xf32, #tpu.memory_space<vmem>>
    %dma_start3A_1495 = arith.constant 0 : i32
    %dma_start3A_1496 = tpu.memref_slice %arg5[%select_n3A, %mul3A_1486, %dma_start3A_1495] : memref<16x1024x1024xf32, #tpu.memory_space<hbm>> -> memref<1x32x1024xf32, #tpu.memory_space<hbm>>
    %dma_start3A_1497 = tpu.memref_squeeze %dma_start3A_1496 : memref<1x32x1024xf32, #tpu.memory_space<hbm>> -> memref<32x1024xf32, #tpu.memory_space<hbm>>
    %dma_start3A_1498 = tpu.memref_slice %arg10[%dma_start3A_1488] : memref<2x!tpu.dma_semaphore, #tpu.memory_space<semaphore_mem>> -> memref<1x!tpu.dma_semaphore, #tpu.memory_space<semaphore_mem>>
    %dma_start3A_1499 = tpu.memref_squeeze %dma_start3A_1498 : memref<1x!tpu.dma_semaphore, #tpu.memory_space<semaphore_mem>> -> memref<!tpu.dma_semaphore, #tpu.memory_space<semaphore_mem>>
    %dma_start3A_1500 = arith.constant 0 : i32
    %dma_start3A_1501 = tpu.memref_slice %arg5[%select_n3A, %mul3A_1486, %dma_start3A_1500] : memref<16x1024x1024xf32, #tpu.memory_space<hbm>> -> memref<1x32x1024xf32, #tpu.memory_space<hbm>>
    %dma_start3A_1502 = tpu.memref_squeeze %dma_start3A_1501 : memref<1x32x1024xf32, #tpu.memory_space<hbm>> -> memref<32x1024xf32, #tpu.memory_space<hbm>>
    %dma_start3A_1503 = arith.constant 0 : i32
    %dma_start3A_1504 = arith.constant 0 : i32
    %dma_start3A_1505 = arith.constant 0 : i32
    %dma_start3A_1506 = tpu.memref_slice %arg7[%dma_start3A_1487, %dma_start3A_1503, %dma_start3A_1504, %dma_start3A_1505] : memref<2x16x2x1024xf32, #tpu.memory_space<vmem>> -> memref<1x16x2x1024xf32, #tpu.memory_space<vmem>>
    %dma_start3A_1507 = tpu.memref_squeeze %dma_start3A_1506 : memref<1x16x2x1024xf32, #tpu.memory_space<vmem>> -> memref<16x2x1024xf32, #tpu.memory_space<vmem>>
    %dma_start3A_1508 = tpu.memref_reshape %dma_start3A_1507 : memref<16x2x1024xf32, #tpu.memory_space<vmem>> -> memref<32x1024xf32, #tpu.memory_space<vmem>>
    tpu.enqueue_dma source(%dma_start3A_1508 : memref<32x1024xf32, #tpu.memory_space<vmem>>) target(%dma_start3A_1502 : memref<32x1024xf32, #tpu.memory_space<hbm>>) target_semaphore(%dma_start3A_1499 : memref<!tpu.dma_semaphore, #tpu.memory_space<semaphore_mem>>)
    %add3A_1509 = arith.constant 240 : i32
    %add3A_1510 = arith.addi %mul3A_32, %add3A_1509 : i32
    %dma_wait3A_1511 = arith.constant 1 : i32
    %dma_wait3A_1512 = arith.constant 0 : i32
    %dma_wait3A_1513 = arith.constant 1 : i32
    %dma_wait3A_1514 = arith.constant 0 : i32
    %dma_wait3A_1515 = arith.constant 0 : i32
    %dma_wait3A_1516 = tpu.memref_slice %arg7[%dma_wait3A_1511, %dma_wait3A_1514, %dma_wait3A_1512, %dma_wait3A_1515] : memref<2x16x2x1024xf32, #tpu.memory_space<vmem>> -> memref<1x16x1x1024xf32, #tpu.memory_space<vmem>>
    %dma_wait3A_1517 = tpu.memref_squeeze %dma_wait3A_1516 : memref<1x16x1x1024xf32, #tpu.memory_space<vmem>> -> memref<16x1024xf32, #tpu.memory_space<vmem>>
    %dma_wait3A_1518 = arith.constant 0 : i32
    %dma_wait3A_1519 = tpu.memref_slice %arg2[%select_n3A, %add3A_1510, %dma_wait3A_1518] : memref<16x512x1024xf32, #tpu.memory_space<hbm>> -> memref<1x16x1024xf32, #tpu.memory_space<hbm>>
    %dma_wait3A_1520 = tpu.memref_squeeze %dma_wait3A_1519 : memref<1x16x1024xf32, #tpu.memory_space<hbm>> -> memref<16x1024xf32, #tpu.memory_space<hbm>>
    %dma_wait3A_1521 = tpu.memref_slice %arg9[%dma_wait3A_1513] : memref<2x!tpu.dma_semaphore, #tpu.memory_space<semaphore_mem>> -> memref<1x!tpu.dma_semaphore, #tpu.memory_space<semaphore_mem>>
    %dma_wait3A_1522 = tpu.memref_squeeze %dma_wait3A_1521 : memref<1x!tpu.dma_semaphore, #tpu.memory_space<semaphore_mem>> -> memref<!tpu.dma_semaphore, #tpu.memory_space<semaphore_mem>>
    %dma_wait3A_1523 = arith.constant 0 : i32
    %dma_wait3A_1524 = arith.constant 0 : i32
    %dma_wait3A_1525 = tpu.memref_slice %arg7[%dma_wait3A_1511, %dma_wait3A_1523, %dma_wait3A_1512, %dma_wait3A_1524] : memref<2x16x2x1024xf32, #tpu.memory_space<vmem>> -> memref<1x16x1x1024xf32, #tpu.memory_space<vmem>>
    %dma_wait3A_1526 = tpu.memref_squeeze %dma_wait3A_1525 : memref<1x16x1x1024xf32, #tpu.memory_space<vmem>> -> memref<16x1024xf32, #tpu.memory_space<vmem>>
    %dma_wait3A_1527 = arith.constant 0 : i32
    %dma_wait3A_1528 = tpu.memref_slice %arg2[%select_n3A, %add3A_1510, %dma_wait3A_1527] : memref<16x512x1024xf32, #tpu.memory_space<hbm>> -> memref<1x16x1024xf32, #tpu.memory_space<hbm>>
    %dma_wait3A_1529 = tpu.memref_squeeze %dma_wait3A_1528 : memref<1x16x1024xf32, #tpu.memory_space<hbm>> -> memref<16x1024xf32, #tpu.memory_space<hbm>>
    tpu.wait_dma2 semaphore(%dma_wait3A_1522 : memref<!tpu.dma_semaphore, #tpu.memory_space<semaphore_mem>>) src(%dma_wait3A_1529 : memref<16x1024xf32, #tpu.memory_space<hbm>>) dst(%dma_wait3A_1526 : memref<16x1024xf32, #tpu.memory_space<vmem>>)
    %add3A_1530 = arith.constant 240 : i32
    %add3A_1531 = arith.addi %mul3A_32, %add3A_1530 : i32
    %mul3A_1532 = arith.constant 2 : i32
    %mul3A_1533 = arith.muli %mul3A_1532, %add3A_1531 : i32
    %dma_start3A_1534 = arith.constant 1 : i32
    %dma_start3A_1535 = arith.constant 1 : i32
    %dma_start3A_1536 = arith.constant 0 : i32
    %dma_start3A_1537 = arith.constant 0 : i32
    %dma_start3A_1538 = arith.constant 0 : i32
    %dma_start3A_1539 = tpu.memref_slice %arg7[%dma_start3A_1534, %dma_start3A_1536, %dma_start3A_1537, %dma_start3A_1538] : memref<2x16x2x1024xf32, #tpu.memory_space<vmem>> -> memref<1x16x2x1024xf32, #tpu.memory_space<vmem>>
    %dma_start3A_1540 = tpu.memref_squeeze %dma_start3A_1539 : memref<1x16x2x1024xf32, #tpu.memory_space<vmem>> -> memref<16x2x1024xf32, #tpu.memory_space<vmem>>
    %dma_start3A_1541 = tpu.memref_reshape %dma_start3A_1540 : memref<16x2x1024xf32, #tpu.memory_space<vmem>> -> memref<32x1024xf32, #tpu.memory_space<vmem>>
    %dma_start3A_1542 = arith.constant 0 : i32
    %dma_start3A_1543 = tpu.memref_slice %arg5[%select_n3A, %mul3A_1533, %dma_start3A_1542] : memref<16x1024x1024xf32, #tpu.memory_space<hbm>> -> memref<1x32x1024xf32, #tpu.memory_space<hbm>>
    %dma_start3A_1544 = tpu.memref_squeeze %dma_start3A_1543 : memref<1x32x1024xf32, #tpu.memory_space<hbm>> -> memref<32x1024xf32, #tpu.memory_space<hbm>>
    %dma_start3A_1545 = tpu.memref_slice %arg10[%dma_start3A_1535] : memref<2x!tpu.dma_semaphore, #tpu.memory_space<semaphore_mem>> -> memref<1x!tpu.dma_semaphore, #tpu.memory_space<semaphore_mem>>
    %dma_start3A_1546 = tpu.memref_squeeze %dma_start3A_1545 : memref<1x!tpu.dma_semaphore, #tpu.memory_space<semaphore_mem>> -> memref<!tpu.dma_semaphore, #tpu.memory_space<semaphore_mem>>
    %dma_start3A_1547 = arith.constant 0 : i32
    %dma_start3A_1548 = tpu.memref_slice %arg5[%select_n3A, %mul3A_1533, %dma_start3A_1547] : memref<16x1024x1024xf32, #tpu.memory_space<hbm>> -> memref<1x32x1024xf32, #tpu.memory_space<hbm>>
    %dma_start3A_1549 = tpu.memref_squeeze %dma_start3A_1548 : memref<1x32x1024xf32, #tpu.memory_space<hbm>> -> memref<32x1024xf32, #tpu.memory_space<hbm>>
    %dma_start3A_1550 = arith.constant 0 : i32
    %dma_start3A_1551 = arith.constant 0 : i32
    %dma_start3A_1552 = arith.constant 0 : i32
    %dma_start3A_1553 = tpu.memref_slice %arg7[%dma_start3A_1534, %dma_start3A_1550, %dma_start3A_1551, %dma_start3A_1552] : memref<2x16x2x1024xf32, #tpu.memory_space<vmem>> -> memref<1x16x2x1024xf32, #tpu.memory_space<vmem>>
    %dma_start3A_1554 = tpu.memref_squeeze %dma_start3A_1553 : memref<1x16x2x1024xf32, #tpu.memory_space<vmem>> -> memref<16x2x1024xf32, #tpu.memory_space<vmem>>
    %dma_start3A_1555 = tpu.memref_reshape %dma_start3A_1554 : memref<16x2x1024xf32, #tpu.memory_space<vmem>> -> memref<32x1024xf32, #tpu.memory_space<vmem>>
    tpu.enqueue_dma source(%dma_start3A_1555 : memref<32x1024xf32, #tpu.memory_space<vmem>>) target(%dma_start3A_1549 : memref<32x1024xf32, #tpu.memory_space<hbm>>) target_semaphore(%dma_start3A_1546 : memref<!tpu.dma_semaphore, #tpu.memory_space<semaphore_mem>>)
    %add3A_1556 = arith.constant 224 : i32
    %add3A_1557 = arith.addi %mul3A_32, %add3A_1556 : i32
    %mul3A_1558 = arith.constant 2 : i32
    %mul3A_1559 = arith.muli %mul3A_1558, %add3A_1557 : i32
    %dma_wait3A_1560 = arith.constant 0 : i32
    %dma_wait3A_1561 = arith.constant 0 : i32
    %dma_wait3A_1562 = arith.constant 0 : i32
    %dma_wait3A_1563 = arith.constant 0 : i32
    %dma_wait3A_1564 = arith.constant 0 : i32
    %dma_wait3A_1565 = tpu.memref_slice %arg7[%dma_wait3A_1560, %dma_wait3A_1562, %dma_wait3A_1563, %dma_wait3A_1564] : memref<2x16x2x1024xf32, #tpu.memory_space<vmem>> -> memref<1x16x2x1024xf32, #tpu.memory_space<vmem>>
    %dma_wait3A_1566 = tpu.memref_squeeze %dma_wait3A_1565 : memref<1x16x2x1024xf32, #tpu.memory_space<vmem>> -> memref<16x2x1024xf32, #tpu.memory_space<vmem>>
    %dma_wait3A_1567 = tpu.memref_reshape %dma_wait3A_1566 : memref<16x2x1024xf32, #tpu.memory_space<vmem>> -> memref<32x1024xf32, #tpu.memory_space<vmem>>
    %dma_wait3A_1568 = arith.constant 0 : i32
    %dma_wait3A_1569 = tpu.memref_slice %arg5[%select_n3A, %mul3A_1559, %dma_wait3A_1568] : memref<16x1024x1024xf32, #tpu.memory_space<hbm>> -> memref<1x32x1024xf32, #tpu.memory_space<hbm>>
    %dma_wait3A_1570 = tpu.memref_squeeze %dma_wait3A_1569 : memref<1x32x1024xf32, #tpu.memory_space<hbm>> -> memref<32x1024xf32, #tpu.memory_space<hbm>>
    %dma_wait3A_1571 = tpu.memref_slice %arg10[%dma_wait3A_1561] : memref<2x!tpu.dma_semaphore, #tpu.memory_space<semaphore_mem>> -> memref<1x!tpu.dma_semaphore, #tpu.memory_space<semaphore_mem>>
    %dma_wait3A_1572 = tpu.memref_squeeze %dma_wait3A_1571 : memref<1x!tpu.dma_semaphore, #tpu.memory_space<semaphore_mem>> -> memref<!tpu.dma_semaphore, #tpu.memory_space<semaphore_mem>>
    %dma_wait3A_1573 = arith.constant 0 : i32
    %dma_wait3A_1574 = tpu.memref_slice %arg5[%select_n3A, %mul3A_1559, %dma_wait3A_1573] : memref<16x1024x1024xf32, #tpu.memory_space<hbm>> -> memref<1x32x1024xf32, #tpu.memory_space<hbm>>
    %dma_wait3A_1575 = tpu.memref_squeeze %dma_wait3A_1574 : memref<1x32x1024xf32, #tpu.memory_space<hbm>> -> memref<32x1024xf32, #tpu.memory_space<hbm>>
    %dma_wait3A_1576 = arith.constant 0 : i32
    %dma_wait3A_1577 = arith.constant 0 : i32
    %dma_wait3A_1578 = arith.constant 0 : i32
    %dma_wait3A_1579 = tpu.memref_slice %arg7[%dma_wait3A_1560, %dma_wait3A_1576, %dma_wait3A_1577, %dma_wait3A_1578] : memref<2x16x2x1024xf32, #tpu.memory_space<vmem>> -> memref<1x16x2x1024xf32, #tpu.memory_space<vmem>>
    %dma_wait3A_1580 = tpu.memref_squeeze %dma_wait3A_1579 : memref<1x16x2x1024xf32, #tpu.memory_space<vmem>> -> memref<16x2x1024xf32, #tpu.memory_space<vmem>>
    %dma_wait3A_1581 = tpu.memref_reshape %dma_wait3A_1580 : memref<16x2x1024xf32, #tpu.memory_space<vmem>> -> memref<32x1024xf32, #tpu.memory_space<vmem>>
    tpu.wait_dma2 semaphore(%dma_wait3A_1572 : memref<!tpu.dma_semaphore, #tpu.memory_space<semaphore_mem>>) src(%dma_wait3A_1581 : memref<32x1024xf32, #tpu.memory_space<vmem>>) dst(%dma_wait3A_1575 : memref<32x1024xf32, #tpu.memory_space<hbm>>)
    %add3A_1582 = arith.constant 240 : i32
    %add3A_1583 = arith.addi %mul3A_32, %add3A_1582 : i32
    %mul3A_1584 = arith.constant 2 : i32
    %mul3A_1585 = arith.muli %mul3A_1584, %add3A_1583 : i32
    %dma_wait3A_1586 = arith.constant 1 : i32
    %dma_wait3A_1587 = arith.constant 1 : i32
    %dma_wait3A_1588 = arith.constant 0 : i32
    %dma_wait3A_1589 = arith.constant 0 : i32
    %dma_wait3A_1590 = arith.constant 0 : i32
    %dma_wait3A_1591 = tpu.memref_slice %arg7[%dma_wait3A_1586, %dma_wait3A_1588, %dma_wait3A_1589, %dma_wait3A_1590] : memref<2x16x2x1024xf32, #tpu.memory_space<vmem>> -> memref<1x16x2x1024xf32, #tpu.memory_space<vmem>>
    %dma_wait3A_1592 = tpu.memref_squeeze %dma_wait3A_1591 : memref<1x16x2x1024xf32, #tpu.memory_space<vmem>> -> memref<16x2x1024xf32, #tpu.memory_space<vmem>>
    %dma_wait3A_1593 = tpu.memref_reshape %dma_wait3A_1592 : memref<16x2x1024xf32, #tpu.memory_space<vmem>> -> memref<32x1024xf32, #tpu.memory_space<vmem>>
    %dma_wait3A_1594 = arith.constant 0 : i32
    %dma_wait3A_1595 = tpu.memref_slice %arg5[%select_n3A, %mul3A_1585, %dma_wait3A_1594] : memref<16x1024x1024xf32, #tpu.memory_space<hbm>> -> memref<1x32x1024xf32, #tpu.memory_space<hbm>>
    %dma_wait3A_1596 = tpu.memref_squeeze %dma_wait3A_1595 : memref<1x32x1024xf32, #tpu.memory_space<hbm>> -> memref<32x1024xf32, #tpu.memory_space<hbm>>
    %dma_wait3A_1597 = tpu.memref_slice %arg10[%dma_wait3A_1587] : memref<2x!tpu.dma_semaphore, #tpu.memory_space<semaphore_mem>> -> memref<1x!tpu.dma_semaphore, #tpu.memory_space<semaphore_mem>>
    %dma_wait3A_1598 = tpu.memref_squeeze %dma_wait3A_1597 : memref<1x!tpu.dma_semaphore, #tpu.memory_space<semaphore_mem>> -> memref<!tpu.dma_semaphore, #tpu.memory_space<semaphore_mem>>
    %dma_wait3A_1599 = arith.constant 0 : i32
    %dma_wait3A_1600 = tpu.memref_slice %arg5[%select_n3A, %mul3A_1585, %dma_wait3A_1599] : memref<16x1024x1024xf32, #tpu.memory_space<hbm>> -> memref<1x32x1024xf32, #tpu.memory_space<hbm>>
    %dma_wait3A_1601 = tpu.memref_squeeze %dma_wait3A_1600 : memref<1x32x1024xf32, #tpu.memory_space<hbm>> -> memref<32x1024xf32, #tpu.memory_space<hbm>>
    %dma_wait3A_1602 = arith.constant 0 : i32
    %dma_wait3A_1603 = arith.constant 0 : i32
    %dma_wait3A_1604 = arith.constant 0 : i32
    %dma_wait3A_1605 = tpu.memref_slice %arg7[%dma_wait3A_1586, %dma_wait3A_1602, %dma_wait3A_1603, %dma_wait3A_1604] : memref<2x16x2x1024xf32, #tpu.memory_space<vmem>> -> memref<1x16x2x1024xf32, #tpu.memory_space<vmem>>
    %dma_wait3A_1606 = tpu.memref_squeeze %dma_wait3A_1605 : memref<1x16x2x1024xf32, #tpu.memory_space<vmem>> -> memref<16x2x1024xf32, #tpu.memory_space<vmem>>
    %dma_wait3A_1607 = tpu.memref_reshape %dma_wait3A_1606 : memref<16x2x1024xf32, #tpu.memory_space<vmem>> -> memref<32x1024xf32, #tpu.memory_space<vmem>>
    tpu.wait_dma2 semaphore(%dma_wait3A_1598 : memref<!tpu.dma_semaphore, #tpu.memory_space<semaphore_mem>>) src(%dma_wait3A_1607 : memref<32x1024xf32, #tpu.memory_space<vmem>>) dst(%dma_wait3A_1601 : memref<32x1024xf32, #tpu.memory_space<hbm>>)
    %eq3A_1608 = arith.constant 16 : i32
    %eq3A_1609 = arith.cmpi eq, %add3A, %eq3A_1608 : i32
    %convert_element_type3A = arith.extui %eq3A_1609 : i1 to i32
    %cond3A = arith.constant 0 : i32
    %cond3A_1610 = arith.cmpi ne, %convert_element_type3A, %cond3A : i32
    scf.if %cond3A_1610 {
      "tpu.region"() ({
        %run_scoped3A = tpu.sem_alloc : memref<!tpu.dma_semaphore, #tpu.memory_space<semaphore_mem>>
        tpu.enqueue_dma source(%arg4 : memref<16xi32, #tpu.memory_space<hbm>>) target(%arg8 : memref<16xi32, #tpu.memory_space<vmem>>) target_semaphore(%run_scoped3A : memref<!tpu.dma_semaphore, #tpu.memory_space<semaphore_mem>>)
        tpu.wait_dma2 semaphore(%run_scoped3A : memref<!tpu.dma_semaphore, #tpu.memory_space<semaphore_mem>>) src(%arg4 : memref<16xi32, #tpu.memory_space<hbm>>) dst(%arg8 : memref<16xi32, #tpu.memory_space<vmem>>)
        tpu.yield
      }) : () -> ()
      %get3A = arith.constant 0 : index
      %get3A_1611 = tpu.vector_load %arg8[%get3A] {strides = array<i32>} : memref<16xi32, #tpu.memory_space<vmem>>, vector<16xi32>,
      %get3A_1612 = vector.shape_cast %get3A_1611 : vector<16xi32> to vector<16xi32>
      %mul3A_1613 = arith.constant 2 : i32
      %mul3A_1614 = vector.broadcast %mul3A_1613 : i32 to vector<16xi32>
      %mul3A_1615 = arith.muli %get3A_1612, %mul3A_1614 : vector<16xi32>
      %swap3A = arith.constant 0 : index
      %swap3A_1616 = tpu.vector_load %arg8[%swap3A] {strides = array<i32>} : memref<16xi32, #tpu.memory_space<vmem>>, vector<16xi32>,
      %swap3A_1617 = vector.shape_cast %swap3A_1616 : vector<16xi32> to vector<16xi32>
      %swap3A_1618 = vector.shape_cast %mul3A_1615 : vector<16xi32> to vector<16xi32>
      tpu.vector_store %arg8[%swap3A], %swap3A_1618 {strides = array<i32>} : memref<16xi32, #tpu.memory_space<vmem>>, vector<16xi32>,
      "tpu.region"() ({
        %run_scoped3A = tpu.sem_alloc : memref<!tpu.dma_semaphore, #tpu.memory_space<semaphore_mem>>
        tpu.enqueue_dma source(%arg8 : memref<16xi32, #tpu.memory_space<vmem>>) target(%arg6 : memref<16xi32, #tpu.memory_space<hbm>>) target_semaphore(%run_scoped3A : memref<!tpu.dma_semaphore, #tpu.memory_space<semaphore_mem>>)
        tpu.wait_dma2 semaphore(%run_scoped3A : memref<!tpu.dma_semaphore, #tpu.memory_space<semaphore_mem>>) src(%arg8 : memref<16xi32, #tpu.memory_space<vmem>>) dst(%arg6 : memref<16xi32, #tpu.memory_space<hbm>>)
        tpu.yield
      }) : () -> ()
    } else {
    }
    return
  }
}

module attributes {stable_mosaic.version = 14 : i64} {
  func.func @_mask_body(%arg0: i32, %arg1: memref<32x1xi32, #tpu.memory_space<vmem>>, %arg2: memref<16x512xf32, #tpu.memory_space<vmem>>, %arg3: memref<32x1024xi8, #tpu.memory_space<vmem>>, %arg4: memref<16x1024xf32, #tpu.memory_space<vmem>>) attributes {dimension_semantics = [#tpu.dimension_semantics<arbitrary>], iteration_bounds = array<i64: 32>, scalar_prefetch = 0 : i64, scratch_operands = 0 : i64, tpu.core_type = #tpu.core_type<tc>, window_params = [{transform_indices = @transform_0, window_bounds = array<i64: 32, 1>}, {pipeline_mode = #tpu.pipeline_mode<synchronous>, transform_indices = @transform_1, window_bounds = array<i64: 16, 512>}, {transform_indices = @transform_2, window_bounds = array<i64: 32, 1024>}, {pipeline_mode = #tpu.pipeline_mode<synchronous>, transform_indices = @transform_3, window_bounds = array<i64: 16, 1024>}]} {
    %mul3A = arith.constant 32 : i32
    %mul3A_0 = arith.muli %arg0, %mul3A : i32
    %iota3A = tpu.iota {dimensions = array<i32: 0>} : vector<32x1024xi32>
    %add3A = vector.broadcast %mul3A_0 : i32 to vector<32x1024xi32>
    %add3A_1 = arith.addi %add3A, %iota3A : vector<32x1024xi32>
    %iota3A_2 = tpu.iota {dimensions = array<i32: 1>} : vector<32x1024xi32>
    %get3A = arith.constant 0 : index
    %get3A_3 = arith.constant 0 : index
    %get3A_4 = vector.load %arg1[%get3A, %get3A_3] : memref<32x1xi32, #tpu.memory_space<vmem>>, vector<32x1xi32>
    %mul3A_5 = arith.constant 2 : i32
    %mul3A_6 = vector.broadcast %mul3A_5 : i32 to vector<32x1xi32>
    %mul3A_7 = arith.muli %get3A_4, %mul3A_6 : vector<32x1xi32>
    %sub3A = arith.constant 1 : i32
    %sub3A_8 = vector.broadcast %sub3A : i32 to vector<32x1xi32>
    %sub3A_9 = arith.subi %mul3A_7, %sub3A_8 : vector<32x1xi32>
    %max3A = arith.constant 0 : i32
    %max3A_10 = vector.broadcast %max3A : i32 to vector<32x1xi32>
    %max3A_11 = arith.maxsi %sub3A_9, %max3A_10 : vector<32x1xi32>
    %and3A = arith.constant 1 : i32
    %and3A_12 = vector.broadcast %and3A : i32 to vector<32x1024xi32>
    %and3A_13 = arith.andi %add3A_1, %and3A_12 : vector<32x1024xi32>
    %sub3A_14 = arith.constant 1 : i32
    %sub3A_15 = vector.broadcast %sub3A_14 : i32 to vector<32x1024xi32>
    %sub3A_16 = arith.subi %sub3A_15, %and3A_13 : vector<32x1024xi32>
    %and3A_17 = arith.constant 1 : i32
    %and3A_18 = vector.broadcast %and3A_17 : i32 to vector<32x1024xi32>
    %and3A_19 = arith.andi %iota3A_2, %and3A_18 : vector<32x1024xi32>
    %sub3A_20 = vector.broadcast %mul3A_7 : vector<32x1xi32> to vector<32x1024xi32>
    %sub3A_21 = arith.subi %iota3A_2, %sub3A_20 : vector<32x1024xi32>
    %shift_right_arithmetic3A = arith.constant 31 : i32
    %shift_right_arithmetic3A_22 = vector.broadcast %shift_right_arithmetic3A : i32 to vector<32x1024xi32>
    %shift_right_arithmetic3A_23 = arith.shrsi %sub3A_21, %shift_right_arithmetic3A_22 : vector<32x1024xi32>
    %and3A_24 = arith.constant 1 : i32
    %and3A_25 = vector.broadcast %and3A_24 : i32 to vector<32x1024xi32>
    %and3A_26 = arith.andi %shift_right_arithmetic3A_23, %and3A_25 : vector<32x1024xi32>
    %or3A = arith.ori %and3A_26, %and3A_19 : vector<32x1024xi32>
    %sub3A_27 = vector.broadcast %max3A_11 : vector<32x1xi32> to vector<32x1024xi32>
    %sub3A_28 = arith.subi %iota3A_2, %sub3A_27 : vector<32x1024xi32>
    %neg3A = arith.constant 0 : i32
    %neg3A_29 = vector.broadcast %neg3A : i32 to vector<32x1024xi32>
    %neg3A_30 = arith.subi %neg3A_29, %sub3A_28 : vector<32x1024xi32>
    %or3A_31 = arith.ori %sub3A_28, %neg3A_30 : vector<32x1024xi32>
    %shift_right_arithmetic3A_32 = arith.constant 31 : i32
    %shift_right_arithmetic3A_33 = vector.broadcast %shift_right_arithmetic3A_32 : i32 to vector<32x1024xi32>
    %shift_right_arithmetic3A_34 = arith.shrsi %or3A_31, %shift_right_arithmetic3A_33 : vector<32x1024xi32>
    %and3A_35 = arith.constant 1 : i32
    %and3A_36 = vector.broadcast %and3A_35 : i32 to vector<32x1024xi32>
    %and3A_37 = arith.andi %shift_right_arithmetic3A_34, %and3A_36 : vector<32x1024xi32>
    %and3A_38 = arith.andi %or3A, %and3A_37 : vector<32x1024xi32>
    %sub3A_39 = arith.subi %iota3A_2, %add3A_1 : vector<32x1024xi32>
    %neg3A_40 = arith.constant 0 : i32
    %neg3A_41 = vector.broadcast %neg3A_40 : i32 to vector<32x1024xi32>
    %neg3A_42 = arith.subi %neg3A_41, %sub3A_39 : vector<32x1024xi32>
    %or3A_43 = arith.ori %sub3A_39, %neg3A_42 : vector<32x1024xi32>
    %shift_right_arithmetic3A_44 = arith.constant 31 : i32
    %shift_right_arithmetic3A_45 = vector.broadcast %shift_right_arithmetic3A_44 : i32 to vector<32x1024xi32>
    %shift_right_arithmetic3A_46 = arith.shrsi %or3A_43, %shift_right_arithmetic3A_45 : vector<32x1024xi32>
    %and3A_47 = arith.constant 1 : i32
    %and3A_48 = vector.broadcast %and3A_47 : i32 to vector<32x1024xi32>
    %and3A_49 = arith.andi %shift_right_arithmetic3A_46, %and3A_48 : vector<32x1024xi32>
    %and3A_50 = arith.andi %and3A_19, %and3A_49 : vector<32x1024xi32>
    %mul3A_51 = arith.muli %sub3A_16, %and3A_38 : vector<32x1024xi32>
    %sub3A_52 = arith.constant 1 : i32
    %sub3A_53 = vector.broadcast %sub3A_52 : i32 to vector<32x1024xi32>
    %sub3A_54 = arith.subi %sub3A_53, %sub3A_16 : vector<32x1024xi32>
    %mul3A_55 = arith.muli %sub3A_54, %and3A_50 : vector<32x1024xi32>
    %add3A_56 = arith.addi %mul3A_51, %mul3A_55 : vector<32x1024xi32>
    %convert_element_type3A = arith.trunci %add3A_56 : vector<32x1024xi32> to vector<32x1024xi8>
    %swap3A = arith.constant 0 : index
    %swap3A_57 = arith.constant 0 : index
    %swap3A_58 = vector.load %arg3[%swap3A, %swap3A_57] : memref<32x1024xi8, #tpu.memory_space<vmem>>, vector<32x1024xi8>
    tpu.vector_store %arg3[%swap3A, %swap3A_57], %convert_element_type3A {strides = array<i32>} : memref<32x1024xi8, #tpu.memory_space<vmem>>, vector<32x1024xi8>,
    %eq3A = arith.constant 0 : i32
    %eq3A_59 = arith.cmpi eq, %arg0, %eq3A : i32
    %convert_element_type3A_60 = arith.extui %eq3A_59 : i1 to i32
    %cond3A = arith.constant 0 : i32
    %cond3A_61 = arith.cmpi ne, %convert_element_type3A_60, %cond3A : i32
    scf.if %cond3A_61 {
      %get3A_62 = arith.constant 0 : index
      %get3A_63 = arith.constant 0 : index
      %get3A_64 = vector.load %arg2[%get3A_62, %get3A_63] : memref<16x512xf32, #tpu.memory_space<vmem>>, vector<16x512xf32>
      %stack3A = vector.shape_cast %get3A_64 : vector<16x512xf32> to vector<16x512x1xf32>
      %stack3A_65 = vector.shape_cast %get3A_64 : vector<16x512xf32> to vector<16x512x1xf32>
      %stack3A_66 = tpu.concatenate %stack3A, %stack3A_65 in 2 : vector<16x512x1xf32>, vector<16x512x1xf32> -> vector<16x512x2xf32>
      %reshape3A = vector.shape_cast %stack3A_66 : vector<16x512x2xf32> to vector<16x1024xf32>
      %swap3A_67 = arith.constant 0 : index
      %swap3A_68 = arith.constant 0 : index
      %swap3A_69 = vector.load %arg4[%swap3A_67, %swap3A_68] : memref<16x1024xf32, #tpu.memory_space<vmem>>, vector<16x1024xf32>
      tpu.vector_store %arg4[%swap3A_67, %swap3A_68], %reshape3A {strides = array<i32>} : memref<16x1024xf32, #tpu.memory_space<vmem>>, vector<16x1024xf32>,
    } else {
    }
    return
  }
  func.func @transform_0(%arg0: i32) -> (i32, i32) {
    %c0_i32 = arith.constant 0 : i32
    %c0_i32_0 = arith.constant 0 : i32
    return %arg0, %c0_i32 : i32, i32
  }
  func.func @transform_1(%arg0: i32) -> (i32, i32) {
    %c0_i32 = arith.constant 0 : i32
    %c0_i32_0 = arith.constant 0 : i32
    %c0_i32_1 = arith.constant 0 : i32
    return %c0_i32, %c0_i32_0 : i32, i32
  }
  func.func @transform_2(%arg0: i32) -> (i32, i32) {
    %c0_i32 = arith.constant 0 : i32
    %c0_i32_0 = arith.constant 0 : i32
    return %arg0, %c0_i32 : i32, i32
  }
  func.func @transform_3(%arg0: i32) -> (i32, i32) {
    %c0_i32 = arith.constant 0 : i32
    %c0_i32_0 = arith.constant 0 : i32
    %c0_i32_1 = arith.constant 0 : i32
    return %c0_i32, %c0_i32_0 : i32, i32
  }
}

</mosaic_0001>

<sc_bundles>
// kernel: kernel.4.cloned.1.call-start
scs
__scs_entry_jumppad:
0x0: {  	(pc) =	sbr.rel $0x88, $3  }
0x1: {  	(tag) =	ssettag $0x0;
	lr =	simm.s32 $0x1  }
0x2: {  	[smem:$0x3F9D] =	sst lr;
	_ =	strace $0xD0000000  }
0x3: {  	_ = 	snop  }
0x4: {  	_ = 	snop  }
0x5: {  	_ = 	snop  }
0x6: {  	_ = 	snop  }
0x7: {  	_ = 	snop  }
__scs_overlays_trampoline_lowered:
0x8: {  	[smem:$0x3FAC] =	sst s0  }
0x9: {  	[smem:$0x3FAD] =	sst s1  }
0xa: {  	[smem:$0x3FAE] =	sst s2  }
0xb: {  	[smem:$0x3FAF] =	sst s3  }
0xc: {  	[smem:$0x3FB0] =	sst s4  }
0xd: {  	[smem:$0x3FB1] =	sst s5  }
0xe: {  	[smem:$0x3FB2] =	sst s6  }
0xf: {  	[smem:$0x3FB3] =	sst s7  }
0x10: {  	[smem:$0x3FB4] =	sst s8  }
0x11: {  	[smem:$0x3FB5] =	sst s9;
	s0 =	simm.s32 @!p0 $0x0  }
0x12: {  	s1 =	sld [smem:$0x3F9B];
	s0 =	simm.s32 @p0 $0x1  }
0x13: {  	[smem:$0x3FB6] =	sst s0;
	s0 =	simm.s32 @!p1 $0x0  }
0x14: {  	s2 =	sld [smem:$0x3F9A];
	s0 =	simm.s32 @p1 $0x1  }
0x15: {  	[smem:$0x3FB7] =	sst s0;
	s0 =	simm.s32 @!p2 $0x0  }
0x16: {  	s3 =	sld [smem:$0x3FDB];
	s0 =	simm.s32 @p2 $0x1  }
0x17: {  	s4 =	simm.s32 $0x1BF5;
	[smem:$0x3FB9] =	sst s0  }
0x18: {  	s0 =	sld [smem:$0x3F9C];
	_ =	swait.ge [sflag:s4], $0x0  }
0x19: {  	s7 =	sld [smem:$0x3F9D]  }
0x1a: {  	s8 =	sadd.s32 $0xFFFFE003, lr  }
0x1b: {  	s9 =	sadd.s32 $0xFFFFFEF7, lr;
	s5 =	simm.s32 $0xFFFFFFFF;
	p2 =	slt.u32 s8, $0xFFFFF086  }
0x1c: {  	p1 =	slt.u32 s9, $0xF7A;
	s5 =	simm.s32 @!p2 $0x0  }
0x1d: {  	s5 =	simm.s32 @p1 $0x1;
	p0 =	seq.s32 s7, s2  }
0x1e: {  	s7 =	smul.u32 @!p0 $0xF7A, s2;
	p2 =	seq.s32 @!p0 s5, $0x0  }
0x1f: {  	s9 =	smul.u32 $0xF7A, s1;
	s8 =	simm.s32 @!p0 $0x1BF5;
	p2 =	por !p2, p0  }
0x20: {  	[sflag:s8] =	ssyncset.s32 @!p0 $0xFFFFF086;
	s6 =	sadd.s32 @!p0 s3, s7;
	s7 =	simm.s32 @!p0 $0x108  }
0x21: {  	s3 =	sadd.s32 s3, s9;
	s6 =	sadd.s32 @!p0 $0x88, s6;
	s7 =	simm.s32 @p2 $0x1082  }
0x22: {  	[simem:s7], [sflag:s8] =	dma.local @!p0 [hbm:s6], $0xF7A  }
0x23: {  	s9 =	sor.u32 $0xD0000000, s2;
	s6 =	simm.s32 $0x108;
	_ =	swait.ge @!p0 [sflag:s8], $0x0  }
0x24: {  	s3 =	sadd.s32 $0x88, s3;
	s6 =	simm.s32 @!p1 $0x1082;
	[sflag:s4] =	ssyncset.s32 $0xFFFFF086  }
0x25: {  	[simem:s6], [sflag:s4] =	dma.local [hbm:s3], $0xF7A  }
0x26: {  	[smem:$0x3F9D] =	sst s1;
	(tag) =	ssettag s2;
	_ =	strace s9  }
0x27: {  	s1 =	sld [smem:$0x3FAD]  }
0x28: {  	s2 =	sld [smem:$0x3FAE]  }
0x29: {  	s4 =	sld [smem:$0x3FB0]  }
0x2a: {  	p0 =	seq.s32 s5, $0x0;
	s5 =	sld [smem:$0x3FB1]  }
0x2b: {  	s6 =	sld [smem:$0x3FB2]  }
0x2c: {  	s7 =	sld [smem:$0x3FB3]  }
0x2d: {  	s3 =	simm.s32 $0x108;
	s8 =	sld [smem:$0x3FB4]  }
0x2e: {  	s3 =	simm.s32 @!p0 $0x1082;
	s9 =	sld [smem:$0x3FB5]  }
0x2f: {  	lr =	sadd.s32 s0, s3;
	s0 =	sld [smem:$0x3FAC]  }
0x30: {  	s3 =	sld [smem:$0x3FAF]  }
0x31: {  	[smem:$0x3FB8] =	sst s10  }
0x32: {  	s10 =	sld [smem:$0x3FB6];
	_ =	sdelay $0x3  }
0x33: {  	p0 =	seq.s32 s10, $0x1;
	s10 =	sld [smem:$0x3FB8];
	_ =	sdelay $0x3  }
0x34: {  	[smem:$0x3FB8] =	sst s10  }
0x35: {  	s10 =	sld [smem:$0x3FB7];
	_ =	sdelay $0x3  }
0x36: {  	p1 =	seq.s32 s10, $0x1;
	s10 =	sld [smem:$0x3FB8];
	_ =	sdelay $0x3  }
0x37: {  	[smem:$0x3FB8] =	sst s10  }
0x38: {  	s10 =	sld [smem:$0x3FB9]  }
0x39: {  	_ = 	snop;
	(pc) =	sbr.ind lr, $3  }
0x3a: {  	_ = 	snop  }
0x3b: {  	_ = 	snop  }
0x3c: {  	p2 =	seq.s32 s10, $0x1;
	s10 =	sld [smem:$0x3FB8]  }
0x3d: {  	_ =	shalt  }
0x3e: {  	_ =	shalt  }
0x3f: {  	_ =	shalt  }
0x40: {  	_ =	shalt  }
0x41: {  	_ =	shalt  }
0x42: {  	_ =	shalt  }
0x43: {  	_ =	shalt  }
0x44: {  	_ =	shalt  }
0x45: {  	_ =	shalt  }
0x46: {  	_ =	shalt  }
0x47: {  	_ =	shalt  }
0x48: {  	_ =	shalt  }
0x49: {  	_ =	shalt  }
0x4a: {  	_ =	shalt  }
0x4b: {  	_ =	shalt  }
0x4c: {  	_ =	shalt  }
0x4d: {  	_ =	shalt  }
0x4e: {  	_ =	shalt  }
0x4f: {  	_ =	shalt  }
0x50: {  	_ =	shalt  }
0x51: {  	_ =	shalt  }
0x52: {  	_ =	shalt  }
0x53: {  	_ =	shalt  }
0x54: {  	_ =	shalt  }
0x55: {  	_ =	shalt  }
0x56: {  	_ =	shalt  }
0x57: {  	_ =	shalt  }
0x58: {  	_ =	shalt  }
0x59: {  	_ =	shalt  }
0x5a: {  	_ =	shalt  }
0x5b: {  	_ =	shalt  }
0x5c: {  	_ =	shalt  }
0x5d: {  	_ =	shalt  }
0x5e: {  	_ =	shalt  }
0x5f: {  	_ =	shalt  }
0x60: {  	_ =	shalt  }
0x61: {  	_ =	shalt  }
0x62: {  	_ =	shalt  }
0x63: {  	_ =	shalt  }
0x64: {  	_ =	shalt  }
0x65: {  	_ =	shalt  }
0x66: {  	_ =	shalt  }
0x67: {  	_ =	shalt  }
0x68: {  	_ =	shalt  }
0x69: {  	_ =	shalt  }
0x6a: {  	_ =	shalt  }
0x6b: {  	_ =	shalt  }
0x6c: {  	_ =	shalt  }
0x6d: {  	_ =	shalt  }
0x6e: {  	_ =	shalt  }
0x6f: {  	_ =	shalt  }
0x70: {  	_ =	shalt  }
0x71: {  	_ =	shalt  }
0x72: {  	_ =	shalt  }
0x73: {  	_ =	shalt  }
0x74: {  	_ =	shalt  }
0x75: {  	_ =	shalt  }
0x76: {  	_ =	shalt  }
0x77: {  	_ =	shalt  }
0x78: {  	_ =	shalt  }
0x79: {  	_ =	shalt  }
0x7a: {  	_ =	shalt  }
0x7b: {  	_ =	shalt  }
0x7c: {  	_ =	shalt  }
0x7d: {  	_ =	shalt  }
0x7e: {  	_ =	shalt  }
0x7f: {  	_ =	shalt  }
0x80: {  	_ =	shalt  }
0x81: {  	_ =	shalt  }
0x82: {  	_ =	shalt  }
0x83: {  	_ =	shalt  }
0x84: {  	_ =	shalt  }
0x85: {  	_ =	shalt  }
0x86: {  	_ =	shalt  }
0x87: {  	_ =	shalt  }
.Lfunc_end0:
.L_simem_size_0:
called_computation_lowered:
.L_overlay_start_0:
0x88: {  	s2 =	sld [smem:$0x3FD9]  }
0x89: {  	s3 =	sld [smem:$0x3FFE];
	_ =	sdelay $0x1  }
0x8a: {  	s1 =	srdreg.scid  }
0x8b: {  	s0 =	sand.u32 $0x1, s1  }
0x8c: {  	s14 =	sshll.u32 s0, $0xA;
	s2 =	sadd.s32 s3, s2  }
0x8d: {  	s2 =	sadd.s32 s2, s14  }
0x8e: {  	[smem:$0x3FC4] =	sst s2  }
0x8f: {  	_ = 	snop  }
0x90: {  	s2 =	sld [smem:$0x3FD0];
	_ =	sdelay $0x1  }
0x91: {  	s15 =	sld [smem:$0x3FC9]  }
0x92: {  	s5 =	simm.s32 $0xA;
	s6 =	simm.s32 $0x10;
	s4 =	sld [smem:$0x3FC7]  }
0x93: {  	[smem:s6], [sflag:s5] =	dma.local [hbm:s2], $0x1  }
0x94: {  	_ =	swait.eq [sflag:s5], $0x1  }
0x95: {  	[sflag:s5] =	ssyncset.done $0x0  }
0x96: {  	s16 =	sld [smem:$0x10];
	[sflag:s5] =	ssyncadd.s32 $0xFFFFFFFF  }
0x97: {  	s17 =	sld [smem:$0x12];
	(tm) =	ssettm $0x1  }
0x98: {  	s18 =	sld [smem:$0x3FFB];
	_ =	sdelay $0x3  }
0x99: {  	_ =	strace s18  }
0x9a: {  	s6 =	sld [smem:$0x3FFC];
	_ =	sdelay $0x3  }
0x9b: {  	_ =	strace s6  }
0x9c: {  	s6 =	sld [smem:$0x3FFD];
	_ =	sdelay $0x3  }
0x9d: {  	_ =	strace s6  }
0x9e: {  	_ =	strace $0x8FFFFFFF  }
0x9f: {  	s19 =	sld [smem:$0x3FDB];
	_ =	sdelay $0x1  }
0xa0: {  	s7 =	simm.s32 $_scs_section_size  }
0xa1: {  	s8 =	simm.s32 $_size__tile_overlayer_lowered;
	s9 =	simm.s32 $_tile_overlayer_lowered  }
0xa2: {  	s22 =	simm.s32 $0x1BFF;
	s21 =	sshll.u32 s9, $0x1;
	s6 =	sadd.s32 s7, s19  }
0xa3: {  	s10 =	simm.s32 $0x0;
	s20 =	sshll.u32 s8, $0x1;
	s8 =	sadd.s32 s21, s6  }
0xa4: {  	[timem:s10], [sflag:s22] =	dma.local [hbm:s8], s20  }
0xa5: {  	_ =	swait.ge [sflag:s22], s20  }
0xa6: {  	s7 =	ssub.s32 $0x0, s20;
	[sflag:s22] =	ssyncset.done $0x0  }
0xa7: {  	[sflag:s22] =	ssyncadd.s32 s7;
	_ =	sdelay $0x1  }
0xa8: {  	s23 =	simm.s32 $0x1B8B  }
0xa9: {  	_ =	swait.ge [sflag:s23], $0x1  }
0xaa: {  	[sflag:s23] =	ssyncset.done $0x0  }
0xab: {  	s25 =	simm.s32 $0x1B8E;
	s24 =	sld [smem:$0x3FFE];
	[sflag:s23] =	ssyncadd.s32 $0xFFFFFFFF  }
0xac: {  	s26 =	simm.s32 $execute0_lowered;
	[smem:$0x3FD2] =	sst s25  }
0xad: {  	s8 =	sshll.u32 s26, $0x1;
	_ =	strace $0x80000046;
	[dreg:$0x1] =	wrdreg $0xFFFFFFFF  }
0xae: {  	s28 =	simm.s32 $_size_execute0_lowered;
	s6 =	sadd.s32 s6, s8;
	[dreg:$0x0] =	wrdreg $0x0  }
0xaf: {  	s8 =	sshll.u32 s28, $0x1;
	[dreg:$0x2] =	wrdreg s6  }
0xb0: {  	[dreg:$0x3] =	wrdreg s8  }
0xb1: {  	[dreg:$0x4] =	wrdreg $0xC0  }
0xb2: {  	_ =	task [dreg:s10], $0x5FFFF  }
0xb3: {  	[dreg:$0x1] =	wrdreg $0xFFFFFFFF  }
0xb4: {  	[dreg:$0x0] =	wrdreg $0x60  }
0xb5: {  	[dreg:$0x2] =	wrdreg s15  }
0xb6: {  	[dreg:$0x3] =	wrdreg s24  }
0xb7: {  	[dreg:$0x4] =	wrdreg s4  }
0xb8: {  	[dreg:$0x5] =	wrdreg s16  }
0xb9: {  	[dreg:$0x6] =	wrdreg s17  }
0xba: {  	[dreg:$0x7] =	wrdreg $0x9  }
0xbb: {  	_ =	task.clear_ibuf [dreg:s10], $0x8FFFF;
	_ =	strace $0x90000046  }
0xbc: {  	s29 =	simm.s32 $0x9;
	_ =	strace $0x80000048  }
0xbd: {  	_ =	swait.ge [sflag:s29], $0x1  }
0xbe: {  	[sflag:s29] =	ssyncadd.s32 $0xFFFFFFFF  }
0xbf: {  	_ =	strace $0x90000048  }
0xc0: {  	_ =	sfence  }
0xc1: {  	s30 =	sld [smem:$0x0];
	_ =	sdelay $0x2  }
0xc2: {  	s31 =	sshll.u32 s1, $0xD;
	s1 =	sshrl.u32 s1, $0x2  }
0xc3: {  	s3 =	sand.u32 $0x4000, s31;
	s1 =	sadd.s32 s1, s30  }
0xc4: {  	s0 =	sor.u32 s3, s0;
	s1 =	sshll.u32 s1, $0x11  }
0xc5: {  	s0 =	sor.u32 s1, s0  }
0xc6: {  	s0 =	sadd.s32 $0x8F2B, s0  }
0xc7: {  	[sflag:s0] =	ssyncadd.remote.s32 $0x1  }
0xc8: {  	_ =	sfence.sel $0xFFFF  }
0xc9: {  	[dreg:$0x0] =	wrdreg $0xFFFFFFFF;
	(pc) =	sbr.abs _section_cstart, $3  }
0xca: {  	[dreg:$0x1] =	wrdreg $0xFFFFFFFF  }
0xcb: {  	_ =	task.clear_ibuf [dreg:s10], $0x2FFFF;
	_ =	strace $0x9FFFFFFF  }
0xcc: {  	(tm) =	ssettm $0x7FFFFFFF  }
0xcd: {  	_ =	shalt  }
tec
execute0_lowered:
.L_overlay_start_1:
0x0: {  	(tag) =	ssettag $0x1  }
0x1: {  	s0 =	srdreg.scid;
	s5 =	stileid.u32  }
0x2: {  	s2 =	sand.u32 $0x1, s0;
	s1 =	sshll.u32 s5, $0x1  }
0x3: {  	s0 =	sor.u32 s2, s1  }
0x4: {  	p1 =	seq.s32 s2, $0x1;
	s1 =	simm.s32 $0x1;
	s3 =	ssub.s32 $0x2, s2  }
0x5: {  	s17 =	sshll.u32 s2, $0x8;
	s23 =	sshll.u32 s2, $0x12;
	[smem:$0x7FC] =	sst s0  }
0x6: {  	p0 =	seq.s32 s0, $0x0;
	s4 =	sshrl.u32 s3, $0x1;
	s25 =	sor.u32 $0x10, s17  }
0x7: {  	s26 =	sor.u32 $0x20, s17;
	s21 =	sor.u32 $0x40, s17;
	s19 =	sor.u32 $0xE0, s17  }
0x8: {  	s0 =	rddreg [dreg:$0x0];
	p0 =	por !p0, !p1;
	s24 =	ssub.s32 s3, s4  }
0x9: {  	[smem:$0x7F9] =	sst s25;
	s6 =	sshll.u32 s25, $0xA;
	p0 =	por !p0, !p0  }
0xa: {  	[smem:$0x7FA] =	sst s26;
	s7 =	sshll.u32 s26, $0xA;
	s1 =	simm.s32 @!p0 $0x0  }
0xb: {  	s9 =	sshll.u32 s21, $0xA;
	[smem:$0x7FD] =	sst s24;
	s22 =	ssub.s32 s5, s1  }
0xc: {  	s1 =	sor.u32 $0x30, s17;
	[smem:$0x7F8] =	sst s22;
	s20 =	sshll.u32 s22, $0x13  }
0xd: {  	[smem:$0x7FB] =	sst s1;
	s8 =	sshll.u32 s1, $0xA;
	s5 =	sor.u32 s23, s20  }
0xe: {  	s22 =	sor.u32 s6, s20;
	s23 =	sor.u32 s7, s20;
	s7 =	sor.u32 s8, s20  }
0xf: {  	s8 =	sor.u32 $0x50, s17;
	s25 =	sor.u32 s9, s20;
	s9 =	sor.u32 $0x60, s17  }
0x10: {  	s6 =	sshll.u32 s19, $0xA;
	s19 =	sshll.u32 s19, $0xB;
	s24 =	sshrl.u32 s5, $0x3  }
0x11: {  	s10 =	sshll.u32 s8, $0xA;
	s11 =	sshll.u32 s9, $0xA;
	s22 =	sshrl.u32 s22, $0x3  }
0x12: {  	s23 =	sshrl.u32 s23, $0x3;
	s7 =	sshrl.u32 s7, $0x3;
	s25 =	sshrl.u32 s25, $0x3  }
0x13: {  	s8 =	sshll.u32 s8, $0xB;
	s9 =	sshll.u32 s9, $0xB;
	s26 =	sor.u32 s10, s20  }
0x14: {  	s10 =	sor.u32 $0x70, s17;
	s28 =	sor.u32 s11, s20;
	s11 =	sor.u32 $0x80, s17  }
0x15: {  	s24 =	sadd.s32 s0, s24;
	s23 =	sadd.s32 s0, s23;
	s7 =	sadd.s32 s0, s7  }
0x16: {  	s25 =	sadd.s32 s0, s25;
	s12 =	sshll.u32 s10, $0xA;
	[dreg:$0x6] =	wrdreg s24  }
0x17: {  	s13 =	sshll.u32 s11, $0xA;
	s24 =	sadd.s32 s0, s22;
	[dreg:$0x8] =	wrdreg s7  }
0x18: {  	s26 =	sshrl.u32 s26, $0x3;
	s7 =	sshrl.u32 s28, $0x3;
	s10 =	sshll.u32 s10, $0xB  }
0x19: {  	s11 =	sshll.u32 s11, $0xB;
	s29 =	sor.u32 s12, s20;
	s12 =	sor.u32 $0x90, s17  }
0x1a: {  	s30 =	sor.u32 s13, s20;
	s13 =	sor.u32 $0xA0, s17;
	s22 =	sadd.s32 s0, s7  }
0x1b: {  	s14 =	sshll.u32 s12, $0xA;
	s15 =	sshll.u32 s13, $0xA;
	[dreg:$0xa] =	wrdreg s22  }
0x1c: {  	s7 =	sshrl.u32 s29, $0x3;
	s31 =	sor.u32 s14, s20;
	s14 =	sor.u32 $0xB0, s17  }
0x1d: {  	s5 =	sor.u32 s15, s20;
	s15 =	sor.u32 $0xC0, s17;
	s16 =	sshll.u32 s14, $0xA  }
0x1e: {  	s18 =	sshll.u32 s15, $0xA;
	s5 =	sshrl.u32 s5, $0x3;
	s4 =	sor.u32 s16, s20  }
0x1f: {  	s16 =	sor.u32 $0xD0, s17;
	s1 =	sor.u32 s18, s20;
	s18 =	sor.u32 $0xF0, s17  }
0x20: {  	s17 =	sor.u32 s6, s20;
	s5 =	sadd.s32 s0, s5;
	s3 =	sshll.u32 s16, $0xA  }
0x21: {  	s6 =	sshll.u32 s18, $0xA;
	[dreg:$0xe] =	wrdreg s5;
	s4 =	sshrl.u32 s4, $0x3  }
0x22: {  	s3 =	sor.u32 s3, s20;
	s6 =	sor.u32 s6, s20;
	s20 =	sadd.s32 s0, s7  }
0x23: {  	s1 =	sshrl.u32 s1, $0x3;
	s4 =	sadd.s32 s0, s4;
	[dreg:$0xb] =	wrdreg s20  }
0x24: {  	s22 =	sshrl.u32 s30, $0x3;
	s1 =	sadd.s32 s0, s1;
	[dreg:$0xf] =	wrdreg s4  }
0x25: {  	s7 =	sshrl.u32 s31, $0x3;
	s20 =	sadd.s32 s0, s22;
	[dreg:$0x10] =	wrdreg s1  }
0x26: {  	s22 =	sadd.s32 s0, s7;
	s5 =	sshrl.u32 s3, $0x3;
	s4 =	sld [smem:$0x7F9]  }
0x27: {  	s7 =	sshrl.u32 s17, $0x3;
	s17 =	sshrl.u32 s6, $0x3;
	s6 =	sld [smem:$0x7FB]  }
0x28: {  	s26 =	sadd.s32 s0, s26;
	s1 =	sadd.s32 s0, s5;
	s5 =	sld [smem:$0x7FA]  }
0x29: {  	s12 =	sshll.u32 s12, $0xB;
	[dreg:$0x11] =	wrdreg s1;
	s1 =	sadd.s32 s0, s7  }
0x2a: {  	s13 =	sshll.u32 s13, $0xB;
	s14 =	sshll.u32 s14, $0xB;
	[dreg:$0x12] =	wrdreg s1  }
0x2b: {  	s15 =	sshll.u32 s15, $0xB;
	s0 =	sadd.s32 s0, s17;
	s1 =	sld [smem:$0x7F8]  }
0x2c: {  	s7 =	sshll.u32 s21, $0xB;
	s21 =	sshll.u32 s18, $0xB;
	s18 =	rddreg [dreg:$0x3]  }
0x2d: {  	s16 =	sshll.u32 s16, $0xB;
	s17 =	simm.s32 $0x0;
	[dreg:$0x13] =	wrdreg s0  }
0x2e: {  	s3 =	sshll.u32 s2, $0x13;
	[smem:$0x7FF] =	sst s17;
	s0 =	sshll.u32 s1, $0x14  }
0x2f: {  	s2 =	sshll.u32 s4, $0xB;
	s4 =	sshll.u32 s6, $0xB;
	s1 =	sor.u32 s3, s0  }
0x30: {  	s3 =	sshll.u32 s5, $0xB;
	s2 =	sor.u32 s2, s0;
	s4 =	sor.u32 s4, s0  }
0x31: {  	s5 =	sor.u32 s7, s0;
	s6 =	sor.u32 s8, s0;
	s7 =	sor.u32 s9, s0  }
0x32: {  	s8 =	sor.u32 s10, s0;
	s9 =	sor.u32 s11, s0;
	s10 =	sor.u32 s12, s0  }
0x33: {  	s11 =	sor.u32 s13, s0;
	s12 =	sor.u32 s14, s0;
	s13 =	sor.u32 s15, s0  }
0x34: {  	s14 =	sor.u32 s16, s0;
	s15 =	sor.u32 s19, s0;
	s16 =	sor.u32 s21, s0  }
0x35: {  	s3 =	sor.u32 s3, s0;
	s1 =	sshrl.u32 s1, $0x3;
	s2 =	sshrl.u32 s2, $0x3  }
0x36: {  	s15 =	sshrl.u32 s15, $0x3;
	s16 =	sshrl.u32 s16, $0x3;
	s0 =	sadd.s32 s18, s1  }
0x37: {  	s19 =	sshrl.u32 s3, $0x3;
	[dreg:$0x14] =	wrdreg s0;
	s0 =	sadd.s32 s18, s2  }
0x38: {  	s2 =	sshrl.u32 s5, $0x3;
	s5 =	sshrl.u32 s7, $0x3;
	s7 =	sshrl.u32 s9, $0x3  }
0x39: {  	s9 =	sshrl.u32 s10, $0x3;
	s10 =	sshrl.u32 s11, $0x3;
	s11 =	sshrl.u32 s12, $0x3  }
0x3a: {  	s12 =	sshrl.u32 s13, $0x3;
	s13 =	sshrl.u32 s14, $0x3;
	s14 =	rddreg [dreg:$0x1]  }
0x3b: {  	s3 =	sshrl.u32 s6, $0x3;
	s21 =	sadd.s32 s18, s19;
	[dreg:$0x15] =	wrdreg s0  }
0x3c: {  	s1 =	sshrl.u32 s4, $0x3;
	s4 =	sadd.s32 s18, s3;
	[dreg:$0x16] =	wrdreg s21  }
0x3d: {  	s6 =	sshrl.u32 s8, $0x3;
	s0 =	sadd.s32 s18, s1;
	[dreg:$0x19] =	wrdreg s4  }
0x3e: {  	s3 =	sadd.s32 s18, s16;
	s8 =	sadd.s32 s18, s7;
	[dreg:$0x17] =	wrdreg s0  }
0x3f: {  	s28 =	sadd.s32 s18, s9;
	s0 =	sadd.s32 s18, s2;
	[dreg:$0x1c] =	wrdreg s8  }
0x40: {  	s29 =	sadd.s32 s18, s10;
	[dreg:$0x18] =	wrdreg s0;
	s0 =	sadd.s32 s18, s5  }
0x41: {  	s30 =	sadd.s32 s18, s11;
	[dreg:$0x1a] =	wrdreg s0;
	s0 =	sadd.s32 s18, s6  }
0x42: {  	s31 =	sadd.s32 s18, s12;
	s1 =	sadd.s32 s18, s15;
	[dreg:$0x1b] =	wrdreg s0  }
0x43: {  	s21 =	sadd.s32 $0x1200, s14;
	s0 =	sadd.s32 s18, s13;
	s18 =	sld [smem:$0x7FC]  }
0x44: {  	s2 =	sadd.s32 $0x1600, s14;
	_ =	strace $0x80000047;
	[dreg:$0x1e] =	wrdreg s21  }
0x45: {  	[dreg:$0x1f] =	wrdreg s2  }
0x46: {  	[dreg:$0x7] =	wrdreg s23  }
0x47: {  	s19 =	sld [smem:$0x7FD]  }
0x48: {  	[dreg:$0x9] =	wrdreg s26  }
0x49: {  	s9 =	simm.s32 $0x400;
	[dreg:$0xc] =	wrdreg s20  }
0x4a: {  	s8 =	simm.s32 $0x100;
	[dreg:$0xd] =	wrdreg s22;
	s4 =	smax.u32 s19, $0x1  }
0x4b: {  	p0 =	sne.s32 s18, $0x10;
	[dreg:$0x1d] =	wrdreg s4;
	s4 =	simm.s32 $0x0  }
.LBB2_1:
0x4c: {  	s2 =	simm.s32 $0x80;
	s11 =	rddreg [dreg:$0x1e]  }
0x4d: {  	[tilespmem:s2], [sflag:$0x1] =	stream.linear.gather [hbm4b:s11+s17], $0x80, $0x38;
	[tilespmem:$0x10080] =	vst v63  }
0x4e: {  	[smem:$0x7F7] =	sst s4;
	s18 =	simm.s32 $0x880;
	s12 =	sadd.s32 $0x10, s11  }
0x4f: {  	[tilespmem:s18], [sflag:$0x1] =	stream.linear.gather [hbm4b:s12+s17], $0x80, $0x38;
	[tilespmem:$0x10080] =	vst v63  }
0x50: {  	s19 =	simm.s32 $0x1080;
	s20 =	simm.s32 $0x1880;
	s13 =	sadd.s32 $0x20, s11  }
0x51: {  	[tilespmem:s19], [sflag:$0x1] =	stream.linear.gather [hbm4b:s13+s17], $0x80, $0x38;
	[tilespmem:$0x10080] =	vst v63  }
0x52: {  	s21 =	simm.s32 $0x2080;
	s22 =	simm.s32 $0x2880;
	s14 =	sadd.s32 $0x30, s11  }
0x53: {  	[tilespmem:s20], [sflag:$0x1] =	stream.linear.gather [hbm4b:s14+s17], $0x80, $0x38;
	[tilespmem:$0x10080] =	vst v63  }
0x54: {  	s26 =	simm.s32 $0x3080;
	s6 =	simm.s32 $0x800;
	s15 =	sadd.s32 $0x40, s11  }
0x55: {  	[tilespmem:s21], [sflag:$0x1] =	stream.linear.gather [hbm4b:s15+s17], $0x80, $0x38;
	[tilespmem:$0x10080] =	vst v63  }
0x56: {  	s10 =	simm.s32 $0x3880;
	s5 =	sadd.s32 $0x50, s11;
	s23 =	sadd.s32 $0x60, s11  }
0x57: {  	[tilespmem:s22], [sflag:$0x1] =	stream.linear.gather [hbm4b:s5+s17], $0x80, $0x38;
	[tilespmem:$0x10080] =	vst v63  }
0x58: {  	s2 =	simm.s32 $0x100;
	s7 =	sadd.s32 $0x70, s11;
	s4 =	sadd.s32 $0x80, s11  }
0x59: {  	[tilespmem:s26], [sflag:$0x1] =	stream.linear.gather [hbm4b:s23+s17], $0x80, $0x38;
	[tilespmem:$0x10080] =	vst v63  }
.LBB2_2:
0x5a: {  	[tilespmem:s10], [sflag:$0x1] =	stream.linear.gather [hbm4b:s7+s17], $0x80, $0x38;
	[tilespmem:$0x10080] =	vst v63  }
0x5b: {  	s10 =	smov.u32 s2;
	s2 =	smov.u32 s6  }
0x5c: {  	s11 =	sadd.s32 $0x400, s6;
	s2 =	sshra.s32 s2, $0x2;
	s7 =	sadd.s32 $0x80, s10  }
0x5d: {  	[tilespmem:s7], [sflag:$0x1] =	stream.linear.gather [hbm4b:s4+s17], $0x80, $0x38;
	[tilespmem:$0x10080] =	vst v63  }
0x5e: {  	p1 =	sne.s32 s6, $0x1C00;
	s6 =	sadd.s32 $0x10, s4;
	s7 =	sadd.s32 $0x880, s10  }
0x5f: {  	[tilespmem:s7], [sflag:$0x1] =	stream.linear.gather [hbm4b:s6+s17], $0x80, $0x38;
	[tilespmem:$0x10080] =	vst v63  }
0x60: {  	s6 =	sadd.s32 $0x20, s4;
	s7 =	sadd.s32 $0x1080, s10  }
0x61: {  	[tilespmem:s7], [sflag:$0x1] =	stream.linear.gather [hbm4b:s6+s17], $0x80, $0x38;
	[tilespmem:$0x10080] =	vst v63  }
0x62: {  	s6 =	sadd.s32 $0x30, s4;
	s7 =	sadd.s32 $0x1880, s10  }
0x63: {  	[tilespmem:s7], [sflag:$0x1] =	stream.linear.gather [hbm4b:s6+s17], $0x80, $0x38;
	[tilespmem:$0x10080] =	vst v63  }
0x64: {  	s6 =	sadd.s32 $0x40, s4;
	s7 =	sadd.s32 $0x2080, s10  }
0x65: {  	[tilespmem:s7], [sflag:$0x1] =	stream.linear.gather [hbm4b:s6+s17], $0x80, $0x38;
	[tilespmem:$0x10080] =	vst v63  }
.Ltmp0:
0x66: {  	s6 =	sadd.s32 $0x50, s4;
	s7 =	sadd.s32 $0x2880, s10;
	(pc) =	sbr.rel @p1 .LBB2_2-.Ltmp0, $4  }
0x67: {  	[tilespmem:s7], [sflag:$0x1] =	stream.linear.gather [hbm4b:s6+s17], $0x80, $0x38;
	[tilespmem:$0x10080] =	vst v63  }
0x68: {  	s6 =	sadd.s32 $0x60, s4;
	s7 =	sadd.s32 $0x3080, s10;
	s10 =	sadd.s32 $0x3880, s10  }
0x69: {  	[tilespmem:s7], [sflag:$0x1] =	stream.linear.gather [hbm4b:s6+s17], $0x80, $0x38;
	[tilespmem:$0x10080] =	vst v63  }
0x6a: {  	s7 =	sadd.s32 $0x70, s4;
	s4 =	sadd.s32 $0x80, s4;
	s6 =	smov.u32 s11  }
0x6b: {  	[tilespmem:s10], [sflag:$0x1] =	stream.linear.gather [hbm4b:s7+s17], $0x80, $0x38;
	[tilespmem:$0x10080] =	vst v63  }
0x6c: {  	s6 =	sadd.s32 $0x80, s2  }
0x6d: {  	[tilespmem:s6], [sflag:$0x1] =	stream.linear.gather [hbm4b:s4+s17], $0x80, $0x38;
	[tilespmem:$0x10080] =	vst v63  }
0x6e: {  	s10 =	sadd.s32 $0x10, s4;
	s11 =	sadd.s32 $0x880, s2  }
0x6f: {  	[tilespmem:s11], [sflag:$0x1] =	stream.linear.gather [hbm4b:s10+s17], $0x80, $0x38;
	[tilespmem:$0x10080] =	vst v63  }
0x70: {  	s16 =	sadd.s32 $0x20, s4;
	s18 =	sadd.s32 $0x1080, s2  }
0x71: {  	[tilespmem:s18], [sflag:$0x1] =	stream.linear.gather [hbm4b:s16+s17], $0x80, $0x38;
	[tilespmem:$0x10080] =	vst v63  }
0x72: {  	s19 =	sadd.s32 $0x30, s4;
	s20 =	sadd.s32 $0x1880, s2  }
0x73: {  	[tilespmem:s20], [sflag:$0x1] =	stream.linear.gather [hbm4b:s19+s17], $0x80, $0x38;
	[tilespmem:$0x10080] =	vst v63  }
0x74: {  	s21 =	sadd.s32 $0x40, s4;
	s22 =	sadd.s32 $0x2080, s2  }
0x75: {  	[tilespmem:s22], [sflag:$0x1] =	stream.linear.gather [hbm4b:s21+s17], $0x80, $0x38;
	[tilespmem:$0x10080] =	vst v63  }
0x76: {  	s23 =	sadd.s32 $0x50, s4;
	s26 =	sadd.s32 $0x2880, s2  }
0x77: {  	[tilespmem:s26], [sflag:$0x1] =	stream.linear.gather [hbm4b:s23+s17], $0x80, $0x38;
	[tilespmem:$0x10080] =	vst v63  }
0x78: {  	s7 =	sadd.s32 $0x60, s4;
	s10 =	sadd.s32 $0x3080, s2  }
0x79: {  	[tilespmem:s10], [sflag:$0x1] =	stream.linear.gather [hbm4b:s7+s17], $0x80, $0x38;
	[tilespmem:$0x10080] =	vst v63  }
0x7a: {  	s11 =	sadd.s32 $0x70, s4;
	s16 =	sadd.s32 $0x3880, s2  }
0x7b: {  	[tilespmem:s16], [sflag:$0x1] =	stream.linear.gather [hbm4b:s11+s17], $0x80, $0x38;
	[tilespmem:$0x10080] =	vst v63  }
0x7c: {  	s2 =	simm.s32 $0x0;
	s18 =	simm.s32 $0x4080;
	s19 =	rddreg [dreg:$0x1f]  }
0x7d: {  	[tilespmem:s18], [sflag:$0x1] =	stream.linear.gather [hbm4b:s19+s2], $0x80, $0x38;
	[tilespmem:$0x10080] =	vst v63  }
0x7e: {  	s20 =	simm.s32 $0x4880;
	s16 =	sadd.s32 $0x10, s19  }
0x7f: {  	[tilespmem:s20], [sflag:$0x1] =	stream.linear.gather [hbm4b:s16+s2], $0x80, $0x38;
	[tilespmem:$0x10080] =	vst v63  }
0x80: {  	s21 =	simm.s32 $0x5080;
	s10 =	sadd.s32 $0x20, s19  }
0x81: {  	[tilespmem:s21], [sflag:$0x1] =	stream.linear.gather [hbm4b:s10+s2], $0x80, $0x38;
	[tilespmem:$0x10080] =	vst v63  }
0x82: {  	s22 =	simm.s32 $0x5880;
	s11 =	sadd.s32 $0x30, s19  }
0x83: {  	[tilespmem:s22], [sflag:$0x1] =	stream.linear.gather [hbm4b:s11+s2], $0x80, $0x38;
	[tilespmem:$0x10080] =	vst v63  }
0x84: {  	s4 =	sadd.s32 $0x40, s19;
	s23 =	simm.s32 $0x6080  }
0x85: {  	[tilespmem:s23], [sflag:$0x1] =	stream.linear.gather [hbm4b:s4+s2], $0x80, $0x38;
	[tilespmem:$0x10080] =	vst v63  }
0x86: {  	s6 =	sadd.s32 $0x50, s19;
	s26 =	simm.s32 $0x6880;
	s7 =	sadd.s32 $0x60, s19  }
0x87: {  	[tilespmem:s26], [sflag:$0x1] =	stream.linear.gather [hbm4b:s6+s2], $0x80, $0x38;
	[tilespmem:$0x10080] =	vst v63  }
0x88: {  	s18 =	simm.s32 $0x7080;
	s20 =	simm.s32 $0x800;
	s21 =	sadd.s32 $0x70, s19  }
0x89: {  	[tilespmem:s18], [sflag:$0x1] =	stream.linear.gather [hbm4b:s7+s2], $0x80, $0x38;
	[tilespmem:$0x10080] =	vst v63  }
0x8a: {  	s19 =	sadd.s32 $0x80, s19;
	s22 =	simm.s32 $0x7880;
	s18 =	simm.s32 $0x100  }
.LBB2_4:
0x8b: {  	[tilespmem:s22], [sflag:$0x1] =	stream.linear.gather [hbm4b:s21+s2], $0x80, $0x38;
	[tilespmem:$0x10080] =	vst v63  }
0x8c: {  	s22 =	smov.u32 s18;
	s18 =	smov.u32 s20  }
0x8d: {  	s23 =	sadd.s32 $0x400, s20;
	s18 =	sshra.s32 s18, $0x2;
	s21 =	sadd.s32 $0x4080, s22  }
0x8e: {  	[tilespmem:s21], [sflag:$0x1] =	stream.linear.gather [hbm4b:s19+s2], $0x80, $0x38;
	[tilespmem:$0x10080] =	vst v63  }
0x8f: {  	p1 =	sne.s32 s20, $0x1C00;
	s20 =	sadd.s32 $0x10, s19;
	s21 =	sadd.s32 $0x4880, s22  }
0x90: {  	[tilespmem:s21], [sflag:$0x1] =	stream.linear.gather [hbm4b:s20+s2], $0x80, $0x38;
	[tilespmem:$0x10080] =	vst v63  }
0x91: {  	s20 =	sadd.s32 $0x20, s19;
	s21 =	sadd.s32 $0x5080, s22  }
0x92: {  	[tilespmem:s21], [sflag:$0x1] =	stream.linear.gather [hbm4b:s20+s2], $0x80, $0x38;
	[tilespmem:$0x10080] =	vst v63  }
0x93: {  	s20 =	sadd.s32 $0x30, s19;
	s21 =	sadd.s32 $0x5880, s22  }
0x94: {  	[tilespmem:s21], [sflag:$0x1] =	stream.linear.gather [hbm4b:s20+s2], $0x80, $0x38;
	[tilespmem:$0x10080] =	vst v63  }
0x95: {  	s20 =	sadd.s32 $0x40, s19;
	s21 =	sadd.s32 $0x6080, s22  }
0x96: {  	[tilespmem:s21], [sflag:$0x1] =	stream.linear.gather [hbm4b:s20+s2], $0x80, $0x38;
	[tilespmem:$0x10080] =	vst v63  }
.Ltmp1:
0x97: {  	s20 =	sadd.s32 $0x50, s19;
	s21 =	sadd.s32 $0x6880, s22;
	(pc) =	sbr.rel @p1 .LBB2_4-.Ltmp1, $4  }
0x98: {  	[tilespmem:s21], [sflag:$0x1] =	stream.linear.gather [hbm4b:s20+s2], $0x80, $0x38;
	[tilespmem:$0x10080] =	vst v63  }
0x99: {  	s20 =	sadd.s32 $0x60, s19;
	s21 =	sadd.s32 $0x7080, s22;
	s22 =	sadd.s32 $0x7880, s22  }
0x9a: {  	[tilespmem:s21], [sflag:$0x1] =	stream.linear.gather [hbm4b:s20+s2], $0x80, $0x38;
	[tilespmem:$0x10080] =	vst v63  }
0x9b: {  	s21 =	sadd.s32 $0x70, s19;
	s19 =	sadd.s32 $0x80, s19;
	s20 =	smov.u32 s23  }
0x9c: {  	[tilespmem:s22], [sflag:$0x1] =	stream.linear.gather [hbm4b:s21+s2], $0x80, $0x38;
	[tilespmem:$0x10080] =	vst v63  }
0x9d: {  	s20 =	sadd.s32 $0x4080, s18  }
0x9e: {  	[tilespmem:s20], [sflag:$0x1] =	stream.linear.gather [hbm4b:s19+s2], $0x80, $0x38;
	[tilespmem:$0x10080] =	vst v63  }
0x9f: {  	s21 =	sadd.s32 $0x10, s19;
	s22 =	sadd.s32 $0x4880, s18  }
0xa0: {  	[tilespmem:s22], [sflag:$0x1] =	stream.linear.gather [hbm4b:s21+s2], $0x80, $0x38;
	[tilespmem:$0x10080] =	vst v63  }
0xa1: {  	s23 =	sadd.s32 $0x20, s19;
	s26 =	sadd.s32 $0x5080, s18  }
0xa2: {  	[tilespmem:s26], [sflag:$0x1] =	stream.linear.gather [hbm4b:s23+s2], $0x80, $0x38;
	[tilespmem:$0x10080] =	vst v63  }
0xa3: {  	s21 =	sadd.s32 $0x30, s19;
	s22 =	sadd.s32 $0x5880, s18  }
0xa4: {  	[tilespmem:s22], [sflag:$0x1] =	stream.linear.gather [hbm4b:s21+s2], $0x80, $0x38;
	[tilespmem:$0x10080] =	vst v63  }
0xa5: {  	s23 =	sadd.s32 $0x40, s19;
	s26 =	sadd.s32 $0x6080, s18  }
0xa6: {  	[tilespmem:s26], [sflag:$0x1] =	stream.linear.gather [hbm4b:s23+s2], $0x80, $0x38;
	[tilespmem:$0x10080] =	vst v63  }
0xa7: {  	s21 =	sadd.s32 $0x50, s19;
	s22 =	sadd.s32 $0x6880, s18  }
0xa8: {  	[tilespmem:s22], [sflag:$0x1] =	stream.linear.gather [hbm4b:s21+s2], $0x80, $0x38;
	[tilespmem:$0x10080] =	vst v63  }
0xa9: {  	s23 =	sadd.s32 $0x60, s19;
	s26 =	sadd.s32 $0x7080, s18  }
0xaa: {  	[tilespmem:s26], [sflag:$0x1] =	stream.linear.gather [hbm4b:s23+s2], $0x80, $0x38;
	[tilespmem:$0x10080] =	vst v63  }
0xab: {  	s21 =	sadd.s32 $0x70, s19;
	s22 =	sadd.s32 $0x7880, s18  }
0xac: {  	[tilespmem:s22], [sflag:$0x1] =	stream.linear.gather [hbm4b:s21+s2], $0x80, $0x38;
	[tilespmem:$0x10080] =	vst v63  }
0xad: {  	s19 =	rddreg [dreg:$0x1e];
	s23 =	simm.s32 $0x8080;
	s2 =	simm.s32 $0x0  }
0xae: {  	[tilespmem:s23], [sflag:$0x2] =	stream.linear.gather [hbm4b:s19+s2], $0x80, $0x38;
	[tilespmem:$0x10080] =	vst v63  }
0xaf: {  	s26 =	simm.s32 $0x8880  }
0xb0: {  	[tilespmem:s26], [sflag:$0x2] =	stream.linear.gather [hbm4b:s12+s2], $0x80, $0x38;
	[tilespmem:$0x10080] =	vst v63  }
0xb1: {  	s18 =	simm.s32 $0x9080  }
0xb2: {  	[tilespmem:s18], [sflag:$0x2] =	stream.linear.gather [hbm4b:s13+s2], $0x80, $0x38;
	[tilespmem:$0x10080] =	vst v63  }
0xb3: {  	s20 =	simm.s32 $0x9880  }
0xb4: {  	[tilespmem:s20], [sflag:$0x2] =	stream.linear.gather [hbm4b:s14+s2], $0x80, $0x38;
	[tilespmem:$0x10080] =	vst v63  }
0xb5: {  	s21 =	simm.s32 $0xA080;
	s22 =	simm.s32 $0xA880  }
0xb6: {  	[tilespmem:s21], [sflag:$0x2] =	stream.linear.gather [hbm4b:s15+s2], $0x80, $0x38;
	[tilespmem:$0x10080] =	vst v63  }
0xb7: {  	s23 =	sadd.s32 $0x60, s19;
	s26 =	simm.s32 $0xB080;
	s12 =	simm.s32 $0x100  }
0xb8: {  	[tilespmem:s22], [sflag:$0x2] =	stream.linear.gather [hbm4b:s5+s2], $0x80, $0x38;
	[tilespmem:$0x10080] =	vst v63  }
0xb9: {  	s13 =	simm.s32 $0xB880;
	s18 =	simm.s32 $0x800;
	s5 =	sadd.s32 $0x80, s19  }
0xba: {  	s15 =	simm.s32 $0x0;
	s19 =	sadd.s32 $0x70, s19;
	s14 =	sadd.s32 $0x10, s5  }
0xbb: {  	[tilespmem:s26], [sflag:$0x2] =	stream.linear.gather [hbm4b:s23+s2], $0x80, $0x38;
	[tilespmem:$0x10080] =	vst v63  }
.LBB2_6:
0xbc: {  	[tilespmem:s13], [sflag:$0x2] =	stream.linear.gather [hbm4b:s19+s15], $0x80, $0x38;
	[tilespmem:$0x10080] =	vst v63  }
0xbd: {  	s19 =	smov.u32 s12;
	s12 =	smov.u32 s18;
	s20 =	smov.u32 s5  }
0xbe: {  	s15 =	sadd.s32 $0x8080, s19;
	s21 =	sadd.s32 $0x9880, s19;
	s13 =	sadd.s32 $0xB880, s19  }
0xbf: {  	[tilespmem:s15], [sflag:$0x2] =	stream.linear.gather [hbm4b:s5+s2], $0x80, $0x38;
	[tilespmem:$0x10080] =	vst v63  }
0xc0: {  	s22 =	sadd.s32 $0x400, s18;
	s12 =	sshra.s32 s12, $0x2;
	s15 =	sadd.s32 $0x8880, s19  }
0xc1: {  	[tilespmem:s15], [sflag:$0x2] =	stream.linear.gather [hbm4b:s14+s2], $0x80, $0x38;
	[tilespmem:$0x10080] =	vst v63  }
0xc2: {  	p1 =	sne.s32 s18, $0x1C00;
	s14 =	sadd.s32 $0x20, s5;
	s15 =	sadd.s32 $0x9080, s19  }
0xc3: {  	[tilespmem:s15], [sflag:$0x2] =	stream.linear.gather [hbm4b:s14+s2], $0x80, $0x38;
	[tilespmem:$0x10080] =	vst v63  }
0xc4: {  	s14 =	sadd.s32 $0x30, s5;
	s15 =	smov.u32 s2  }
0xc5: {  	[tilespmem:s21], [sflag:$0x2] =	stream.linear.gather [hbm4b:s14+s15], $0x80, $0x38;
	[tilespmem:$0x10080] =	vst v63  }
0xc6: {  	s18 =	sadd.s32 $0xA080, s19;
	s14 =	sadd.s32 $0x40, s5  }
0xc7: {  	[tilespmem:s18], [sflag:$0x2] =	stream.linear.gather [hbm4b:s14+s15], $0x80, $0x38;
	[tilespmem:$0x10080] =	vst v63  }
.Ltmp2:
0xc8: {  	s14 =	sadd.s32 $0x50, s5;
	s18 =	sadd.s32 $0xA880, s19;
	(pc) =	sbr.rel @p1 .LBB2_6-.Ltmp2, $4  }
0xc9: {  	[tilespmem:s18], [sflag:$0x2] =	stream.linear.gather [hbm4b:s14+s15], $0x80, $0x38;
	[tilespmem:$0x10080] =	vst v63  }
0xca: {  	s5 =	sadd.s32 $0x80, s5;
	s14 =	sadd.s32 $0x60, s20;
	s18 =	sadd.s32 $0xB080, s19  }
0xcb: {  	[tilespmem:s18], [sflag:$0x2] =	stream.linear.gather [hbm4b:s14+s15], $0x80, $0x38;
	[tilespmem:$0x10080] =	vst v63  }
0xcc: {  	s19 =	sadd.s32 $0x70, s20;
	s14 =	sadd.s32 $0x10, s5;
	s18 =	smov.u32 s22  }
0xcd: {  	[tilespmem:s13], [sflag:$0x2] =	stream.linear.gather [hbm4b:s19+s15], $0x80, $0x38;
	[tilespmem:$0x10080] =	vst v63  }
0xce: {  	s21 =	sadd.s32 $0x8080, s12  }
0xcf: {  	[tilespmem:s21], [sflag:$0x2] =	stream.linear.gather [hbm4b:s5+s2], $0x80, $0x38;
	[tilespmem:$0x10080] =	vst v63  }
0xd0: {  	s22 =	sadd.s32 $0x8880, s12  }
0xd1: {  	[tilespmem:s22], [sflag:$0x2] =	stream.linear.gather [hbm4b:s14+s2], $0x80, $0x38;
	[tilespmem:$0x10080] =	vst v63  }
0xd2: {  	s23 =	sadd.s32 $0x20, s5;
	s26 =	sadd.s32 $0x9080, s12  }
0xd3: {  	[tilespmem:s26], [sflag:$0x2] =	stream.linear.gather [hbm4b:s23+s2], $0x80, $0x38;
	[tilespmem:$0x10080] =	vst v63  }
0xd4: {  	s15 =	sadd.s32 $0x9880, s12;
	s18 =	sadd.s32 $0x30, s5  }
0xd5: {  	[tilespmem:s15], [sflag:$0x2] =	stream.linear.gather [hbm4b:s18+s2], $0x80, $0x38;
	[tilespmem:$0x10080] =	vst v63  }
0xd6: {  	s19 =	sadd.s32 $0x40, s5;
	s20 =	sadd.s32 $0xA080, s12  }
0xd7: {  	[tilespmem:s20], [sflag:$0x2] =	stream.linear.gather [hbm4b:s19+s2], $0x80, $0x38;
	[tilespmem:$0x10080] =	vst v63  }
0xd8: {  	s21 =	sadd.s32 $0x50, s5;
	s22 =	sadd.s32 $0xA880, s12  }
0xd9: {  	[tilespmem:s22], [sflag:$0x2] =	stream.linear.gather [hbm4b:s21+s2], $0x80, $0x38;
	[tilespmem:$0x10080] =	vst v63  }
0xda: {  	s23 =	sadd.s32 $0x60, s5;
	s26 =	sadd.s32 $0xB080, s12  }
0xdb: {  	[tilespmem:s26], [sflag:$0x2] =	stream.linear.gather [hbm4b:s23+s2], $0x80, $0x38;
	[tilespmem:$0x10080] =	vst v63  }
0xdc: {  	s13 =	sadd.s32 $0xB880, s12;
	s14 =	sadd.s32 $0x70, s5  }
0xdd: {  	[tilespmem:s13], [sflag:$0x2] =	stream.linear.gather [hbm4b:s14+s2], $0x80, $0x38;
	[tilespmem:$0x10080] =	vst v63  }
0xde: {  	s15 =	simm.s32 $0xC080;
	s18 =	rddreg [dreg:$0x1f]  }
0xdf: {  	[tilespmem:s15], [sflag:$0x2] =	stream.linear.gather [hbm4b:s18+s17], $0x80, $0x38;
	[tilespmem:$0x10080] =	vst v63  }
0xe0: {  	s19 =	simm.s32 $0xC880  }
0xe1: {  	[tilespmem:s19], [sflag:$0x2] =	stream.linear.gather [hbm4b:s16+s17], $0x80, $0x38;
	[tilespmem:$0x10080] =	vst v63  }
0xe2: {  	s20 =	simm.s32 $0xD080  }
0xe3: {  	[tilespmem:s20], [sflag:$0x2] =	stream.linear.gather [hbm4b:s10+s17], $0x80, $0x38;
	[tilespmem:$0x10080] =	vst v63  }
0xe4: {  	s21 =	simm.s32 $0xD880  }
0xe5: {  	[tilespmem:s21], [sflag:$0x2] =	stream.linear.gather [hbm4b:s11+s17], $0x80, $0x38;
	[tilespmem:$0x10080] =	vst v63  }
0xe6: {  	s22 =	simm.s32 $0xE080  }
0xe7: {  	[tilespmem:s22], [sflag:$0x2] =	stream.linear.gather [hbm4b:s4+s17], $0x80, $0x38;
	[tilespmem:$0x10080] =	vst v63  }
0xe8: {  	s23 =	simm.s32 $0xE880  }
0xe9: {  	[tilespmem:s23], [sflag:$0x2] =	stream.linear.gather [hbm4b:s6+s17], $0x80, $0x38;
	[tilespmem:$0x10080] =	vst v63  }
0xea: {  	s5 =	simm.s32 $0x800;
	s26 =	simm.s32 $0xF080;
	s2 =	simm.s32 $0x100  }
0xeb: {  	[tilespmem:s26], [sflag:$0x2] =	stream.linear.gather [hbm4b:s7+s17], $0x80, $0x38;
	[tilespmem:$0x10080] =	vst v63  }
0xec: {  	s4 =	sadd.s32 $0x80, s18;
	s6 =	sadd.s32 $0x70, s18;
	s7 =	simm.s32 $0xF880  }
.LBB2_8:
0xed: {  	[tilespmem:s7], [sflag:$0x2] =	stream.linear.gather [hbm4b:s6+s17], $0x80, $0x38;
	[tilespmem:$0x10080] =	vst v63  }
0xee: {  	s7 =	smov.u32 s2;
	s2 =	smov.u32 s5  }
0xef: {  	s10 =	sadd.s32 $0x400, s5;
	s2 =	sshra.s32 s2, $0x2;
	s6 =	sadd.s32 $0xC080, s7  }
0xf0: {  	[tilespmem:s6], [sflag:$0x2] =	stream.linear.gather [hbm4b:s4+s17], $0x80, $0x38;
	[tilespmem:$0x10080] =	vst v63  }
0xf1: {  	p1 =	sne.s32 s5, $0x1C00;
	s5 =	sadd.s32 $0x10, s4;
	s6 =	sadd.s32 $0xC880, s7  }
0xf2: {  	[tilespmem:s6], [sflag:$0x2] =	stream.linear.gather [hbm4b:s5+s17], $0x80, $0x38;
	[tilespmem:$0x10080] =	vst v63  }
0xf3: {  	s5 =	sadd.s32 $0x20, s4;
	s6 =	sadd.s32 $0xD080, s7  }
0xf4: {  	[tilespmem:s6], [sflag:$0x2] =	stream.linear.gather [hbm4b:s5+s17], $0x80, $0x38;
	[tilespmem:$0x10080] =	vst v63  }
0xf5: {  	s5 =	sadd.s32 $0x30, s4;
	s6 =	sadd.s32 $0xD880, s7  }
0xf6: {  	[tilespmem:s6], [sflag:$0x2] =	stream.linear.gather [hbm4b:s5+s17], $0x80, $0x38;
	[tilespmem:$0x10080] =	vst v63  }
0xf7: {  	s5 =	sadd.s32 $0x40, s4;
	s6 =	sadd.s32 $0xE080, s7  }
0xf8: {  	[tilespmem:s6], [sflag:$0x2] =	stream.linear.gather [hbm4b:s5+s17], $0x80, $0x38;
	[tilespmem:$0x10080] =	vst v63  }
.Ltmp3:
0xf9: {  	s5 =	sadd.s32 $0x50, s4;
	s6 =	sadd.s32 $0xE880, s7;
	(pc) =	sbr.rel @p1 .LBB2_8-.Ltmp3, $4  }
0xfa: {  	[tilespmem:s6], [sflag:$0x2] =	stream.linear.gather [hbm4b:s5+s17], $0x80, $0x38;
	[tilespmem:$0x10080] =	vst v63  }
0xfb: {  	s5 =	sadd.s32 $0x60, s4;
	s6 =	sadd.s32 $0xF080, s7;
	s7 =	sadd.s32 $0xF880, s7  }
0xfc: {  	[tilespmem:s6], [sflag:$0x2] =	stream.linear.gather [hbm4b:s5+s17], $0x80, $0x38;
	[tilespmem:$0x10080] =	vst v63  }
0xfd: {  	s6 =	sadd.s32 $0x70, s4;
	s4 =	sadd.s32 $0x80, s4;
	s5 =	smov.u32 s10  }
0xfe: {  	[tilespmem:s7], [sflag:$0x2] =	stream.linear.gather [hbm4b:s6+s17], $0x80, $0x38;
	[tilespmem:$0x10080] =	vst v63  }
0xff: {  	s5 =	sadd.s32 $0xC080, s2  }
0x100: {  	[tilespmem:s5], [sflag:$0x2] =	stream.linear.gather [hbm4b:s4+s17], $0x80, $0x38;
	[tilespmem:$0x10080] =	vst v63  }
0x101: {  	s11 =	sadd.s32 $0x10, s4;
	s12 =	sadd.s32 $0xC880, s2  }
0x102: {  	[tilespmem:s12], [sflag:$0x2] =	stream.linear.gather [hbm4b:s11+s17], $0x80, $0x38;
	[tilespmem:$0x10080] =	vst v63  }
0x103: {  	s13 =	sadd.s32 $0x20, s4;
	s14 =	sadd.s32 $0xD080, s2  }
0x104: {  	[tilespmem:s14], [sflag:$0x2] =	stream.linear.gather [hbm4b:s13+s17], $0x80, $0x38;
	[tilespmem:$0x10080] =	vst v63  }
0x105: {  	s15 =	sadd.s32 $0x30, s4;
	s16 =	sadd.s32 $0xD880, s2  }
0x106: {  	[tilespmem:s16], [sflag:$0x2] =	stream.linear.gather [hbm4b:s15+s17], $0x80, $0x38;
	[tilespmem:$0x10080] =	vst v63  }
0x107: {  	s18 =	sadd.s32 $0x40, s4;
	s19 =	sadd.s32 $0xE080, s2  }
0x108: {  	[tilespmem:s19], [sflag:$0x2] =	stream.linear.gather [hbm4b:s18+s17], $0x80, $0x38;
	[tilespmem:$0x10080] =	vst v63  }
0x109: {  	s20 =	sadd.s32 $0x50, s4;
	s21 =	sadd.s32 $0xE880, s2  }
0x10a: {  	[tilespmem:s21], [sflag:$0x2] =	stream.linear.gather [hbm4b:s20+s17], $0x80, $0x38;
	[tilespmem:$0x10080] =	vst v63  }
0x10b: {  	s22 =	sadd.s32 $0x60, s4;
	s23 =	sadd.s32 $0xF080, s2  }
0x10c: {  	[tilespmem:s23], [sflag:$0x2] =	stream.linear.gather [hbm4b:s22+s17], $0x80, $0x38;
	[tilespmem:$0x10080] =	vst v63  }
0x10d: {  	s26 =	sadd.s32 $0x70, s4;
	s6 =	simm.s32 $0x1;
	s5 =	sadd.s32 $0xF880, s2  }
0x10e: {  	[tilespmem:s5], [sflag:$0x2] =	stream.linear.gather [hbm4b:s26+s17], $0x80, $0x38;
	[tilespmem:$0x10080] =	vst v63  }
0x10f: {  	_ =	swait.ge [sflag:s6], $0x4000  }
0x110: {  	[sflag:s6] =	ssyncset.done $0x0  }
0x111: {  	s7 =	simm.s32 $0x2;
	[sflag:s6] =	ssyncadd.s32 $0xFFFFC000  }
0x112: {  	_ =	swait.ge [sflag:s7], $0x4000  }
0x113: {  	[sflag:s7] =	ssyncset.done $0x0  }
0x114: {  	s10 =	simm.s32 $0x0;
	s11 =	rddreg [dreg:$0x6];
	[sflag:s7] =	ssyncadd.s32 $0xFFFFC000  }
0x115: {  	[tilespmem:s10], [sflag:$0x1] =	stream.linear.gather [hbm4b:s11+s17], $0x80, $0x38;
	[tilespmem:$0x10080] =	vst v63  }
0x116: {  	s13 =	simm.s32 $0x800;
	s12 =	sadd.s32 $0x10, s11  }
0x117: {  	[tilespmem:s13], [sflag:$0x1] =	stream.linear.gather [hbm4b:s12+s17], $0x80, $0x38;
	[tilespmem:$0x10080] =	vst v63  }
0x118: {  	s15 =	simm.s32 $0x1000;
	s14 =	sadd.s32 $0x20, s11  }
0x119: {  	[tilespmem:s15], [sflag:$0x1] =	stream.linear.gather [hbm4b:s14+s17], $0x80, $0x38;
	[tilespmem:$0x10080] =	vst v63  }
0x11a: {  	s2 =	simm.s32 $0x400;
	s18 =	simm.s32 $0x1800;
	s16 =	sadd.s32 $0x30, s11  }
0x11b: {  	[tilespmem:s18], [sflag:$0x1] =	stream.linear.gather [hbm4b:s16+s17], $0x80, $0x38;
	[tilespmem:$0x10080] =	vst v63  }
0x11c: {  	s20 =	simm.s32 $0x2000;
	s22 =	simm.s32 $0x2800;
	s19 =	sadd.s32 $0x40, s11  }
0x11d: {  	[tilespmem:s20], [sflag:$0x1] =	stream.linear.gather [hbm4b:s19+s17], $0x80, $0x38;
	[tilespmem:$0x10080] =	vst v63  }
0x11e: {  	s26 =	simm.s32 $0x3000;
	s6 =	simm.s32 $0x3800;
	s21 =	sadd.s32 $0x50, s11  }
0x11f: {  	[tilespmem:s22], [sflag:$0x1] =	stream.linear.gather [hbm4b:s21+s17], $0x80, $0x38;
	[tilespmem:$0x10080] =	vst v63  }
0x120: {  	s23 =	sadd.s32 $0x60, s11;
	s5 =	sadd.s32 $0x70, s11;
	s4 =	sadd.s32 $0x80, s11  }
0x121: {  	[tilespmem:s26], [sflag:$0x1] =	stream.linear.gather [hbm4b:s23+s17], $0x80, $0x38;
	[tilespmem:$0x10080] =	vst v63  }
.LBB2_10:
0x122: {  	[tilespmem:s6], [sflag:$0x1] =	stream.linear.gather [hbm4b:s5+s17], $0x80, $0x38;
	[tilespmem:$0x10080] =	vst v63  }
0x123: {  	s6 =	sshra.s32 s2, $0x2;
	p1 =	sne.s32 s2, $0x1C00;
	s2 =	sadd.s32 $0x400, s2  }
0x124: {  	[tilespmem:s6], [sflag:$0x1] =	stream.linear.gather [hbm4b:s4+s17], $0x80, $0x38;
	[tilespmem:$0x10080] =	vst v63  }
0x125: {  	s5 =	sadd.s32 $0x10, s4;
	s7 =	sadd.s32 $0x800, s6  }
0x126: {  	[tilespmem:s7], [sflag:$0x1] =	stream.linear.gather [hbm4b:s5+s17], $0x80, $0x38;
	[tilespmem:$0x10080] =	vst v63  }
0x127: {  	s5 =	sadd.s32 $0x20, s4;
	s7 =	sadd.s32 $0x1000, s6  }
0x128: {  	[tilespmem:s7], [sflag:$0x1] =	stream.linear.gather [hbm4b:s5+s17], $0x80, $0x38;
	[tilespmem:$0x10080] =	vst v63  }
0x129: {  	s5 =	sadd.s32 $0x30, s4;
	s7 =	sadd.s32 $0x1800, s6  }
0x12a: {  	[tilespmem:s7], [sflag:$0x1] =	stream.linear.gather [hbm4b:s5+s17], $0x80, $0x38;
	[tilespmem:$0x10080] =	vst v63  }
0x12b: {  	s5 =	sadd.s32 $0x40, s4;
	s7 =	sadd.s32 $0x2000, s6  }
0x12c: {  	[tilespmem:s7], [sflag:$0x1] =	stream.linear.gather [hbm4b:s5+s17], $0x80, $0x38;
	[tilespmem:$0x10080] =	vst v63  }
.Ltmp4:
0x12d: {  	s5 =	sadd.s32 $0x50, s4;
	s7 =	sadd.s32 $0x2800, s6;
	(pc) =	sbr.rel @p1 .LBB2_10-.Ltmp4, $4  }
0x12e: {  	[tilespmem:s7], [sflag:$0x1] =	stream.linear.gather [hbm4b:s5+s17], $0x80, $0x38;
	[tilespmem:$0x10080] =	vst v63  }
0x12f: {  	s5 =	sadd.s32 $0x60, s4;
	s7 =	sadd.s32 $0x3000, s6  }
0x130: {  	[tilespmem:s7], [sflag:$0x1] =	stream.linear.gather [hbm4b:s5+s17], $0x80, $0x38;
	[tilespmem:$0x10080] =	vst v63  }
0x131: {  	s6 =	sadd.s32 $0x3800, s6;
	s5 =	sadd.s32 $0x70, s4;
	s4 =	sadd.s32 $0x80, s4  }
0x132: {  	[tilespmem:s6], [sflag:$0x1] =	stream.linear.gather [hbm4b:s5+s17], $0x80, $0x38;
	[tilespmem:$0x10080] =	vst v63  }
0x133: {  	s2 =	rddreg [dreg:$0x6]  }
0x134: {  	s11 =	simm.s32 $0x4000;
	s4 =	sadd.s32 $0x400, s2  }
0x135: {  	[tilespmem:s11], [sflag:$0x1] =	stream.linear.gather [hbm4b:s4+s17], $0x80, $0x38;
	[tilespmem:$0x10080] =	vst v63  }
0x136: {  	s13 =	simm.s32 $0x4800;
	s12 =	sadd.s32 $0x10, s4  }
0x137: {  	[tilespmem:s13], [sflag:$0x1] =	stream.linear.gather [hbm4b:s12+s17], $0x80, $0x38;
	[tilespmem:$0x10080] =	vst v63  }
0x138: {  	s15 =	simm.s32 $0x5000;
	s18 =	simm.s32 $0x5800;
	s14 =	sadd.s32 $0x20, s4  }
0x139: {  	[tilespmem:s15], [sflag:$0x1] =	stream.linear.gather [hbm4b:s14+s17], $0x80, $0x38;
	[tilespmem:$0x10080] =	vst v63  }
0x13a: {  	s20 =	simm.s32 $0x6000;
	s22 =	simm.s32 $0x6800;
	s16 =	sadd.s32 $0x30, s4  }
0x13b: {  	[tilespmem:s18], [sflag:$0x1] =	stream.linear.gather [hbm4b:s16+s17], $0x80, $0x38;
	[tilespmem:$0x10080] =	vst v63  }
0x13c: {  	s26 =	simm.s32 $0x7000;
	s5 =	simm.s32 $0x800;
	s19 =	sadd.s32 $0x40, s4  }
0x13d: {  	[tilespmem:s20], [sflag:$0x1] =	stream.linear.gather [hbm4b:s19+s17], $0x80, $0x38;
	[tilespmem:$0x10080] =	vst v63  }
0x13e: {  	s7 =	simm.s32 $0x7800;
	s2 =	simm.s32 $0x100;
	s21 =	sadd.s32 $0x50, s4  }
0x13f: {  	[tilespmem:s22], [sflag:$0x1] =	stream.linear.gather [hbm4b:s21+s17], $0x80, $0x38;
	[tilespmem:$0x10080] =	vst v63  }
0x140: {  	s23 =	sadd.s32 $0x60, s4;
	s6 =	sadd.s32 $0x70, s4;
	s4 =	sadd.s32 $0x80, s4  }
0x141: {  	[tilespmem:s26], [sflag:$0x1] =	stream.linear.gather [hbm4b:s23+s17], $0x80, $0x38;
	[tilespmem:$0x10080] =	vst v63  }
.LBB2_12:
0x142: {  	[tilespmem:s7], [sflag:$0x1] =	stream.linear.gather [hbm4b:s6+s17], $0x80, $0x38;
	[tilespmem:$0x10080] =	vst v63  }
0x143: {  	s7 =	smov.u32 s2;
	s2 =	smov.u32 s5  }
0x144: {  	s10 =	sadd.s32 $0x400, s5;
	s2 =	sshra.s32 s2, $0x2;
	s6 =	sadd.s32 $0x4000, s7  }
0x145: {  	[tilespmem:s6], [sflag:$0x1] =	stream.linear.gather [hbm4b:s4+s17], $0x80, $0x38;
	[tilespmem:$0x10080] =	vst v63  }
0x146: {  	p1 =	sne.s32 s5, $0x1C00;
	s5 =	sadd.s32 $0x10, s4;
	s6 =	sadd.s32 $0x4800, s7  }
0x147: {  	[tilespmem:s6], [sflag:$0x1] =	stream.linear.gather [hbm4b:s5+s17], $0x80, $0x38;
	[tilespmem:$0x10080] =	vst v63  }
0x148: {  	s5 =	sadd.s32 $0x20, s4;
	s6 =	sadd.s32 $0x5000, s7  }
0x149: {  	[tilespmem:s6], [sflag:$0x1] =	stream.linear.gather [hbm4b:s5+s17], $0x80, $0x38;
	[tilespmem:$0x10080] =	vst v63  }
0x14a: {  	s5 =	sadd.s32 $0x30, s4;
	s6 =	sadd.s32 $0x5800, s7  }
0x14b: {  	[tilespmem:s6], [sflag:$0x1] =	stream.linear.gather [hbm4b:s5+s17], $0x80, $0x38;
	[tilespmem:$0x10080] =	vst v63  }
0x14c: {  	s5 =	sadd.s32 $0x40, s4;
	s6 =	sadd.s32 $0x6000, s7  }
0x14d: {  	[tilespmem:s6], [sflag:$0x1] =	stream.linear.gather [hbm4b:s5+s17], $0x80, $0x38;
	[tilespmem:$0x10080] =	vst v63  }
.Ltmp5:
0x14e: {  	s5 =	sadd.s32 $0x50, s4;
	s6 =	sadd.s32 $0x6800, s7;
	(pc) =	sbr.rel @p1 .LBB2_12-.Ltmp5, $4  }
0x14f: {  	[tilespmem:s6], [sflag:$0x1] =	stream.linear.gather [hbm4b:s5+s17], $0x80, $0x38;
	[tilespmem:$0x10080] =	vst v63  }
0x150: {  	s5 =	sadd.s32 $0x60, s4;
	s6 =	sadd.s32 $0x7000, s7;
	s7 =	sadd.s32 $0x7800, s7  }
0x151: {  	[tilespmem:s6], [sflag:$0x1] =	stream.linear.gather [hbm4b:s5+s17], $0x80, $0x38;
	[tilespmem:$0x10080] =	vst v63  }
0x152: {  	s6 =	sadd.s32 $0x70, s4;
	s4 =	sadd.s32 $0x80, s4;
	s5 =	smov.u32 s10  }
0x153: {  	[tilespmem:s7], [sflag:$0x1] =	stream.linear.gather [hbm4b:s6+s17], $0x80, $0x38;
	[tilespmem:$0x10080] =	vst v63  }
0x154: {  	s5 =	sadd.s32 $0x4000, s2  }
0x155: {  	[tilespmem:s5], [sflag:$0x1] =	stream.linear.gather [hbm4b:s4+s17], $0x80, $0x38;
	[tilespmem:$0x10080] =	vst v63  }
0x156: {  	s19 =	sadd.s32 $0x10, s4;
	s20 =	sadd.s32 $0x4800, s2  }
0x157: {  	[tilespmem:s20], [sflag:$0x1] =	stream.linear.gather [hbm4b:s19+s17], $0x80, $0x38;
	[tilespmem:$0x10080] =	vst v63  }
0x158: {  	s21 =	sadd.s32 $0x20, s4;
	s22 =	sadd.s32 $0x5000, s2  }
0x159: {  	[tilespmem:s22], [sflag:$0x1] =	stream.linear.gather [hbm4b:s21+s17], $0x80, $0x38;
	[tilespmem:$0x10080] =	vst v63  }
0x15a: {  	s26 =	smov.u32 s25;
	s23 =	sadd.s32 $0x30, s4;
	s25 =	sadd.s32 $0x5800, s2  }
0x15b: {  	[tilespmem:s25], [sflag:$0x1] =	stream.linear.gather [hbm4b:s23+s17], $0x80, $0x38;
	[tilespmem:$0x10080] =	vst v63  }
0x15c: {  	s6 =	sadd.s32 $0x40, s4;
	s7 =	sadd.s32 $0x6000, s2  }
0x15d: {  	[tilespmem:s7], [sflag:$0x1] =	stream.linear.gather [hbm4b:s6+s17], $0x80, $0x38;
	[tilespmem:$0x10080] =	vst v63  }
0x15e: {  	s10 =	sadd.s32 $0x50, s4;
	s11 =	sadd.s32 $0x6800, s2  }
0x15f: {  	[tilespmem:s11], [sflag:$0x1] =	stream.linear.gather [hbm4b:s10+s17], $0x80, $0x38;
	[tilespmem:$0x10080] =	vst v63  }
0x160: {  	s12 =	sadd.s32 $0x60, s4;
	s13 =	sadd.s32 $0x7000, s2  }
0x161: {  	[tilespmem:s13], [sflag:$0x1] =	stream.linear.gather [hbm4b:s12+s17], $0x80, $0x38;
	[tilespmem:$0x10080] =	vst v63  }
0x162: {  	s14 =	sadd.s32 $0x70, s4;
	s15 =	sadd.s32 $0x7800, s2  }
0x163: {  	[tilespmem:s15], [sflag:$0x1] =	stream.linear.gather [hbm4b:s14+s17], $0x80, $0x38;
	[tilespmem:$0x10080] =	vst v63  }
0x164: {  	s16 =	simm.s32 $0x8000  }
0x165: {  	[tilespmem:s16], [sflag:$0x2] =	stream.linear.gather [hbm4b:s24+s17], $0x80, $0x38;
	[tilespmem:$0x10080] =	vst v63  }
0x166: {  	s18 =	simm.s32 $0x8800;
	s13 =	sadd.s32 $0x10, s24  }
0x167: {  	[tilespmem:s18], [sflag:$0x2] =	stream.linear.gather [hbm4b:s13+s17], $0x80, $0x38;
	[tilespmem:$0x10080] =	vst v63  }
0x168: {  	s2 =	simm.s32 $0x100;
	s19 =	simm.s32 $0x9000;
	s14 =	sadd.s32 $0x20, s24  }
0x169: {  	[tilespmem:s19], [sflag:$0x2] =	stream.linear.gather [hbm4b:s14+s17], $0x80, $0x38;
	[tilespmem:$0x10080] =	vst v63  }
0x16a: {  	s5 =	sadd.s32 $0x50, s24;
	s20 =	simm.s32 $0x9800;
	s15 =	sadd.s32 $0x30, s24  }
0x16b: {  	[tilespmem:s20], [sflag:$0x2] =	stream.linear.gather [hbm4b:s15+s17], $0x80, $0x38;
	[tilespmem:$0x10080] =	vst v63  }
0x16c: {  	s4 =	sadd.s32 $0x80, s24;
	s21 =	simm.s32 $0xA000;
	s16 =	sadd.s32 $0x40, s24  }
0x16d: {  	[tilespmem:s21], [sflag:$0x2] =	stream.linear.gather [hbm4b:s16+s17], $0x80, $0x38;
	[tilespmem:$0x10080] =	vst v63  }
0x16e: {  	s22 =	simm.s32 $0xA800;
	s23 =	sadd.s32 $0x60, s24;
	s25 =	simm.s32 $0xB000  }
0x16f: {  	[tilespmem:s22], [sflag:$0x2] =	stream.linear.gather [hbm4b:s5+s17], $0x80, $0x38;
	[tilespmem:$0x10080] =	vst v63  }
0x170: {  	s6 =	simm.s32 $0x800;
	s7 =	sadd.s32 $0x70, s24;
	s10 =	simm.s32 $0xB800  }
0x171: {  	[tilespmem:s25], [sflag:$0x2] =	stream.linear.gather [hbm4b:s23+s17], $0x80, $0x38;
	[tilespmem:$0x10080] =	vst v63  }
.LBB2_14:
0x172: {  	[tilespmem:s10], [sflag:$0x2] =	stream.linear.gather [hbm4b:s7+s17], $0x80, $0x38;
	[tilespmem:$0x10080] =	vst v63  }
0x173: {  	s10 =	smov.u32 s2;
	s2 =	smov.u32 s6  }
0x174: {  	s11 =	sadd.s32 $0x400, s6;
	s2 =	sshra.s32 s2, $0x2;
	s7 =	sadd.s32 $0x8000, s10  }
0x175: {  	[tilespmem:s7], [sflag:$0x2] =	stream.linear.gather [hbm4b:s4+s17], $0x80, $0x38;
	[tilespmem:$0x10080] =	vst v63  }
0x176: {  	p1 =	sne.s32 s6, $0x1C00;
	s6 =	sadd.s32 $0x10, s4;
	s7 =	sadd.s32 $0x8800, s10  }
0x177: {  	[tilespmem:s7], [sflag:$0x2] =	stream.linear.gather [hbm4b:s6+s17], $0x80, $0x38;
	[tilespmem:$0x10080] =	vst v63  }
0x178: {  	s6 =	sadd.s32 $0x20, s4;
	s7 =	sadd.s32 $0x9000, s10  }
0x179: {  	[tilespmem:s7], [sflag:$0x2] =	stream.linear.gather [hbm4b:s6+s17], $0x80, $0x38;
	[tilespmem:$0x10080] =	vst v63  }
0x17a: {  	s6 =	sadd.s32 $0x30, s4;
	s7 =	sadd.s32 $0x9800, s10  }
0x17b: {  	[tilespmem:s7], [sflag:$0x2] =	stream.linear.gather [hbm4b:s6+s17], $0x80, $0x38;
	[tilespmem:$0x10080] =	vst v63  }
0x17c: {  	s6 =	sadd.s32 $0x40, s4;
	s7 =	sadd.s32 $0xA000, s10  }
0x17d: {  	[tilespmem:s7], [sflag:$0x2] =	stream.linear.gather [hbm4b:s6+s17], $0x80, $0x38;
	[tilespmem:$0x10080] =	vst v63  }
.Ltmp6:
0x17e: {  	s6 =	sadd.s32 $0x50, s4;
	s7 =	sadd.s32 $0xA800, s10;
	(pc) =	sbr.rel @p1 .LBB2_14-.Ltmp6, $4  }
0x17f: {  	[tilespmem:s7], [sflag:$0x2] =	stream.linear.gather [hbm4b:s6+s17], $0x80, $0x38;
	[tilespmem:$0x10080] =	vst v63  }
0x180: {  	s6 =	sadd.s32 $0x60, s4;
	s7 =	sadd.s32 $0xB000, s10;
	s10 =	sadd.s32 $0xB800, s10  }
0x181: {  	[tilespmem:s7], [sflag:$0x2] =	stream.linear.gather [hbm4b:s6+s17], $0x80, $0x38;
	[tilespmem:$0x10080] =	vst v63  }
0x182: {  	s7 =	sadd.s32 $0x70, s4;
	s4 =	sadd.s32 $0x80, s4;
	s6 =	smov.u32 s11  }
0x183: {  	[tilespmem:s10], [sflag:$0x2] =	stream.linear.gather [hbm4b:s7+s17], $0x80, $0x38;
	[tilespmem:$0x10080] =	vst v63  }
0x184: {  	s6 =	sadd.s32 $0x8000, s2  }
0x185: {  	[tilespmem:s6], [sflag:$0x2] =	stream.linear.gather [hbm4b:s4+s17], $0x80, $0x38;
	[tilespmem:$0x10080] =	vst v63  }
0x186: {  	s10 =	sadd.s32 $0x10, s4;
	s11 =	sadd.s32 $0x8800, s2  }
0x187: {  	[tilespmem:s11], [sflag:$0x2] =	stream.linear.gather [hbm4b:s10+s17], $0x80, $0x38;
	[tilespmem:$0x10080] =	vst v63  }
0x188: {  	s12 =	sadd.s32 $0x20, s4;
	s18 =	sadd.s32 $0x9000, s2  }
0x189: {  	[tilespmem:s18], [sflag:$0x2] =	stream.linear.gather [hbm4b:s12+s17], $0x80, $0x38;
	[tilespmem:$0x10080] =	vst v63  }
0x18a: {  	s19 =	sadd.s32 $0x30, s4;
	s20 =	sadd.s32 $0x9800, s2  }
0x18b: {  	[tilespmem:s20], [sflag:$0x2] =	stream.linear.gather [hbm4b:s19+s17], $0x80, $0x38;
	[tilespmem:$0x10080] =	vst v63  }
0x18c: {  	s21 =	sadd.s32 $0x40, s4;
	s22 =	sadd.s32 $0xA000, s2  }
0x18d: {  	[tilespmem:s22], [sflag:$0x2] =	stream.linear.gather [hbm4b:s21+s17], $0x80, $0x38;
	[tilespmem:$0x10080] =	vst v63  }
0x18e: {  	s23 =	sadd.s32 $0x50, s4;
	s25 =	sadd.s32 $0xA800, s2  }
0x18f: {  	[tilespmem:s25], [sflag:$0x2] =	stream.linear.gather [hbm4b:s23+s17], $0x80, $0x38;
	[tilespmem:$0x10080] =	vst v63  }
0x190: {  	s10 =	sadd.s32 $0x60, s4;
	s11 =	sadd.s32 $0xB000, s2  }
0x191: {  	[tilespmem:s11], [sflag:$0x2] =	stream.linear.gather [hbm4b:s10+s17], $0x80, $0x38;
	[tilespmem:$0x10080] =	vst v63  }
0x192: {  	s12 =	sadd.s32 $0x70, s4;
	s18 =	sadd.s32 $0xB800, s2  }
0x193: {  	[tilespmem:s18], [sflag:$0x2] =	stream.linear.gather [hbm4b:s12+s17], $0x80, $0x38;
	[tilespmem:$0x10080] =	vst v63  }
0x194: {  	s19 =	simm.s32 $0xC000;
	s12 =	sadd.s32 $0x400, s24;
	s18 =	simm.s32 $0x0  }
0x195: {  	[tilespmem:s19], [sflag:$0x2] =	stream.linear.gather [hbm4b:s12+s18], $0x80, $0x38;
	[tilespmem:$0x10080] =	vst v63  }
0x196: {  	s20 =	simm.s32 $0xC800;
	s10 =	sadd.s32 $0x10, s12  }
0x197: {  	[tilespmem:s20], [sflag:$0x2] =	stream.linear.gather [hbm4b:s10+s18], $0x80, $0x38;
	[tilespmem:$0x10080] =	vst v63  }
0x198: {  	s21 =	simm.s32 $0xD000;
	s11 =	sadd.s32 $0x20, s12  }
0x199: {  	[tilespmem:s21], [sflag:$0x2] =	stream.linear.gather [hbm4b:s11+s18], $0x80, $0x38;
	[tilespmem:$0x10080] =	vst v63  }
0x19a: {  	s22 =	simm.s32 $0xD800;
	s4 =	sadd.s32 $0x30, s12  }
0x19b: {  	[tilespmem:s22], [sflag:$0x2] =	stream.linear.gather [hbm4b:s4+s18], $0x80, $0x38;
	[tilespmem:$0x10080] =	vst v63  }
0x19c: {  	s25 =	smov.u32 s24;
	s23 =	simm.s32 $0xE000;
	s6 =	sadd.s32 $0x40, s12  }
0x19d: {  	[tilespmem:s23], [sflag:$0x2] =	stream.linear.gather [hbm4b:s6+s18], $0x80, $0x38;
	[tilespmem:$0x10080] =	vst v63  }
0x19e: {  	s24 =	simm.s32 $0xE800;
	s7 =	sadd.s32 $0x50, s12;
	s2 =	sadd.s32 $0x60, s12  }
0x19f: {  	[tilespmem:s24], [sflag:$0x2] =	stream.linear.gather [hbm4b:s7+s18], $0x80, $0x38;
	[tilespmem:$0x10080] =	vst v63  }
0x1a0: {  	s19 =	simm.s32 $0xF000;
	s20 =	sadd.s32 $0x80, s12;
	s21 =	simm.s32 $0x800  }
0x1a1: {  	[tilespmem:s19], [sflag:$0x2] =	stream.linear.gather [hbm4b:s2+s18], $0x80, $0x38;
	[tilespmem:$0x10080] =	vst v63  }
0x1a2: {  	s22 =	sadd.s32 $0x70, s12;
	s23 =	simm.s32 $0xF800;
	s19 =	simm.s32 $0x100  }
.LBB2_16:
0x1a3: {  	[tilespmem:s23], [sflag:$0x2] =	stream.linear.gather [hbm4b:s22+s18], $0x80, $0x38;
	[tilespmem:$0x10080] =	vst v63  }
0x1a4: {  	s23 =	smov.u32 s19;
	s19 =	smov.u32 s21  }
0x1a5: {  	s24 =	sadd.s32 $0x400, s21;
	s19 =	sshra.s32 s19, $0x2;
	s22 =	sadd.s32 $0xC000, s23  }
0x1a6: {  	[tilespmem:s22], [sflag:$0x2] =	stream.linear.gather [hbm4b:s20+s18], $0x80, $0x38;
	[tilespmem:$0x10080] =	vst v63  }
0x1a7: {  	p1 =	sne.s32 s21, $0x1C00;
	s21 =	sadd.s32 $0x10, s20;
	s22 =	sadd.s32 $0xC800, s23  }
0x1a8: {  	[tilespmem:s22], [sflag:$0x2] =	stream.linear.gather [hbm4b:s21+s18], $0x80, $0x38;
	[tilespmem:$0x10080] =	vst v63  }
0x1a9: {  	s21 =	sadd.s32 $0x20, s20;
	s22 =	sadd.s32 $0xD000, s23  }
0x1aa: {  	[tilespmem:s22], [sflag:$0x2] =	stream.linear.gather [hbm4b:s21+s18], $0x80, $0x38;
	[tilespmem:$0x10080] =	vst v63  }
0x1ab: {  	s21 =	sadd.s32 $0x30, s20;
	s22 =	sadd.s32 $0xD800, s23  }
0x1ac: {  	[tilespmem:s22], [sflag:$0x2] =	stream.linear.gather [hbm4b:s21+s18], $0x80, $0x38;
	[tilespmem:$0x10080] =	vst v63  }
0x1ad: {  	s21 =	sadd.s32 $0x40, s20;
	s22 =	sadd.s32 $0xE000, s23  }
0x1ae: {  	[tilespmem:s22], [sflag:$0x2] =	stream.linear.gather [hbm4b:s21+s18], $0x80, $0x38;
	[tilespmem:$0x10080] =	vst v63  }
.Ltmp7:
0x1af: {  	s21 =	sadd.s32 $0x50, s20;
	s22 =	sadd.s32 $0xE800, s23;
	(pc) =	sbr.rel @p1 .LBB2_16-.Ltmp7, $4  }
0x1b0: {  	[tilespmem:s22], [sflag:$0x2] =	stream.linear.gather [hbm4b:s21+s18], $0x80, $0x38;
	[tilespmem:$0x10080] =	vst v63  }
0x1b1: {  	s21 =	sadd.s32 $0x60, s20;
	s22 =	sadd.s32 $0xF000, s23;
	s23 =	sadd.s32 $0xF800, s23  }
0x1b2: {  	[tilespmem:s22], [sflag:$0x2] =	stream.linear.gather [hbm4b:s21+s18], $0x80, $0x38;
	[tilespmem:$0x10080] =	vst v63  }
0x1b3: {  	s22 =	sadd.s32 $0x70, s20;
	s20 =	sadd.s32 $0x80, s20;
	s21 =	smov.u32 s24  }
0x1b4: {  	[tilespmem:s23], [sflag:$0x2] =	stream.linear.gather [hbm4b:s22+s18], $0x80, $0x38;
	[tilespmem:$0x10080] =	vst v63  }
0x1b5: {  	s21 =	sadd.s32 $0xC000, s19  }
0x1b6: {  	[tilespmem:s21], [sflag:$0x2] =	stream.linear.gather [hbm4b:s20+s18], $0x80, $0x38;
	[tilespmem:$0x10080] =	vst v63  }
0x1b7: {  	s23 =	sadd.s32 $0x10, s20;
	s24 =	sadd.s32 $0xC800, s19  }
0x1b8: {  	[tilespmem:s24], [sflag:$0x2] =	stream.linear.gather [hbm4b:s23+s18], $0x80, $0x38;
	[tilespmem:$0x10080] =	vst v63  }
0x1b9: {  	s23 =	sadd.s32 $0x20, s20;
	s24 =	sadd.s32 $0xD000, s19  }
0x1ba: {  	[tilespmem:s24], [sflag:$0x2] =	stream.linear.gather [hbm4b:s23+s18], $0x80, $0x38;
	[tilespmem:$0x10080] =	vst v63  }
0x1bb: {  	s23 =	sadd.s32 $0x30, s20;
	s24 =	sadd.s32 $0xD800, s19  }
0x1bc: {  	[tilespmem:s24], [sflag:$0x2] =	stream.linear.gather [hbm4b:s23+s18], $0x80, $0x38;
	[tilespmem:$0x10080] =	vst v63  }
0x1bd: {  	s23 =	sadd.s32 $0x40, s20;
	s24 =	sadd.s32 $0xE000, s19  }
0x1be: {  	[tilespmem:s24], [sflag:$0x2] =	stream.linear.gather [hbm4b:s23+s18], $0x80, $0x38;
	[tilespmem:$0x10080] =	vst v63  }
0x1bf: {  	s23 =	sadd.s32 $0x50, s20;
	s24 =	sadd.s32 $0xE800, s19  }
0x1c0: {  	[tilespmem:s24], [sflag:$0x2] =	stream.linear.gather [hbm4b:s23+s18], $0x80, $0x38;
	[tilespmem:$0x10080] =	vst v63  }
0x1c1: {  	s23 =	sadd.s32 $0x60, s20;
	s24 =	sadd.s32 $0xF000, s19  }
0x1c2: {  	[tilespmem:s24], [sflag:$0x2] =	stream.linear.gather [hbm4b:s23+s18], $0x80, $0x38;
	[tilespmem:$0x10080] =	vst v63  }
0x1c3: {  	s23 =	sadd.s32 $0x70, s20;
	s24 =	sadd.s32 $0xF800, s19  }
0x1c4: {  	[tilespmem:s24], [sflag:$0x2] =	stream.linear.gather [hbm4b:s23+s18], $0x80, $0x38;
	[tilespmem:$0x10080] =	vst v63  }
0x1c5: {  	s21 =	simm.s32 $0x8000;
	s18 =	simm.s32 $0x0  }
0x1c6: {  	[tilespmem:s21], [sflag:$0x2] =	stream.linear.gather [hbm4b:s25+s18], $0x80, $0x38;
	[tilespmem:$0x10080] =	vst v63  }
0x1c7: {  	s22 =	simm.s32 $0x8800  }
0x1c8: {  	[tilespmem:s22], [sflag:$0x2] =	stream.linear.gather [hbm4b:s13+s18], $0x80, $0x38;
	[tilespmem:$0x10080] =	vst v63  }
0x1c9: {  	s23 =	simm.s32 $0x9000  }
0x1ca: {  	[tilespmem:s23], [sflag:$0x2] =	stream.linear.gather [hbm4b:s14+s18], $0x80, $0x38;
	[tilespmem:$0x10080] =	vst v63  }
0x1cb: {  	s19 =	simm.s32 $0x9800  }
0x1cc: {  	[tilespmem:s19], [sflag:$0x2] =	stream.linear.gather [hbm4b:s15+s18], $0x80, $0x38;
	[tilespmem:$0x10080] =	vst v63  }
0x1cd: {  	s20 =	simm.s32 $0xA000;
	s24 =	smov.u32 s25;
	s21 =	simm.s32 $0xA800  }
0x1ce: {  	[tilespmem:s20], [sflag:$0x2] =	stream.linear.gather [hbm4b:s16+s18], $0x80, $0x38;
	[tilespmem:$0x10080] =	vst v63  }
0x1cf: {  	s22 =	sadd.s32 $0x60, s25;
	s13 =	simm.s32 $0x100;
	s14 =	simm.s32 $0xB800  }
0x1d0: {  	[tilespmem:s21], [sflag:$0x2] =	stream.linear.gather [hbm4b:s5+s18], $0x80, $0x38;
	[tilespmem:$0x10080] =	vst v63  }
0x1d1: {  	s23 =	simm.s32 $0xB000;
	s19 =	simm.s32 $0x800;
	s5 =	sadd.s32 $0x80, s25  }
0x1d2: {  	s20 =	sadd.s32 $0x70, s25;
	s16 =	simm.s32 $0x0;
	s15 =	sadd.s32 $0x10, s5  }
0x1d3: {  	[tilespmem:s23], [sflag:$0x2] =	stream.linear.gather [hbm4b:s22+s18], $0x80, $0x38;
	[tilespmem:$0x10080] =	vst v63  }
.LBB2_18:
0x1d4: {  	[tilespmem:s14], [sflag:$0x2] =	stream.linear.gather [hbm4b:s20+s16], $0x80, $0x38;
	[tilespmem:$0x10080] =	vst v63  }
0x1d5: {  	s20 =	smov.u32 s13;
	s13 =	smov.u32 s19;
	s21 =	smov.u32 s5  }
0x1d6: {  	s16 =	sadd.s32 $0x8000, s20;
	s22 =	sadd.s32 $0x9800, s20;
	s14 =	sadd.s32 $0xB800, s20  }
0x1d7: {  	[tilespmem:s16], [sflag:$0x2] =	stream.linear.gather [hbm4b:s5+s18], $0x80, $0x38;
	[tilespmem:$0x10080] =	vst v63  }
0x1d8: {  	s23 =	sadd.s32 $0x400, s19;
	s13 =	sshra.s32 s13, $0x2;
	s16 =	sadd.s32 $0x8800, s20  }
0x1d9: {  	[tilespmem:s16], [sflag:$0x2] =	stream.linear.gather [hbm4b:s15+s18], $0x80, $0x38;
	[tilespmem:$0x10080] =	vst v63  }
0x1da: {  	p1 =	sne.s32 s19, $0x1C00;
	s15 =	sadd.s32 $0x20, s5;
	s16 =	sadd.s32 $0x9000, s20  }
0x1db: {  	[tilespmem:s16], [sflag:$0x2] =	stream.linear.gather [hbm4b:s15+s18], $0x80, $0x38;
	[tilespmem:$0x10080] =	vst v63  }
0x1dc: {  	s15 =	sadd.s32 $0x30, s5;
	s16 =	smov.u32 s18  }
0x1dd: {  	[tilespmem:s22], [sflag:$0x2] =	stream.linear.gather [hbm4b:s15+s16], $0x80, $0x38;
	[tilespmem:$0x10080] =	vst v63  }
0x1de: {  	s19 =	sadd.s32 $0xA000, s20;
	s15 =	sadd.s32 $0x40, s5  }
0x1df: {  	[tilespmem:s19], [sflag:$0x2] =	stream.linear.gather [hbm4b:s15+s16], $0x80, $0x38;
	[tilespmem:$0x10080] =	vst v63  }
.Ltmp8:
0x1e0: {  	s15 =	sadd.s32 $0x50, s5;
	s19 =	sadd.s32 $0xA800, s20;
	(pc) =	sbr.rel @p1 .LBB2_18-.Ltmp8, $4  }
0x1e1: {  	[tilespmem:s19], [sflag:$0x2] =	stream.linear.gather [hbm4b:s15+s16], $0x80, $0x38;
	[tilespmem:$0x10080] =	vst v63  }
0x1e2: {  	s5 =	sadd.s32 $0x80, s5;
	s15 =	sadd.s32 $0x60, s21;
	s19 =	sadd.s32 $0xB000, s20  }
0x1e3: {  	[tilespmem:s19], [sflag:$0x2] =	stream.linear.gather [hbm4b:s15+s16], $0x80, $0x38;
	[tilespmem:$0x10080] =	vst v63  }
0x1e4: {  	s20 =	sadd.s32 $0x70, s21;
	s15 =	sadd.s32 $0x10, s5;
	s19 =	smov.u32 s23  }
0x1e5: {  	[tilespmem:s14], [sflag:$0x2] =	stream.linear.gather [hbm4b:s20+s16], $0x80, $0x38;
	[tilespmem:$0x10080] =	vst v63  }
0x1e6: {  	s21 =	sadd.s32 $0x8000, s13  }
0x1e7: {  	[tilespmem:s21], [sflag:$0x2] =	stream.linear.gather [hbm4b:s5+s18], $0x80, $0x38;
	[tilespmem:$0x10080] =	vst v63  }
0x1e8: {  	s22 =	sadd.s32 $0x8800, s13  }
0x1e9: {  	[tilespmem:s22], [sflag:$0x2] =	stream.linear.gather [hbm4b:s15+s18], $0x80, $0x38;
	[tilespmem:$0x10080] =	vst v63  }
0x1ea: {  	s23 =	sadd.s32 $0x20, s5;
	s25 =	sadd.s32 $0x9000, s13  }
0x1eb: {  	[tilespmem:s25], [sflag:$0x2] =	stream.linear.gather [hbm4b:s23+s18], $0x80, $0x38;
	[tilespmem:$0x10080] =	vst v63  }
0x1ec: {  	s16 =	sadd.s32 $0x30, s5;
	s15 =	sadd.s32 $0x9800, s13  }
0x1ed: {  	[tilespmem:s15], [sflag:$0x2] =	stream.linear.gather [hbm4b:s16+s18], $0x80, $0x38;
	[tilespmem:$0x10080] =	vst v63  }
0x1ee: {  	s19 =	sadd.s32 $0x40, s5;
	s20 =	sadd.s32 $0xA000, s13  }
0x1ef: {  	[tilespmem:s20], [sflag:$0x2] =	stream.linear.gather [hbm4b:s19+s18], $0x80, $0x38;
	[tilespmem:$0x10080] =	vst v63  }
0x1f0: {  	s21 =	sadd.s32 $0x50, s5;
	s22 =	sadd.s32 $0xA800, s13  }
0x1f1: {  	[tilespmem:s22], [sflag:$0x2] =	stream.linear.gather [hbm4b:s21+s18], $0x80, $0x38;
	[tilespmem:$0x10080] =	vst v63  }
0x1f2: {  	s23 =	sadd.s32 $0x60, s5;
	s25 =	sadd.s32 $0xB000, s13  }
0x1f3: {  	[tilespmem:s25], [sflag:$0x2] =	stream.linear.gather [hbm4b:s23+s18], $0x80, $0x38;
	[tilespmem:$0x10080] =	vst v63  }
0x1f4: {  	s15 =	sadd.s32 $0xB800, s13;
	s16 =	sadd.s32 $0x70, s5  }
0x1f5: {  	[tilespmem:s15], [sflag:$0x2] =	stream.linear.gather [hbm4b:s16+s18], $0x80, $0x38;
	[tilespmem:$0x10080] =	vst v63  }
0x1f6: {  	s18 =	simm.s32 $0xC000  }
0x1f7: {  	[tilespmem:s18], [sflag:$0x2] =	stream.linear.gather [hbm4b:s12+s17], $0x80, $0x38;
	[tilespmem:$0x10080] =	vst v63  }
0x1f8: {  	s19 =	simm.s32 $0xC800  }
0x1f9: {  	[tilespmem:s19], [sflag:$0x2] =	stream.linear.gather [hbm4b:s10+s17], $0x80, $0x38;
	[tilespmem:$0x10080] =	vst v63  }
0x1fa: {  	s20 =	simm.s32 $0xD000  }
0x1fb: {  	[tilespmem:s20], [sflag:$0x2] =	stream.linear.gather [hbm4b:s11+s17], $0x80, $0x38;
	[tilespmem:$0x10080] =	vst v63  }
0x1fc: {  	s21 =	simm.s32 $0xD800  }
0x1fd: {  	[tilespmem:s21], [sflag:$0x2] =	stream.linear.gather [hbm4b:s4+s17], $0x80, $0x38;
	[tilespmem:$0x10080] =	vst v63  }
0x1fe: {  	s22 =	simm.s32 $0xE000  }
0x1ff: {  	[tilespmem:s22], [sflag:$0x2] =	stream.linear.gather [hbm4b:s6+s17], $0x80, $0x38;
	[tilespmem:$0x10080] =	vst v63  }
0x200: {  	s5 =	simm.s32 $0x800;
	s23 =	simm.s32 $0xE800  }
0x201: {  	[tilespmem:s23], [sflag:$0x2] =	stream.linear.gather [hbm4b:s7+s17], $0x80, $0x38;
	[tilespmem:$0x10080] =	vst v63  }
0x202: {  	s25 =	simm.s32 $0xF000;
	s4 =	sadd.s32 $0x80, s12;
	s6 =	sadd.s32 $0x70, s12  }
0x203: {  	[tilespmem:s25], [sflag:$0x2] =	stream.linear.gather [hbm4b:s2+s17], $0x80, $0x38;
	[tilespmem:$0x10080] =	vst v63  }
0x204: {  	s7 =	simm.s32 $0xF800;
	s2 =	simm.s32 $0x100;
	s25 =	smov.u32 s26  }
.LBB2_20:
0x205: {  	[tilespmem:s7], [sflag:$0x2] =	stream.linear.gather [hbm4b:s6+s17], $0x80, $0x38;
	[tilespmem:$0x10080] =	vst v63  }
0x206: {  	s7 =	smov.u32 s2;
	s2 =	smov.u32 s5  }
0x207: {  	s10 =	sadd.s32 $0x400, s5;
	s2 =	sshra.s32 s2, $0x2;
	s6 =	sadd.s32 $0xC000, s7  }
0x208: {  	[tilespmem:s6], [sflag:$0x2] =	stream.linear.gather [hbm4b:s4+s17], $0x80, $0x38;
	[tilespmem:$0x10080] =	vst v63  }
0x209: {  	p1 =	sne.s32 s5, $0x1C00;
	s5 =	sadd.s32 $0x10, s4;
	s6 =	sadd.s32 $0xC800, s7  }
0x20a: {  	[tilespmem:s6], [sflag:$0x2] =	stream.linear.gather [hbm4b:s5+s17], $0x80, $0x38;
	[tilespmem:$0x10080] =	vst v63  }
0x20b: {  	s5 =	sadd.s32 $0x20, s4;
	s6 =	sadd.s32 $0xD000, s7  }
0x20c: {  	[tilespmem:s6], [sflag:$0x2] =	stream.linear.gather [hbm4b:s5+s17], $0x80, $0x38;
	[tilespmem:$0x10080] =	vst v63  }
0x20d: {  	s5 =	sadd.s32 $0x30, s4;
	s6 =	sadd.s32 $0xD800, s7  }
0x20e: {  	[tilespmem:s6], [sflag:$0x2] =	stream.linear.gather [hbm4b:s5+s17], $0x80, $0x38;
	[tilespmem:$0x10080] =	vst v63  }
0x20f: {  	s5 =	sadd.s32 $0x40, s4;
	s6 =	sadd.s32 $0xE000, s7  }
0x210: {  	[tilespmem:s6], [sflag:$0x2] =	stream.linear.gather [hbm4b:s5+s17], $0x80, $0x38;
	[tilespmem:$0x10080] =	vst v63  }
.Ltmp9:
0x211: {  	s5 =	sadd.s32 $0x50, s4;
	s6 =	sadd.s32 $0xE800, s7;
	(pc) =	sbr.rel @p1 .LBB2_20-.Ltmp9, $4  }
0x212: {  	[tilespmem:s6], [sflag:$0x2] =	stream.linear.gather [hbm4b:s5+s17], $0x80, $0x38;
	[tilespmem:$0x10080] =	vst v63  }
0x213: {  	s5 =	sadd.s32 $0x60, s4;
	s6 =	sadd.s32 $0xF000, s7;
	s7 =	sadd.s32 $0xF800, s7  }
0x214: {  	[tilespmem:s6], [sflag:$0x2] =	stream.linear.gather [hbm4b:s5+s17], $0x80, $0x38;
	[tilespmem:$0x10080] =	vst v63  }
0x215: {  	s6 =	sadd.s32 $0x70, s4;
	s4 =	sadd.s32 $0x80, s4;
	s5 =	smov.u32 s10  }
0x216: {  	[tilespmem:s7], [sflag:$0x2] =	stream.linear.gather [hbm4b:s6+s17], $0x80, $0x38;
	[tilespmem:$0x10080] =	vst v63  }
0x217: {  	s5 =	sadd.s32 $0xC000, s2  }
0x218: {  	[tilespmem:s5], [sflag:$0x2] =	stream.linear.gather [hbm4b:s4+s17], $0x80, $0x38;
	[tilespmem:$0x10080] =	vst v63  }
0x219: {  	s21 =	sadd.s32 $0x10, s4;
	s22 =	sadd.s32 $0xC800, s2  }
0x21a: {  	[tilespmem:s22], [sflag:$0x2] =	stream.linear.gather [hbm4b:s21+s17], $0x80, $0x38;
	[tilespmem:$0x10080] =	vst v63  }
0x21b: {  	s23 =	sadd.s32 $0x20, s4;
	s26 =	sadd.s32 $0xD000, s2  }
0x21c: {  	[tilespmem:s26], [sflag:$0x2] =	stream.linear.gather [hbm4b:s23+s17], $0x80, $0x38;
	[tilespmem:$0x10080] =	vst v63  }
0x21d: {  	s7 =	sadd.s32 $0x30, s4;
	s10 =	sadd.s32 $0xD800, s2  }
0x21e: {  	[tilespmem:s10], [sflag:$0x2] =	stream.linear.gather [hbm4b:s7+s17], $0x80, $0x38;
	[tilespmem:$0x10080] =	vst v63  }
0x21f: {  	s11 =	sadd.s32 $0x40, s4;
	s12 =	sadd.s32 $0xE000, s2  }
0x220: {  	[tilespmem:s12], [sflag:$0x2] =	stream.linear.gather [hbm4b:s11+s17], $0x80, $0x38;
	[tilespmem:$0x10080] =	vst v63  }
0x221: {  	s13 =	sadd.s32 $0x50, s4;
	s14 =	sadd.s32 $0xE800, s2  }
0x222: {  	[tilespmem:s14], [sflag:$0x2] =	stream.linear.gather [hbm4b:s13+s17], $0x80, $0x38;
	[tilespmem:$0x10080] =	vst v63  }
0x223: {  	s15 =	sadd.s32 $0x60, s4;
	s16 =	sadd.s32 $0xF000, s2  }
0x224: {  	[tilespmem:s16], [sflag:$0x2] =	stream.linear.gather [hbm4b:s15+s17], $0x80, $0x38;
	[tilespmem:$0x10080] =	vst v63  }
0x225: {  	s18 =	sadd.s32 $0x70, s4;
	s19 =	sadd.s32 $0xF800, s2;
	s11 =	simm.s32 $0x1  }
0x226: {  	[tilespmem:s19], [sflag:$0x2] =	stream.linear.gather [hbm4b:s18+s17], $0x80, $0x38;
	[tilespmem:$0x10080] =	vst v63  }
0x227: {  	_ =	swait.ge [sflag:s11], $0x4000  }
0x228: {  	[sflag:s11] =	ssyncset.done $0x0  }
0x229: {  	s20 =	simm.s32 $0x0;
	s4 =	rddreg [dreg:$0x14];
	[sflag:s11] =	ssyncadd.s32 $0xFFFFC000  }
0x22a: {  	[hbm4b:s4+s8] =	stream.strided.scatter [tilespmem:s20], [sflag:$0x3], $0x800, s9, s8, $0x38;
	[tilespmem:$0x10080] =	vst v63  }
0x22b: {  	s13 =	simm.s32 $0x800;
	s21 =	sadd.s32 $0x20, s4  }
0x22c: {  	[hbm4b:s21+s8] =	stream.strided.scatter [tilespmem:s13], [sflag:$0x3], $0x800, s9, s8, $0x38;
	[tilespmem:$0x10080] =	vst v63  }
0x22d: {  	s14 =	simm.s32 $0x1000;
	s22 =	sadd.s32 $0x40, s4  }
0x22e: {  	[hbm4b:s22+s8] =	stream.strided.scatter [tilespmem:s14], [sflag:$0x3], $0x800, s9, s8, $0x38;
	[tilespmem:$0x10080] =	vst v63  }
0x22f: {  	s15 =	simm.s32 $0x1800;
	s23 =	sadd.s32 $0x60, s4  }
0x230: {  	[hbm4b:s23+s8] =	stream.strided.scatter [tilespmem:s15], [sflag:$0x3], $0x800, s9, s8, $0x38;
	[tilespmem:$0x10080] =	vst v63  }
0x231: {  	s16 =	simm.s32 $0x2000;
	s26 =	sadd.s32 $0x400, s4  }
0x232: {  	[hbm4b:s26+s8] =	stream.strided.scatter [tilespmem:s16], [sflag:$0x3], $0x800, s9, s8, $0x38;
	[tilespmem:$0x10080] =	vst v63  }
0x233: {  	s18 =	simm.s32 $0x2800;
	s5 =	sadd.s32 $0x420, s4  }
0x234: {  	[hbm4b:s5+s8] =	stream.strided.scatter [tilespmem:s18], [sflag:$0x3], $0x800, s9, s8, $0x38;
	[tilespmem:$0x10080] =	vst v63  }
0x235: {  	s19 =	simm.s32 $0x3000;
	s6 =	sadd.s32 $0x440, s4  }
0x236: {  	[hbm4b:s6+s8] =	stream.strided.scatter [tilespmem:s19], [sflag:$0x3], $0x800, s9, s8, $0x38;
	[tilespmem:$0x10080] =	vst v63  }
0x237: {  	s7 =	sadd.s32 $0x460, s4;
	s21 =	simm.s32 $0x3800  }
0x238: {  	[hbm4b:s7+s8] =	stream.strided.scatter [tilespmem:s21], [sflag:$0x3], $0x800, s9, s8, $0x38;
	[tilespmem:$0x10080] =	vst v63  }
0x239: {  	s12 =	simm.s32 $0x4000;
	s10 =	sadd.s32 $0x800, s4  }
0x23a: {  	[hbm4b:s10+s8] =	stream.strided.scatter [tilespmem:s12], [sflag:$0x3], $0x800, s9, s8, $0x38;
	[tilespmem:$0x10080] =	vst v63  }
0x23b: {  	s20 =	sadd.s32 $0x820, s4;
	s22 =	simm.s32 $0x4800  }
0x23c: {  	[hbm4b:s20+s8] =	stream.strided.scatter [tilespmem:s22], [sflag:$0x3], $0x800, s9, s8, $0x38;
	[tilespmem:$0x10080] =	vst v63  }
0x23d: {  	s23 =	sadd.s32 $0x840, s4;
	s26 =	simm.s32 $0x5000  }
0x23e: {  	[hbm4b:s23+s8] =	stream.strided.scatter [tilespmem:s26], [sflag:$0x3], $0x800, s9, s8, $0x38;
	[tilespmem:$0x10080] =	vst v63  }
0x23f: {  	s6 =	sadd.s32 $0x860, s4;
	s7 =	simm.s32 $0x5800  }
0x240: {  	[hbm4b:s6+s8] =	stream.strided.scatter [tilespmem:s7], [sflag:$0x3], $0x800, s9, s8, $0x38;
	[tilespmem:$0x10080] =	vst v63  }
0x241: {  	s10 =	sadd.s32 $0xC00, s4;
	s12 =	simm.s32 $0x6000  }
0x242: {  	[hbm4b:s10+s8] =	stream.strided.scatter [tilespmem:s12], [sflag:$0x3], $0x800, s9, s8, $0x38;
	[tilespmem:$0x10080] =	vst v63  }
0x243: {  	s20 =	sadd.s32 $0xC20, s4;
	s22 =	simm.s32 $0x6800  }
0x244: {  	[hbm4b:s20+s8] =	stream.strided.scatter [tilespmem:s22], [sflag:$0x3], $0x800, s9, s8, $0x38;
	[tilespmem:$0x10080] =	vst v63  }
0x245: {  	s23 =	sadd.s32 $0xC40, s4;
	s26 =	simm.s32 $0x7000  }
0x246: {  	[hbm4b:s23+s8] =	stream.strided.scatter [tilespmem:s26], [sflag:$0x3], $0x800, s9, s8, $0x38;
	[tilespmem:$0x10080] =	vst v63  }
0x247: {  	s5 =	sadd.s32 $0xC60, s4;
	s6 =	simm.s32 $0x7800;
	s7 =	simm.s32 $0x3  }
0x248: {  	[hbm4b:s5+s8] =	stream.strided.scatter [tilespmem:s6], [sflag:$0x3], $0x800, s9, s8, $0x38;
	[tilespmem:$0x10080] =	vst v63  }
0x249: {  	_ =	swait.ge [sflag:s7], $0x8000  }
0x24a: {  	[sflag:s7] =	ssyncset.done $0x0  }
0x24b: {  	s10 =	simm.s32 $0x0;
	s23 =	rddreg [dreg:$0x7];
	[sflag:s7] =	ssyncadd.s32 $0xFFFF8000  }
0x24c: {  	[tilespmem:s10], [sflag:$0x1] =	stream.linear.gather [hbm4b:s23+s17], $0x80, $0x38;
	[tilespmem:$0x10080] =	vst v63  }
0x24d: {  	s20 =	simm.s32 $0x800;
	s12 =	sadd.s32 $0x10, s23  }
0x24e: {  	[tilespmem:s20], [sflag:$0x1] =	stream.linear.gather [hbm4b:s12+s17], $0x80, $0x38;
	[tilespmem:$0x10080] =	vst v63  }
0x24f: {  	s26 =	simm.s32 $0x1000;
	s22 =	sadd.s32 $0x20, s23  }
0x250: {  	[tilespmem:s26], [sflag:$0x1] =	stream.linear.gather [hbm4b:s22+s17], $0x80, $0x38;
	[tilespmem:$0x10080] =	vst v63  }
0x251: {  	s6 =	simm.s32 $0x1800;
	s5 =	sadd.s32 $0x30, s23  }
0x252: {  	[tilespmem:s6], [sflag:$0x1] =	stream.linear.gather [hbm4b:s5+s17], $0x80, $0x38;
	[tilespmem:$0x10080] =	vst v63  }
0x253: {  	s7 =	sadd.s32 $0x40, s23;
	s10 =	simm.s32 $0x2000  }
0x254: {  	[tilespmem:s10], [sflag:$0x1] =	stream.linear.gather [hbm4b:s7+s17], $0x80, $0x38;
	[tilespmem:$0x10080] =	vst v63  }
0x255: {  	s2 =	simm.s32 $0x400;
	s12 =	sadd.s32 $0x50, s23;
	s20 =	simm.s32 $0x2800  }
0x256: {  	[tilespmem:s20], [sflag:$0x1] =	stream.linear.gather [hbm4b:s12+s17], $0x80, $0x38;
	[tilespmem:$0x10080] =	vst v63  }
0x257: {  	s22 =	sadd.s32 $0x60, s23;
	s26 =	simm.s32 $0x3000;
	s20 =	rddreg [dreg:$0xc]  }
0x258: {  	[tilespmem:s26], [sflag:$0x1] =	stream.linear.gather [hbm4b:s22+s17], $0x80, $0x38;
	[tilespmem:$0x10080] =	vst v63  }
0x259: {  	s4 =	sadd.s32 $0x80, s23;
	s5 =	sadd.s32 $0x70, s23;
	s26 =	rddreg [dreg:$0x9]  }
0x25a: {  	s6 =	simm.s32 $0x3800;
	s12 =	simm.s32 $0x2;
	s22 =	rddreg [dreg:$0xd]  }
.LBB2_22:
0x25b: {  	[tilespmem:s6], [sflag:$0x1] =	stream.linear.gather [hbm4b:s5+s17], $0x80, $0x38;
	[tilespmem:$0x10080] =	vst v63  }
0x25c: {  	s6 =	sshra.s32 s2, $0x2;
	p1 =	sne.s32 s2, $0x1C00;
	s2 =	sadd.s32 $0x400, s2  }
0x25d: {  	[tilespmem:s6], [sflag:$0x1] =	stream.linear.gather [hbm4b:s4+s17], $0x80, $0x38;
	[tilespmem:$0x10080] =	vst v63  }
0x25e: {  	s5 =	sadd.s32 $0x10, s4;
	s7 =	sadd.s32 $0x800, s6  }
0x25f: {  	[tilespmem:s7], [sflag:$0x1] =	stream.linear.gather [hbm4b:s5+s17], $0x80, $0x38;
	[tilespmem:$0x10080] =	vst v63  }
0x260: {  	s5 =	sadd.s32 $0x20, s4;
	s7 =	sadd.s32 $0x1000, s6  }
0x261: {  	[tilespmem:s7], [sflag:$0x1] =	stream.linear.gather [hbm4b:s5+s17], $0x80, $0x38;
	[tilespmem:$0x10080] =	vst v63  }
0x262: {  	s5 =	sadd.s32 $0x30, s4;
	s7 =	sadd.s32 $0x1800, s6  }
0x263: {  	[tilespmem:s7], [sflag:$0x1] =	stream.linear.gather [hbm4b:s5+s17], $0x80, $0x38;
	[tilespmem:$0x10080] =	vst v63  }
0x264: {  	s5 =	sadd.s32 $0x40, s4;
	s7 =	sadd.s32 $0x2000, s6  }
0x265: {  	[tilespmem:s7], [sflag:$0x1] =	stream.linear.gather [hbm4b:s5+s17], $0x80, $0x38;
	[tilespmem:$0x10080] =	vst v63  }
.Ltmp10:
0x266: {  	s5 =	sadd.s32 $0x50, s4;
	s7 =	sadd.s32 $0x2800, s6;
	(pc) =	sbr.rel @p1 .LBB2_22-.Ltmp10, $4  }
0x267: {  	[tilespmem:s7], [sflag:$0x1] =	stream.linear.gather [hbm4b:s5+s17], $0x80, $0x38;
	[tilespmem:$0x10080] =	vst v63  }
0x268: {  	s5 =	sadd.s32 $0x60, s4;
	s7 =	sadd.s32 $0x3000, s6  }
0x269: {  	[tilespmem:s7], [sflag:$0x1] =	stream.linear.gather [hbm4b:s5+s17], $0x80, $0x38;
	[tilespmem:$0x10080] =	vst v63  }
0x26a: {  	s6 =	sadd.s32 $0x3800, s6;
	s5 =	sadd.s32 $0x70, s4;
	s4 =	sadd.s32 $0x80, s4  }
0x26b: {  	[tilespmem:s6], [sflag:$0x1] =	stream.linear.gather [hbm4b:s5+s17], $0x80, $0x38;
	[tilespmem:$0x10080] =	vst v63  }
0x26c: {  	s4 =	sadd.s32 $0x400, s23;
	s2 =	simm.s32 $0x4000  }
0x26d: {  	[tilespmem:s2], [sflag:$0x1] =	stream.linear.gather [hbm4b:s4+s17], $0x80, $0x38;
	[tilespmem:$0x10080] =	vst v63  }
0x26e: {  	s7 =	simm.s32 $0x4800;
	s6 =	sadd.s32 $0x10, s4  }
0x26f: {  	[tilespmem:s7], [sflag:$0x1] =	stream.linear.gather [hbm4b:s6+s17], $0x80, $0x38;
	[tilespmem:$0x10080] =	vst v63  }
0x270: {  	s23 =	simm.s32 $0x5000;
	s5 =	simm.s32 $0x800;
	s10 =	sadd.s32 $0x20, s4  }
0x271: {  	[tilespmem:s23], [sflag:$0x1] =	stream.linear.gather [hbm4b:s10+s17], $0x80, $0x38;
	[tilespmem:$0x10080] =	vst v63  }
0x272: {  	s2 =	simm.s32 $0x100;
	s6 =	sadd.s32 $0x30, s4;
	s7 =	simm.s32 $0x5800  }
0x273: {  	[tilespmem:s7], [sflag:$0x1] =	stream.linear.gather [hbm4b:s6+s17], $0x80, $0x38;
	[tilespmem:$0x10080] =	vst v63  }
0x274: {  	s10 =	sadd.s32 $0x40, s4;
	s23 =	simm.s32 $0x6000;
	s6 =	sadd.s32 $0x50, s4  }
0x275: {  	[tilespmem:s23], [sflag:$0x1] =	stream.linear.gather [hbm4b:s10+s17], $0x80, $0x38;
	[tilespmem:$0x10080] =	vst v63  }
0x276: {  	s7 =	simm.s32 $0x6800;
	s10 =	sadd.s32 $0x60, s4;
	s23 =	simm.s32 $0x7000  }
0x277: {  	[tilespmem:s7], [sflag:$0x1] =	stream.linear.gather [hbm4b:s6+s17], $0x80, $0x38;
	[tilespmem:$0x10080] =	vst v63  }
0x278: {  	s6 =	sadd.s32 $0x70, s4;
	s7 =	simm.s32 $0x7800;
	s4 =	sadd.s32 $0x80, s4  }
0x279: {  	[tilespmem:s23], [sflag:$0x1] =	stream.linear.gather [hbm4b:s10+s17], $0x80, $0x38;
	[tilespmem:$0x10080] =	vst v63  }
.LBB2_24:
0x27a: {  	[tilespmem:s7], [sflag:$0x1] =	stream.linear.gather [hbm4b:s6+s17], $0x80, $0x38;
	[tilespmem:$0x10080] =	vst v63  }
0x27b: {  	s7 =	smov.u32 s2;
	s2 =	smov.u32 s5  }
0x27c: {  	s10 =	sadd.s32 $0x400, s5;
	s2 =	sshra.s32 s2, $0x2;
	s6 =	sadd.s32 $0x4000, s7  }
0x27d: {  	[tilespmem:s6], [sflag:$0x1] =	stream.linear.gather [hbm4b:s4+s17], $0x80, $0x38;
	[tilespmem:$0x10080] =	vst v63  }
0x27e: {  	p1 =	sne.s32 s5, $0x1C00;
	s5 =	sadd.s32 $0x10, s4;
	s6 =	sadd.s32 $0x4800, s7  }
0x27f: {  	[tilespmem:s6], [sflag:$0x1] =	stream.linear.gather [hbm4b:s5+s17], $0x80, $0x38;
	[tilespmem:$0x10080] =	vst v63  }
0x280: {  	s5 =	sadd.s32 $0x20, s4;
	s6 =	sadd.s32 $0x5000, s7  }
0x281: {  	[tilespmem:s6], [sflag:$0x1] =	stream.linear.gather [hbm4b:s5+s17], $0x80, $0x38;
	[tilespmem:$0x10080] =	vst v63  }
0x282: {  	s5 =	sadd.s32 $0x30, s4;
	s6 =	sadd.s32 $0x5800, s7  }
0x283: {  	[tilespmem:s6], [sflag:$0x1] =	stream.linear.gather [hbm4b:s5+s17], $0x80, $0x38;
	[tilespmem:$0x10080] =	vst v63  }
0x284: {  	s5 =	sadd.s32 $0x40, s4;
	s6 =	sadd.s32 $0x6000, s7  }
0x285: {  	[tilespmem:s6], [sflag:$0x1] =	stream.linear.gather [hbm4b:s5+s17], $0x80, $0x38;
	[tilespmem:$0x10080] =	vst v63  }
.Ltmp11:
0x286: {  	s5 =	sadd.s32 $0x50, s4;
	s6 =	sadd.s32 $0x6800, s7;
	(pc) =	sbr.rel @p1 .LBB2_24-.Ltmp11, $4  }
0x287: {  	[tilespmem:s6], [sflag:$0x1] =	stream.linear.gather [hbm4b:s5+s17], $0x80, $0x38;
	[tilespmem:$0x10080] =	vst v63  }
0x288: {  	s5 =	sadd.s32 $0x60, s4;
	s6 =	sadd.s32 $0x7000, s7;
	s7 =	sadd.s32 $0x7800, s7  }
0x289: {  	[tilespmem:s6], [sflag:$0x1] =	stream.linear.gather [hbm4b:s5+s17], $0x80, $0x38;
	[tilespmem:$0x10080] =	vst v63  }
0x28a: {  	s6 =	sadd.s32 $0x70, s4;
	s4 =	sadd.s32 $0x80, s4;
	s5 =	smov.u32 s10  }
0x28b: {  	[tilespmem:s7], [sflag:$0x1] =	stream.linear.gather [hbm4b:s6+s17], $0x80, $0x38;
	[tilespmem:$0x10080] =	vst v63  }
0x28c: {  	s5 =	sadd.s32 $0x4000, s2  }
0x28d: {  	[tilespmem:s5], [sflag:$0x1] =	stream.linear.gather [hbm4b:s4+s17], $0x80, $0x38;
	[tilespmem:$0x10080] =	vst v63  }
0x28e: {  	s6 =	sadd.s32 $0x10, s4;
	s7 =	sadd.s32 $0x4800, s2  }
0x28f: {  	[tilespmem:s7], [sflag:$0x1] =	stream.linear.gather [hbm4b:s6+s17], $0x80, $0x38;
	[tilespmem:$0x10080] =	vst v63  }
0x290: {  	s10 =	sadd.s32 $0x20, s4;
	s23 =	sadd.s32 $0x5000, s2  }
0x291: {  	[tilespmem:s23], [sflag:$0x1] =	stream.linear.gather [hbm4b:s10+s17], $0x80, $0x38;
	[tilespmem:$0x10080] =	vst v63  }
0x292: {  	s6 =	sadd.s32 $0x30, s4;
	s7 =	sadd.s32 $0x5800, s2  }
0x293: {  	[tilespmem:s7], [sflag:$0x1] =	stream.linear.gather [hbm4b:s6+s17], $0x80, $0x38;
	[tilespmem:$0x10080] =	vst v63  }
0x294: {  	s10 =	sadd.s32 $0x40, s4;
	s23 =	sadd.s32 $0x6000, s2  }
0x295: {  	[tilespmem:s23], [sflag:$0x1] =	stream.linear.gather [hbm4b:s10+s17], $0x80, $0x38;
	[tilespmem:$0x10080] =	vst v63  }
0x296: {  	s6 =	sadd.s32 $0x50, s4;
	s7 =	sadd.s32 $0x6800, s2  }
0x297: {  	[tilespmem:s7], [sflag:$0x1] =	stream.linear.gather [hbm4b:s6+s17], $0x80, $0x38;
	[tilespmem:$0x10080] =	vst v63  }
0x298: {  	s10 =	sadd.s32 $0x60, s4;
	s23 =	sadd.s32 $0x7000, s2  }
0x299: {  	[tilespmem:s23], [sflag:$0x1] =	stream.linear.gather [hbm4b:s10+s17], $0x80, $0x38;
	[tilespmem:$0x10080] =	vst v63  }
0x29a: {  	s5 =	sadd.s32 $0x70, s4;
	s6 =	sadd.s32 $0x7800, s2  }
0x29b: {  	[tilespmem:s6], [sflag:$0x1] =	stream.linear.gather [hbm4b:s5+s17], $0x80, $0x38;
	[tilespmem:$0x10080] =	vst v63  }
0x29c: {  	_ =	swait.ge [sflag:s12], $0x4000  }
0x29d: {  	[sflag:s12] =	ssyncset.done $0x0  }
0x29e: {  	s7 =	simm.s32 $0x8000;
	s4 =	rddreg [dreg:$0x15];
	[sflag:s12] =	ssyncadd.s32 $0xFFFFC000  }
0x29f: {  	[hbm4b:s4+s8] =	stream.strided.scatter [tilespmem:s7], [sflag:$0x4], $0x800, s9, s8, $0x38;
	[tilespmem:$0x10080] =	vst v63  }
0x2a0: {  	s23 =	simm.s32 $0x8800;
	s10 =	sadd.s32 $0x20, s4  }
0x2a1: {  	[hbm4b:s10+s8] =	stream.strided.scatter [tilespmem:s23], [sflag:$0x4], $0x800, s9, s8, $0x38;
	[tilespmem:$0x10080] =	vst v63  }
0x2a2: {  	s6 =	sadd.s32 $0x40, s4;
	s7 =	simm.s32 $0x9000  }
0x2a3: {  	[hbm4b:s6+s8] =	stream.strided.scatter [tilespmem:s7], [sflag:$0x4], $0x800, s9, s8, $0x38;
	[tilespmem:$0x10080] =	vst v63  }
0x2a4: {  	s10 =	sadd.s32 $0x60, s4;
	s23 =	simm.s32 $0x9800  }
0x2a5: {  	[hbm4b:s10+s8] =	stream.strided.scatter [tilespmem:s23], [sflag:$0x4], $0x800, s9, s8, $0x38;
	[tilespmem:$0x10080] =	vst v63  }
0x2a6: {  	s6 =	sadd.s32 $0x400, s4;
	s7 =	simm.s32 $0xA000  }
0x2a7: {  	[hbm4b:s6+s8] =	stream.strided.scatter [tilespmem:s7], [sflag:$0x4], $0x800, s9, s8, $0x38;
	[tilespmem:$0x10080] =	vst v63  }
0x2a8: {  	s10 =	sadd.s32 $0x420, s4;
	s23 =	simm.s32 $0xA800  }
0x2a9: {  	[hbm4b:s10+s8] =	stream.strided.scatter [tilespmem:s23], [sflag:$0x4], $0x800, s9, s8, $0x38;
	[tilespmem:$0x10080] =	vst v63  }
0x2aa: {  	s6 =	sadd.s32 $0x440, s4;
	s7 =	simm.s32 $0xB000  }
0x2ab: {  	[hbm4b:s6+s8] =	stream.strided.scatter [tilespmem:s7], [sflag:$0x4], $0x800, s9, s8, $0x38;
	[tilespmem:$0x10080] =	vst v63  }
0x2ac: {  	s10 =	sadd.s32 $0x460, s4;
	s23 =	simm.s32 $0xB800  }
0x2ad: {  	[hbm4b:s10+s8] =	stream.strided.scatter [tilespmem:s23], [sflag:$0x4], $0x800, s9, s8, $0x38;
	[tilespmem:$0x10080] =	vst v63  }
0x2ae: {  	s6 =	sadd.s32 $0x800, s4;
	s7 =	simm.s32 $0xC000  }
0x2af: {  	[hbm4b:s6+s8] =	stream.strided.scatter [tilespmem:s7], [sflag:$0x4], $0x800, s9, s8, $0x38;
	[tilespmem:$0x10080] =	vst v63  }
0x2b0: {  	s10 =	sadd.s32 $0x820, s4;
	s23 =	simm.s32 $0xC800  }
0x2b1: {  	[hbm4b:s10+s8] =	stream.strided.scatter [tilespmem:s23], [sflag:$0x4], $0x800, s9, s8, $0x38;
	[tilespmem:$0x10080] =	vst v63  }
0x2b2: {  	s6 =	sadd.s32 $0x840, s4;
	s7 =	simm.s32 $0xD000  }
0x2b3: {  	[hbm4b:s6+s8] =	stream.strided.scatter [tilespmem:s7], [sflag:$0x4], $0x800, s9, s8, $0x38;
	[tilespmem:$0x10080] =	vst v63  }
0x2b4: {  	s10 =	sadd.s32 $0x860, s4;
	s23 =	simm.s32 $0xD800  }
0x2b5: {  	[hbm4b:s10+s8] =	stream.strided.scatter [tilespmem:s23], [sflag:$0x4], $0x800, s9, s8, $0x38;
	[tilespmem:$0x10080] =	vst v63  }
0x2b6: {  	s6 =	sadd.s32 $0xC00, s4;
	s7 =	simm.s32 $0xE000  }
0x2b7: {  	[hbm4b:s6+s8] =	stream.strided.scatter [tilespmem:s7], [sflag:$0x4], $0x800, s9, s8, $0x38;
	[tilespmem:$0x10080] =	vst v63  }
0x2b8: {  	s10 =	sadd.s32 $0xC20, s4;
	s23 =	simm.s32 $0xE800  }
0x2b9: {  	[hbm4b:s10+s8] =	stream.strided.scatter [tilespmem:s23], [sflag:$0x4], $0x800, s9, s8, $0x38;
	[tilespmem:$0x10080] =	vst v63  }
0x2ba: {  	s5 =	sadd.s32 $0xC40, s4;
	s6 =	simm.s32 $0xF000  }
0x2bb: {  	[hbm4b:s5+s8] =	stream.strided.scatter [tilespmem:s6], [sflag:$0x4], $0x800, s9, s8, $0x38;
	[tilespmem:$0x10080] =	vst v63  }
0x2bc: {  	s7 =	sadd.s32 $0xC60, s4;
	s10 =	simm.s32 $0xF800;
	s23 =	simm.s32 $0x4  }
0x2bd: {  	[hbm4b:s7+s8] =	stream.strided.scatter [tilespmem:s10], [sflag:$0x4], $0x800, s9, s8, $0x38;
	[tilespmem:$0x10080] =	vst v63  }
0x2be: {  	_ =	swait.ge [sflag:s23], $0x8000  }
0x2bf: {  	[sflag:s23] =	ssyncset.done $0x0  }
0x2c0: {  	s4 =	simm.s32 $0x8000;
	s10 =	rddreg [dreg:$0x8];
	[sflag:s23] =	ssyncadd.s32 $0xFFFF8000  }
0x2c1: {  	[tilespmem:s4], [sflag:$0x2] =	stream.linear.gather [hbm4b:s10+s17], $0x80, $0x38;
	[tilespmem:$0x10080] =	vst v63  }
0x2c2: {  	s6 =	simm.s32 $0x8800;
	s5 =	sadd.s32 $0x10, s10  }
0x2c3: {  	[tilespmem:s6], [sflag:$0x2] =	stream.linear.gather [hbm4b:s5+s17], $0x80, $0x38;
	[tilespmem:$0x10080] =	vst v63  }
0x2c4: {  	s7 =	sadd.s32 $0x20, s10;
	s23 =	simm.s32 $0x9000  }
0x2c5: {  	[tilespmem:s23], [sflag:$0x2] =	stream.linear.gather [hbm4b:s7+s17], $0x80, $0x38;
	[tilespmem:$0x10080] =	vst v63  }
0x2c6: {  	s5 =	sadd.s32 $0x30, s10;
	s6 =	simm.s32 $0x9800  }
0x2c7: {  	[tilespmem:s6], [sflag:$0x2] =	stream.linear.gather [hbm4b:s5+s17], $0x80, $0x38;
	[tilespmem:$0x10080] =	vst v63  }
0x2c8: {  	s7 =	sadd.s32 $0x40, s10;
	s23 =	simm.s32 $0xA000  }
0x2c9: {  	[tilespmem:s23], [sflag:$0x2] =	stream.linear.gather [hbm4b:s7+s17], $0x80, $0x38;
	[tilespmem:$0x10080] =	vst v63  }
0x2ca: {  	s2 =	simm.s32 $0x100;
	s5 =	sadd.s32 $0x50, s10;
	s6 =	simm.s32 $0xA800  }
0x2cb: {  	[tilespmem:s6], [sflag:$0x2] =	stream.linear.gather [hbm4b:s5+s17], $0x80, $0x38;
	[tilespmem:$0x10080] =	vst v63  }
0x2cc: {  	s4 =	sadd.s32 $0x80, s10;
	s7 =	sadd.s32 $0x60, s10;
	s23 =	simm.s32 $0xB000  }
0x2cd: {  	[tilespmem:s23], [sflag:$0x2] =	stream.linear.gather [hbm4b:s7+s17], $0x80, $0x38;
	[tilespmem:$0x10080] =	vst v63  }
0x2ce: {  	s5 =	simm.s32 $0x800;
	s6 =	sadd.s32 $0x70, s10;
	s7 =	simm.s32 $0xB800  }
.LBB2_26:
0x2cf: {  	[tilespmem:s7], [sflag:$0x2] =	stream.linear.gather [hbm4b:s6+s17], $0x80, $0x38;
	[tilespmem:$0x10080] =	vst v63  }
0x2d0: {  	s7 =	smov.u32 s2;
	s2 =	smov.u32 s5  }
0x2d1: {  	s10 =	sadd.s32 $0x400, s5;
	s2 =	sshra.s32 s2, $0x2;
	s6 =	sadd.s32 $0x8000, s7  }
0x2d2: {  	[tilespmem:s6], [sflag:$0x2] =	stream.linear.gather [hbm4b:s4+s17], $0x80, $0x38;
	[tilespmem:$0x10080] =	vst v63  }
0x2d3: {  	p1 =	sne.s32 s5, $0x1C00;
	s5 =	sadd.s32 $0x10, s4;
	s6 =	sadd.s32 $0x8800, s7  }
0x2d4: {  	[tilespmem:s6], [sflag:$0x2] =	stream.linear.gather [hbm4b:s5+s17], $0x80, $0x38;
	[tilespmem:$0x10080] =	vst v63  }
0x2d5: {  	s5 =	sadd.s32 $0x20, s4;
	s6 =	sadd.s32 $0x9000, s7  }
0x2d6: {  	[tilespmem:s6], [sflag:$0x2] =	stream.linear.gather [hbm4b:s5+s17], $0x80, $0x38;
	[tilespmem:$0x10080] =	vst v63  }
0x2d7: {  	s5 =	sadd.s32 $0x30, s4;
	s6 =	sadd.s32 $0x9800, s7  }
0x2d8: {  	[tilespmem:s6], [sflag:$0x2] =	stream.linear.gather [hbm4b:s5+s17], $0x80, $0x38;
	[tilespmem:$0x10080] =	vst v63  }
0x2d9: {  	s5 =	sadd.s32 $0x40, s4;
	s6 =	sadd.s32 $0xA000, s7  }
0x2da: {  	[tilespmem:s6], [sflag:$0x2] =	stream.linear.gather [hbm4b:s5+s17], $0x80, $0x38;
	[tilespmem:$0x10080] =	vst v63  }
.Ltmp12:
0x2db: {  	s5 =	sadd.s32 $0x50, s4;
	s6 =	sadd.s32 $0xA800, s7;
	(pc) =	sbr.rel @p1 .LBB2_26-.Ltmp12, $4  }
0x2dc: {  	[tilespmem:s6], [sflag:$0x2] =	stream.linear.gather [hbm4b:s5+s17], $0x80, $0x38;
	[tilespmem:$0x10080] =	vst v63  }
0x2dd: {  	s5 =	sadd.s32 $0x60, s4;
	s6 =	sadd.s32 $0xB000, s7;
	s7 =	sadd.s32 $0xB800, s7  }
0x2de: {  	[tilespmem:s6], [sflag:$0x2] =	stream.linear.gather [hbm4b:s5+s17], $0x80, $0x38;
	[tilespmem:$0x10080] =	vst v63  }
0x2df: {  	s6 =	sadd.s32 $0x70, s4;
	s4 =	sadd.s32 $0x80, s4;
	s5 =	smov.u32 s10  }
0x2e0: {  	[tilespmem:s7], [sflag:$0x2] =	stream.linear.gather [hbm4b:s6+s17], $0x80, $0x38;
	[tilespmem:$0x10080] =	vst v63  }
0x2e1: {  	s5 =	sadd.s32 $0x8000, s2  }
0x2e2: {  	[tilespmem:s5], [sflag:$0x2] =	stream.linear.gather [hbm4b:s4+s17], $0x80, $0x38;
	[tilespmem:$0x10080] =	vst v63  }
0x2e3: {  	s10 =	sadd.s32 $0x10, s4;
	s23 =	sadd.s32 $0x8800, s2  }
0x2e4: {  	[tilespmem:s23], [sflag:$0x2] =	stream.linear.gather [hbm4b:s10+s17], $0x80, $0x38;
	[tilespmem:$0x10080] =	vst v63  }
0x2e5: {  	s6 =	sadd.s32 $0x20, s4;
	s7 =	sadd.s32 $0x9000, s2  }
0x2e6: {  	[tilespmem:s7], [sflag:$0x2] =	stream.linear.gather [hbm4b:s6+s17], $0x80, $0x38;
	[tilespmem:$0x10080] =	vst v63  }
0x2e7: {  	s10 =	sadd.s32 $0x30, s4;
	s23 =	sadd.s32 $0x9800, s2  }
0x2e8: {  	[tilespmem:s23], [sflag:$0x2] =	stream.linear.gather [hbm4b:s10+s17], $0x80, $0x38;
	[tilespmem:$0x10080] =	vst v63  }
0x2e9: {  	s6 =	sadd.s32 $0x40, s4;
	s7 =	sadd.s32 $0xA000, s2  }
0x2ea: {  	[tilespmem:s7], [sflag:$0x2] =	stream.linear.gather [hbm4b:s6+s17], $0x80, $0x38;
	[tilespmem:$0x10080] =	vst v63  }
0x2eb: {  	s10 =	sadd.s32 $0x50, s4;
	s23 =	sadd.s32 $0xA800, s2  }
0x2ec: {  	[tilespmem:s23], [sflag:$0x2] =	stream.linear.gather [hbm4b:s10+s17], $0x80, $0x38;
	[tilespmem:$0x10080] =	vst v63  }
0x2ed: {  	s6 =	sadd.s32 $0x60, s4;
	s7 =	sadd.s32 $0xB000, s2  }
0x2ee: {  	[tilespmem:s7], [sflag:$0x2] =	stream.linear.gather [hbm4b:s6+s17], $0x80, $0x38;
	[tilespmem:$0x10080] =	vst v63  }
0x2ef: {  	s10 =	sadd.s32 $0x70, s4;
	s23 =	sadd.s32 $0xB800, s2;
	s4 =	rddreg [dreg:$0x8]  }
0x2f0: {  	[tilespmem:s23], [sflag:$0x2] =	stream.linear.gather [hbm4b:s10+s17], $0x80, $0x38;
	[tilespmem:$0x10080] =	vst v63  }
0x2f1: {  	s5 =	simm.s32 $0xC000;
	s4 =	sadd.s32 $0x400, s4  }
0x2f2: {  	[tilespmem:s5], [sflag:$0x2] =	stream.linear.gather [hbm4b:s4+s17], $0x80, $0x38;
	[tilespmem:$0x10080] =	vst v63  }
0x2f3: {  	s6 =	sadd.s32 $0x10, s4;
	s7 =	simm.s32 $0xC800  }
0x2f4: {  	[tilespmem:s7], [sflag:$0x2] =	stream.linear.gather [hbm4b:s6+s17], $0x80, $0x38;
	[tilespmem:$0x10080] =	vst v63  }
0x2f5: {  	s2 =	simm.s32 $0x100;
	s10 =	sadd.s32 $0x20, s4;
	s23 =	simm.s32 $0xD000  }
0x2f6: {  	[tilespmem:s23], [sflag:$0x2] =	stream.linear.gather [hbm4b:s10+s17], $0x80, $0x38;
	[tilespmem:$0x10080] =	vst v63  }
0x2f7: {  	s5 =	simm.s32 $0x800;
	s6 =	sadd.s32 $0x30, s4;
	s7 =	simm.s32 $0xD800  }
0x2f8: {  	[tilespmem:s7], [sflag:$0x2] =	stream.linear.gather [hbm4b:s6+s17], $0x80, $0x38;
	[tilespmem:$0x10080] =	vst v63  }
0x2f9: {  	s10 =	sadd.s32 $0x40, s4;
	s23 =	simm.s32 $0xE000;
	s6 =	sadd.s32 $0x50, s4  }
0x2fa: {  	[tilespmem:s23], [sflag:$0x2] =	stream.linear.gather [hbm4b:s10+s17], $0x80, $0x38;
	[tilespmem:$0x10080] =	vst v63  }
0x2fb: {  	s7 =	simm.s32 $0xE800;
	s10 =	sadd.s32 $0x60, s4;
	s23 =	simm.s32 $0xF000  }
0x2fc: {  	[tilespmem:s7], [sflag:$0x2] =	stream.linear.gather [hbm4b:s6+s17], $0x80, $0x38;
	[tilespmem:$0x10080] =	vst v63  }
0x2fd: {  	s6 =	sadd.s32 $0x70, s4;
	s7 =	simm.s32 $0xF800;
	s4 =	sadd.s32 $0x80, s4  }
0x2fe: {  	[tilespmem:s23], [sflag:$0x2] =	stream.linear.gather [hbm4b:s10+s17], $0x80, $0x38;
	[tilespmem:$0x10080] =	vst v63  }
.LBB2_28:
0x2ff: {  	[tilespmem:s7], [sflag:$0x2] =	stream.linear.gather [hbm4b:s6+s17], $0x80, $0x38;
	[tilespmem:$0x10080] =	vst v63  }
0x300: {  	s7 =	smov.u32 s2;
	s2 =	smov.u32 s5  }
0x301: {  	s10 =	sadd.s32 $0x400, s5;
	s2 =	sshra.s32 s2, $0x2;
	s6 =	sadd.s32 $0xC000, s7  }
0x302: {  	[tilespmem:s6], [sflag:$0x2] =	stream.linear.gather [hbm4b:s4+s17], $0x80, $0x38;
	[tilespmem:$0x10080] =	vst v63  }
0x303: {  	p1 =	sne.s32 s5, $0x1C00;
	s5 =	sadd.s32 $0x10, s4;
	s6 =	sadd.s32 $0xC800, s7  }
0x304: {  	[tilespmem:s6], [sflag:$0x2] =	stream.linear.gather [hbm4b:s5+s17], $0x80, $0x38;
	[tilespmem:$0x10080] =	vst v63  }
0x305: {  	s5 =	sadd.s32 $0x20, s4;
	s6 =	sadd.s32 $0xD000, s7  }
0x306: {  	[tilespmem:s6], [sflag:$0x2] =	stream.linear.gather [hbm4b:s5+s17], $0x80, $0x38;
	[tilespmem:$0x10080] =	vst v63  }
0x307: {  	s5 =	sadd.s32 $0x30, s4;
	s6 =	sadd.s32 $0xD800, s7  }
0x308: {  	[tilespmem:s6], [sflag:$0x2] =	stream.linear.gather [hbm4b:s5+s17], $0x80, $0x38;
	[tilespmem:$0x10080] =	vst v63  }
0x309: {  	s5 =	sadd.s32 $0x40, s4;
	s6 =	sadd.s32 $0xE000, s7  }
0x30a: {  	[tilespmem:s6], [sflag:$0x2] =	stream.linear.gather [hbm4b:s5+s17], $0x80, $0x38;
	[tilespmem:$0x10080] =	vst v63  }
.Ltmp13:
0x30b: {  	s5 =	sadd.s32 $0x50, s4;
	s6 =	sadd.s32 $0xE800, s7;
	(pc) =	sbr.rel @p1 .LBB2_28-.Ltmp13, $4  }
0x30c: {  	[tilespmem:s6], [sflag:$0x2] =	stream.linear.gather [hbm4b:s5+s17], $0x80, $0x38;
	[tilespmem:$0x10080] =	vst v63  }
0x30d: {  	s5 =	sadd.s32 $0x60, s4;
	s6 =	sadd.s32 $0xF000, s7;
	s7 =	sadd.s32 $0xF800, s7  }
0x30e: {  	[tilespmem:s6], [sflag:$0x2] =	stream.linear.gather [hbm4b:s5+s17], $0x80, $0x38;
	[tilespmem:$0x10080] =	vst v63  }
0x30f: {  	s6 =	sadd.s32 $0x70, s4;
	s4 =	sadd.s32 $0x80, s4;
	s5 =	smov.u32 s10  }
0x310: {  	[tilespmem:s7], [sflag:$0x2] =	stream.linear.gather [hbm4b:s6+s17], $0x80, $0x38;
	[tilespmem:$0x10080] =	vst v63  }
0x311: {  	s5 =	sadd.s32 $0xC000, s2  }
0x312: {  	[tilespmem:s5], [sflag:$0x2] =	stream.linear.gather [hbm4b:s4+s17], $0x80, $0x38;
	[tilespmem:$0x10080] =	vst v63  }
0x313: {  	s10 =	sadd.s32 $0x10, s4;
	s23 =	sadd.s32 $0xC800, s2  }
0x314: {  	[tilespmem:s23], [sflag:$0x2] =	stream.linear.gather [hbm4b:s10+s17], $0x80, $0x38;
	[tilespmem:$0x10080] =	vst v63  }
0x315: {  	s6 =	sadd.s32 $0x20, s4;
	s7 =	sadd.s32 $0xD000, s2  }
0x316: {  	[tilespmem:s7], [sflag:$0x2] =	stream.linear.gather [hbm4b:s6+s17], $0x80, $0x38;
	[tilespmem:$0x10080] =	vst v63  }
0x317: {  	s10 =	sadd.s32 $0x30, s4;
	s23 =	sadd.s32 $0xD800, s2  }
0x318: {  	[tilespmem:s23], [sflag:$0x2] =	stream.linear.gather [hbm4b:s10+s17], $0x80, $0x38;
	[tilespmem:$0x10080] =	vst v63  }
0x319: {  	s6 =	sadd.s32 $0x40, s4;
	s7 =	sadd.s32 $0xE000, s2  }
0x31a: {  	[tilespmem:s7], [sflag:$0x2] =	stream.linear.gather [hbm4b:s6+s17], $0x80, $0x38;
	[tilespmem:$0x10080] =	vst v63  }
0x31b: {  	s10 =	sadd.s32 $0x50, s4;
	s23 =	sadd.s32 $0xE800, s2  }
0x31c: {  	[tilespmem:s23], [sflag:$0x2] =	stream.linear.gather [hbm4b:s10+s17], $0x80, $0x38;
	[tilespmem:$0x10080] =	vst v63  }
0x31d: {  	s6 =	sadd.s32 $0x60, s4;
	s7 =	sadd.s32 $0xF000, s2  }
0x31e: {  	[tilespmem:s7], [sflag:$0x2] =	stream.linear.gather [hbm4b:s6+s17], $0x80, $0x38;
	[tilespmem:$0x10080] =	vst v63  }
0x31f: {  	s10 =	sadd.s32 $0x70, s4;
	s23 =	sadd.s32 $0xF800, s2  }
0x320: {  	[tilespmem:s23], [sflag:$0x2] =	stream.linear.gather [hbm4b:s10+s17], $0x80, $0x38;
	[tilespmem:$0x10080] =	vst v63  }
0x321: {  	_ =	swait.ge [sflag:s11], $0x4000  }
0x322: {  	[sflag:s11] =	ssyncset.done $0x0  }
0x323: {  	s5 =	simm.s32 $0x0;
	s4 =	rddreg [dreg:$0x16];
	[sflag:s11] =	ssyncadd.s32 $0xFFFFC000  }
0x324: {  	[hbm4b:s4+s8] =	stream.strided.scatter [tilespmem:s5], [sflag:$0x3], $0x800, s9, s8, $0x38;
	[tilespmem:$0x10080] =	vst v63  }
0x325: {  	s6 =	sadd.s32 $0x20, s4  }
0x326: {  	[hbm4b:s6+s8] =	stream.strided.scatter [tilespmem:s13], [sflag:$0x3], $0x800, s9, s8, $0x38;
	[tilespmem:$0x10080] =	vst v63  }
0x327: {  	s7 =	sadd.s32 $0x40, s4  }
0x328: {  	[hbm4b:s7+s8] =	stream.strided.scatter [tilespmem:s14], [sflag:$0x3], $0x800, s9, s8, $0x38;
	[tilespmem:$0x10080] =	vst v63  }
0x329: {  	s10 =	sadd.s32 $0x60, s4  }
0x32a: {  	[hbm4b:s10+s8] =	stream.strided.scatter [tilespmem:s15], [sflag:$0x3], $0x800, s9, s8, $0x38;
	[tilespmem:$0x10080] =	vst v63  }
0x32b: {  	s23 =	sadd.s32 $0x400, s4  }
0x32c: {  	[hbm4b:s23+s8] =	stream.strided.scatter [tilespmem:s16], [sflag:$0x3], $0x800, s9, s8, $0x38;
	[tilespmem:$0x10080] =	vst v63  }
0x32d: {  	s5 =	sadd.s32 $0x420, s4  }
0x32e: {  	[hbm4b:s5+s8] =	stream.strided.scatter [tilespmem:s18], [sflag:$0x3], $0x800, s9, s8, $0x38;
	[tilespmem:$0x10080] =	vst v63  }
0x32f: {  	s6 =	sadd.s32 $0x440, s4  }
0x330: {  	[hbm4b:s6+s8] =	stream.strided.scatter [tilespmem:s19], [sflag:$0x3], $0x800, s9, s8, $0x38;
	[tilespmem:$0x10080] =	vst v63  }
0x331: {  	s7 =	sadd.s32 $0x460, s4  }
0x332: {  	[hbm4b:s7+s8] =	stream.strided.scatter [tilespmem:s21], [sflag:$0x3], $0x800, s9, s8, $0x38;
	[tilespmem:$0x10080] =	vst v63  }
0x333: {  	s10 =	sadd.s32 $0x800, s4;
	s23 =	simm.s32 $0x4000  }
0x334: {  	[hbm4b:s10+s8] =	stream.strided.scatter [tilespmem:s23], [sflag:$0x3], $0x800, s9, s8, $0x38;
	[tilespmem:$0x10080] =	vst v63  }
0x335: {  	s6 =	sadd.s32 $0x820, s4;
	s7 =	simm.s32 $0x4800  }
0x336: {  	[hbm4b:s6+s8] =	stream.strided.scatter [tilespmem:s7], [sflag:$0x3], $0x800, s9, s8, $0x38;
	[tilespmem:$0x10080] =	vst v63  }
0x337: {  	s10 =	sadd.s32 $0x840, s4;
	s23 =	simm.s32 $0x5000  }
0x338: {  	[hbm4b:s10+s8] =	stream.strided.scatter [tilespmem:s23], [sflag:$0x3], $0x800, s9, s8, $0x38;
	[tilespmem:$0x10080] =	vst v63  }
0x339: {  	s6 =	sadd.s32 $0x860, s4;
	s7 =	simm.s32 $0x5800  }
0x33a: {  	[hbm4b:s6+s8] =	stream.strided.scatter [tilespmem:s7], [sflag:$0x3], $0x800, s9, s8, $0x38;
	[tilespmem:$0x10080] =	vst v63  }
0x33b: {  	s10 =	sadd.s32 $0xC00, s4;
	s23 =	simm.s32 $0x6000  }
0x33c: {  	[hbm4b:s10+s8] =	stream.strided.scatter [tilespmem:s23], [sflag:$0x3], $0x800, s9, s8, $0x38;
	[tilespmem:$0x10080] =	vst v63  }
0x33d: {  	s6 =	sadd.s32 $0xC20, s4;
	s7 =	simm.s32 $0x6800  }
0x33e: {  	[hbm4b:s6+s8] =	stream.strided.scatter [tilespmem:s7], [sflag:$0x3], $0x800, s9, s8, $0x38;
	[tilespmem:$0x10080] =	vst v63  }
0x33f: {  	s10 =	sadd.s32 $0xC40, s4;
	s23 =	simm.s32 $0x7000  }
0x340: {  	[hbm4b:s10+s8] =	stream.strided.scatter [tilespmem:s23], [sflag:$0x3], $0x800, s9, s8, $0x38;
	[tilespmem:$0x10080] =	vst v63  }
0x341: {  	s6 =	sadd.s32 $0xC60, s4;
	s7 =	simm.s32 $0x7800;
	s10 =	simm.s32 $0x3  }
0x342: {  	[hbm4b:s6+s8] =	stream.strided.scatter [tilespmem:s7], [sflag:$0x3], $0x800, s9, s8, $0x38;
	[tilespmem:$0x10080] =	vst v63  }
0x343: {  	_ =	swait.ge [sflag:s10], $0x8000  }
0x344: {  	[sflag:s10] =	ssyncset.done $0x0  }
0x345: {  	s23 =	simm.s32 $0x0;
	[sflag:s10] =	ssyncadd.s32 $0xFFFF8000  }
0x346: {  	[tilespmem:s23], [sflag:$0x1] =	stream.linear.gather [hbm4b:s25+s17], $0x80, $0x38;
	[tilespmem:$0x10080] =	vst v63  }
0x347: {  	s5 =	simm.s32 $0x800;
	s4 =	sadd.s32 $0x10, s25  }
0x348: {  	[tilespmem:s5], [sflag:$0x1] =	stream.linear.gather [hbm4b:s4+s17], $0x80, $0x38;
	[tilespmem:$0x10080] =	vst v63  }
0x349: {  	s6 =	sadd.s32 $0x20, s25;
	s7 =	simm.s32 $0x1000  }
0x34a: {  	[tilespmem:s7], [sflag:$0x1] =	stream.linear.gather [hbm4b:s6+s17], $0x80, $0x38;
	[tilespmem:$0x10080] =	vst v63  }
0x34b: {  	s2 =	simm.s32 $0x400;
	s10 =	sadd.s32 $0x30, s25;
	s23 =	simm.s32 $0x1800  }
0x34c: {  	[tilespmem:s23], [sflag:$0x1] =	stream.linear.gather [hbm4b:s10+s17], $0x80, $0x38;
	[tilespmem:$0x10080] =	vst v63  }
0x34d: {  	s4 =	sadd.s32 $0x40, s25;
	s5 =	simm.s32 $0x2000;
	s6 =	sadd.s32 $0x50, s25  }
0x34e: {  	[tilespmem:s5], [sflag:$0x1] =	stream.linear.gather [hbm4b:s4+s17], $0x80, $0x38;
	[tilespmem:$0x10080] =	vst v63  }
0x34f: {  	s7 =	simm.s32 $0x2800;
	s10 =	sadd.s32 $0x60, s25;
	s23 =	simm.s32 $0x3000  }
0x350: {  	[tilespmem:s7], [sflag:$0x1] =	stream.linear.gather [hbm4b:s6+s17], $0x80, $0x38;
	[tilespmem:$0x10080] =	vst v63  }
0x351: {  	s5 =	sadd.s32 $0x70, s25;
	s4 =	sadd.s32 $0x80, s25;
	s6 =	simm.s32 $0x3800  }
0x352: {  	[tilespmem:s23], [sflag:$0x1] =	stream.linear.gather [hbm4b:s10+s17], $0x80, $0x38;
	[tilespmem:$0x10080] =	vst v63  }
.LBB2_30:
0x353: {  	[tilespmem:s6], [sflag:$0x1] =	stream.linear.gather [hbm4b:s5+s17], $0x80, $0x38;
	[tilespmem:$0x10080] =	vst v63  }
0x354: {  	s6 =	sshra.s32 s2, $0x2;
	p1 =	sne.s32 s2, $0x1C00;
	s2 =	sadd.s32 $0x400, s2  }
0x355: {  	[tilespmem:s6], [sflag:$0x1] =	stream.linear.gather [hbm4b:s4+s17], $0x80, $0x38;
	[tilespmem:$0x10080] =	vst v63  }
0x356: {  	s5 =	sadd.s32 $0x10, s4;
	s7 =	sadd.s32 $0x800, s6  }
0x357: {  	[tilespmem:s7], [sflag:$0x1] =	stream.linear.gather [hbm4b:s5+s17], $0x80, $0x38;
	[tilespmem:$0x10080] =	vst v63  }
0x358: {  	s5 =	sadd.s32 $0x20, s4;
	s7 =	sadd.s32 $0x1000, s6  }
0x359: {  	[tilespmem:s7], [sflag:$0x1] =	stream.linear.gather [hbm4b:s5+s17], $0x80, $0x38;
	[tilespmem:$0x10080] =	vst v63  }
0x35a: {  	s5 =	sadd.s32 $0x30, s4;
	s7 =	sadd.s32 $0x1800, s6  }
0x35b: {  	[tilespmem:s7], [sflag:$0x1] =	stream.linear.gather [hbm4b:s5+s17], $0x80, $0x38;
	[tilespmem:$0x10080] =	vst v63  }
0x35c: {  	s5 =	sadd.s32 $0x40, s4;
	s7 =	sadd.s32 $0x2000, s6  }
0x35d: {  	[tilespmem:s7], [sflag:$0x1] =	stream.linear.gather [hbm4b:s5+s17], $0x80, $0x38;
	[tilespmem:$0x10080] =	vst v63  }
.Ltmp14:
0x35e: {  	s5 =	sadd.s32 $0x50, s4;
	s7 =	sadd.s32 $0x2800, s6;
	(pc) =	sbr.rel @p1 .LBB2_30-.Ltmp14, $4  }
0x35f: {  	[tilespmem:s7], [sflag:$0x1] =	stream.linear.gather [hbm4b:s5+s17], $0x80, $0x38;
	[tilespmem:$0x10080] =	vst v63  }
0x360: {  	s5 =	sadd.s32 $0x60, s4;
	s7 =	sadd.s32 $0x3000, s6  }
0x361: {  	[tilespmem:s7], [sflag:$0x1] =	stream.linear.gather [hbm4b:s5+s17], $0x80, $0x38;
	[tilespmem:$0x10080] =	vst v63  }
0x362: {  	s6 =	sadd.s32 $0x3800, s6;
	s5 =	sadd.s32 $0x70, s4;
	s4 =	sadd.s32 $0x80, s4  }
0x363: {  	[tilespmem:s6], [sflag:$0x1] =	stream.linear.gather [hbm4b:s5+s17], $0x80, $0x38;
	[tilespmem:$0x10080] =	vst v63  }
0x364: {  	s4 =	sadd.s32 $0x400, s25;
	s2 =	simm.s32 $0x4000  }
0x365: {  	[tilespmem:s2], [sflag:$0x1] =	stream.linear.gather [hbm4b:s4+s17], $0x80, $0x38;
	[tilespmem:$0x10080] =	vst v63  }
0x366: {  	s7 =	simm.s32 $0x4800;
	s6 =	sadd.s32 $0x10, s4  }
0x367: {  	[tilespmem:s7], [sflag:$0x1] =	stream.linear.gather [hbm4b:s6+s17], $0x80, $0x38;
	[tilespmem:$0x10080] =	vst v63  }
0x368: {  	s23 =	simm.s32 $0x5000;
	s5 =	simm.s32 $0x800;
	s10 =	sadd.s32 $0x20, s4  }
0x369: {  	[tilespmem:s23], [sflag:$0x1] =	stream.linear.gather [hbm4b:s10+s17], $0x80, $0x38;
	[tilespmem:$0x10080] =	vst v63  }
0x36a: {  	s2 =	simm.s32 $0x100;
	s6 =	sadd.s32 $0x30, s4;
	s7 =	simm.s32 $0x5800  }
0x36b: {  	[tilespmem:s7], [sflag:$0x1] =	stream.linear.gather [hbm4b:s6+s17], $0x80, $0x38;
	[tilespmem:$0x10080] =	vst v63  }
0x36c: {  	s10 =	sadd.s32 $0x40, s4;
	s23 =	simm.s32 $0x6000;
	s6 =	sadd.s32 $0x50, s4  }
0x36d: {  	[tilespmem:s23], [sflag:$0x1] =	stream.linear.gather [hbm4b:s10+s17], $0x80, $0x38;
	[tilespmem:$0x10080] =	vst v63  }
0x36e: {  	s7 =	simm.s32 $0x6800;
	s10 =	sadd.s32 $0x60, s4;
	s23 =	simm.s32 $0x7000  }
0x36f: {  	[tilespmem:s7], [sflag:$0x1] =	stream.linear.gather [hbm4b:s6+s17], $0x80, $0x38;
	[tilespmem:$0x10080] =	vst v63  }
0x370: {  	s6 =	sadd.s32 $0x70, s4;
	s7 =	simm.s32 $0x7800;
	s4 =	sadd.s32 $0x80, s4  }
0x371: {  	[tilespmem:s23], [sflag:$0x1] =	stream.linear.gather [hbm4b:s10+s17], $0x80, $0x38;
	[tilespmem:$0x10080] =	vst v63  }
.LBB2_32:
0x372: {  	[tilespmem:s7], [sflag:$0x1] =	stream.linear.gather [hbm4b:s6+s17], $0x80, $0x38;
	[tilespmem:$0x10080] =	vst v63  }
0x373: {  	s7 =	smov.u32 s2;
	s2 =	smov.u32 s5  }
0x374: {  	s10 =	sadd.s32 $0x400, s5;
	s2 =	sshra.s32 s2, $0x2;
	s6 =	sadd.s32 $0x4000, s7  }
0x375: {  	[tilespmem:s6], [sflag:$0x1] =	stream.linear.gather [hbm4b:s4+s17], $0x80, $0x38;
	[tilespmem:$0x10080] =	vst v63  }
0x376: {  	p1 =	sne.s32 s5, $0x1C00;
	s5 =	sadd.s32 $0x10, s4;
	s6 =	sadd.s32 $0x4800, s7  }
0x377: {  	[tilespmem:s6], [sflag:$0x1] =	stream.linear.gather [hbm4b:s5+s17], $0x80, $0x38;
	[tilespmem:$0x10080] =	vst v63  }
0x378: {  	s5 =	sadd.s32 $0x20, s4;
	s6 =	sadd.s32 $0x5000, s7  }
0x379: {  	[tilespmem:s6], [sflag:$0x1] =	stream.linear.gather [hbm4b:s5+s17], $0x80, $0x38;
	[tilespmem:$0x10080] =	vst v63  }
0x37a: {  	s5 =	sadd.s32 $0x30, s4;
	s6 =	sadd.s32 $0x5800, s7  }
0x37b: {  	[tilespmem:s6], [sflag:$0x1] =	stream.linear.gather [hbm4b:s5+s17], $0x80, $0x38;
	[tilespmem:$0x10080] =	vst v63  }
0x37c: {  	s5 =	sadd.s32 $0x40, s4;
	s6 =	sadd.s32 $0x6000, s7  }
0x37d: {  	[tilespmem:s6], [sflag:$0x1] =	stream.linear.gather [hbm4b:s5+s17], $0x80, $0x38;
	[tilespmem:$0x10080] =	vst v63  }
.Ltmp15:
0x37e: {  	s5 =	sadd.s32 $0x50, s4;
	s6 =	sadd.s32 $0x6800, s7;
	(pc) =	sbr.rel @p1 .LBB2_32-.Ltmp15, $4  }
0x37f: {  	[tilespmem:s6], [sflag:$0x1] =	stream.linear.gather [hbm4b:s5+s17], $0x80, $0x38;
	[tilespmem:$0x10080] =	vst v63  }
0x380: {  	s5 =	sadd.s32 $0x60, s4;
	s6 =	sadd.s32 $0x7000, s7;
	s7 =	sadd.s32 $0x7800, s7  }
0x381: {  	[tilespmem:s6], [sflag:$0x1] =	stream.linear.gather [hbm4b:s5+s17], $0x80, $0x38;
	[tilespmem:$0x10080] =	vst v63  }
0x382: {  	s6 =	sadd.s32 $0x70, s4;
	s4 =	sadd.s32 $0x80, s4;
	s5 =	smov.u32 s10  }
0x383: {  	[tilespmem:s7], [sflag:$0x1] =	stream.linear.gather [hbm4b:s6+s17], $0x80, $0x38;
	[tilespmem:$0x10080] =	vst v63  }
0x384: {  	s5 =	sadd.s32 $0x4000, s2  }
0x385: {  	[tilespmem:s5], [sflag:$0x1] =	stream.linear.gather [hbm4b:s4+s17], $0x80, $0x38;
	[tilespmem:$0x10080] =	vst v63  }
0x386: {  	s10 =	sadd.s32 $0x10, s4;
	s23 =	sadd.s32 $0x4800, s2  }
0x387: {  	[tilespmem:s23], [sflag:$0x1] =	stream.linear.gather [hbm4b:s10+s17], $0x80, $0x38;
	[tilespmem:$0x10080] =	vst v63  }
0x388: {  	s6 =	sadd.s32 $0x20, s4;
	s7 =	sadd.s32 $0x5000, s2  }
0x389: {  	[tilespmem:s7], [sflag:$0x1] =	stream.linear.gather [hbm4b:s6+s17], $0x80, $0x38;
	[tilespmem:$0x10080] =	vst v63  }
0x38a: {  	s10 =	sadd.s32 $0x30, s4;
	s23 =	sadd.s32 $0x5800, s2  }
0x38b: {  	[tilespmem:s23], [sflag:$0x1] =	stream.linear.gather [hbm4b:s10+s17], $0x80, $0x38;
	[tilespmem:$0x10080] =	vst v63  }
0x38c: {  	s6 =	sadd.s32 $0x40, s4;
	s7 =	sadd.s32 $0x6000, s2  }
0x38d: {  	[tilespmem:s7], [sflag:$0x1] =	stream.linear.gather [hbm4b:s6+s17], $0x80, $0x38;
	[tilespmem:$0x10080] =	vst v63  }
0x38e: {  	s10 =	sadd.s32 $0x50, s4;
	s23 =	sadd.s32 $0x6800, s2  }
0x38f: {  	[tilespmem:s23], [sflag:$0x1] =	stream.linear.gather [hbm4b:s10+s17], $0x80, $0x38;
	[tilespmem:$0x10080] =	vst v63  }
0x390: {  	s6 =	sadd.s32 $0x60, s4;
	s7 =	sadd.s32 $0x7000, s2  }
0x391: {  	[tilespmem:s7], [sflag:$0x1] =	stream.linear.gather [hbm4b:s6+s17], $0x80, $0x38;
	[tilespmem:$0x10080] =	vst v63  }
0x392: {  	s10 =	sadd.s32 $0x70, s4;
	s23 =	sadd.s32 $0x7800, s2  }
0x393: {  	[tilespmem:s23], [sflag:$0x1] =	stream.linear.gather [hbm4b:s10+s17], $0x80, $0x38;
	[tilespmem:$0x10080] =	vst v63  }
0x394: {  	_ =	swait.ge [sflag:s12], $0x4000  }
0x395: {  	[sflag:s12] =	ssyncset.done $0x0  }
0x396: {  	s5 =	simm.s32 $0x8000;
	s4 =	rddreg [dreg:$0x17];
	[sflag:s12] =	ssyncadd.s32 $0xFFFFC000  }
0x397: {  	[hbm4b:s4+s8] =	stream.strided.scatter [tilespmem:s5], [sflag:$0x4], $0x800, s9, s8, $0x38;
	[tilespmem:$0x10080] =	vst v63  }
0x398: {  	s7 =	simm.s32 $0x8800;
	s6 =	sadd.s32 $0x20, s4  }
0x399: {  	[hbm4b:s6+s8] =	stream.strided.scatter [tilespmem:s7], [sflag:$0x4], $0x800, s9, s8, $0x38;
	[tilespmem:$0x10080] =	vst v63  }
0x39a: {  	s23 =	simm.s32 $0x9000;
	s10 =	sadd.s32 $0x40, s4  }
0x39b: {  	[hbm4b:s10+s8] =	stream.strided.scatter [tilespmem:s23], [sflag:$0x4], $0x800, s9, s8, $0x38;
	[tilespmem:$0x10080] =	vst v63  }
0x39c: {  	s6 =	sadd.s32 $0x60, s4;
	s7 =	simm.s32 $0x9800  }
0x39d: {  	[hbm4b:s6+s8] =	stream.strided.scatter [tilespmem:s7], [sflag:$0x4], $0x800, s9, s8, $0x38;
	[tilespmem:$0x10080] =	vst v63  }
0x39e: {  	s10 =	sadd.s32 $0x400, s4;
	s23 =	simm.s32 $0xA000  }
0x39f: {  	[hbm4b:s10+s8] =	stream.strided.scatter [tilespmem:s23], [sflag:$0x4], $0x800, s9, s8, $0x38;
	[tilespmem:$0x10080] =	vst v63  }
0x3a0: {  	s6 =	sadd.s32 $0x420, s4;
	s7 =	simm.s32 $0xA800  }
0x3a1: {  	[hbm4b:s6+s8] =	stream.strided.scatter [tilespmem:s7], [sflag:$0x4], $0x800, s9, s8, $0x38;
	[tilespmem:$0x10080] =	vst v63  }
0x3a2: {  	s10 =	sadd.s32 $0x440, s4;
	s23 =	simm.s32 $0xB000  }
0x3a3: {  	[hbm4b:s10+s8] =	stream.strided.scatter [tilespmem:s23], [sflag:$0x4], $0x800, s9, s8, $0x38;
	[tilespmem:$0x10080] =	vst v63  }
0x3a4: {  	s6 =	sadd.s32 $0x460, s4;
	s7 =	simm.s32 $0xB800  }
0x3a5: {  	[hbm4b:s6+s8] =	stream.strided.scatter [tilespmem:s7], [sflag:$0x4], $0x800, s9, s8, $0x38;
	[tilespmem:$0x10080] =	vst v63  }
0x3a6: {  	s10 =	sadd.s32 $0x800, s4;
	s23 =	simm.s32 $0xC000  }
0x3a7: {  	[hbm4b:s10+s8] =	stream.strided.scatter [tilespmem:s23], [sflag:$0x4], $0x800, s9, s8, $0x38;
	[tilespmem:$0x10080] =	vst v63  }
0x3a8: {  	s6 =	sadd.s32 $0x820, s4;
	s7 =	simm.s32 $0xC800  }
0x3a9: {  	[hbm4b:s6+s8] =	stream.strided.scatter [tilespmem:s7], [sflag:$0x4], $0x800, s9, s8, $0x38;
	[tilespmem:$0x10080] =	vst v63  }
0x3aa: {  	s10 =	sadd.s32 $0x840, s4;
	s23 =	simm.s32 $0xD000  }
0x3ab: {  	[hbm4b:s10+s8] =	stream.strided.scatter [tilespmem:s23], [sflag:$0x4], $0x800, s9, s8, $0x38;
	[tilespmem:$0x10080] =	vst v63  }
0x3ac: {  	s6 =	sadd.s32 $0x860, s4;
	s7 =	simm.s32 $0xD800  }
0x3ad: {  	[hbm4b:s6+s8] =	stream.strided.scatter [tilespmem:s7], [sflag:$0x4], $0x800, s9, s8, $0x38;
	[tilespmem:$0x10080] =	vst v63  }
0x3ae: {  	s10 =	sadd.s32 $0xC00, s4;
	s23 =	simm.s32 $0xE000  }
0x3af: {  	[hbm4b:s10+s8] =	stream.strided.scatter [tilespmem:s23], [sflag:$0x4], $0x800, s9, s8, $0x38;
	[tilespmem:$0x10080] =	vst v63  }
0x3b0: {  	s6 =	sadd.s32 $0xC20, s4;
	s7 =	simm.s32 $0xE800  }
0x3b1: {  	[hbm4b:s6+s8] =	stream.strided.scatter [tilespmem:s7], [sflag:$0x4], $0x800, s9, s8, $0x38;
	[tilespmem:$0x10080] =	vst v63  }
0x3b2: {  	s10 =	sadd.s32 $0xC40, s4;
	s23 =	simm.s32 $0xF000  }
0x3b3: {  	[hbm4b:s10+s8] =	stream.strided.scatter [tilespmem:s23], [sflag:$0x4], $0x800, s9, s8, $0x38;
	[tilespmem:$0x10080] =	vst v63  }
0x3b4: {  	s6 =	sadd.s32 $0xC60, s4;
	s7 =	simm.s32 $0xF800;
	s10 =	simm.s32 $0x4  }
0x3b5: {  	[hbm4b:s6+s8] =	stream.strided.scatter [tilespmem:s7], [sflag:$0x4], $0x800, s9, s8, $0x38;
	[tilespmem:$0x10080] =	vst v63  }
0x3b6: {  	_ =	swait.ge [sflag:s10], $0x8000  }
0x3b7: {  	[sflag:s10] =	ssyncset.done $0x0  }
0x3b8: {  	s23 =	simm.s32 $0x8000;
	[sflag:s10] =	ssyncadd.s32 $0xFFFF8000  }
0x3b9: {  	[tilespmem:s23], [sflag:$0x2] =	stream.linear.gather [hbm4b:s26+s17], $0x80, $0x38;
	[tilespmem:$0x10080] =	vst v63  }
0x3ba: {  	s5 =	simm.s32 $0x8800;
	s4 =	sadd.s32 $0x10, s26  }
0x3bb: {  	[tilespmem:s5], [sflag:$0x2] =	stream.linear.gather [hbm4b:s4+s17], $0x80, $0x38;
	[tilespmem:$0x10080] =	vst v63  }
0x3bc: {  	s2 =	simm.s32 $0x100;
	s6 =	sadd.s32 $0x20, s26;
	s7 =	simm.s32 $0x9000  }
0x3bd: {  	[tilespmem:s7], [sflag:$0x2] =	stream.linear.gather [hbm4b:s6+s17], $0x80, $0x38;
	[tilespmem:$0x10080] =	vst v63  }
0x3be: {  	s10 =	sadd.s32 $0x30, s26;
	s23 =	simm.s32 $0x9800;
	s4 =	sadd.s32 $0x40, s26  }
0x3bf: {  	[tilespmem:s23], [sflag:$0x2] =	stream.linear.gather [hbm4b:s10+s17], $0x80, $0x38;
	[tilespmem:$0x10080] =	vst v63  }
0x3c0: {  	s5 =	simm.s32 $0xA000;
	s6 =	sadd.s32 $0x50, s26;
	s7 =	simm.s32 $0xA800  }
0x3c1: {  	[tilespmem:s5], [sflag:$0x2] =	stream.linear.gather [hbm4b:s4+s17], $0x80, $0x38;
	[tilespmem:$0x10080] =	vst v63  }
0x3c2: {  	s10 =	sadd.s32 $0x60, s26;
	s23 =	simm.s32 $0xB000;
	s5 =	simm.s32 $0x800  }
0x3c3: {  	[tilespmem:s7], [sflag:$0x2] =	stream.linear.gather [hbm4b:s6+s17], $0x80, $0x38;
	[tilespmem:$0x10080] =	vst v63  }
0x3c4: {  	s4 =	sadd.s32 $0x80, s26;
	s6 =	sadd.s32 $0x70, s26;
	s7 =	simm.s32 $0xB800  }
0x3c5: {  	[tilespmem:s23], [sflag:$0x2] =	stream.linear.gather [hbm4b:s10+s17], $0x80, $0x38;
	[tilespmem:$0x10080] =	vst v63  }
.LBB2_34:
0x3c6: {  	[tilespmem:s7], [sflag:$0x2] =	stream.linear.gather [hbm4b:s6+s17], $0x80, $0x38;
	[tilespmem:$0x10080] =	vst v63  }
0x3c7: {  	s7 =	smov.u32 s2;
	s2 =	smov.u32 s5  }
0x3c8: {  	s10 =	sadd.s32 $0x400, s5;
	s2 =	sshra.s32 s2, $0x2;
	s6 =	sadd.s32 $0x8000, s7  }
0x3c9: {  	[tilespmem:s6], [sflag:$0x2] =	stream.linear.gather [hbm4b:s4+s17], $0x80, $0x38;
	[tilespmem:$0x10080] =	vst v63  }
0x3ca: {  	p1 =	sne.s32 s5, $0x1C00;
	s5 =	sadd.s32 $0x10, s4;
	s6 =	sadd.s32 $0x8800, s7  }
0x3cb: {  	[tilespmem:s6], [sflag:$0x2] =	stream.linear.gather [hbm4b:s5+s17], $0x80, $0x38;
	[tilespmem:$0x10080] =	vst v63  }
0x3cc: {  	s5 =	sadd.s32 $0x20, s4;
	s6 =	sadd.s32 $0x9000, s7  }
0x3cd: {  	[tilespmem:s6], [sflag:$0x2] =	stream.linear.gather [hbm4b:s5+s17], $0x80, $0x38;
	[tilespmem:$0x10080] =	vst v63  }
0x3ce: {  	s5 =	sadd.s32 $0x30, s4;
	s6 =	sadd.s32 $0x9800, s7  }
0x3cf: {  	[tilespmem:s6], [sflag:$0x2] =	stream.linear.gather [hbm4b:s5+s17], $0x80, $0x38;
	[tilespmem:$0x10080] =	vst v63  }
0x3d0: {  	s5 =	sadd.s32 $0x40, s4;
	s6 =	sadd.s32 $0xA000, s7  }
0x3d1: {  	[tilespmem:s6], [sflag:$0x2] =	stream.linear.gather [hbm4b:s5+s17], $0x80, $0x38;
	[tilespmem:$0x10080] =	vst v63  }
.Ltmp16:
0x3d2: {  	s5 =	sadd.s32 $0x50, s4;
	s6 =	sadd.s32 $0xA800, s7;
	(pc) =	sbr.rel @p1 .LBB2_34-.Ltmp16, $4  }
0x3d3: {  	[tilespmem:s6], [sflag:$0x2] =	stream.linear.gather [hbm4b:s5+s17], $0x80, $0x38;
	[tilespmem:$0x10080] =	vst v63  }
0x3d4: {  	s5 =	sadd.s32 $0x60, s4;
	s6 =	sadd.s32 $0xB000, s7;
	s7 =	sadd.s32 $0xB800, s7  }
0x3d5: {  	[tilespmem:s6], [sflag:$0x2] =	stream.linear.gather [hbm4b:s5+s17], $0x80, $0x38;
	[tilespmem:$0x10080] =	vst v63  }
0x3d6: {  	s6 =	sadd.s32 $0x70, s4;
	s4 =	sadd.s32 $0x80, s4;
	s5 =	smov.u32 s10  }
0x3d7: {  	[tilespmem:s7], [sflag:$0x2] =	stream.linear.gather [hbm4b:s6+s17], $0x80, $0x38;
	[tilespmem:$0x10080] =	vst v63  }
0x3d8: {  	s5 =	sadd.s32 $0x8000, s2  }
0x3d9: {  	[tilespmem:s5], [sflag:$0x2] =	stream.linear.gather [hbm4b:s4+s17], $0x80, $0x38;
	[tilespmem:$0x10080] =	vst v63  }
0x3da: {  	s10 =	sadd.s32 $0x10, s4;
	s23 =	sadd.s32 $0x8800, s2  }
0x3db: {  	[tilespmem:s23], [sflag:$0x2] =	stream.linear.gather [hbm4b:s10+s17], $0x80, $0x38;
	[tilespmem:$0x10080] =	vst v63  }
0x3dc: {  	s6 =	sadd.s32 $0x20, s4;
	s7 =	sadd.s32 $0x9000, s2  }
0x3dd: {  	[tilespmem:s7], [sflag:$0x2] =	stream.linear.gather [hbm4b:s6+s17], $0x80, $0x38;
	[tilespmem:$0x10080] =	vst v63  }
0x3de: {  	s10 =	sadd.s32 $0x30, s4;
	s23 =	sadd.s32 $0x9800, s2  }
0x3df: {  	[tilespmem:s23], [sflag:$0x2] =	stream.linear.gather [hbm4b:s10+s17], $0x80, $0x38;
	[tilespmem:$0x10080] =	vst v63  }
0x3e0: {  	s6 =	sadd.s32 $0x40, s4;
	s7 =	sadd.s32 $0xA000, s2  }
0x3e1: {  	[tilespmem:s7], [sflag:$0x2] =	stream.linear.gather [hbm4b:s6+s17], $0x80, $0x38;
	[tilespmem:$0x10080] =	vst v63  }
0x3e2: {  	s10 =	sadd.s32 $0x50, s4;
	s23 =	sadd.s32 $0xA800, s2  }
0x3e3: {  	[tilespmem:s23], [sflag:$0x2] =	stream.linear.gather [hbm4b:s10+s17], $0x80, $0x38;
	[tilespmem:$0x10080] =	vst v63  }
0x3e4: {  	s6 =	sadd.s32 $0x60, s4;
	s7 =	sadd.s32 $0xB000, s2  }
0x3e5: {  	[tilespmem:s7], [sflag:$0x2] =	stream.linear.gather [hbm4b:s6+s17], $0x80, $0x38;
	[tilespmem:$0x10080] =	vst v63  }
0x3e6: {  	s10 =	sadd.s32 $0x70, s4;
	s23 =	sadd.s32 $0xB800, s2  }
0x3e7: {  	[tilespmem:s23], [sflag:$0x2] =	stream.linear.gather [hbm4b:s10+s17], $0x80, $0x38;
	[tilespmem:$0x10080] =	vst v63  }
0x3e8: {  	s4 =	sadd.s32 $0x400, s26;
	s26 =	simm.s32 $0xC000  }
0x3e9: {  	[tilespmem:s26], [sflag:$0x2] =	stream.linear.gather [hbm4b:s4+s17], $0x80, $0x38;
	[tilespmem:$0x10080] =	vst v63  }
0x3ea: {  	s5 =	sadd.s32 $0x10, s4;
	s6 =	simm.s32 $0xC800  }
0x3eb: {  	[tilespmem:s6], [sflag:$0x2] =	stream.linear.gather [hbm4b:s5+s17], $0x80, $0x38;
	[tilespmem:$0x10080] =	vst v63  }
0x3ec: {  	s2 =	simm.s32 $0x100;
	s7 =	sadd.s32 $0x20, s4;
	s10 =	simm.s32 $0xD000  }
0x3ed: {  	[tilespmem:s10], [sflag:$0x2] =	stream.linear.gather [hbm4b:s7+s17], $0x80, $0x38;
	[tilespmem:$0x10080] =	vst v63  }
0x3ee: {  	s23 =	sadd.s32 $0x30, s4;
	s26 =	simm.s32 $0xD800;
	s5 =	sadd.s32 $0x40, s4  }
0x3ef: {  	[tilespmem:s26], [sflag:$0x2] =	stream.linear.gather [hbm4b:s23+s17], $0x80, $0x38;
	[tilespmem:$0x10080] =	vst v63  }
0x3f0: {  	s6 =	simm.s32 $0xE000;
	s7 =	sadd.s32 $0x50, s4;
	s10 =	simm.s32 $0xE800  }
0x3f1: {  	[tilespmem:s6], [sflag:$0x2] =	stream.linear.gather [hbm4b:s5+s17], $0x80, $0x38;
	[tilespmem:$0x10080] =	vst v63  }
0x3f2: {  	s23 =	sadd.s32 $0x60, s4;
	s26 =	simm.s32 $0xF000;
	s5 =	simm.s32 $0x800  }
0x3f3: {  	[tilespmem:s10], [sflag:$0x2] =	stream.linear.gather [hbm4b:s7+s17], $0x80, $0x38;
	[tilespmem:$0x10080] =	vst v63  }
0x3f4: {  	s6 =	sadd.s32 $0x70, s4;
	s4 =	sadd.s32 $0x80, s4;
	s7 =	simm.s32 $0xF800  }
0x3f5: {  	[tilespmem:s26], [sflag:$0x2] =	stream.linear.gather [hbm4b:s23+s17], $0x80, $0x38;
	[tilespmem:$0x10080] =	vst v63  }
.LBB2_36:
0x3f6: {  	[tilespmem:s7], [sflag:$0x2] =	stream.linear.gather [hbm4b:s6+s17], $0x80, $0x38;
	[tilespmem:$0x10080] =	vst v63  }
0x3f7: {  	s7 =	smov.u32 s2;
	s2 =	smov.u32 s5  }
0x3f8: {  	s10 =	sadd.s32 $0x400, s5;
	s2 =	sshra.s32 s2, $0x2;
	s6 =	sadd.s32 $0xC000, s7  }
0x3f9: {  	[tilespmem:s6], [sflag:$0x2] =	stream.linear.gather [hbm4b:s4+s17], $0x80, $0x38;
	[tilespmem:$0x10080] =	vst v63  }
0x3fa: {  	p1 =	sne.s32 s5, $0x1C00;
	s5 =	sadd.s32 $0x10, s4;
	s6 =	sadd.s32 $0xC800, s7  }
0x3fb: {  	[tilespmem:s6], [sflag:$0x2] =	stream.linear.gather [hbm4b:s5+s17], $0x80, $0x38;
	[tilespmem:$0x10080] =	vst v63  }
0x3fc: {  	s5 =	sadd.s32 $0x20, s4;
	s6 =	sadd.s32 $0xD000, s7  }
0x3fd: {  	[tilespmem:s6], [sflag:$0x2] =	stream.linear.gather [hbm4b:s5+s17], $0x80, $0x38;
	[tilespmem:$0x10080] =	vst v63  }
0x3fe: {  	s5 =	sadd.s32 $0x30, s4;
	s6 =	sadd.s32 $0xD800, s7  }
0x3ff: {  	[tilespmem:s6], [sflag:$0x2] =	stream.linear.gather [hbm4b:s5+s17], $0x80, $0x38;
	[tilespmem:$0x10080] =	vst v63  }
0x400: {  	s5 =	sadd.s32 $0x40, s4;
	s6 =	sadd.s32 $0xE000, s7  }
0x401: {  	[tilespmem:s6], [sflag:$0x2] =	stream.linear.gather [hbm4b:s5+s17], $0x80, $0x38;
	[tilespmem:$0x10080] =	vst v63  }
.Ltmp17:
0x402: {  	s5 =	sadd.s32 $0x50, s4;
	s6 =	sadd.s32 $0xE800, s7;
	(pc) =	sbr.rel @p1 .LBB2_36-.Ltmp17, $4  }
0x403: {  	[tilespmem:s6], [sflag:$0x2] =	stream.linear.gather [hbm4b:s5+s17], $0x80, $0x38;
	[tilespmem:$0x10080] =	vst v63  }
0x404: {  	s5 =	sadd.s32 $0x60, s4;
	s6 =	sadd.s32 $0xF000, s7;
	s7 =	sadd.s32 $0xF800, s7  }
0x405: {  	[tilespmem:s6], [sflag:$0x2] =	stream.linear.gather [hbm4b:s5+s17], $0x80, $0x38;
	[tilespmem:$0x10080] =	vst v63  }
0x406: {  	s6 =	sadd.s32 $0x70, s4;
	s4 =	sadd.s32 $0x80, s4;
	s5 =	smov.u32 s10  }
0x407: {  	[tilespmem:s7], [sflag:$0x2] =	stream.linear.gather [hbm4b:s6+s17], $0x80, $0x38;
	[tilespmem:$0x10080] =	vst v63  }
0x408: {  	s5 =	sadd.s32 $0xC000, s2  }
0x409: {  	[tilespmem:s5], [sflag:$0x2] =	stream.linear.gather [hbm4b:s4+s17], $0x80, $0x38;
	[tilespmem:$0x10080] =	vst v63  }
0x40a: {  	s7 =	sadd.s32 $0x10, s4;
	s10 =	sadd.s32 $0xC800, s2  }
0x40b: {  	[tilespmem:s10], [sflag:$0x2] =	stream.linear.gather [hbm4b:s7+s17], $0x80, $0x38;
	[tilespmem:$0x10080] =	vst v63  }
0x40c: {  	s23 =	sadd.s32 $0x20, s4;
	s26 =	sadd.s32 $0xD000, s2  }
0x40d: {  	[tilespmem:s26], [sflag:$0x2] =	stream.linear.gather [hbm4b:s23+s17], $0x80, $0x38;
	[tilespmem:$0x10080] =	vst v63  }
0x40e: {  	s7 =	sadd.s32 $0x30, s4;
	s10 =	sadd.s32 $0xD800, s2  }
0x40f: {  	[tilespmem:s10], [sflag:$0x2] =	stream.linear.gather [hbm4b:s7+s17], $0x80, $0x38;
	[tilespmem:$0x10080] =	vst v63  }
0x410: {  	s23 =	sadd.s32 $0x40, s4;
	s26 =	sadd.s32 $0xE000, s2  }
0x411: {  	[tilespmem:s26], [sflag:$0x2] =	stream.linear.gather [hbm4b:s23+s17], $0x80, $0x38;
	[tilespmem:$0x10080] =	vst v63  }
0x412: {  	s7 =	sadd.s32 $0x50, s4;
	s10 =	sadd.s32 $0xE800, s2  }
0x413: {  	[tilespmem:s10], [sflag:$0x2] =	stream.linear.gather [hbm4b:s7+s17], $0x80, $0x38;
	[tilespmem:$0x10080] =	vst v63  }
0x414: {  	s23 =	sadd.s32 $0x60, s4;
	s26 =	sadd.s32 $0xF000, s2  }
0x415: {  	[tilespmem:s26], [sflag:$0x2] =	stream.linear.gather [hbm4b:s23+s17], $0x80, $0x38;
	[tilespmem:$0x10080] =	vst v63  }
0x416: {  	s7 =	sadd.s32 $0x70, s4;
	s10 =	sadd.s32 $0xF800, s2  }
0x417: {  	[tilespmem:s10], [sflag:$0x2] =	stream.linear.gather [hbm4b:s7+s17], $0x80, $0x38;
	[tilespmem:$0x10080] =	vst v63  }
0x418: {  	_ =	swait.ge [sflag:s11], $0x4000  }
0x419: {  	[sflag:s11] =	ssyncset.done $0x0  }
0x41a: {  	s23 =	simm.s32 $0x0;
	s4 =	rddreg [dreg:$0x18];
	[sflag:s11] =	ssyncadd.s32 $0xFFFFC000  }
0x41b: {  	[hbm4b:s4+s8] =	stream.strided.scatter [tilespmem:s23], [sflag:$0x3], $0x800, s9, s8, $0x38;
	[tilespmem:$0x10080] =	vst v63  }
0x41c: {  	s26 =	sadd.s32 $0x20, s4  }
0x41d: {  	[hbm4b:s26+s8] =	stream.strided.scatter [tilespmem:s13], [sflag:$0x3], $0x800, s9, s8, $0x38;
	[tilespmem:$0x10080] =	vst v63  }
0x41e: {  	s5 =	sadd.s32 $0x40, s4  }
0x41f: {  	[hbm4b:s5+s8] =	stream.strided.scatter [tilespmem:s14], [sflag:$0x3], $0x800, s9, s8, $0x38;
	[tilespmem:$0x10080] =	vst v63  }
0x420: {  	s6 =	sadd.s32 $0x60, s4  }
0x421: {  	[hbm4b:s6+s8] =	stream.strided.scatter [tilespmem:s15], [sflag:$0x3], $0x800, s9, s8, $0x38;
	[tilespmem:$0x10080] =	vst v63  }
0x422: {  	s7 =	sadd.s32 $0x400, s4  }
0x423: {  	[hbm4b:s7+s8] =	stream.strided.scatter [tilespmem:s16], [sflag:$0x3], $0x800, s9, s8, $0x38;
	[tilespmem:$0x10080] =	vst v63  }
0x424: {  	s10 =	sadd.s32 $0x420, s4  }
0x425: {  	[hbm4b:s10+s8] =	stream.strided.scatter [tilespmem:s18], [sflag:$0x3], $0x800, s9, s8, $0x38;
	[tilespmem:$0x10080] =	vst v63  }
0x426: {  	s23 =	sadd.s32 $0x440, s4  }
0x427: {  	[hbm4b:s23+s8] =	stream.strided.scatter [tilespmem:s19], [sflag:$0x3], $0x800, s9, s8, $0x38;
	[tilespmem:$0x10080] =	vst v63  }
0x428: {  	s26 =	sadd.s32 $0x460, s4  }
0x429: {  	[hbm4b:s26+s8] =	stream.strided.scatter [tilespmem:s21], [sflag:$0x3], $0x800, s9, s8, $0x38;
	[tilespmem:$0x10080] =	vst v63  }
0x42a: {  	s5 =	sadd.s32 $0x800, s4;
	s6 =	simm.s32 $0x4000  }
0x42b: {  	[hbm4b:s5+s8] =	stream.strided.scatter [tilespmem:s6], [sflag:$0x3], $0x800, s9, s8, $0x38;
	[tilespmem:$0x10080] =	vst v63  }
0x42c: {  	s7 =	sadd.s32 $0x820, s4;
	s10 =	simm.s32 $0x4800  }
0x42d: {  	[hbm4b:s7+s8] =	stream.strided.scatter [tilespmem:s10], [sflag:$0x3], $0x800, s9, s8, $0x38;
	[tilespmem:$0x10080] =	vst v63  }
0x42e: {  	s23 =	sadd.s32 $0x840, s4;
	s26 =	simm.s32 $0x5000  }
0x42f: {  	[hbm4b:s23+s8] =	stream.strided.scatter [tilespmem:s26], [sflag:$0x3], $0x800, s9, s8, $0x38;
	[tilespmem:$0x10080] =	vst v63  }
0x430: {  	s5 =	sadd.s32 $0x860, s4;
	s6 =	simm.s32 $0x5800  }
0x431: {  	[hbm4b:s5+s8] =	stream.strided.scatter [tilespmem:s6], [sflag:$0x3], $0x800, s9, s8, $0x38;
	[tilespmem:$0x10080] =	vst v63  }
0x432: {  	s7 =	sadd.s32 $0xC00, s4;
	s10 =	simm.s32 $0x6000  }
0x433: {  	[hbm4b:s7+s8] =	stream.strided.scatter [tilespmem:s10], [sflag:$0x3], $0x800, s9, s8, $0x38;
	[tilespmem:$0x10080] =	vst v63  }
0x434: {  	s23 =	sadd.s32 $0xC20, s4;
	s26 =	simm.s32 $0x6800  }
0x435: {  	[hbm4b:s23+s8] =	stream.strided.scatter [tilespmem:s26], [sflag:$0x3], $0x800, s9, s8, $0x38;
	[tilespmem:$0x10080] =	vst v63  }
0x436: {  	s5 =	sadd.s32 $0xC40, s4;
	s6 =	simm.s32 $0x7000  }
0x437: {  	[hbm4b:s5+s8] =	stream.strided.scatter [tilespmem:s6], [sflag:$0x3], $0x800, s9, s8, $0x38;
	[tilespmem:$0x10080] =	vst v63  }
0x438: {  	s7 =	sadd.s32 $0xC60, s4;
	s10 =	simm.s32 $0x7800;
	s23 =	simm.s32 $0x3  }
0x439: {  	[hbm4b:s7+s8] =	stream.strided.scatter [tilespmem:s10], [sflag:$0x3], $0x800, s9, s8, $0x38;
	[tilespmem:$0x10080] =	vst v63  }
0x43a: {  	_ =	swait.ge [sflag:s23], $0x8000  }
0x43b: {  	[sflag:s23] =	ssyncset.done $0x0  }
0x43c: {  	s26 =	simm.s32 $0x0;
	s7 =	rddreg [dreg:$0xa];
	[sflag:s23] =	ssyncadd.s32 $0xFFFF8000  }
0x43d: {  	[tilespmem:s26], [sflag:$0x1] =	stream.linear.gather [hbm4b:s7+s17], $0x80, $0x38;
	[tilespmem:$0x10080] =	vst v63  }
0x43e: {  	s5 =	simm.s32 $0x800;
	s4 =	sadd.s32 $0x10, s7  }
0x43f: {  	[tilespmem:s5], [sflag:$0x1] =	stream.linear.gather [hbm4b:s4+s17], $0x80, $0x38;
	[tilespmem:$0x10080] =	vst v63  }
0x440: {  	s10 =	simm.s32 $0x1000;
	s6 =	sadd.s32 $0x20, s7  }
0x441: {  	[tilespmem:s10], [sflag:$0x1] =	stream.linear.gather [hbm4b:s6+s17], $0x80, $0x38;
	[tilespmem:$0x10080] =	vst v63  }
0x442: {  	s2 =	simm.s32 $0x400;
	s23 =	sadd.s32 $0x30, s7;
	s26 =	simm.s32 $0x1800  }
0x443: {  	[tilespmem:s26], [sflag:$0x1] =	stream.linear.gather [hbm4b:s23+s17], $0x80, $0x38;
	[tilespmem:$0x10080] =	vst v63  }
0x444: {  	s4 =	sadd.s32 $0x40, s7;
	s5 =	simm.s32 $0x2000;
	s6 =	sadd.s32 $0x50, s7  }
0x445: {  	[tilespmem:s5], [sflag:$0x1] =	stream.linear.gather [hbm4b:s4+s17], $0x80, $0x38;
	[tilespmem:$0x10080] =	vst v63  }
0x446: {  	s10 =	simm.s32 $0x2800;
	s23 =	sadd.s32 $0x60, s7;
	s26 =	simm.s32 $0x3000  }
0x447: {  	[tilespmem:s10], [sflag:$0x1] =	stream.linear.gather [hbm4b:s6+s17], $0x80, $0x38;
	[tilespmem:$0x10080] =	vst v63  }
0x448: {  	s5 =	sadd.s32 $0x70, s7;
	s4 =	sadd.s32 $0x80, s7;
	s6 =	simm.s32 $0x3800  }
0x449: {  	[tilespmem:s26], [sflag:$0x1] =	stream.linear.gather [hbm4b:s23+s17], $0x80, $0x38;
	[tilespmem:$0x10080] =	vst v63  }
.LBB2_38:
0x44a: {  	[tilespmem:s6], [sflag:$0x1] =	stream.linear.gather [hbm4b:s5+s17], $0x80, $0x38;
	[tilespmem:$0x10080] =	vst v63  }
0x44b: {  	s6 =	sshra.s32 s2, $0x2;
	p1 =	sne.s32 s2, $0x1C00;
	s2 =	sadd.s32 $0x400, s2  }
0x44c: {  	[tilespmem:s6], [sflag:$0x1] =	stream.linear.gather [hbm4b:s4+s17], $0x80, $0x38;
	[tilespmem:$0x10080] =	vst v63  }
0x44d: {  	s5 =	sadd.s32 $0x10, s4;
	s7 =	sadd.s32 $0x800, s6  }
0x44e: {  	[tilespmem:s7], [sflag:$0x1] =	stream.linear.gather [hbm4b:s5+s17], $0x80, $0x38;
	[tilespmem:$0x10080] =	vst v63  }
0x44f: {  	s5 =	sadd.s32 $0x20, s4;
	s7 =	sadd.s32 $0x1000, s6  }
0x450: {  	[tilespmem:s7], [sflag:$0x1] =	stream.linear.gather [hbm4b:s5+s17], $0x80, $0x38;
	[tilespmem:$0x10080] =	vst v63  }
0x451: {  	s5 =	sadd.s32 $0x30, s4;
	s7 =	sadd.s32 $0x1800, s6  }
0x452: {  	[tilespmem:s7], [sflag:$0x1] =	stream.linear.gather [hbm4b:s5+s17], $0x80, $0x38;
	[tilespmem:$0x10080] =	vst v63  }
0x453: {  	s5 =	sadd.s32 $0x40, s4;
	s7 =	sadd.s32 $0x2000, s6  }
0x454: {  	[tilespmem:s7], [sflag:$0x1] =	stream.linear.gather [hbm4b:s5+s17], $0x80, $0x38;
	[tilespmem:$0x10080] =	vst v63  }
.Ltmp18:
0x455: {  	s5 =	sadd.s32 $0x50, s4;
	s7 =	sadd.s32 $0x2800, s6;
	(pc) =	sbr.rel @p1 .LBB2_38-.Ltmp18, $4  }
0x456: {  	[tilespmem:s7], [sflag:$0x1] =	stream.linear.gather [hbm4b:s5+s17], $0x80, $0x38;
	[tilespmem:$0x10080] =	vst v63  }
0x457: {  	s5 =	sadd.s32 $0x60, s4;
	s7 =	sadd.s32 $0x3000, s6  }
0x458: {  	[tilespmem:s7], [sflag:$0x1] =	stream.linear.gather [hbm4b:s5+s17], $0x80, $0x38;
	[tilespmem:$0x10080] =	vst v63  }
0x459: {  	s6 =	sadd.s32 $0x3800, s6;
	s5 =	sadd.s32 $0x70, s4;
	s4 =	sadd.s32 $0x80, s4  }
0x45a: {  	[tilespmem:s6], [sflag:$0x1] =	stream.linear.gather [hbm4b:s5+s17], $0x80, $0x38;
	[tilespmem:$0x10080] =	vst v63  }
0x45b: {  	s2 =	rddreg [dreg:$0xa]  }
0x45c: {  	s26 =	simm.s32 $0x4000;
	s4 =	sadd.s32 $0x400, s2  }
0x45d: {  	[tilespmem:s26], [sflag:$0x1] =	stream.linear.gather [hbm4b:s4+s17], $0x80, $0x38;
	[tilespmem:$0x10080] =	vst v63  }
0x45e: {  	s6 =	simm.s32 $0x4800;
	s5 =	sadd.s32 $0x10, s4  }
0x45f: {  	[tilespmem:s6], [sflag:$0x1] =	stream.linear.gather [hbm4b:s5+s17], $0x80, $0x38;
	[tilespmem:$0x10080] =	vst v63  }
0x460: {  	s10 =	simm.s32 $0x5000;
	s2 =	simm.s32 $0x100;
	s7 =	sadd.s32 $0x20, s4  }
0x461: {  	[tilespmem:s10], [sflag:$0x1] =	stream.linear.gather [hbm4b:s7+s17], $0x80, $0x38;
	[tilespmem:$0x10080] =	vst v63  }
0x462: {  	s23 =	sadd.s32 $0x30, s4;
	s26 =	simm.s32 $0x5800;
	s5 =	sadd.s32 $0x40, s4  }
0x463: {  	[tilespmem:s26], [sflag:$0x1] =	stream.linear.gather [hbm4b:s23+s17], $0x80, $0x38;
	[tilespmem:$0x10080] =	vst v63  }
0x464: {  	s6 =	simm.s32 $0x6000;
	s7 =	sadd.s32 $0x50, s4;
	s10 =	simm.s32 $0x6800  }
0x465: {  	[tilespmem:s6], [sflag:$0x1] =	stream.linear.gather [hbm4b:s5+s17], $0x80, $0x38;
	[tilespmem:$0x10080] =	vst v63  }
0x466: {  	s23 =	sadd.s32 $0x60, s4;
	s26 =	simm.s32 $0x7000;
	s5 =	simm.s32 $0x800  }
0x467: {  	[tilespmem:s10], [sflag:$0x1] =	stream.linear.gather [hbm4b:s7+s17], $0x80, $0x38;
	[tilespmem:$0x10080] =	vst v63  }
0x468: {  	s6 =	sadd.s32 $0x70, s4;
	s4 =	sadd.s32 $0x80, s4;
	s7 =	simm.s32 $0x7800  }
0x469: {  	[tilespmem:s26], [sflag:$0x1] =	stream.linear.gather [hbm4b:s23+s17], $0x80, $0x38;
	[tilespmem:$0x10080] =	vst v63  }
.LBB2_40:
0x46a: {  	[tilespmem:s7], [sflag:$0x1] =	stream.linear.gather [hbm4b:s6+s17], $0x80, $0x38;
	[tilespmem:$0x10080] =	vst v63  }
0x46b: {  	s7 =	smov.u32 s2;
	s2 =	smov.u32 s5  }
0x46c: {  	s10 =	sadd.s32 $0x400, s5;
	s2 =	sshra.s32 s2, $0x2;
	s6 =	sadd.s32 $0x4000, s7  }
0x46d: {  	[tilespmem:s6], [sflag:$0x1] =	stream.linear.gather [hbm4b:s4+s17], $0x80, $0x38;
	[tilespmem:$0x10080] =	vst v63  }
0x46e: {  	p1 =	sne.s32 s5, $0x1C00;
	s5 =	sadd.s32 $0x10, s4;
	s6 =	sadd.s32 $0x4800, s7  }
0x46f: {  	[tilespmem:s6], [sflag:$0x1] =	stream.linear.gather [hbm4b:s5+s17], $0x80, $0x38;
	[tilespmem:$0x10080] =	vst v63  }
0x470: {  	s5 =	sadd.s32 $0x20, s4;
	s6 =	sadd.s32 $0x5000, s7  }
0x471: {  	[tilespmem:s6], [sflag:$0x1] =	stream.linear.gather [hbm4b:s5+s17], $0x80, $0x38;
	[tilespmem:$0x10080] =	vst v63  }
0x472: {  	s5 =	sadd.s32 $0x30, s4;
	s6 =	sadd.s32 $0x5800, s7  }
0x473: {  	[tilespmem:s6], [sflag:$0x1] =	stream.linear.gather [hbm4b:s5+s17], $0x80, $0x38;
	[tilespmem:$0x10080] =	vst v63  }
0x474: {  	s5 =	sadd.s32 $0x40, s4;
	s6 =	sadd.s32 $0x6000, s7  }
0x475: {  	[tilespmem:s6], [sflag:$0x1] =	stream.linear.gather [hbm4b:s5+s17], $0x80, $0x38;
	[tilespmem:$0x10080] =	vst v63  }
.Ltmp19:
0x476: {  	s5 =	sadd.s32 $0x50, s4;
	s6 =	sadd.s32 $0x6800, s7;
	(pc) =	sbr.rel @p1 .LBB2_40-.Ltmp19, $4  }
0x477: {  	[tilespmem:s6], [sflag:$0x1] =	stream.linear.gather [hbm4b:s5+s17], $0x80, $0x38;
	[tilespmem:$0x10080] =	vst v63  }
0x478: {  	s5 =	sadd.s32 $0x60, s4;
	s6 =	sadd.s32 $0x7000, s7;
	s7 =	sadd.s32 $0x7800, s7  }
0x479: {  	[tilespmem:s6], [sflag:$0x1] =	stream.linear.gather [hbm4b:s5+s17], $0x80, $0x38;
	[tilespmem:$0x10080] =	vst v63  }
0x47a: {  	s6 =	sadd.s32 $0x70, s4;
	s4 =	sadd.s32 $0x80, s4;
	s5 =	smov.u32 s10  }
0x47b: {  	[tilespmem:s7], [sflag:$0x1] =	stream.linear.gather [hbm4b:s6+s17], $0x80, $0x38;
	[tilespmem:$0x10080] =	vst v63  }
0x47c: {  	s5 =	sadd.s32 $0x4000, s2  }
0x47d: {  	[tilespmem:s5], [sflag:$0x1] =	stream.linear.gather [hbm4b:s4+s17], $0x80, $0x38;
	[tilespmem:$0x10080] =	vst v63  }
0x47e: {  	s7 =	sadd.s32 $0x10, s4;
	s10 =	sadd.s32 $0x4800, s2  }
0x47f: {  	[tilespmem:s10], [sflag:$0x1] =	stream.linear.gather [hbm4b:s7+s17], $0x80, $0x38;
	[tilespmem:$0x10080] =	vst v63  }
0x480: {  	s23 =	sadd.s32 $0x20, s4;
	s26 =	sadd.s32 $0x5000, s2  }
0x481: {  	[tilespmem:s26], [sflag:$0x1] =	stream.linear.gather [hbm4b:s23+s17], $0x80, $0x38;
	[tilespmem:$0x10080] =	vst v63  }
0x482: {  	s7 =	sadd.s32 $0x30, s4;
	s10 =	sadd.s32 $0x5800, s2  }
0x483: {  	[tilespmem:s10], [sflag:$0x1] =	stream.linear.gather [hbm4b:s7+s17], $0x80, $0x38;
	[tilespmem:$0x10080] =	vst v63  }
0x484: {  	s23 =	sadd.s32 $0x40, s4;
	s26 =	sadd.s32 $0x6000, s2  }
0x485: {  	[tilespmem:s26], [sflag:$0x1] =	stream.linear.gather [hbm4b:s23+s17], $0x80, $0x38;
	[tilespmem:$0x10080] =	vst v63  }
0x486: {  	s7 =	sadd.s32 $0x50, s4;
	s10 =	sadd.s32 $0x6800, s2  }
0x487: {  	[tilespmem:s10], [sflag:$0x1] =	stream.linear.gather [hbm4b:s7+s17], $0x80, $0x38;
	[tilespmem:$0x10080] =	vst v63  }
0x488: {  	s23 =	sadd.s32 $0x60, s4;
	s26 =	sadd.s32 $0x7000, s2  }
0x489: {  	[tilespmem:s26], [sflag:$0x1] =	stream.linear.gather [hbm4b:s23+s17], $0x80, $0x38;
	[tilespmem:$0x10080] =	vst v63  }
0x48a: {  	s6 =	sadd.s32 $0x70, s4;
	s7 =	sadd.s32 $0x7800, s2  }
0x48b: {  	[tilespmem:s7], [sflag:$0x1] =	stream.linear.gather [hbm4b:s6+s17], $0x80, $0x38;
	[tilespmem:$0x10080] =	vst v63  }
0x48c: {  	_ =	swait.ge [sflag:s12], $0x4000  }
0x48d: {  	[sflag:s12] =	ssyncset.done $0x0  }
0x48e: {  	s10 =	simm.s32 $0x8000;
	s4 =	rddreg [dreg:$0x19];
	[sflag:s12] =	ssyncadd.s32 $0xFFFFC000  }
0x48f: {  	[hbm4b:s4+s8] =	stream.strided.scatter [tilespmem:s10], [sflag:$0x4], $0x800, s9, s8, $0x38;
	[tilespmem:$0x10080] =	vst v63  }
0x490: {  	s26 =	simm.s32 $0x8800;
	s23 =	sadd.s32 $0x20, s4  }
0x491: {  	[hbm4b:s23+s8] =	stream.strided.scatter [tilespmem:s26], [sflag:$0x4], $0x800, s9, s8, $0x38;
	[tilespmem:$0x10080] =	vst v63  }
0x492: {  	s6 =	simm.s32 $0x9000;
	s5 =	sadd.s32 $0x40, s4  }
0x493: {  	[hbm4b:s5+s8] =	stream.strided.scatter [tilespmem:s6], [sflag:$0x4], $0x800, s9, s8, $0x38;
	[tilespmem:$0x10080] =	vst v63  }
0x494: {  	s7 =	sadd.s32 $0x60, s4;
	s10 =	simm.s32 $0x9800  }
0x495: {  	[hbm4b:s7+s8] =	stream.strided.scatter [tilespmem:s10], [sflag:$0x4], $0x800, s9, s8, $0x38;
	[tilespmem:$0x10080] =	vst v63  }
0x496: {  	s23 =	sadd.s32 $0x400, s4;
	s26 =	simm.s32 $0xA000  }
0x497: {  	[hbm4b:s23+s8] =	stream.strided.scatter [tilespmem:s26], [sflag:$0x4], $0x800, s9, s8, $0x38;
	[tilespmem:$0x10080] =	vst v63  }
0x498: {  	s5 =	sadd.s32 $0x420, s4;
	s6 =	simm.s32 $0xA800  }
0x499: {  	[hbm4b:s5+s8] =	stream.strided.scatter [tilespmem:s6], [sflag:$0x4], $0x800, s9, s8, $0x38;
	[tilespmem:$0x10080] =	vst v63  }
0x49a: {  	s7 =	sadd.s32 $0x440, s4;
	s10 =	simm.s32 $0xB000  }
0x49b: {  	[hbm4b:s7+s8] =	stream.strided.scatter [tilespmem:s10], [sflag:$0x4], $0x800, s9, s8, $0x38;
	[tilespmem:$0x10080] =	vst v63  }
0x49c: {  	s23 =	sadd.s32 $0x460, s4;
	s26 =	simm.s32 $0xB800  }
0x49d: {  	[hbm4b:s23+s8] =	stream.strided.scatter [tilespmem:s26], [sflag:$0x4], $0x800, s9, s8, $0x38;
	[tilespmem:$0x10080] =	vst v63  }
0x49e: {  	s5 =	sadd.s32 $0x800, s4;
	s6 =	simm.s32 $0xC000  }
0x49f: {  	[hbm4b:s5+s8] =	stream.strided.scatter [tilespmem:s6], [sflag:$0x4], $0x800, s9, s8, $0x38;
	[tilespmem:$0x10080] =	vst v63  }
0x4a0: {  	s7 =	sadd.s32 $0x820, s4;
	s10 =	simm.s32 $0xC800  }
0x4a1: {  	[hbm4b:s7+s8] =	stream.strided.scatter [tilespmem:s10], [sflag:$0x4], $0x800, s9, s8, $0x38;
	[tilespmem:$0x10080] =	vst v63  }
0x4a2: {  	s23 =	sadd.s32 $0x840, s4;
	s26 =	simm.s32 $0xD000  }
0x4a3: {  	[hbm4b:s23+s8] =	stream.strided.scatter [tilespmem:s26], [sflag:$0x4], $0x800, s9, s8, $0x38;
	[tilespmem:$0x10080] =	vst v63  }
0x4a4: {  	s5 =	sadd.s32 $0x860, s4;
	s6 =	simm.s32 $0xD800  }
0x4a5: {  	[hbm4b:s5+s8] =	stream.strided.scatter [tilespmem:s6], [sflag:$0x4], $0x800, s9, s8, $0x38;
	[tilespmem:$0x10080] =	vst v63  }
0x4a6: {  	s7 =	sadd.s32 $0xC00, s4;
	s10 =	simm.s32 $0xE000  }
0x4a7: {  	[hbm4b:s7+s8] =	stream.strided.scatter [tilespmem:s10], [sflag:$0x4], $0x800, s9, s8, $0x38;
	[tilespmem:$0x10080] =	vst v63  }
0x4a8: {  	s23 =	sadd.s32 $0xC20, s4;
	s26 =	simm.s32 $0xE800  }
0x4a9: {  	[hbm4b:s23+s8] =	stream.strided.scatter [tilespmem:s26], [sflag:$0x4], $0x800, s9, s8, $0x38;
	[tilespmem:$0x10080] =	vst v63  }
0x4aa: {  	s5 =	sadd.s32 $0xC40, s4;
	s6 =	simm.s32 $0xF000  }
0x4ab: {  	[hbm4b:s5+s8] =	stream.strided.scatter [tilespmem:s6], [sflag:$0x4], $0x800, s9, s8, $0x38;
	[tilespmem:$0x10080] =	vst v63  }
0x4ac: {  	s7 =	sadd.s32 $0xC60, s4;
	s10 =	simm.s32 $0xF800;
	s23 =	simm.s32 $0x4  }
0x4ad: {  	[hbm4b:s7+s8] =	stream.strided.scatter [tilespmem:s10], [sflag:$0x4], $0x800, s9, s8, $0x38;
	[tilespmem:$0x10080] =	vst v63  }
0x4ae: {  	_ =	swait.ge [sflag:s23], $0x8000  }
0x4af: {  	[sflag:s23] =	ssyncset.done $0x0  }
0x4b0: {  	s26 =	simm.s32 $0x8000;
	s10 =	rddreg [dreg:$0xb];
	[sflag:s23] =	ssyncadd.s32 $0xFFFF8000  }
0x4b1: {  	[tilespmem:s26], [sflag:$0x2] =	stream.linear.gather [hbm4b:s10+s17], $0x80, $0x38;
	[tilespmem:$0x10080] =	vst v63  }
0x4b2: {  	s5 =	simm.s32 $0x8800;
	s4 =	sadd.s32 $0x10, s10  }
0x4b3: {  	[tilespmem:s5], [sflag:$0x2] =	stream.linear.gather [hbm4b:s4+s17], $0x80, $0x38;
	[tilespmem:$0x10080] =	vst v63  }
0x4b4: {  	s2 =	simm.s32 $0x100;
	s7 =	simm.s32 $0x9000;
	s6 =	sadd.s32 $0x20, s10  }
0x4b5: {  	[tilespmem:s7], [sflag:$0x2] =	stream.linear.gather [hbm4b:s6+s17], $0x80, $0x38;
	[tilespmem:$0x10080] =	vst v63  }
0x4b6: {  	s23 =	sadd.s32 $0x30, s10;
	s26 =	simm.s32 $0x9800;
	s4 =	sadd.s32 $0x40, s10  }
0x4b7: {  	[tilespmem:s26], [sflag:$0x2] =	stream.linear.gather [hbm4b:s23+s17], $0x80, $0x38;
	[tilespmem:$0x10080] =	vst v63  }
0x4b8: {  	s5 =	simm.s32 $0xA000;
	s6 =	sadd.s32 $0x50, s10;
	s7 =	simm.s32 $0xA800  }
0x4b9: {  	[tilespmem:s5], [sflag:$0x2] =	stream.linear.gather [hbm4b:s4+s17], $0x80, $0x38;
	[tilespmem:$0x10080] =	vst v63  }
0x4ba: {  	s23 =	sadd.s32 $0x60, s10;
	s26 =	simm.s32 $0xB000;
	s5 =	simm.s32 $0x800  }
0x4bb: {  	[tilespmem:s7], [sflag:$0x2] =	stream.linear.gather [hbm4b:s6+s17], $0x80, $0x38;
	[tilespmem:$0x10080] =	vst v63  }
0x4bc: {  	s4 =	sadd.s32 $0x80, s10;
	s6 =	sadd.s32 $0x70, s10;
	s7 =	simm.s32 $0xB800  }
0x4bd: {  	[tilespmem:s26], [sflag:$0x2] =	stream.linear.gather [hbm4b:s23+s17], $0x80, $0x38;
	[tilespmem:$0x10080] =	vst v63  }
.LBB2_42:
0x4be: {  	[tilespmem:s7], [sflag:$0x2] =	stream.linear.gather [hbm4b:s6+s17], $0x80, $0x38;
	[tilespmem:$0x10080] =	vst v63  }
0x4bf: {  	s7 =	smov.u32 s2;
	s2 =	smov.u32 s5  }
0x4c0: {  	s10 =	sadd.s32 $0x400, s5;
	s2 =	sshra.s32 s2, $0x2;
	s6 =	sadd.s32 $0x8000, s7  }
0x4c1: {  	[tilespmem:s6], [sflag:$0x2] =	stream.linear.gather [hbm4b:s4+s17], $0x80, $0x38;
	[tilespmem:$0x10080] =	vst v63  }
0x4c2: {  	p1 =	sne.s32 s5, $0x1C00;
	s5 =	sadd.s32 $0x10, s4;
	s6 =	sadd.s32 $0x8800, s7  }
0x4c3: {  	[tilespmem:s6], [sflag:$0x2] =	stream.linear.gather [hbm4b:s5+s17], $0x80, $0x38;
	[tilespmem:$0x10080] =	vst v63  }
0x4c4: {  	s5 =	sadd.s32 $0x20, s4;
	s6 =	sadd.s32 $0x9000, s7  }
0x4c5: {  	[tilespmem:s6], [sflag:$0x2] =	stream.linear.gather [hbm4b:s5+s17], $0x80, $0x38;
	[tilespmem:$0x10080] =	vst v63  }
0x4c6: {  	s5 =	sadd.s32 $0x30, s4;
	s6 =	sadd.s32 $0x9800, s7  }
0x4c7: {  	[tilespmem:s6], [sflag:$0x2] =	stream.linear.gather [hbm4b:s5+s17], $0x80, $0x38;
	[tilespmem:$0x10080] =	vst v63  }
0x4c8: {  	s5 =	sadd.s32 $0x40, s4;
	s6 =	sadd.s32 $0xA000, s7  }
0x4c9: {  	[tilespmem:s6], [sflag:$0x2] =	stream.linear.gather [hbm4b:s5+s17], $0x80, $0x38;
	[tilespmem:$0x10080] =	vst v63  }
.Ltmp20:
0x4ca: {  	s5 =	sadd.s32 $0x50, s4;
	s6 =	sadd.s32 $0xA800, s7;
	(pc) =	sbr.rel @p1 .LBB2_42-.Ltmp20, $4  }
0x4cb: {  	[tilespmem:s6], [sflag:$0x2] =	stream.linear.gather [hbm4b:s5+s17], $0x80, $0x38;
	[tilespmem:$0x10080] =	vst v63  }
0x4cc: {  	s5 =	sadd.s32 $0x60, s4;
	s6 =	sadd.s32 $0xB000, s7;
	s7 =	sadd.s32 $0xB800, s7  }
0x4cd: {  	[tilespmem:s6], [sflag:$0x2] =	stream.linear.gather [hbm4b:s5+s17], $0x80, $0x38;
	[tilespmem:$0x10080] =	vst v63  }
0x4ce: {  	s6 =	sadd.s32 $0x70, s4;
	s4 =	sadd.s32 $0x80, s4;
	s5 =	smov.u32 s10  }
0x4cf: {  	[tilespmem:s7], [sflag:$0x2] =	stream.linear.gather [hbm4b:s6+s17], $0x80, $0x38;
	[tilespmem:$0x10080] =	vst v63  }
0x4d0: {  	s5 =	sadd.s32 $0x8000, s2  }
0x4d1: {  	[tilespmem:s5], [sflag:$0x2] =	stream.linear.gather [hbm4b:s4+s17], $0x80, $0x38;
	[tilespmem:$0x10080] =	vst v63  }
0x4d2: {  	s7 =	sadd.s32 $0x10, s4;
	s10 =	sadd.s32 $0x8800, s2  }
0x4d3: {  	[tilespmem:s10], [sflag:$0x2] =	stream.linear.gather [hbm4b:s7+s17], $0x80, $0x38;
	[tilespmem:$0x10080] =	vst v63  }
0x4d4: {  	s23 =	sadd.s32 $0x20, s4;
	s26 =	sadd.s32 $0x9000, s2  }
0x4d5: {  	[tilespmem:s26], [sflag:$0x2] =	stream.linear.gather [hbm4b:s23+s17], $0x80, $0x38;
	[tilespmem:$0x10080] =	vst v63  }
0x4d6: {  	s7 =	sadd.s32 $0x30, s4;
	s10 =	sadd.s32 $0x9800, s2  }
0x4d7: {  	[tilespmem:s10], [sflag:$0x2] =	stream.linear.gather [hbm4b:s7+s17], $0x80, $0x38;
	[tilespmem:$0x10080] =	vst v63  }
0x4d8: {  	s23 =	sadd.s32 $0x40, s4;
	s26 =	sadd.s32 $0xA000, s2  }
0x4d9: {  	[tilespmem:s26], [sflag:$0x2] =	stream.linear.gather [hbm4b:s23+s17], $0x80, $0x38;
	[tilespmem:$0x10080] =	vst v63  }
0x4da: {  	s7 =	sadd.s32 $0x50, s4;
	s10 =	sadd.s32 $0xA800, s2  }
0x4db: {  	[tilespmem:s10], [sflag:$0x2] =	stream.linear.gather [hbm4b:s7+s17], $0x80, $0x38;
	[tilespmem:$0x10080] =	vst v63  }
0x4dc: {  	s23 =	sadd.s32 $0x60, s4;
	s26 =	sadd.s32 $0xB000, s2  }
0x4dd: {  	[tilespmem:s26], [sflag:$0x2] =	stream.linear.gather [hbm4b:s23+s17], $0x80, $0x38;
	[tilespmem:$0x10080] =	vst v63  }
0x4de: {  	s7 =	sadd.s32 $0x70, s4;
	s10 =	sadd.s32 $0xB800, s2;
	s23 =	rddreg [dreg:$0xb]  }
0x4df: {  	[tilespmem:s10], [sflag:$0x2] =	stream.linear.gather [hbm4b:s7+s17], $0x80, $0x38;
	[tilespmem:$0x10080] =	vst v63  }
0x4e0: {  	s26 =	simm.s32 $0xC000;
	s4 =	sadd.s32 $0x400, s23  }
0x4e1: {  	[tilespmem:s26], [sflag:$0x2] =	stream.linear.gather [hbm4b:s4+s17], $0x80, $0x38;
	[tilespmem:$0x10080] =	vst v63  }
0x4e2: {  	s6 =	simm.s32 $0xC800;
	s5 =	sadd.s32 $0x10, s4  }
0x4e3: {  	[tilespmem:s6], [sflag:$0x2] =	stream.linear.gather [hbm4b:s5+s17], $0x80, $0x38;
	[tilespmem:$0x10080] =	vst v63  }
0x4e4: {  	s2 =	simm.s32 $0x100;
	s7 =	sadd.s32 $0x20, s4;
	s10 =	simm.s32 $0xD000  }
0x4e5: {  	[tilespmem:s10], [sflag:$0x2] =	stream.linear.gather [hbm4b:s7+s17], $0x80, $0x38;
	[tilespmem:$0x10080] =	vst v63  }
0x4e6: {  	s23 =	sadd.s32 $0x30, s4;
	s26 =	simm.s32 $0xD800;
	s5 =	sadd.s32 $0x40, s4  }
0x4e7: {  	[tilespmem:s26], [sflag:$0x2] =	stream.linear.gather [hbm4b:s23+s17], $0x80, $0x38;
	[tilespmem:$0x10080] =	vst v63  }
0x4e8: {  	s6 =	simm.s32 $0xE000;
	s7 =	sadd.s32 $0x50, s4;
	s10 =	simm.s32 $0xE800  }
0x4e9: {  	[tilespmem:s6], [sflag:$0x2] =	stream.linear.gather [hbm4b:s5+s17], $0x80, $0x38;
	[tilespmem:$0x10080] =	vst v63  }
0x4ea: {  	s23 =	sadd.s32 $0x60, s4;
	s26 =	simm.s32 $0xF000;
	s5 =	simm.s32 $0x800  }
0x4eb: {  	[tilespmem:s10], [sflag:$0x2] =	stream.linear.gather [hbm4b:s7+s17], $0x80, $0x38;
	[tilespmem:$0x10080] =	vst v63  }
0x4ec: {  	s6 =	sadd.s32 $0x70, s4;
	s4 =	sadd.s32 $0x80, s4;
	s7 =	simm.s32 $0xF800  }
0x4ed: {  	[tilespmem:s26], [sflag:$0x2] =	stream.linear.gather [hbm4b:s23+s17], $0x80, $0x38;
	[tilespmem:$0x10080] =	vst v63  }
.LBB2_44:
0x4ee: {  	[tilespmem:s7], [sflag:$0x2] =	stream.linear.gather [hbm4b:s6+s17], $0x80, $0x38;
	[tilespmem:$0x10080] =	vst v63  }
0x4ef: {  	s7 =	smov.u32 s2;
	s2 =	smov.u32 s5  }
0x4f0: {  	s10 =	sadd.s32 $0x400, s5;
	s2 =	sshra.s32 s2, $0x2;
	s6 =	sadd.s32 $0xC000, s7  }
0x4f1: {  	[tilespmem:s6], [sflag:$0x2] =	stream.linear.gather [hbm4b:s4+s17], $0x80, $0x38;
	[tilespmem:$0x10080] =	vst v63  }
0x4f2: {  	p1 =	sne.s32 s5, $0x1C00;
	s5 =	sadd.s32 $0x10, s4;
	s6 =	sadd.s32 $0xC800, s7  }
0x4f3: {  	[tilespmem:s6], [sflag:$0x2] =	stream.linear.gather [hbm4b:s5+s17], $0x80, $0x38;
	[tilespmem:$0x10080] =	vst v63  }
0x4f4: {  	s5 =	sadd.s32 $0x20, s4;
	s6 =	sadd.s32 $0xD000, s7  }
0x4f5: {  	[tilespmem:s6], [sflag:$0x2] =	stream.linear.gather [hbm4b:s5+s17], $0x80, $0x38;
	[tilespmem:$0x10080] =	vst v63  }
0x4f6: {  	s5 =	sadd.s32 $0x30, s4;
	s6 =	sadd.s32 $0xD800, s7  }
0x4f7: {  	[tilespmem:s6], [sflag:$0x2] =	stream.linear.gather [hbm4b:s5+s17], $0x80, $0x38;
	[tilespmem:$0x10080] =	vst v63  }
0x4f8: {  	s5 =	sadd.s32 $0x40, s4;
	s6 =	sadd.s32 $0xE000, s7  }
0x4f9: {  	[tilespmem:s6], [sflag:$0x2] =	stream.linear.gather [hbm4b:s5+s17], $0x80, $0x38;
	[tilespmem:$0x10080] =	vst v63  }
.Ltmp21:
0x4fa: {  	s5 =	sadd.s32 $0x50, s4;
	s6 =	sadd.s32 $0xE800, s7;
	(pc) =	sbr.rel @p1 .LBB2_44-.Ltmp21, $4  }
0x4fb: {  	[tilespmem:s6], [sflag:$0x2] =	stream.linear.gather [hbm4b:s5+s17], $0x80, $0x38;
	[tilespmem:$0x10080] =	vst v63  }
0x4fc: {  	s5 =	sadd.s32 $0x60, s4;
	s6 =	sadd.s32 $0xF000, s7;
	s7 =	sadd.s32 $0xF800, s7  }
0x4fd: {  	[tilespmem:s6], [sflag:$0x2] =	stream.linear.gather [hbm4b:s5+s17], $0x80, $0x38;
	[tilespmem:$0x10080] =	vst v63  }
0x4fe: {  	s6 =	sadd.s32 $0x70, s4;
	s4 =	sadd.s32 $0x80, s4;
	s5 =	smov.u32 s10  }
0x4ff: {  	[tilespmem:s7], [sflag:$0x2] =	stream.linear.gather [hbm4b:s6+s17], $0x80, $0x38;
	[tilespmem:$0x10080] =	vst v63  }
0x500: {  	s5 =	sadd.s32 $0xC000, s2  }
0x501: {  	[tilespmem:s5], [sflag:$0x2] =	stream.linear.gather [hbm4b:s4+s17], $0x80, $0x38;
	[tilespmem:$0x10080] =	vst v63  }
0x502: {  	s7 =	sadd.s32 $0x10, s4;
	s10 =	sadd.s32 $0xC800, s2  }
0x503: {  	[tilespmem:s10], [sflag:$0x2] =	stream.linear.gather [hbm4b:s7+s17], $0x80, $0x38;
	[tilespmem:$0x10080] =	vst v63  }
0x504: {  	s23 =	sadd.s32 $0x20, s4;
	s26 =	sadd.s32 $0xD000, s2  }
0x505: {  	[tilespmem:s26], [sflag:$0x2] =	stream.linear.gather [hbm4b:s23+s17], $0x80, $0x38;
	[tilespmem:$0x10080] =	vst v63  }
0x506: {  	s7 =	sadd.s32 $0x30, s4;
	s10 =	sadd.s32 $0xD800, s2  }
0x507: {  	[tilespmem:s10], [sflag:$0x2] =	stream.linear.gather [hbm4b:s7+s17], $0x80, $0x38;
	[tilespmem:$0x10080] =	vst v63  }
0x508: {  	s23 =	sadd.s32 $0x40, s4;
	s26 =	sadd.s32 $0xE000, s2  }
0x509: {  	[tilespmem:s26], [sflag:$0x2] =	stream.linear.gather [hbm4b:s23+s17], $0x80, $0x38;
	[tilespmem:$0x10080] =	vst v63  }
0x50a: {  	s7 =	sadd.s32 $0x50, s4;
	s10 =	sadd.s32 $0xE800, s2  }
0x50b: {  	[tilespmem:s10], [sflag:$0x2] =	stream.linear.gather [hbm4b:s7+s17], $0x80, $0x38;
	[tilespmem:$0x10080] =	vst v63  }
0x50c: {  	s23 =	sadd.s32 $0x60, s4;
	s26 =	sadd.s32 $0xF000, s2  }
0x50d: {  	[tilespmem:s26], [sflag:$0x2] =	stream.linear.gather [hbm4b:s23+s17], $0x80, $0x38;
	[tilespmem:$0x10080] =	vst v63  }
0x50e: {  	s7 =	sadd.s32 $0x70, s4;
	s10 =	sadd.s32 $0xF800, s2  }
0x50f: {  	[tilespmem:s10], [sflag:$0x2] =	stream.linear.gather [hbm4b:s7+s17], $0x80, $0x38;
	[tilespmem:$0x10080] =	vst v63  }
0x510: {  	_ =	swait.ge [sflag:s11], $0x4000  }
0x511: {  	[sflag:s11] =	ssyncset.done $0x0  }
0x512: {  	s23 =	simm.s32 $0x0;
	s4 =	rddreg [dreg:$0x1a];
	[sflag:s11] =	ssyncadd.s32 $0xFFFFC000  }
0x513: {  	[hbm4b:s4+s8] =	stream.strided.scatter [tilespmem:s23], [sflag:$0x3], $0x800, s9, s8, $0x38;
	[tilespmem:$0x10080] =	vst v63  }
0x514: {  	s26 =	sadd.s32 $0x20, s4  }
0x515: {  	[hbm4b:s26+s8] =	stream.strided.scatter [tilespmem:s13], [sflag:$0x3], $0x800, s9, s8, $0x38;
	[tilespmem:$0x10080] =	vst v63  }
0x516: {  	s5 =	sadd.s32 $0x40, s4  }
0x517: {  	[hbm4b:s5+s8] =	stream.strided.scatter [tilespmem:s14], [sflag:$0x3], $0x800, s9, s8, $0x38;
	[tilespmem:$0x10080] =	vst v63  }
0x518: {  	s6 =	sadd.s32 $0x60, s4  }
0x519: {  	[hbm4b:s6+s8] =	stream.strided.scatter [tilespmem:s15], [sflag:$0x3], $0x800, s9, s8, $0x38;
	[tilespmem:$0x10080] =	vst v63  }
0x51a: {  	s7 =	sadd.s32 $0x400, s4  }
0x51b: {  	[hbm4b:s7+s8] =	stream.strided.scatter [tilespmem:s16], [sflag:$0x3], $0x800, s9, s8, $0x38;
	[tilespmem:$0x10080] =	vst v63  }
0x51c: {  	s10 =	sadd.s32 $0x420, s4  }
0x51d: {  	[hbm4b:s10+s8] =	stream.strided.scatter [tilespmem:s18], [sflag:$0x3], $0x800, s9, s8, $0x38;
	[tilespmem:$0x10080] =	vst v63  }
0x51e: {  	s23 =	sadd.s32 $0x440, s4  }
0x51f: {  	[hbm4b:s23+s8] =	stream.strided.scatter [tilespmem:s19], [sflag:$0x3], $0x800, s9, s8, $0x38;
	[tilespmem:$0x10080] =	vst v63  }
0x520: {  	s26 =	sadd.s32 $0x460, s4  }
0x521: {  	[hbm4b:s26+s8] =	stream.strided.scatter [tilespmem:s21], [sflag:$0x3], $0x800, s9, s8, $0x38;
	[tilespmem:$0x10080] =	vst v63  }
0x522: {  	s5 =	sadd.s32 $0x800, s4;
	s6 =	simm.s32 $0x4000  }
0x523: {  	[hbm4b:s5+s8] =	stream.strided.scatter [tilespmem:s6], [sflag:$0x3], $0x800, s9, s8, $0x38;
	[tilespmem:$0x10080] =	vst v63  }
0x524: {  	s7 =	sadd.s32 $0x820, s4;
	s10 =	simm.s32 $0x4800  }
0x525: {  	[hbm4b:s7+s8] =	stream.strided.scatter [tilespmem:s10], [sflag:$0x3], $0x800, s9, s8, $0x38;
	[tilespmem:$0x10080] =	vst v63  }
0x526: {  	s23 =	sadd.s32 $0x840, s4;
	s26 =	simm.s32 $0x5000  }
0x527: {  	[hbm4b:s23+s8] =	stream.strided.scatter [tilespmem:s26], [sflag:$0x3], $0x800, s9, s8, $0x38;
	[tilespmem:$0x10080] =	vst v63  }
0x528: {  	s5 =	sadd.s32 $0x860, s4;
	s6 =	simm.s32 $0x5800  }
0x529: {  	[hbm4b:s5+s8] =	stream.strided.scatter [tilespmem:s6], [sflag:$0x3], $0x800, s9, s8, $0x38;
	[tilespmem:$0x10080] =	vst v63  }
0x52a: {  	s7 =	sadd.s32 $0xC00, s4;
	s10 =	simm.s32 $0x6000  }
0x52b: {  	[hbm4b:s7+s8] =	stream.strided.scatter [tilespmem:s10], [sflag:$0x3], $0x800, s9, s8, $0x38;
	[tilespmem:$0x10080] =	vst v63  }
0x52c: {  	s23 =	sadd.s32 $0xC20, s4;
	s26 =	simm.s32 $0x6800  }
0x52d: {  	[hbm4b:s23+s8] =	stream.strided.scatter [tilespmem:s26], [sflag:$0x3], $0x800, s9, s8, $0x38;
	[tilespmem:$0x10080] =	vst v63  }
0x52e: {  	s6 =	sadd.s32 $0xC40, s4;
	s7 =	simm.s32 $0x7000  }
0x52f: {  	[hbm4b:s6+s8] =	stream.strided.scatter [tilespmem:s7], [sflag:$0x3], $0x800, s9, s8, $0x38;
	[tilespmem:$0x10080] =	vst v63  }
0x530: {  	s10 =	sadd.s32 $0xC60, s4;
	s23 =	simm.s32 $0x7800;
	s26 =	simm.s32 $0x3  }
0x531: {  	[hbm4b:s10+s8] =	stream.strided.scatter [tilespmem:s23], [sflag:$0x3], $0x800, s9, s8, $0x38;
	[tilespmem:$0x10080] =	vst v63  }
0x532: {  	_ =	swait.ge [sflag:s26], $0x8000  }
0x533: {  	[sflag:s26] =	ssyncset.done $0x0  }
0x534: {  	s4 =	simm.s32 $0x0;
	[sflag:s26] =	ssyncadd.s32 $0xFFFF8000  }
0x535: {  	[tilespmem:s4], [sflag:$0x1] =	stream.linear.gather [hbm4b:s20+s17], $0x80, $0x38;
	[tilespmem:$0x10080] =	vst v63  }
0x536: {  	s5 =	sadd.s32 $0x10, s20;
	s6 =	simm.s32 $0x800  }
0x537: {  	[tilespmem:s6], [sflag:$0x1] =	stream.linear.gather [hbm4b:s5+s17], $0x80, $0x38;
	[tilespmem:$0x10080] =	vst v63  }
0x538: {  	s7 =	sadd.s32 $0x20, s20;
	s10 =	simm.s32 $0x1000  }
0x539: {  	[tilespmem:s10], [sflag:$0x1] =	stream.linear.gather [hbm4b:s7+s17], $0x80, $0x38;
	[tilespmem:$0x10080] =	vst v63  }
0x53a: {  	s2 =	simm.s32 $0x400;
	s23 =	sadd.s32 $0x30, s20;
	s26 =	simm.s32 $0x1800  }
0x53b: {  	[tilespmem:s26], [sflag:$0x1] =	stream.linear.gather [hbm4b:s23+s17], $0x80, $0x38;
	[tilespmem:$0x10080] =	vst v63  }
0x53c: {  	s4 =	sadd.s32 $0x80, s20;
	s5 =	sadd.s32 $0x40, s20;
	s6 =	simm.s32 $0x2000  }
0x53d: {  	[tilespmem:s6], [sflag:$0x1] =	stream.linear.gather [hbm4b:s5+s17], $0x80, $0x38;
	[tilespmem:$0x10080] =	vst v63  }
0x53e: {  	s7 =	sadd.s32 $0x50, s20;
	s10 =	simm.s32 $0x2800;
	s23 =	sadd.s32 $0x60, s20  }
0x53f: {  	[tilespmem:s10], [sflag:$0x1] =	stream.linear.gather [hbm4b:s7+s17], $0x80, $0x38;
	[tilespmem:$0x10080] =	vst v63  }
0x540: {  	s26 =	simm.s32 $0x3000;
	s5 =	sadd.s32 $0x70, s20;
	s6 =	simm.s32 $0x3800  }
0x541: {  	[tilespmem:s26], [sflag:$0x1] =	stream.linear.gather [hbm4b:s23+s17], $0x80, $0x38;
	[tilespmem:$0x10080] =	vst v63  }
.LBB2_46:
0x542: {  	[tilespmem:s6], [sflag:$0x1] =	stream.linear.gather [hbm4b:s5+s17], $0x80, $0x38;
	[tilespmem:$0x10080] =	vst v63  }
0x543: {  	s6 =	sshra.s32 s2, $0x2;
	p1 =	sne.s32 s2, $0x1C00;
	s2 =	sadd.s32 $0x400, s2  }
0x544: {  	[tilespmem:s6], [sflag:$0x1] =	stream.linear.gather [hbm4b:s4+s17], $0x80, $0x38;
	[tilespmem:$0x10080] =	vst v63  }
0x545: {  	s5 =	sadd.s32 $0x10, s4;
	s7 =	sadd.s32 $0x800, s6  }
0x546: {  	[tilespmem:s7], [sflag:$0x1] =	stream.linear.gather [hbm4b:s5+s17], $0x80, $0x38;
	[tilespmem:$0x10080] =	vst v63  }
0x547: {  	s5 =	sadd.s32 $0x20, s4;
	s7 =	sadd.s32 $0x1000, s6  }
0x548: {  	[tilespmem:s7], [sflag:$0x1] =	stream.linear.gather [hbm4b:s5+s17], $0x80, $0x38;
	[tilespmem:$0x10080] =	vst v63  }
0x549: {  	s5 =	sadd.s32 $0x30, s4;
	s7 =	sadd.s32 $0x1800, s6  }
0x54a: {  	[tilespmem:s7], [sflag:$0x1] =	stream.linear.gather [hbm4b:s5+s17], $0x80, $0x38;
	[tilespmem:$0x10080] =	vst v63  }
0x54b: {  	s5 =	sadd.s32 $0x40, s4;
	s7 =	sadd.s32 $0x2000, s6  }
0x54c: {  	[tilespmem:s7], [sflag:$0x1] =	stream.linear.gather [hbm4b:s5+s17], $0x80, $0x38;
	[tilespmem:$0x10080] =	vst v63  }
.Ltmp22:
0x54d: {  	s5 =	sadd.s32 $0x50, s4;
	s7 =	sadd.s32 $0x2800, s6;
	(pc) =	sbr.rel @p1 .LBB2_46-.Ltmp22, $4  }
0x54e: {  	[tilespmem:s7], [sflag:$0x1] =	stream.linear.gather [hbm4b:s5+s17], $0x80, $0x38;
	[tilespmem:$0x10080] =	vst v63  }
0x54f: {  	s5 =	sadd.s32 $0x60, s4;
	s7 =	sadd.s32 $0x3000, s6  }
0x550: {  	[tilespmem:s7], [sflag:$0x1] =	stream.linear.gather [hbm4b:s5+s17], $0x80, $0x38;
	[tilespmem:$0x10080] =	vst v63  }
0x551: {  	s6 =	sadd.s32 $0x3800, s6;
	s5 =	sadd.s32 $0x70, s4;
	s4 =	sadd.s32 $0x80, s4  }
0x552: {  	[tilespmem:s6], [sflag:$0x1] =	stream.linear.gather [hbm4b:s5+s17], $0x80, $0x38;
	[tilespmem:$0x10080] =	vst v63  }
0x553: {  	s4 =	sadd.s32 $0x400, s20;
	s2 =	simm.s32 $0x4000  }
0x554: {  	[tilespmem:s2], [sflag:$0x1] =	stream.linear.gather [hbm4b:s4+s17], $0x80, $0x38;
	[tilespmem:$0x10080] =	vst v63  }
0x555: {  	s7 =	simm.s32 $0x4800;
	s6 =	sadd.s32 $0x10, s4  }
0x556: {  	[tilespmem:s7], [sflag:$0x1] =	stream.linear.gather [hbm4b:s6+s17], $0x80, $0x38;
	[tilespmem:$0x10080] =	vst v63  }
0x557: {  	s20 =	simm.s32 $0x5000;
	s26 =	simm.s32 $0x5800;
	s10 =	sadd.s32 $0x20, s4  }
0x558: {  	[tilespmem:s20], [sflag:$0x1] =	stream.linear.gather [hbm4b:s10+s17], $0x80, $0x38;
	[tilespmem:$0x10080] =	vst v63  }
0x559: {  	s5 =	simm.s32 $0x800;
	s23 =	sadd.s32 $0x30, s4;
	s2 =	simm.s32 $0x100  }
0x55a: {  	[tilespmem:s26], [sflag:$0x1] =	stream.linear.gather [hbm4b:s23+s17], $0x80, $0x38;
	[tilespmem:$0x10080] =	vst v63  }
0x55b: {  	s6 =	sadd.s32 $0x40, s4;
	s7 =	simm.s32 $0x6000;
	s10 =	sadd.s32 $0x50, s4  }
0x55c: {  	[tilespmem:s7], [sflag:$0x1] =	stream.linear.gather [hbm4b:s6+s17], $0x80, $0x38;
	[tilespmem:$0x10080] =	vst v63  }
0x55d: {  	s20 =	simm.s32 $0x6800;
	s23 =	sadd.s32 $0x60, s4;
	s26 =	simm.s32 $0x7000  }
0x55e: {  	[tilespmem:s20], [sflag:$0x1] =	stream.linear.gather [hbm4b:s10+s17], $0x80, $0x38;
	[tilespmem:$0x10080] =	vst v63  }
0x55f: {  	s6 =	sadd.s32 $0x70, s4;
	s7 =	simm.s32 $0x7800;
	s4 =	sadd.s32 $0x80, s4  }
0x560: {  	[tilespmem:s26], [sflag:$0x1] =	stream.linear.gather [hbm4b:s23+s17], $0x80, $0x38;
	[tilespmem:$0x10080] =	vst v63  }
.LBB2_48:
0x561: {  	[tilespmem:s7], [sflag:$0x1] =	stream.linear.gather [hbm4b:s6+s17], $0x80, $0x38;
	[tilespmem:$0x10080] =	vst v63  }
0x562: {  	s7 =	smov.u32 s2;
	s2 =	smov.u32 s5  }
0x563: {  	s10 =	sadd.s32 $0x400, s5;
	s2 =	sshra.s32 s2, $0x2;
	s6 =	sadd.s32 $0x4000, s7  }
0x564: {  	[tilespmem:s6], [sflag:$0x1] =	stream.linear.gather [hbm4b:s4+s17], $0x80, $0x38;
	[tilespmem:$0x10080] =	vst v63  }
0x565: {  	p1 =	sne.s32 s5, $0x1C00;
	s5 =	sadd.s32 $0x10, s4;
	s6 =	sadd.s32 $0x4800, s7  }
0x566: {  	[tilespmem:s6], [sflag:$0x1] =	stream.linear.gather [hbm4b:s5+s17], $0x80, $0x38;
	[tilespmem:$0x10080] =	vst v63  }
0x567: {  	s5 =	sadd.s32 $0x20, s4;
	s6 =	sadd.s32 $0x5000, s7  }
0x568: {  	[tilespmem:s6], [sflag:$0x1] =	stream.linear.gather [hbm4b:s5+s17], $0x80, $0x38;
	[tilespmem:$0x10080] =	vst v63  }
0x569: {  	s5 =	sadd.s32 $0x30, s4;
	s6 =	sadd.s32 $0x5800, s7  }
0x56a: {  	[tilespmem:s6], [sflag:$0x1] =	stream.linear.gather [hbm4b:s5+s17], $0x80, $0x38;
	[tilespmem:$0x10080] =	vst v63  }
0x56b: {  	s5 =	sadd.s32 $0x40, s4;
	s6 =	sadd.s32 $0x6000, s7  }
0x56c: {  	[tilespmem:s6], [sflag:$0x1] =	stream.linear.gather [hbm4b:s5+s17], $0x80, $0x38;
	[tilespmem:$0x10080] =	vst v63  }
.Ltmp23:
0x56d: {  	s5 =	sadd.s32 $0x50, s4;
	s6 =	sadd.s32 $0x6800, s7;
	(pc) =	sbr.rel @p1 .LBB2_48-.Ltmp23, $4  }
0x56e: {  	[tilespmem:s6], [sflag:$0x1] =	stream.linear.gather [hbm4b:s5+s17], $0x80, $0x38;
	[tilespmem:$0x10080] =	vst v63  }
0x56f: {  	s5 =	sadd.s32 $0x60, s4;
	s6 =	sadd.s32 $0x7000, s7;
	s7 =	sadd.s32 $0x7800, s7  }
0x570: {  	[tilespmem:s6], [sflag:$0x1] =	stream.linear.gather [hbm4b:s5+s17], $0x80, $0x38;
	[tilespmem:$0x10080] =	vst v63  }
0x571: {  	s6 =	sadd.s32 $0x70, s4;
	s4 =	sadd.s32 $0x80, s4;
	s5 =	smov.u32 s10  }
0x572: {  	[tilespmem:s7], [sflag:$0x1] =	stream.linear.gather [hbm4b:s6+s17], $0x80, $0x38;
	[tilespmem:$0x10080] =	vst v63  }
0x573: {  	s5 =	sadd.s32 $0x4000, s2  }
0x574: {  	[tilespmem:s5], [sflag:$0x1] =	stream.linear.gather [hbm4b:s4+s17], $0x80, $0x38;
	[tilespmem:$0x10080] =	vst v63  }
0x575: {  	s6 =	sadd.s32 $0x10, s4;
	s7 =	sadd.s32 $0x4800, s2  }
0x576: {  	[tilespmem:s7], [sflag:$0x1] =	stream.linear.gather [hbm4b:s6+s17], $0x80, $0x38;
	[tilespmem:$0x10080] =	vst v63  }
0x577: {  	s10 =	sadd.s32 $0x20, s4;
	s20 =	sadd.s32 $0x5000, s2  }
0x578: {  	[tilespmem:s20], [sflag:$0x1] =	stream.linear.gather [hbm4b:s10+s17], $0x80, $0x38;
	[tilespmem:$0x10080] =	vst v63  }
0x579: {  	s23 =	sadd.s32 $0x30, s4;
	s26 =	sadd.s32 $0x5800, s2  }
0x57a: {  	[tilespmem:s26], [sflag:$0x1] =	stream.linear.gather [hbm4b:s23+s17], $0x80, $0x38;
	[tilespmem:$0x10080] =	vst v63  }
0x57b: {  	s6 =	sadd.s32 $0x40, s4;
	s7 =	sadd.s32 $0x6000, s2  }
0x57c: {  	[tilespmem:s7], [sflag:$0x1] =	stream.linear.gather [hbm4b:s6+s17], $0x80, $0x38;
	[tilespmem:$0x10080] =	vst v63  }
0x57d: {  	s10 =	sadd.s32 $0x50, s4;
	s20 =	sadd.s32 $0x6800, s2  }
0x57e: {  	[tilespmem:s20], [sflag:$0x1] =	stream.linear.gather [hbm4b:s10+s17], $0x80, $0x38;
	[tilespmem:$0x10080] =	vst v63  }
0x57f: {  	s23 =	sadd.s32 $0x60, s4;
	s26 =	sadd.s32 $0x7000, s2  }
0x580: {  	[tilespmem:s26], [sflag:$0x1] =	stream.linear.gather [hbm4b:s23+s17], $0x80, $0x38;
	[tilespmem:$0x10080] =	vst v63  }
0x581: {  	s5 =	sadd.s32 $0x70, s4;
	s6 =	sadd.s32 $0x7800, s2  }
0x582: {  	[tilespmem:s6], [sflag:$0x1] =	stream.linear.gather [hbm4b:s5+s17], $0x80, $0x38;
	[tilespmem:$0x10080] =	vst v63  }
0x583: {  	_ =	swait.ge [sflag:s12], $0x4000  }
0x584: {  	[sflag:s12] =	ssyncset.done $0x0  }
0x585: {  	s7 =	simm.s32 $0x8000;
	s4 =	rddreg [dreg:$0x1b];
	[sflag:s12] =	ssyncadd.s32 $0xFFFFC000  }
0x586: {  	[hbm4b:s4+s8] =	stream.strided.scatter [tilespmem:s7], [sflag:$0x4], $0x800, s9, s8, $0x38;
	[tilespmem:$0x10080] =	vst v63  }
0x587: {  	s20 =	simm.s32 $0x8800;
	s10 =	sadd.s32 $0x20, s4  }
0x588: {  	[hbm4b:s10+s8] =	stream.strided.scatter [tilespmem:s20], [sflag:$0x4], $0x800, s9, s8, $0x38;
	[tilespmem:$0x10080] =	vst v63  }
0x589: {  	s26 =	simm.s32 $0x9000;
	s23 =	sadd.s32 $0x40, s4  }
0x58a: {  	[hbm4b:s23+s8] =	stream.strided.scatter [tilespmem:s26], [sflag:$0x4], $0x800, s9, s8, $0x38;
	[tilespmem:$0x10080] =	vst v63  }
0x58b: {  	s6 =	sadd.s32 $0x60, s4;
	s7 =	simm.s32 $0x9800  }
0x58c: {  	[hbm4b:s6+s8] =	stream.strided.scatter [tilespmem:s7], [sflag:$0x4], $0x800, s9, s8, $0x38;
	[tilespmem:$0x10080] =	vst v63  }
0x58d: {  	s10 =	sadd.s32 $0x400, s4;
	s20 =	simm.s32 $0xA000  }
0x58e: {  	[hbm4b:s10+s8] =	stream.strided.scatter [tilespmem:s20], [sflag:$0x4], $0x800, s9, s8, $0x38;
	[tilespmem:$0x10080] =	vst v63  }
0x58f: {  	s23 =	sadd.s32 $0x420, s4;
	s26 =	simm.s32 $0xA800  }
0x590: {  	[hbm4b:s23+s8] =	stream.strided.scatter [tilespmem:s26], [sflag:$0x4], $0x800, s9, s8, $0x38;
	[tilespmem:$0x10080] =	vst v63  }
0x591: {  	s6 =	sadd.s32 $0x440, s4;
	s7 =	simm.s32 $0xB000  }
0x592: {  	[hbm4b:s6+s8] =	stream.strided.scatter [tilespmem:s7], [sflag:$0x4], $0x800, s9, s8, $0x38;
	[tilespmem:$0x10080] =	vst v63  }
0x593: {  	s10 =	sadd.s32 $0x460, s4;
	s20 =	simm.s32 $0xB800  }
0x594: {  	[hbm4b:s10+s8] =	stream.strided.scatter [tilespmem:s20], [sflag:$0x4], $0x800, s9, s8, $0x38;
	[tilespmem:$0x10080] =	vst v63  }
0x595: {  	s23 =	sadd.s32 $0x800, s4;
	s26 =	simm.s32 $0xC000  }
0x596: {  	[hbm4b:s23+s8] =	stream.strided.scatter [tilespmem:s26], [sflag:$0x4], $0x800, s9, s8, $0x38;
	[tilespmem:$0x10080] =	vst v63  }
0x597: {  	s6 =	sadd.s32 $0x820, s4;
	s7 =	simm.s32 $0xC800  }
0x598: {  	[hbm4b:s6+s8] =	stream.strided.scatter [tilespmem:s7], [sflag:$0x4], $0x800, s9, s8, $0x38;
	[tilespmem:$0x10080] =	vst v63  }
0x599: {  	s10 =	sadd.s32 $0x840, s4;
	s20 =	simm.s32 $0xD000  }
0x59a: {  	[hbm4b:s10+s8] =	stream.strided.scatter [tilespmem:s20], [sflag:$0x4], $0x800, s9, s8, $0x38;
	[tilespmem:$0x10080] =	vst v63  }
0x59b: {  	s23 =	sadd.s32 $0x860, s4;
	s26 =	simm.s32 $0xD800  }
0x59c: {  	[hbm4b:s23+s8] =	stream.strided.scatter [tilespmem:s26], [sflag:$0x4], $0x800, s9, s8, $0x38;
	[tilespmem:$0x10080] =	vst v63  }
0x59d: {  	s6 =	sadd.s32 $0xC00, s4;
	s7 =	simm.s32 $0xE000  }
0x59e: {  	[hbm4b:s6+s8] =	stream.strided.scatter [tilespmem:s7], [sflag:$0x4], $0x800, s9, s8, $0x38;
	[tilespmem:$0x10080] =	vst v63  }
0x59f: {  	s10 =	sadd.s32 $0xC20, s4;
	s20 =	simm.s32 $0xE800  }
0x5a0: {  	[hbm4b:s10+s8] =	stream.strided.scatter [tilespmem:s20], [sflag:$0x4], $0x800, s9, s8, $0x38;
	[tilespmem:$0x10080] =	vst v63  }
0x5a1: {  	s23 =	sadd.s32 $0xC40, s4;
	s26 =	simm.s32 $0xF000  }
0x5a2: {  	[hbm4b:s23+s8] =	stream.strided.scatter [tilespmem:s26], [sflag:$0x4], $0x800, s9, s8, $0x38;
	[tilespmem:$0x10080] =	vst v63  }
0x5a3: {  	s5 =	simm.s32 $0xF800;
	s4 =	sadd.s32 $0xC60, s4;
	s6 =	simm.s32 $0x4  }
0x5a4: {  	[hbm4b:s4+s8] =	stream.strided.scatter [tilespmem:s5], [sflag:$0x4], $0x800, s9, s8, $0x38;
	[tilespmem:$0x10080] =	vst v63  }
0x5a5: {  	_ =	swait.ge [sflag:s6], $0x8000  }
0x5a6: {  	[sflag:s6] =	ssyncset.done $0x0  }
0x5a7: {  	s7 =	simm.s32 $0x8000;
	[sflag:s6] =	ssyncadd.s32 $0xFFFF8000  }
0x5a8: {  	[tilespmem:s7], [sflag:$0x2] =	stream.linear.gather [hbm4b:s22+s17], $0x80, $0x38;
	[tilespmem:$0x10080] =	vst v63  }
0x5a9: {  	s10 =	sadd.s32 $0x10, s22;
	s20 =	simm.s32 $0x8800  }
0x5aa: {  	[tilespmem:s20], [sflag:$0x2] =	stream.linear.gather [hbm4b:s10+s17], $0x80, $0x38;
	[tilespmem:$0x10080] =	vst v63  }
0x5ab: {  	s2 =	simm.s32 $0x100;
	s23 =	sadd.s32 $0x20, s22;
	s26 =	simm.s32 $0x9000  }
0x5ac: {  	[tilespmem:s26], [sflag:$0x2] =	stream.linear.gather [hbm4b:s23+s17], $0x80, $0x38;
	[tilespmem:$0x10080] =	vst v63  }
0x5ad: {  	s4 =	sadd.s32 $0x30, s22;
	s5 =	simm.s32 $0x9800;
	s6 =	sadd.s32 $0x40, s22  }
0x5ae: {  	[tilespmem:s5], [sflag:$0x2] =	stream.linear.gather [hbm4b:s4+s17], $0x80, $0x38;
	[tilespmem:$0x10080] =	vst v63  }
0x5af: {  	s7 =	simm.s32 $0xA000;
	s10 =	sadd.s32 $0x50, s22;
	s20 =	simm.s32 $0xA800  }
0x5b0: {  	[tilespmem:s7], [sflag:$0x2] =	stream.linear.gather [hbm4b:s6+s17], $0x80, $0x38;
	[tilespmem:$0x10080] =	vst v63  }
0x5b1: {  	s23 =	sadd.s32 $0x60, s22;
	s26 =	simm.s32 $0xB000;
	s5 =	simm.s32 $0x800  }
0x5b2: {  	[tilespmem:s20], [sflag:$0x2] =	stream.linear.gather [hbm4b:s10+s17], $0x80, $0x38;
	[tilespmem:$0x10080] =	vst v63  }
0x5b3: {  	s4 =	sadd.s32 $0x80, s22;
	s6 =	sadd.s32 $0x70, s22;
	s7 =	simm.s32 $0xB800  }
0x5b4: {  	[tilespmem:s26], [sflag:$0x2] =	stream.linear.gather [hbm4b:s23+s17], $0x80, $0x38;
	[tilespmem:$0x10080] =	vst v63  }
.LBB2_50:
0x5b5: {  	[tilespmem:s7], [sflag:$0x2] =	stream.linear.gather [hbm4b:s6+s17], $0x80, $0x38;
	[tilespmem:$0x10080] =	vst v63  }
0x5b6: {  	s7 =	smov.u32 s2;
	s2 =	smov.u32 s5  }
0x5b7: {  	s10 =	sadd.s32 $0x400, s5;
	s2 =	sshra.s32 s2, $0x2;
	s6 =	sadd.s32 $0x8000, s7  }
0x5b8: {  	[tilespmem:s6], [sflag:$0x2] =	stream.linear.gather [hbm4b:s4+s17], $0x80, $0x38;
	[tilespmem:$0x10080] =	vst v63  }
0x5b9: {  	p1 =	sne.s32 s5, $0x1C00;
	s5 =	sadd.s32 $0x10, s4;
	s6 =	sadd.s32 $0x8800, s7  }
0x5ba: {  	[tilespmem:s6], [sflag:$0x2] =	stream.linear.gather [hbm4b:s5+s17], $0x80, $0x38;
	[tilespmem:$0x10080] =	vst v63  }
0x5bb: {  	s5 =	sadd.s32 $0x20, s4;
	s6 =	sadd.s32 $0x9000, s7  }
0x5bc: {  	[tilespmem:s6], [sflag:$0x2] =	stream.linear.gather [hbm4b:s5+s17], $0x80, $0x38;
	[tilespmem:$0x10080] =	vst v63  }
0x5bd: {  	s5 =	sadd.s32 $0x30, s4;
	s6 =	sadd.s32 $0x9800, s7  }
0x5be: {  	[tilespmem:s6], [sflag:$0x2] =	stream.linear.gather [hbm4b:s5+s17], $0x80, $0x38;
	[tilespmem:$0x10080] =	vst v63  }
0x5bf: {  	s5 =	sadd.s32 $0x40, s4;
	s6 =	sadd.s32 $0xA000, s7  }
0x5c0: {  	[tilespmem:s6], [sflag:$0x2] =	stream.linear.gather [hbm4b:s5+s17], $0x80, $0x38;
	[tilespmem:$0x10080] =	vst v63  }
.Ltmp24:
0x5c1: {  	s5 =	sadd.s32 $0x50, s4;
	s6 =	sadd.s32 $0xA800, s7;
	(pc) =	sbr.rel @p1 .LBB2_50-.Ltmp24, $4  }
0x5c2: {  	[tilespmem:s6], [sflag:$0x2] =	stream.linear.gather [hbm4b:s5+s17], $0x80, $0x38;
	[tilespmem:$0x10080] =	vst v63  }
0x5c3: {  	s5 =	sadd.s32 $0x60, s4;
	s6 =	sadd.s32 $0xB000, s7;
	s7 =	sadd.s32 $0xB800, s7  }
0x5c4: {  	[tilespmem:s6], [sflag:$0x2] =	stream.linear.gather [hbm4b:s5+s17], $0x80, $0x38;
	[tilespmem:$0x10080] =	vst v63  }
0x5c5: {  	s6 =	sadd.s32 $0x70, s4;
	s4 =	sadd.s32 $0x80, s4;
	s5 =	smov.u32 s10  }
0x5c6: {  	[tilespmem:s7], [sflag:$0x2] =	stream.linear.gather [hbm4b:s6+s17], $0x80, $0x38;
	[tilespmem:$0x10080] =	vst v63  }
0x5c7: {  	s5 =	sadd.s32 $0x8000, s2  }
0x5c8: {  	[tilespmem:s5], [sflag:$0x2] =	stream.linear.gather [hbm4b:s4+s17], $0x80, $0x38;
	[tilespmem:$0x10080] =	vst v63  }
0x5c9: {  	s6 =	sadd.s32 $0x10, s4;
	s7 =	sadd.s32 $0x8800, s2  }
0x5ca: {  	[tilespmem:s7], [sflag:$0x2] =	stream.linear.gather [hbm4b:s6+s17], $0x80, $0x38;
	[tilespmem:$0x10080] =	vst v63  }
0x5cb: {  	s10 =	sadd.s32 $0x20, s4;
	s20 =	sadd.s32 $0x9000, s2  }
0x5cc: {  	[tilespmem:s20], [sflag:$0x2] =	stream.linear.gather [hbm4b:s10+s17], $0x80, $0x38;
	[tilespmem:$0x10080] =	vst v63  }
0x5cd: {  	s23 =	sadd.s32 $0x30, s4;
	s26 =	sadd.s32 $0x9800, s2  }
0x5ce: {  	[tilespmem:s26], [sflag:$0x2] =	stream.linear.gather [hbm4b:s23+s17], $0x80, $0x38;
	[tilespmem:$0x10080] =	vst v63  }
0x5cf: {  	s6 =	sadd.s32 $0x40, s4;
	s7 =	sadd.s32 $0xA000, s2  }
0x5d0: {  	[tilespmem:s7], [sflag:$0x2] =	stream.linear.gather [hbm4b:s6+s17], $0x80, $0x38;
	[tilespmem:$0x10080] =	vst v63  }
0x5d1: {  	s10 =	sadd.s32 $0x50, s4;
	s20 =	sadd.s32 $0xA800, s2  }
0x5d2: {  	[tilespmem:s20], [sflag:$0x2] =	stream.linear.gather [hbm4b:s10+s17], $0x80, $0x38;
	[tilespmem:$0x10080] =	vst v63  }
0x5d3: {  	s23 =	sadd.s32 $0x60, s4;
	s26 =	sadd.s32 $0xB000, s2  }
0x5d4: {  	[tilespmem:s26], [sflag:$0x2] =	stream.linear.gather [hbm4b:s23+s17], $0x80, $0x38;
	[tilespmem:$0x10080] =	vst v63  }
0x5d5: {  	s6 =	sadd.s32 $0x70, s4;
	s7 =	sadd.s32 $0xB800, s2  }
0x5d6: {  	[tilespmem:s7], [sflag:$0x2] =	stream.linear.gather [hbm4b:s6+s17], $0x80, $0x38;
	[tilespmem:$0x10080] =	vst v63  }
0x5d7: {  	s4 =	sadd.s32 $0x400, s22;
	s10 =	simm.s32 $0xC000  }
0x5d8: {  	[tilespmem:s10], [sflag:$0x2] =	stream.linear.gather [hbm4b:s4+s17], $0x80, $0x38;
	[tilespmem:$0x10080] =	vst v63  }
0x5d9: {  	s22 =	simm.s32 $0xC800;
	s20 =	sadd.s32 $0x10, s4  }
0x5da: {  	[tilespmem:s22], [sflag:$0x2] =	stream.linear.gather [hbm4b:s20+s17], $0x80, $0x38;
	[tilespmem:$0x10080] =	vst v63  }
0x5db: {  	s2 =	simm.s32 $0x100;
	s23 =	sadd.s32 $0x20, s4;
	s26 =	simm.s32 $0xD000  }
0x5dc: {  	[tilespmem:s26], [sflag:$0x2] =	stream.linear.gather [hbm4b:s23+s17], $0x80, $0x38;
	[tilespmem:$0x10080] =	vst v63  }
0x5dd: {  	s5 =	sadd.s32 $0x30, s4;
	s6 =	simm.s32 $0xD800;
	s7 =	sadd.s32 $0x40, s4  }
0x5de: {  	[tilespmem:s6], [sflag:$0x2] =	stream.linear.gather [hbm4b:s5+s17], $0x80, $0x38;
	[tilespmem:$0x10080] =	vst v63  }
0x5df: {  	s10 =	simm.s32 $0xE000;
	s20 =	sadd.s32 $0x50, s4;
	s22 =	simm.s32 $0xE800  }
0x5e0: {  	[tilespmem:s10], [sflag:$0x2] =	stream.linear.gather [hbm4b:s7+s17], $0x80, $0x38;
	[tilespmem:$0x10080] =	vst v63  }
0x5e1: {  	s23 =	sadd.s32 $0x60, s4;
	s26 =	simm.s32 $0xF000;
	s5 =	simm.s32 $0x800  }
0x5e2: {  	[tilespmem:s22], [sflag:$0x2] =	stream.linear.gather [hbm4b:s20+s17], $0x80, $0x38;
	[tilespmem:$0x10080] =	vst v63  }
0x5e3: {  	s6 =	sadd.s32 $0x70, s4;
	s4 =	sadd.s32 $0x80, s4;
	s7 =	simm.s32 $0xF800  }
0x5e4: {  	[tilespmem:s26], [sflag:$0x2] =	stream.linear.gather [hbm4b:s23+s17], $0x80, $0x38;
	[tilespmem:$0x10080] =	vst v63  }
.LBB2_52:
0x5e5: {  	[tilespmem:s7], [sflag:$0x2] =	stream.linear.gather [hbm4b:s6+s17], $0x80, $0x38;
	[tilespmem:$0x10080] =	vst v63  }
0x5e6: {  	s7 =	smov.u32 s2;
	s2 =	smov.u32 s5  }
0x5e7: {  	s10 =	sadd.s32 $0x400, s5;
	s2 =	sshra.s32 s2, $0x2;
	s6 =	sadd.s32 $0xC000, s7  }
0x5e8: {  	[tilespmem:s6], [sflag:$0x2] =	stream.linear.gather [hbm4b:s4+s17], $0x80, $0x38;
	[tilespmem:$0x10080] =	vst v63  }
0x5e9: {  	p1 =	sne.s32 s5, $0x1C00;
	s5 =	sadd.s32 $0x10, s4;
	s6 =	sadd.s32 $0xC800, s7  }
0x5ea: {  	[tilespmem:s6], [sflag:$0x2] =	stream.linear.gather [hbm4b:s5+s17], $0x80, $0x38;
	[tilespmem:$0x10080] =	vst v63  }
0x5eb: {  	s5 =	sadd.s32 $0x20, s4;
	s6 =	sadd.s32 $0xD000, s7  }
0x5ec: {  	[tilespmem:s6], [sflag:$0x2] =	stream.linear.gather [hbm4b:s5+s17], $0x80, $0x38;
	[tilespmem:$0x10080] =	vst v63  }
0x5ed: {  	s5 =	sadd.s32 $0x30, s4;
	s6 =	sadd.s32 $0xD800, s7  }
0x5ee: {  	[tilespmem:s6], [sflag:$0x2] =	stream.linear.gather [hbm4b:s5+s17], $0x80, $0x38;
	[tilespmem:$0x10080] =	vst v63  }
0x5ef: {  	s5 =	sadd.s32 $0x40, s4;
	s6 =	sadd.s32 $0xE000, s7  }
0x5f0: {  	[tilespmem:s6], [sflag:$0x2] =	stream.linear.gather [hbm4b:s5+s17], $0x80, $0x38;
	[tilespmem:$0x10080] =	vst v63  }
.Ltmp25:
0x5f1: {  	s5 =	sadd.s32 $0x50, s4;
	s6 =	sadd.s32 $0xE800, s7;
	(pc) =	sbr.rel @p1 .LBB2_52-.Ltmp25, $4  }
0x5f2: {  	[tilespmem:s6], [sflag:$0x2] =	stream.linear.gather [hbm4b:s5+s17], $0x80, $0x38;
	[tilespmem:$0x10080] =	vst v63  }
0x5f3: {  	s5 =	sadd.s32 $0x60, s4;
	s6 =	sadd.s32 $0xF000, s7;
	s7 =	sadd.s32 $0xF800, s7  }
0x5f4: {  	[tilespmem:s6], [sflag:$0x2] =	stream.linear.gather [hbm4b:s5+s17], $0x80, $0x38;
	[tilespmem:$0x10080] =	vst v63  }
0x5f5: {  	s6 =	sadd.s32 $0x70, s4;
	s4 =	sadd.s32 $0x80, s4;
	s5 =	smov.u32 s10  }
0x5f6: {  	[tilespmem:s7], [sflag:$0x2] =	stream.linear.gather [hbm4b:s6+s17], $0x80, $0x38;
	[tilespmem:$0x10080] =	vst v63  }
0x5f7: {  	s5 =	sadd.s32 $0xC000, s2  }
0x5f8: {  	[tilespmem:s5], [sflag:$0x2] =	stream.linear.gather [hbm4b:s4+s17], $0x80, $0x38;
	[tilespmem:$0x10080] =	vst v63  }
0x5f9: {  	s7 =	sadd.s32 $0x10, s4;
	s10 =	sadd.s32 $0xC800, s2  }
0x5fa: {  	[tilespmem:s10], [sflag:$0x2] =	stream.linear.gather [hbm4b:s7+s17], $0x80, $0x38;
	[tilespmem:$0x10080] =	vst v63  }
0x5fb: {  	s20 =	sadd.s32 $0x20, s4;
	s22 =	sadd.s32 $0xD000, s2  }
0x5fc: {  	[tilespmem:s22], [sflag:$0x2] =	stream.linear.gather [hbm4b:s20+s17], $0x80, $0x38;
	[tilespmem:$0x10080] =	vst v63  }
0x5fd: {  	s23 =	sadd.s32 $0x30, s4;
	s26 =	sadd.s32 $0xD800, s2  }
0x5fe: {  	[tilespmem:s26], [sflag:$0x2] =	stream.linear.gather [hbm4b:s23+s17], $0x80, $0x38;
	[tilespmem:$0x10080] =	vst v63  }
0x5ff: {  	s7 =	sadd.s32 $0x40, s4;
	s10 =	sadd.s32 $0xE000, s2  }
0x600: {  	[tilespmem:s10], [sflag:$0x2] =	stream.linear.gather [hbm4b:s7+s17], $0x80, $0x38;
	[tilespmem:$0x10080] =	vst v63  }
0x601: {  	s20 =	sadd.s32 $0x50, s4;
	s22 =	sadd.s32 $0xE800, s2  }
0x602: {  	[tilespmem:s22], [sflag:$0x2] =	stream.linear.gather [hbm4b:s20+s17], $0x80, $0x38;
	[tilespmem:$0x10080] =	vst v63  }
0x603: {  	s23 =	sadd.s32 $0x60, s4;
	s26 =	sadd.s32 $0xF000, s2  }
0x604: {  	[tilespmem:s26], [sflag:$0x2] =	stream.linear.gather [hbm4b:s23+s17], $0x80, $0x38;
	[tilespmem:$0x10080] =	vst v63  }
0x605: {  	s6 =	sadd.s32 $0xF800, s2;
	s5 =	sadd.s32 $0x70, s4  }
0x606: {  	[tilespmem:s6], [sflag:$0x2] =	stream.linear.gather [hbm4b:s5+s17], $0x80, $0x38;
	[tilespmem:$0x10080] =	vst v63  }
0x607: {  	_ =	swait.ge [sflag:s11], $0x4000  }
0x608: {  	[sflag:s11] =	ssyncset.done $0x0  }
0x609: {  	s7 =	simm.s32 $0x0;
	s4 =	rddreg [dreg:$0x1c];
	[sflag:s11] =	ssyncadd.s32 $0xFFFFC000  }
0x60a: {  	[hbm4b:s4+s8] =	stream.strided.scatter [tilespmem:s7], [sflag:$0x3], $0x800, s9, s8, $0x38;
	[tilespmem:$0x10080] =	vst v63  }
0x60b: {  	s10 =	sadd.s32 $0x20, s4  }
0x60c: {  	[hbm4b:s10+s8] =	stream.strided.scatter [tilespmem:s13], [sflag:$0x3], $0x800, s9, s8, $0x38;
	[tilespmem:$0x10080] =	vst v63  }
0x60d: {  	s20 =	sadd.s32 $0x40, s4  }
0x60e: {  	[hbm4b:s20+s8] =	stream.strided.scatter [tilespmem:s14], [sflag:$0x3], $0x800, s9, s8, $0x38;
	[tilespmem:$0x10080] =	vst v63  }
0x60f: {  	s22 =	sadd.s32 $0x60, s4  }
0x610: {  	[hbm4b:s22+s8] =	stream.strided.scatter [tilespmem:s15], [sflag:$0x3], $0x800, s9, s8, $0x38;
	[tilespmem:$0x10080] =	vst v63  }
0x611: {  	s23 =	sadd.s32 $0x400, s4  }
0x612: {  	[hbm4b:s23+s8] =	stream.strided.scatter [tilespmem:s16], [sflag:$0x3], $0x800, s9, s8, $0x38;
	[tilespmem:$0x10080] =	vst v63  }
0x613: {  	s26 =	sadd.s32 $0x420, s4  }
0x614: {  	[hbm4b:s26+s8] =	stream.strided.scatter [tilespmem:s18], [sflag:$0x3], $0x800, s9, s8, $0x38;
	[tilespmem:$0x10080] =	vst v63  }
0x615: {  	s5 =	sadd.s32 $0x440, s4  }
0x616: {  	[hbm4b:s5+s8] =	stream.strided.scatter [tilespmem:s19], [sflag:$0x3], $0x800, s9, s8, $0x38;
	[tilespmem:$0x10080] =	vst v63  }
0x617: {  	s6 =	sadd.s32 $0x460, s4  }
0x618: {  	[hbm4b:s6+s8] =	stream.strided.scatter [tilespmem:s21], [sflag:$0x3], $0x800, s9, s8, $0x38;
	[tilespmem:$0x10080] =	vst v63  }
0x619: {  	s7 =	sadd.s32 $0x800, s4;
	s10 =	simm.s32 $0x4000  }
0x61a: {  	[hbm4b:s7+s8] =	stream.strided.scatter [tilespmem:s10], [sflag:$0x3], $0x800, s9, s8, $0x38;
	[tilespmem:$0x10080] =	vst v63  }
0x61b: {  	s20 =	sadd.s32 $0x820, s4;
	s22 =	simm.s32 $0x4800  }
0x61c: {  	[hbm4b:s20+s8] =	stream.strided.scatter [tilespmem:s22], [sflag:$0x3], $0x800, s9, s8, $0x38;
	[tilespmem:$0x10080] =	vst v63  }
0x61d: {  	s23 =	sadd.s32 $0x840, s4;
	s26 =	simm.s32 $0x5000  }
0x61e: {  	[hbm4b:s23+s8] =	stream.strided.scatter [tilespmem:s26], [sflag:$0x3], $0x800, s9, s8, $0x38;
	[tilespmem:$0x10080] =	vst v63  }
0x61f: {  	s5 =	sadd.s32 $0x860, s4;
	s6 =	simm.s32 $0x5800  }
0x620: {  	[hbm4b:s5+s8] =	stream.strided.scatter [tilespmem:s6], [sflag:$0x3], $0x800, s9, s8, $0x38;
	[tilespmem:$0x10080] =	vst v63  }
0x621: {  	s7 =	sadd.s32 $0xC00, s4;
	s10 =	simm.s32 $0x6000  }
0x622: {  	[hbm4b:s7+s8] =	stream.strided.scatter [tilespmem:s10], [sflag:$0x3], $0x800, s9, s8, $0x38;
	[tilespmem:$0x10080] =	vst v63  }
0x623: {  	s20 =	sadd.s32 $0xC20, s4;
	s22 =	simm.s32 $0x6800  }
0x624: {  	[hbm4b:s20+s8] =	stream.strided.scatter [tilespmem:s22], [sflag:$0x3], $0x800, s9, s8, $0x38;
	[tilespmem:$0x10080] =	vst v63  }
0x625: {  	s23 =	sadd.s32 $0xC40, s4;
	s26 =	simm.s32 $0x7000  }
0x626: {  	[hbm4b:s23+s8] =	stream.strided.scatter [tilespmem:s26], [sflag:$0x3], $0x800, s9, s8, $0x38;
	[tilespmem:$0x10080] =	vst v63  }
0x627: {  	s5 =	sadd.s32 $0xC60, s4;
	s6 =	simm.s32 $0x7800;
	s7 =	simm.s32 $0x3  }
0x628: {  	[hbm4b:s5+s8] =	stream.strided.scatter [tilespmem:s6], [sflag:$0x3], $0x800, s9, s8, $0x38;
	[tilespmem:$0x10080] =	vst v63  }
0x629: {  	_ =	swait.ge [sflag:s7], $0x8000  }
0x62a: {  	[sflag:s7] =	ssyncset.done $0x0  }
0x62b: {  	s10 =	simm.s32 $0x0;
	[sflag:s7] =	ssyncadd.s32 $0xFFFF8000;
	s7 =	rddreg [dreg:$0xe]  }
0x62c: {  	[tilespmem:s10], [sflag:$0x1] =	stream.linear.gather [hbm4b:s7+s17], $0x80, $0x38;
	[tilespmem:$0x10080] =	vst v63  }
0x62d: {  	s22 =	simm.s32 $0x800;
	s20 =	sadd.s32 $0x10, s7  }
0x62e: {  	[tilespmem:s22], [sflag:$0x1] =	stream.linear.gather [hbm4b:s20+s17], $0x80, $0x38;
	[tilespmem:$0x10080] =	vst v63  }
0x62f: {  	s26 =	simm.s32 $0x1000;
	s23 =	sadd.s32 $0x20, s7  }
0x630: {  	[tilespmem:s26], [sflag:$0x1] =	stream.linear.gather [hbm4b:s23+s17], $0x80, $0x38;
	[tilespmem:$0x10080] =	vst v63  }
0x631: {  	s2 =	simm.s32 $0x400;
	s5 =	simm.s32 $0x1800;
	s4 =	sadd.s32 $0x30, s7  }
0x632: {  	[tilespmem:s5], [sflag:$0x1] =	stream.linear.gather [hbm4b:s4+s17], $0x80, $0x38;
	[tilespmem:$0x10080] =	vst v63  }
0x633: {  	s6 =	sadd.s32 $0x40, s7;
	s10 =	simm.s32 $0x2000;
	s20 =	sadd.s32 $0x50, s7  }
0x634: {  	[tilespmem:s10], [sflag:$0x1] =	stream.linear.gather [hbm4b:s6+s17], $0x80, $0x38;
	[tilespmem:$0x10080] =	vst v63  }
0x635: {  	s22 =	simm.s32 $0x2800;
	s23 =	sadd.s32 $0x60, s7;
	s26 =	simm.s32 $0x3000  }
0x636: {  	[tilespmem:s22], [sflag:$0x1] =	stream.linear.gather [hbm4b:s20+s17], $0x80, $0x38;
	[tilespmem:$0x10080] =	vst v63  }
0x637: {  	s5 =	sadd.s32 $0x70, s7;
	s4 =	sadd.s32 $0x80, s7;
	s6 =	simm.s32 $0x3800  }
0x638: {  	[tilespmem:s26], [sflag:$0x1] =	stream.linear.gather [hbm4b:s23+s17], $0x80, $0x38;
	[tilespmem:$0x10080] =	vst v63  }
.LBB2_54:
0x639: {  	[tilespmem:s6], [sflag:$0x1] =	stream.linear.gather [hbm4b:s5+s17], $0x80, $0x38;
	[tilespmem:$0x10080] =	vst v63  }
0x63a: {  	s6 =	sshra.s32 s2, $0x2;
	p1 =	sne.s32 s2, $0x1C00;
	s2 =	sadd.s32 $0x400, s2  }
0x63b: {  	[tilespmem:s6], [sflag:$0x1] =	stream.linear.gather [hbm4b:s4+s17], $0x80, $0x38;
	[tilespmem:$0x10080] =	vst v63  }
0x63c: {  	s5 =	sadd.s32 $0x10, s4;
	s7 =	sadd.s32 $0x800, s6  }
0x63d: {  	[tilespmem:s7], [sflag:$0x1] =	stream.linear.gather [hbm4b:s5+s17], $0x80, $0x38;
	[tilespmem:$0x10080] =	vst v63  }
0x63e: {  	s5 =	sadd.s32 $0x20, s4;
	s7 =	sadd.s32 $0x1000, s6  }
0x63f: {  	[tilespmem:s7], [sflag:$0x1] =	stream.linear.gather [hbm4b:s5+s17], $0x80, $0x38;
	[tilespmem:$0x10080] =	vst v63  }
0x640: {  	s5 =	sadd.s32 $0x30, s4;
	s7 =	sadd.s32 $0x1800, s6  }
0x641: {  	[tilespmem:s7], [sflag:$0x1] =	stream.linear.gather [hbm4b:s5+s17], $0x80, $0x38;
	[tilespmem:$0x10080] =	vst v63  }
0x642: {  	s5 =	sadd.s32 $0x40, s4;
	s7 =	sadd.s32 $0x2000, s6  }
0x643: {  	[tilespmem:s7], [sflag:$0x1] =	stream.linear.gather [hbm4b:s5+s17], $0x80, $0x38;
	[tilespmem:$0x10080] =	vst v63  }
.Ltmp26:
0x644: {  	s5 =	sadd.s32 $0x50, s4;
	s7 =	sadd.s32 $0x2800, s6;
	(pc) =	sbr.rel @p1 .LBB2_54-.Ltmp26, $4  }
0x645: {  	[tilespmem:s7], [sflag:$0x1] =	stream.linear.gather [hbm4b:s5+s17], $0x80, $0x38;
	[tilespmem:$0x10080] =	vst v63  }
0x646: {  	s5 =	sadd.s32 $0x60, s4;
	s7 =	sadd.s32 $0x3000, s6  }
0x647: {  	[tilespmem:s7], [sflag:$0x1] =	stream.linear.gather [hbm4b:s5+s17], $0x80, $0x38;
	[tilespmem:$0x10080] =	vst v63  }
0x648: {  	s6 =	sadd.s32 $0x3800, s6;
	s5 =	sadd.s32 $0x70, s4;
	s4 =	sadd.s32 $0x80, s4  }
0x649: {  	[tilespmem:s6], [sflag:$0x1] =	stream.linear.gather [hbm4b:s5+s17], $0x80, $0x38;
	[tilespmem:$0x10080] =	vst v63  }
0x64a: {  	s2 =	rddreg [dreg:$0xe]  }
0x64b: {  	s10 =	simm.s32 $0x4000;
	s4 =	sadd.s32 $0x400, s2  }
0x64c: {  	[tilespmem:s10], [sflag:$0x1] =	stream.linear.gather [hbm4b:s4+s17], $0x80, $0x38;
	[tilespmem:$0x10080] =	vst v63  }
0x64d: {  	s22 =	simm.s32 $0x4800;
	s20 =	sadd.s32 $0x10, s4  }
0x64e: {  	[tilespmem:s22], [sflag:$0x1] =	stream.linear.gather [hbm4b:s20+s17], $0x80, $0x38;
	[tilespmem:$0x10080] =	vst v63  }
0x64f: {  	s26 =	simm.s32 $0x5000;
	s6 =	simm.s32 $0x5800;
	s23 =	sadd.s32 $0x20, s4  }
0x650: {  	[tilespmem:s26], [sflag:$0x1] =	stream.linear.gather [hbm4b:s23+s17], $0x80, $0x38;
	[tilespmem:$0x10080] =	vst v63  }
0x651: {  	s2 =	simm.s32 $0x100;
	s5 =	sadd.s32 $0x30, s4;
	s7 =	sadd.s32 $0x40, s4  }
0x652: {  	[tilespmem:s6], [sflag:$0x1] =	stream.linear.gather [hbm4b:s5+s17], $0x80, $0x38;
	[tilespmem:$0x10080] =	vst v63  }
0x653: {  	s10 =	simm.s32 $0x6000;
	s20 =	sadd.s32 $0x50, s4;
	s22 =	simm.s32 $0x6800  }
0x654: {  	[tilespmem:s10], [sflag:$0x1] =	stream.linear.gather [hbm4b:s7+s17], $0x80, $0x38;
	[tilespmem:$0x10080] =	vst v63  }
0x655: {  	s23 =	sadd.s32 $0x60, s4;
	s26 =	simm.s32 $0x7000;
	s5 =	simm.s32 $0x800  }
0x656: {  	[tilespmem:s22], [sflag:$0x1] =	stream.linear.gather [hbm4b:s20+s17], $0x80, $0x38;
	[tilespmem:$0x10080] =	vst v63  }
0x657: {  	s6 =	sadd.s32 $0x70, s4;
	s4 =	sadd.s32 $0x80, s4;
	s7 =	simm.s32 $0x7800  }
0x658: {  	[tilespmem:s26], [sflag:$0x1] =	stream.linear.gather [hbm4b:s23+s17], $0x80, $0x38;
	[tilespmem:$0x10080] =	vst v63  }
.LBB2_56:
0x659: {  	[tilespmem:s7], [sflag:$0x1] =	stream.linear.gather [hbm4b:s6+s17], $0x80, $0x38;
	[tilespmem:$0x10080] =	vst v63  }
0x65a: {  	s7 =	smov.u32 s2;
	s2 =	smov.u32 s5  }
0x65b: {  	s10 =	sadd.s32 $0x400, s5;
	s2 =	sshra.s32 s2, $0x2;
	s6 =	sadd.s32 $0x4000, s7  }
0x65c: {  	[tilespmem:s6], [sflag:$0x1] =	stream.linear.gather [hbm4b:s4+s17], $0x80, $0x38;
	[tilespmem:$0x10080] =	vst v63  }
0x65d: {  	p1 =	sne.s32 s5, $0x1C00;
	s5 =	sadd.s32 $0x10, s4;
	s6 =	sadd.s32 $0x4800, s7  }
0x65e: {  	[tilespmem:s6], [sflag:$0x1] =	stream.linear.gather [hbm4b:s5+s17], $0x80, $0x38;
	[tilespmem:$0x10080] =	vst v63  }
0x65f: {  	s5 =	sadd.s32 $0x20, s4;
	s6 =	sadd.s32 $0x5000, s7  }
0x660: {  	[tilespmem:s6], [sflag:$0x1] =	stream.linear.gather [hbm4b:s5+s17], $0x80, $0x38;
	[tilespmem:$0x10080] =	vst v63  }
0x661: {  	s5 =	sadd.s32 $0x30, s4;
	s6 =	sadd.s32 $0x5800, s7  }
0x662: {  	[tilespmem:s6], [sflag:$0x1] =	stream.linear.gather [hbm4b:s5+s17], $0x80, $0x38;
	[tilespmem:$0x10080] =	vst v63  }
0x663: {  	s5 =	sadd.s32 $0x40, s4;
	s6 =	sadd.s32 $0x6000, s7  }
0x664: {  	[tilespmem:s6], [sflag:$0x1] =	stream.linear.gather [hbm4b:s5+s17], $0x80, $0x38;
	[tilespmem:$0x10080] =	vst v63  }
.Ltmp27:
0x665: {  	s5 =	sadd.s32 $0x50, s4;
	s6 =	sadd.s32 $0x6800, s7;
	(pc) =	sbr.rel @p1 .LBB2_56-.Ltmp27, $4  }
0x666: {  	[tilespmem:s6], [sflag:$0x1] =	stream.linear.gather [hbm4b:s5+s17], $0x80, $0x38;
	[tilespmem:$0x10080] =	vst v63  }
0x667: {  	s5 =	sadd.s32 $0x60, s4;
	s6 =	sadd.s32 $0x7000, s7;
	s7 =	sadd.s32 $0x7800, s7  }
0x668: {  	[tilespmem:s6], [sflag:$0x1] =	stream.linear.gather [hbm4b:s5+s17], $0x80, $0x38;
	[tilespmem:$0x10080] =	vst v63  }
0x669: {  	s6 =	sadd.s32 $0x70, s4;
	s4 =	sadd.s32 $0x80, s4;
	s5 =	smov.u32 s10  }
0x66a: {  	[tilespmem:s7], [sflag:$0x1] =	stream.linear.gather [hbm4b:s6+s17], $0x80, $0x38;
	[tilespmem:$0x10080] =	vst v63  }
0x66b: {  	s5 =	sadd.s32 $0x4000, s2  }
0x66c: {  	[tilespmem:s5], [sflag:$0x1] =	stream.linear.gather [hbm4b:s4+s17], $0x80, $0x38;
	[tilespmem:$0x10080] =	vst v63  }
0x66d: {  	s7 =	sadd.s32 $0x10, s4;
	s10 =	sadd.s32 $0x4800, s2  }
0x66e: {  	[tilespmem:s10], [sflag:$0x1] =	stream.linear.gather [hbm4b:s7+s17], $0x80, $0x38;
	[tilespmem:$0x10080] =	vst v63  }
0x66f: {  	s20 =	sadd.s32 $0x20, s4;
	s22 =	sadd.s32 $0x5000, s2  }
0x670: {  	[tilespmem:s22], [sflag:$0x1] =	stream.linear.gather [hbm4b:s20+s17], $0x80, $0x38;
	[tilespmem:$0x10080] =	vst v63  }
0x671: {  	s23 =	sadd.s32 $0x30, s4;
	s26 =	sadd.s32 $0x5800, s2  }
0x672: {  	[tilespmem:s26], [sflag:$0x1] =	stream.linear.gather [hbm4b:s23+s17], $0x80, $0x38;
	[tilespmem:$0x10080] =	vst v63  }
0x673: {  	s7 =	sadd.s32 $0x40, s4;
	s10 =	sadd.s32 $0x6000, s2  }
0x674: {  	[tilespmem:s10], [sflag:$0x1] =	stream.linear.gather [hbm4b:s7+s17], $0x80, $0x38;
	[tilespmem:$0x10080] =	vst v63  }
0x675: {  	s20 =	sadd.s32 $0x50, s4;
	s22 =	sadd.s32 $0x6800, s2  }
0x676: {  	[tilespmem:s22], [sflag:$0x1] =	stream.linear.gather [hbm4b:s20+s17], $0x80, $0x38;
	[tilespmem:$0x10080] =	vst v63  }
0x677: {  	s23 =	sadd.s32 $0x60, s4;
	s26 =	sadd.s32 $0x7000, s2  }
0x678: {  	[tilespmem:s26], [sflag:$0x1] =	stream.linear.gather [hbm4b:s23+s17], $0x80, $0x38;
	[tilespmem:$0x10080] =	vst v63  }
0x679: {  	s6 =	sadd.s32 $0x70, s4;
	s7 =	sadd.s32 $0x7800, s2  }
0x67a: {  	[tilespmem:s7], [sflag:$0x1] =	stream.linear.gather [hbm4b:s6+s17], $0x80, $0x38;
	[tilespmem:$0x10080] =	vst v63  }
0x67b: {  	_ =	swait.ge [sflag:s12], $0x4000  }
0x67c: {  	[sflag:s12] =	ssyncset.done $0x0  }
0x67d: {  	s10 =	simm.s32 $0x8000;
	[sflag:s12] =	ssyncadd.s32 $0xFFFFC000  }
0x67e: {  	[hbm4b:s28+s8] =	stream.strided.scatter [tilespmem:s10], [sflag:$0x4], $0x800, s9, s8, $0x38;
	[tilespmem:$0x10080] =	vst v63  }
0x67f: {  	s20 =	sadd.s32 $0x20, s28;
	s22 =	simm.s32 $0x8800  }
0x680: {  	[hbm4b:s20+s8] =	stream.strided.scatter [tilespmem:s22], [sflag:$0x4], $0x800, s9, s8, $0x38;
	[tilespmem:$0x10080] =	vst v63  }
0x681: {  	s23 =	sadd.s32 $0x40, s28;
	s26 =	simm.s32 $0x9000  }
0x682: {  	[hbm4b:s23+s8] =	stream.strided.scatter [tilespmem:s26], [sflag:$0x4], $0x800, s9, s8, $0x38;
	[tilespmem:$0x10080] =	vst v63  }
0x683: {  	s5 =	sadd.s32 $0x60, s28;
	s6 =	simm.s32 $0x9800  }
0x684: {  	[hbm4b:s5+s8] =	stream.strided.scatter [tilespmem:s6], [sflag:$0x4], $0x800, s9, s8, $0x38;
	[tilespmem:$0x10080] =	vst v63  }
0x685: {  	s7 =	sadd.s32 $0x400, s28;
	s10 =	simm.s32 $0xA000  }
0x686: {  	[hbm4b:s7+s8] =	stream.strided.scatter [tilespmem:s10], [sflag:$0x4], $0x800, s9, s8, $0x38;
	[tilespmem:$0x10080] =	vst v63  }
0x687: {  	s20 =	sadd.s32 $0x420, s28;
	s22 =	simm.s32 $0xA800  }
0x688: {  	[hbm4b:s20+s8] =	stream.strided.scatter [tilespmem:s22], [sflag:$0x4], $0x800, s9, s8, $0x38;
	[tilespmem:$0x10080] =	vst v63  }
0x689: {  	s23 =	sadd.s32 $0x440, s28;
	s26 =	simm.s32 $0xB000  }
0x68a: {  	[hbm4b:s23+s8] =	stream.strided.scatter [tilespmem:s26], [sflag:$0x4], $0x800, s9, s8, $0x38;
	[tilespmem:$0x10080] =	vst v63  }
0x68b: {  	s5 =	sadd.s32 $0x460, s28;
	s6 =	simm.s32 $0xB800  }
0x68c: {  	[hbm4b:s5+s8] =	stream.strided.scatter [tilespmem:s6], [sflag:$0x4], $0x800, s9, s8, $0x38;
	[tilespmem:$0x10080] =	vst v63  }
0x68d: {  	s7 =	sadd.s32 $0x800, s28;
	s10 =	simm.s32 $0xC000  }
0x68e: {  	[hbm4b:s7+s8] =	stream.strided.scatter [tilespmem:s10], [sflag:$0x4], $0x800, s9, s8, $0x38;
	[tilespmem:$0x10080] =	vst v63  }
0x68f: {  	s20 =	sadd.s32 $0x820, s28;
	s22 =	simm.s32 $0xC800  }
0x690: {  	[hbm4b:s20+s8] =	stream.strided.scatter [tilespmem:s22], [sflag:$0x4], $0x800, s9, s8, $0x38;
	[tilespmem:$0x10080] =	vst v63  }
0x691: {  	s23 =	sadd.s32 $0x840, s28;
	s26 =	simm.s32 $0xD000  }
0x692: {  	[hbm4b:s23+s8] =	stream.strided.scatter [tilespmem:s26], [sflag:$0x4], $0x800, s9, s8, $0x38;
	[tilespmem:$0x10080] =	vst v63  }
0x693: {  	s5 =	sadd.s32 $0x860, s28;
	s6 =	simm.s32 $0xD800  }
0x694: {  	[hbm4b:s5+s8] =	stream.strided.scatter [tilespmem:s6], [sflag:$0x4], $0x800, s9, s8, $0x38;
	[tilespmem:$0x10080] =	vst v63  }
0x695: {  	s7 =	sadd.s32 $0xC00, s28;
	s10 =	simm.s32 $0xE000  }
0x696: {  	[hbm4b:s7+s8] =	stream.strided.scatter [tilespmem:s10], [sflag:$0x4], $0x800, s9, s8, $0x38;
	[tilespmem:$0x10080] =	vst v63  }
0x697: {  	s20 =	sadd.s32 $0xC20, s28;
	s22 =	simm.s32 $0xE800  }
0x698: {  	[hbm4b:s20+s8] =	stream.strided.scatter [tilespmem:s22], [sflag:$0x4], $0x800, s9, s8, $0x38;
	[tilespmem:$0x10080] =	vst v63  }
0x699: {  	s23 =	sadd.s32 $0xC40, s28;
	s26 =	simm.s32 $0xF000  }
0x69a: {  	[hbm4b:s23+s8] =	stream.strided.scatter [tilespmem:s26], [sflag:$0x4], $0x800, s9, s8, $0x38;
	[tilespmem:$0x10080] =	vst v63  }
0x69b: {  	s4 =	sadd.s32 $0xC60, s28;
	s5 =	simm.s32 $0xF800;
	s6 =	simm.s32 $0x4  }
0x69c: {  	[hbm4b:s4+s8] =	stream.strided.scatter [tilespmem:s5], [sflag:$0x4], $0x800, s9, s8, $0x38;
	[tilespmem:$0x10080] =	vst v63  }
0x69d: {  	_ =	swait.ge [sflag:s6], $0x8000  }
0x69e: {  	[sflag:s6] =	ssyncset.done $0x0  }
0x69f: {  	s7 =	simm.s32 $0x8000;
	s10 =	rddreg [dreg:$0xf];
	[sflag:s6] =	ssyncadd.s32 $0xFFFF8000  }
0x6a0: {  	[tilespmem:s7], [sflag:$0x2] =	stream.linear.gather [hbm4b:s10+s17], $0x80, $0x38;
	[tilespmem:$0x10080] =	vst v63  }
0x6a1: {  	s22 =	simm.s32 $0x8800;
	s20 =	sadd.s32 $0x10, s10  }
0x6a2: {  	[tilespmem:s22], [sflag:$0x2] =	stream.linear.gather [hbm4b:s20+s17], $0x80, $0x38;
	[tilespmem:$0x10080] =	vst v63  }
0x6a3: {  	s2 =	simm.s32 $0x100;
	s26 =	simm.s32 $0x9000;
	s23 =	sadd.s32 $0x20, s10  }
0x6a4: {  	[tilespmem:s26], [sflag:$0x2] =	stream.linear.gather [hbm4b:s23+s17], $0x80, $0x38;
	[tilespmem:$0x10080] =	vst v63  }
0x6a5: {  	s5 =	simm.s32 $0x9800;
	s4 =	sadd.s32 $0x30, s10;
	s6 =	sadd.s32 $0x40, s10  }
0x6a6: {  	[tilespmem:s5], [sflag:$0x2] =	stream.linear.gather [hbm4b:s4+s17], $0x80, $0x38;
	[tilespmem:$0x10080] =	vst v63  }
0x6a7: {  	s7 =	simm.s32 $0xA000;
	s20 =	sadd.s32 $0x50, s10;
	s22 =	simm.s32 $0xA800  }
0x6a8: {  	[tilespmem:s7], [sflag:$0x2] =	stream.linear.gather [hbm4b:s6+s17], $0x80, $0x38;
	[tilespmem:$0x10080] =	vst v63  }
0x6a9: {  	s23 =	sadd.s32 $0x60, s10;
	s26 =	simm.s32 $0xB000;
	s5 =	simm.s32 $0x800  }
0x6aa: {  	[tilespmem:s22], [sflag:$0x2] =	stream.linear.gather [hbm4b:s20+s17], $0x80, $0x38;
	[tilespmem:$0x10080] =	vst v63  }
0x6ab: {  	s4 =	sadd.s32 $0x80, s10;
	s6 =	sadd.s32 $0x70, s10;
	s7 =	simm.s32 $0xB800  }
0x6ac: {  	[tilespmem:s26], [sflag:$0x2] =	stream.linear.gather [hbm4b:s23+s17], $0x80, $0x38;
	[tilespmem:$0x10080] =	vst v63  }
.LBB2_58:
0x6ad: {  	[tilespmem:s7], [sflag:$0x2] =	stream.linear.gather [hbm4b:s6+s17], $0x80, $0x38;
	[tilespmem:$0x10080] =	vst v63  }
0x6ae: {  	s7 =	smov.u32 s2;
	s2 =	smov.u32 s5  }
0x6af: {  	s10 =	sadd.s32 $0x400, s5;
	s2 =	sshra.s32 s2, $0x2;
	s6 =	sadd.s32 $0x8000, s7  }
0x6b0: {  	[tilespmem:s6], [sflag:$0x2] =	stream.linear.gather [hbm4b:s4+s17], $0x80, $0x38;
	[tilespmem:$0x10080] =	vst v63  }
0x6b1: {  	p1 =	sne.s32 s5, $0x1C00;
	s5 =	sadd.s32 $0x10, s4;
	s6 =	sadd.s32 $0x8800, s7  }
0x6b2: {  	[tilespmem:s6], [sflag:$0x2] =	stream.linear.gather [hbm4b:s5+s17], $0x80, $0x38;
	[tilespmem:$0x10080] =	vst v63  }
0x6b3: {  	s5 =	sadd.s32 $0x20, s4;
	s6 =	sadd.s32 $0x9000, s7  }
0x6b4: {  	[tilespmem:s6], [sflag:$0x2] =	stream.linear.gather [hbm4b:s5+s17], $0x80, $0x38;
	[tilespmem:$0x10080] =	vst v63  }
0x6b5: {  	s5 =	sadd.s32 $0x30, s4;
	s6 =	sadd.s32 $0x9800, s7  }
0x6b6: {  	[tilespmem:s6], [sflag:$0x2] =	stream.linear.gather [hbm4b:s5+s17], $0x80, $0x38;
	[tilespmem:$0x10080] =	vst v63  }
0x6b7: {  	s5 =	sadd.s32 $0x40, s4;
	s6 =	sadd.s32 $0xA000, s7  }
0x6b8: {  	[tilespmem:s6], [sflag:$0x2] =	stream.linear.gather [hbm4b:s5+s17], $0x80, $0x38;
	[tilespmem:$0x10080] =	vst v63  }
.Ltmp28:
0x6b9: {  	s5 =	sadd.s32 $0x50, s4;
	s6 =	sadd.s32 $0xA800, s7;
	(pc) =	sbr.rel @p1 .LBB2_58-.Ltmp28, $4  }
0x6ba: {  	[tilespmem:s6], [sflag:$0x2] =	stream.linear.gather [hbm4b:s5+s17], $0x80, $0x38;
	[tilespmem:$0x10080] =	vst v63  }
0x6bb: {  	s5 =	sadd.s32 $0x60, s4;
	s6 =	sadd.s32 $0xB000, s7;
	s7 =	sadd.s32 $0xB800, s7  }
0x6bc: {  	[tilespmem:s6], [sflag:$0x2] =	stream.linear.gather [hbm4b:s5+s17], $0x80, $0x38;
	[tilespmem:$0x10080] =	vst v63  }
0x6bd: {  	s6 =	sadd.s32 $0x70, s4;
	s4 =	sadd.s32 $0x80, s4;
	s5 =	smov.u32 s10  }
0x6be: {  	[tilespmem:s7], [sflag:$0x2] =	stream.linear.gather [hbm4b:s6+s17], $0x80, $0x38;
	[tilespmem:$0x10080] =	vst v63  }
0x6bf: {  	s5 =	sadd.s32 $0x8000, s2  }
0x6c0: {  	[tilespmem:s5], [sflag:$0x2] =	stream.linear.gather [hbm4b:s4+s17], $0x80, $0x38;
	[tilespmem:$0x10080] =	vst v63  }
0x6c1: {  	s7 =	sadd.s32 $0x10, s4;
	s10 =	sadd.s32 $0x8800, s2  }
0x6c2: {  	[tilespmem:s10], [sflag:$0x2] =	stream.linear.gather [hbm4b:s7+s17], $0x80, $0x38;
	[tilespmem:$0x10080] =	vst v63  }
0x6c3: {  	s20 =	sadd.s32 $0x20, s4;
	s22 =	sadd.s32 $0x9000, s2  }
0x6c4: {  	[tilespmem:s22], [sflag:$0x2] =	stream.linear.gather [hbm4b:s20+s17], $0x80, $0x38;
	[tilespmem:$0x10080] =	vst v63  }
0x6c5: {  	s23 =	sadd.s32 $0x30, s4;
	s26 =	sadd.s32 $0x9800, s2  }
0x6c6: {  	[tilespmem:s26], [sflag:$0x2] =	stream.linear.gather [hbm4b:s23+s17], $0x80, $0x38;
	[tilespmem:$0x10080] =	vst v63  }
0x6c7: {  	s7 =	sadd.s32 $0x40, s4;
	s10 =	sadd.s32 $0xA000, s2  }
0x6c8: {  	[tilespmem:s10], [sflag:$0x2] =	stream.linear.gather [hbm4b:s7+s17], $0x80, $0x38;
	[tilespmem:$0x10080] =	vst v63  }
0x6c9: {  	s20 =	sadd.s32 $0x50, s4;
	s22 =	sadd.s32 $0xA800, s2  }
0x6ca: {  	[tilespmem:s22], [sflag:$0x2] =	stream.linear.gather [hbm4b:s20+s17], $0x80, $0x38;
	[tilespmem:$0x10080] =	vst v63  }
0x6cb: {  	s23 =	sadd.s32 $0x60, s4;
	s26 =	sadd.s32 $0xB000, s2  }
0x6cc: {  	[tilespmem:s26], [sflag:$0x2] =	stream.linear.gather [hbm4b:s23+s17], $0x80, $0x38;
	[tilespmem:$0x10080] =	vst v63  }
0x6cd: {  	s6 =	sadd.s32 $0xB800, s2;
	s5 =	sadd.s32 $0x70, s4;
	s7 =	rddreg [dreg:$0xf]  }
0x6ce: {  	[tilespmem:s6], [sflag:$0x2] =	stream.linear.gather [hbm4b:s5+s17], $0x80, $0x38;
	[tilespmem:$0x10080] =	vst v63  }
0x6cf: {  	s10 =	simm.s32 $0xC000;
	s4 =	sadd.s32 $0x400, s7  }
0x6d0: {  	[tilespmem:s10], [sflag:$0x2] =	stream.linear.gather [hbm4b:s4+s17], $0x80, $0x38;
	[tilespmem:$0x10080] =	vst v63  }
0x6d1: {  	s20 =	sadd.s32 $0x10, s4;
	s22 =	simm.s32 $0xC800  }
0x6d2: {  	[tilespmem:s22], [sflag:$0x2] =	stream.linear.gather [hbm4b:s20+s17], $0x80, $0x38;
	[tilespmem:$0x10080] =	vst v63  }
0x6d3: {  	s2 =	simm.s32 $0x100;
	s23 =	sadd.s32 $0x20, s4;
	s26 =	simm.s32 $0xD000  }
0x6d4: {  	[tilespmem:s26], [sflag:$0x2] =	stream.linear.gather [hbm4b:s23+s17], $0x80, $0x38;
	[tilespmem:$0x10080] =	vst v63  }
0x6d5: {  	s7 =	sadd.s32 $0x40, s4;
	s5 =	sadd.s32 $0x30, s4;
	s6 =	simm.s32 $0xD800  }
0x6d6: {  	[tilespmem:s6], [sflag:$0x2] =	stream.linear.gather [hbm4b:s5+s17], $0x80, $0x38;
	[tilespmem:$0x10080] =	vst v63  }
0x6d7: {  	s10 =	simm.s32 $0xE000;
	s20 =	sadd.s32 $0x50, s4;
	s22 =	simm.s32 $0xE800  }
0x6d8: {  	[tilespmem:s10], [sflag:$0x2] =	stream.linear.gather [hbm4b:s7+s17], $0x80, $0x38;
	[tilespmem:$0x10080] =	vst v63  }
0x6d9: {  	s23 =	sadd.s32 $0x60, s4;
	s26 =	simm.s32 $0xF000;
	s5 =	simm.s32 $0x800  }
0x6da: {  	[tilespmem:s22], [sflag:$0x2] =	stream.linear.gather [hbm4b:s20+s17], $0x80, $0x38;
	[tilespmem:$0x10080] =	vst v63  }
0x6db: {  	s6 =	sadd.s32 $0x70, s4;
	s4 =	sadd.s32 $0x80, s4;
	s7 =	simm.s32 $0xF800  }
0x6dc: {  	[tilespmem:s26], [sflag:$0x2] =	stream.linear.gather [hbm4b:s23+s17], $0x80, $0x38;
	[tilespmem:$0x10080] =	vst v63  }
.LBB2_60:
0x6dd: {  	[tilespmem:s7], [sflag:$0x2] =	stream.linear.gather [hbm4b:s6+s17], $0x80, $0x38;
	[tilespmem:$0x10080] =	vst v63  }
0x6de: {  	s7 =	smov.u32 s2;
	s2 =	smov.u32 s5  }
0x6df: {  	s10 =	sadd.s32 $0x400, s5;
	s2 =	sshra.s32 s2, $0x2;
	s6 =	sadd.s32 $0xC000, s7  }
0x6e0: {  	[tilespmem:s6], [sflag:$0x2] =	stream.linear.gather [hbm4b:s4+s17], $0x80, $0x38;
	[tilespmem:$0x10080] =	vst v63  }
0x6e1: {  	p1 =	sne.s32 s5, $0x1C00;
	s5 =	sadd.s32 $0x10, s4;
	s6 =	sadd.s32 $0xC800, s7  }
0x6e2: {  	[tilespmem:s6], [sflag:$0x2] =	stream.linear.gather [hbm4b:s5+s17], $0x80, $0x38;
	[tilespmem:$0x10080] =	vst v63  }
0x6e3: {  	s5 =	sadd.s32 $0x20, s4;
	s6 =	sadd.s32 $0xD000, s7  }
0x6e4: {  	[tilespmem:s6], [sflag:$0x2] =	stream.linear.gather [hbm4b:s5+s17], $0x80, $0x38;
	[tilespmem:$0x10080] =	vst v63  }
0x6e5: {  	s5 =	sadd.s32 $0x30, s4;
	s6 =	sadd.s32 $0xD800, s7  }
0x6e6: {  	[tilespmem:s6], [sflag:$0x2] =	stream.linear.gather [hbm4b:s5+s17], $0x80, $0x38;
	[tilespmem:$0x10080] =	vst v63  }
0x6e7: {  	s5 =	sadd.s32 $0x40, s4;
	s6 =	sadd.s32 $0xE000, s7  }
0x6e8: {  	[tilespmem:s6], [sflag:$0x2] =	stream.linear.gather [hbm4b:s5+s17], $0x80, $0x38;
	[tilespmem:$0x10080] =	vst v63  }
.Ltmp29:
0x6e9: {  	s5 =	sadd.s32 $0x50, s4;
	s6 =	sadd.s32 $0xE800, s7;
	(pc) =	sbr.rel @p1 .LBB2_60-.Ltmp29, $4  }
0x6ea: {  	[tilespmem:s6], [sflag:$0x2] =	stream.linear.gather [hbm4b:s5+s17], $0x80, $0x38;
	[tilespmem:$0x10080] =	vst v63  }
0x6eb: {  	s5 =	sadd.s32 $0x60, s4;
	s6 =	sadd.s32 $0xF000, s7;
	s7 =	sadd.s32 $0xF800, s7  }
0x6ec: {  	[tilespmem:s6], [sflag:$0x2] =	stream.linear.gather [hbm4b:s5+s17], $0x80, $0x38;
	[tilespmem:$0x10080] =	vst v63  }
0x6ed: {  	s6 =	sadd.s32 $0x70, s4;
	s4 =	sadd.s32 $0x80, s4;
	s5 =	smov.u32 s10  }
0x6ee: {  	[tilespmem:s7], [sflag:$0x2] =	stream.linear.gather [hbm4b:s6+s17], $0x80, $0x38;
	[tilespmem:$0x10080] =	vst v63  }
0x6ef: {  	s5 =	sadd.s32 $0xC000, s2  }
0x6f0: {  	[tilespmem:s5], [sflag:$0x2] =	stream.linear.gather [hbm4b:s4+s17], $0x80, $0x38;
	[tilespmem:$0x10080] =	vst v63  }
0x6f1: {  	s7 =	sadd.s32 $0x10, s4;
	s10 =	sadd.s32 $0xC800, s2  }
0x6f2: {  	[tilespmem:s10], [sflag:$0x2] =	stream.linear.gather [hbm4b:s7+s17], $0x80, $0x38;
	[tilespmem:$0x10080] =	vst v63  }
0x6f3: {  	s20 =	sadd.s32 $0x20, s4;
	s22 =	sadd.s32 $0xD000, s2  }
0x6f4: {  	[tilespmem:s22], [sflag:$0x2] =	stream.linear.gather [hbm4b:s20+s17], $0x80, $0x38;
	[tilespmem:$0x10080] =	vst v63  }
0x6f5: {  	s23 =	sadd.s32 $0x30, s4;
	s26 =	sadd.s32 $0xD800, s2  }
0x6f6: {  	[tilespmem:s26], [sflag:$0x2] =	stream.linear.gather [hbm4b:s23+s17], $0x80, $0x38;
	[tilespmem:$0x10080] =	vst v63  }
0x6f7: {  	s7 =	sadd.s32 $0x40, s4;
	s10 =	sadd.s32 $0xE000, s2  }
0x6f8: {  	[tilespmem:s10], [sflag:$0x2] =	stream.linear.gather [hbm4b:s7+s17], $0x80, $0x38;
	[tilespmem:$0x10080] =	vst v63  }
0x6f9: {  	s20 =	sadd.s32 $0x50, s4;
	s22 =	sadd.s32 $0xE800, s2  }
0x6fa: {  	[tilespmem:s22], [sflag:$0x2] =	stream.linear.gather [hbm4b:s20+s17], $0x80, $0x38;
	[tilespmem:$0x10080] =	vst v63  }
0x6fb: {  	s23 =	sadd.s32 $0x60, s4;
	s26 =	sadd.s32 $0xF000, s2  }
0x6fc: {  	[tilespmem:s26], [sflag:$0x2] =	stream.linear.gather [hbm4b:s23+s17], $0x80, $0x38;
	[tilespmem:$0x10080] =	vst v63  }
0x6fd: {  	s6 =	sadd.s32 $0x70, s4;
	s7 =	sadd.s32 $0xF800, s2  }
0x6fe: {  	[tilespmem:s7], [sflag:$0x2] =	stream.linear.gather [hbm4b:s6+s17], $0x80, $0x38;
	[tilespmem:$0x10080] =	vst v63  }
0x6ff: {  	_ =	swait.ge [sflag:s11], $0x4000  }
0x700: {  	[sflag:s11] =	ssyncset.done $0x0  }
0x701: {  	s10 =	simm.s32 $0x0;
	[sflag:s11] =	ssyncadd.s32 $0xFFFFC000  }
0x702: {  	[hbm4b:s29+s8] =	stream.strided.scatter [tilespmem:s10], [sflag:$0x3], $0x800, s9, s8, $0x38;
	[tilespmem:$0x10080] =	vst v63  }
0x703: {  	s20 =	sadd.s32 $0x20, s29  }
0x704: {  	[hbm4b:s20+s8] =	stream.strided.scatter [tilespmem:s13], [sflag:$0x3], $0x800, s9, s8, $0x38;
	[tilespmem:$0x10080] =	vst v63  }
0x705: {  	s22 =	sadd.s32 $0x40, s29  }
0x706: {  	[hbm4b:s22+s8] =	stream.strided.scatter [tilespmem:s14], [sflag:$0x3], $0x800, s9, s8, $0x38;
	[tilespmem:$0x10080] =	vst v63  }
0x707: {  	s23 =	sadd.s32 $0x60, s29  }
0x708: {  	[hbm4b:s23+s8] =	stream.strided.scatter [tilespmem:s15], [sflag:$0x3], $0x800, s9, s8, $0x38;
	[tilespmem:$0x10080] =	vst v63  }
0x709: {  	s26 =	sadd.s32 $0x400, s29  }
0x70a: {  	[hbm4b:s26+s8] =	stream.strided.scatter [tilespmem:s16], [sflag:$0x3], $0x800, s9, s8, $0x38;
	[tilespmem:$0x10080] =	vst v63  }
0x70b: {  	s4 =	sadd.s32 $0x420, s29  }
0x70c: {  	[hbm4b:s4+s8] =	stream.strided.scatter [tilespmem:s18], [sflag:$0x3], $0x800, s9, s8, $0x38;
	[tilespmem:$0x10080] =	vst v63  }
0x70d: {  	s5 =	sadd.s32 $0x440, s29  }
0x70e: {  	[hbm4b:s5+s8] =	stream.strided.scatter [tilespmem:s19], [sflag:$0x3], $0x800, s9, s8, $0x38;
	[tilespmem:$0x10080] =	vst v63  }
0x70f: {  	s6 =	sadd.s32 $0x460, s29  }
0x710: {  	[hbm4b:s6+s8] =	stream.strided.scatter [tilespmem:s21], [sflag:$0x3], $0x800, s9, s8, $0x38;
	[tilespmem:$0x10080] =	vst v63  }
0x711: {  	s7 =	sadd.s32 $0x800, s29;
	s10 =	simm.s32 $0x4000  }
0x712: {  	[hbm4b:s7+s8] =	stream.strided.scatter [tilespmem:s10], [sflag:$0x3], $0x800, s9, s8, $0x38;
	[tilespmem:$0x10080] =	vst v63  }
0x713: {  	s20 =	sadd.s32 $0x820, s29;
	s22 =	simm.s32 $0x4800  }
0x714: {  	[hbm4b:s20+s8] =	stream.strided.scatter [tilespmem:s22], [sflag:$0x3], $0x800, s9, s8, $0x38;
	[tilespmem:$0x10080] =	vst v63  }
0x715: {  	s23 =	sadd.s32 $0x840, s29;
	s26 =	simm.s32 $0x5000  }
0x716: {  	[hbm4b:s23+s8] =	stream.strided.scatter [tilespmem:s26], [sflag:$0x3], $0x800, s9, s8, $0x38;
	[tilespmem:$0x10080] =	vst v63  }
0x717: {  	s5 =	sadd.s32 $0x860, s29;
	s6 =	simm.s32 $0x5800  }
0x718: {  	[hbm4b:s5+s8] =	stream.strided.scatter [tilespmem:s6], [sflag:$0x3], $0x800, s9, s8, $0x38;
	[tilespmem:$0x10080] =	vst v63  }
0x719: {  	s7 =	sadd.s32 $0xC00, s29;
	s10 =	simm.s32 $0x6000  }
0x71a: {  	[hbm4b:s7+s8] =	stream.strided.scatter [tilespmem:s10], [sflag:$0x3], $0x800, s9, s8, $0x38;
	[tilespmem:$0x10080] =	vst v63  }
0x71b: {  	s20 =	sadd.s32 $0xC20, s29;
	s22 =	simm.s32 $0x6800  }
0x71c: {  	[hbm4b:s20+s8] =	stream.strided.scatter [tilespmem:s22], [sflag:$0x3], $0x800, s9, s8, $0x38;
	[tilespmem:$0x10080] =	vst v63  }
0x71d: {  	s23 =	sadd.s32 $0xC40, s29;
	s26 =	simm.s32 $0x7000  }
0x71e: {  	[hbm4b:s23+s8] =	stream.strided.scatter [tilespmem:s26], [sflag:$0x3], $0x800, s9, s8, $0x38;
	[tilespmem:$0x10080] =	vst v63  }
0x71f: {  	s5 =	sadd.s32 $0xC60, s29;
	s6 =	simm.s32 $0x7800;
	s7 =	simm.s32 $0x3  }
0x720: {  	[hbm4b:s5+s8] =	stream.strided.scatter [tilespmem:s6], [sflag:$0x3], $0x800, s9, s8, $0x38;
	[tilespmem:$0x10080] =	vst v63  }
0x721: {  	_ =	swait.ge [sflag:s7], $0x8000  }
0x722: {  	[sflag:s7] =	ssyncset.done $0x0  }
0x723: {  	s10 =	simm.s32 $0x0;
	[sflag:s7] =	ssyncadd.s32 $0xFFFF8000;
	s7 =	rddreg [dreg:$0x10]  }
0x724: {  	[tilespmem:s10], [sflag:$0x1] =	stream.linear.gather [hbm4b:s7+s17], $0x80, $0x38;
	[tilespmem:$0x10080] =	vst v63  }
0x725: {  	s22 =	simm.s32 $0x800;
	s20 =	sadd.s32 $0x10, s7  }
0x726: {  	[tilespmem:s22], [sflag:$0x1] =	stream.linear.gather [hbm4b:s20+s17], $0x80, $0x38;
	[tilespmem:$0x10080] =	vst v63  }
0x727: {  	s26 =	simm.s32 $0x1000;
	s23 =	sadd.s32 $0x20, s7  }
0x728: {  	[tilespmem:s26], [sflag:$0x1] =	stream.linear.gather [hbm4b:s23+s17], $0x80, $0x38;
	[tilespmem:$0x10080] =	vst v63  }
0x729: {  	s2 =	simm.s32 $0x400;
	s5 =	simm.s32 $0x1800;
	s4 =	sadd.s32 $0x30, s7  }
0x72a: {  	[tilespmem:s5], [sflag:$0x1] =	stream.linear.gather [hbm4b:s4+s17], $0x80, $0x38;
	[tilespmem:$0x10080] =	vst v63  }
0x72b: {  	s6 =	sadd.s32 $0x40, s7;
	s10 =	simm.s32 $0x2000;
	s20 =	sadd.s32 $0x50, s7  }
0x72c: {  	[tilespmem:s10], [sflag:$0x1] =	stream.linear.gather [hbm4b:s6+s17], $0x80, $0x38;
	[tilespmem:$0x10080] =	vst v63  }
0x72d: {  	s22 =	simm.s32 $0x2800;
	s23 =	sadd.s32 $0x60, s7;
	s26 =	simm.s32 $0x3000  }
0x72e: {  	[tilespmem:s22], [sflag:$0x1] =	stream.linear.gather [hbm4b:s20+s17], $0x80, $0x38;
	[tilespmem:$0x10080] =	vst v63  }
0x72f: {  	s5 =	sadd.s32 $0x70, s7;
	s4 =	sadd.s32 $0x80, s7;
	s6 =	simm.s32 $0x3800  }
0x730: {  	[tilespmem:s26], [sflag:$0x1] =	stream.linear.gather [hbm4b:s23+s17], $0x80, $0x38;
	[tilespmem:$0x10080] =	vst v63  }
.LBB2_62:
0x731: {  	[tilespmem:s6], [sflag:$0x1] =	stream.linear.gather [hbm4b:s5+s17], $0x80, $0x38;
	[tilespmem:$0x10080] =	vst v63  }
0x732: {  	s6 =	sshra.s32 s2, $0x2;
	p1 =	sne.s32 s2, $0x1C00;
	s2 =	sadd.s32 $0x400, s2  }
0x733: {  	[tilespmem:s6], [sflag:$0x1] =	stream.linear.gather [hbm4b:s4+s17], $0x80, $0x38;
	[tilespmem:$0x10080] =	vst v63  }
0x734: {  	s5 =	sadd.s32 $0x10, s4;
	s7 =	sadd.s32 $0x800, s6  }
0x735: {  	[tilespmem:s7], [sflag:$0x1] =	stream.linear.gather [hbm4b:s5+s17], $0x80, $0x38;
	[tilespmem:$0x10080] =	vst v63  }
0x736: {  	s5 =	sadd.s32 $0x20, s4;
	s7 =	sadd.s32 $0x1000, s6  }
0x737: {  	[tilespmem:s7], [sflag:$0x1] =	stream.linear.gather [hbm4b:s5+s17], $0x80, $0x38;
	[tilespmem:$0x10080] =	vst v63  }
0x738: {  	s5 =	sadd.s32 $0x30, s4;
	s7 =	sadd.s32 $0x1800, s6  }
0x739: {  	[tilespmem:s7], [sflag:$0x1] =	stream.linear.gather [hbm4b:s5+s17], $0x80, $0x38;
	[tilespmem:$0x10080] =	vst v63  }
0x73a: {  	s5 =	sadd.s32 $0x40, s4;
	s7 =	sadd.s32 $0x2000, s6  }
0x73b: {  	[tilespmem:s7], [sflag:$0x1] =	stream.linear.gather [hbm4b:s5+s17], $0x80, $0x38;
	[tilespmem:$0x10080] =	vst v63  }
.Ltmp30:
0x73c: {  	s5 =	sadd.s32 $0x50, s4;
	s7 =	sadd.s32 $0x2800, s6;
	(pc) =	sbr.rel @p1 .LBB2_62-.Ltmp30, $4  }
0x73d: {  	[tilespmem:s7], [sflag:$0x1] =	stream.linear.gather [hbm4b:s5+s17], $0x80, $0x38;
	[tilespmem:$0x10080] =	vst v63  }
0x73e: {  	s5 =	sadd.s32 $0x60, s4;
	s7 =	sadd.s32 $0x3000, s6  }
0x73f: {  	[tilespmem:s7], [sflag:$0x1] =	stream.linear.gather [hbm4b:s5+s17], $0x80, $0x38;
	[tilespmem:$0x10080] =	vst v63  }
0x740: {  	s6 =	sadd.s32 $0x3800, s6;
	s5 =	sadd.s32 $0x70, s4;
	s4 =	sadd.s32 $0x80, s4  }
0x741: {  	[tilespmem:s6], [sflag:$0x1] =	stream.linear.gather [hbm4b:s5+s17], $0x80, $0x38;
	[tilespmem:$0x10080] =	vst v63  }
0x742: {  	s2 =	rddreg [dreg:$0x10]  }
0x743: {  	s10 =	simm.s32 $0x4000;
	s4 =	sadd.s32 $0x400, s2  }
0x744: {  	[tilespmem:s10], [sflag:$0x1] =	stream.linear.gather [hbm4b:s4+s17], $0x80, $0x38;
	[tilespmem:$0x10080] =	vst v63  }
0x745: {  	s22 =	simm.s32 $0x4800;
	s20 =	sadd.s32 $0x10, s4  }
0x746: {  	[tilespmem:s22], [sflag:$0x1] =	stream.linear.gather [hbm4b:s20+s17], $0x80, $0x38;
	[tilespmem:$0x10080] =	vst v63  }
0x747: {  	s26 =	simm.s32 $0x5000;
	s6 =	simm.s32 $0x5800;
	s23 =	sadd.s32 $0x20, s4  }
0x748: {  	[tilespmem:s26], [sflag:$0x1] =	stream.linear.gather [hbm4b:s23+s17], $0x80, $0x38;
	[tilespmem:$0x10080] =	vst v63  }
0x749: {  	s2 =	simm.s32 $0x100;
	s5 =	sadd.s32 $0x30, s4;
	s7 =	sadd.s32 $0x40, s4  }
0x74a: {  	[tilespmem:s6], [sflag:$0x1] =	stream.linear.gather [hbm4b:s5+s17], $0x80, $0x38;
	[tilespmem:$0x10080] =	vst v63  }
0x74b: {  	s10 =	simm.s32 $0x6000;
	s20 =	sadd.s32 $0x50, s4;
	s22 =	simm.s32 $0x6800  }
0x74c: {  	[tilespmem:s10], [sflag:$0x1] =	stream.linear.gather [hbm4b:s7+s17], $0x80, $0x38;
	[tilespmem:$0x10080] =	vst v63  }
0x74d: {  	s23 =	sadd.s32 $0x60, s4;
	s26 =	simm.s32 $0x7000;
	s5 =	simm.s32 $0x800  }
0x74e: {  	[tilespmem:s22], [sflag:$0x1] =	stream.linear.gather [hbm4b:s20+s17], $0x80, $0x38;
	[tilespmem:$0x10080] =	vst v63  }
0x74f: {  	s6 =	sadd.s32 $0x70, s4;
	s4 =	sadd.s32 $0x80, s4;
	s7 =	simm.s32 $0x7800  }
0x750: {  	[tilespmem:s26], [sflag:$0x1] =	stream.linear.gather [hbm4b:s23+s17], $0x80, $0x38;
	[tilespmem:$0x10080] =	vst v63  }
.LBB2_64:
0x751: {  	[tilespmem:s7], [sflag:$0x1] =	stream.linear.gather [hbm4b:s6+s17], $0x80, $0x38;
	[tilespmem:$0x10080] =	vst v63  }
0x752: {  	s7 =	smov.u32 s2;
	s2 =	smov.u32 s5  }
0x753: {  	s10 =	sadd.s32 $0x400, s5;
	s2 =	sshra.s32 s2, $0x2;
	s6 =	sadd.s32 $0x4000, s7  }
0x754: {  	[tilespmem:s6], [sflag:$0x1] =	stream.linear.gather [hbm4b:s4+s17], $0x80, $0x38;
	[tilespmem:$0x10080] =	vst v63  }
0x755: {  	p1 =	sne.s32 s5, $0x1C00;
	s5 =	sadd.s32 $0x10, s4;
	s6 =	sadd.s32 $0x4800, s7  }
0x756: {  	[tilespmem:s6], [sflag:$0x1] =	stream.linear.gather [hbm4b:s5+s17], $0x80, $0x38;
	[tilespmem:$0x10080] =	vst v63  }
0x757: {  	s5 =	sadd.s32 $0x20, s4;
	s6 =	sadd.s32 $0x5000, s7  }
0x758: {  	[tilespmem:s6], [sflag:$0x1] =	stream.linear.gather [hbm4b:s5+s17], $0x80, $0x38;
	[tilespmem:$0x10080] =	vst v63  }
0x759: {  	s5 =	sadd.s32 $0x30, s4;
	s6 =	sadd.s32 $0x5800, s7  }
0x75a: {  	[tilespmem:s6], [sflag:$0x1] =	stream.linear.gather [hbm4b:s5+s17], $0x80, $0x38;
	[tilespmem:$0x10080] =	vst v63  }
0x75b: {  	s5 =	sadd.s32 $0x40, s4;
	s6 =	sadd.s32 $0x6000, s7  }
0x75c: {  	[tilespmem:s6], [sflag:$0x1] =	stream.linear.gather [hbm4b:s5+s17], $0x80, $0x38;
	[tilespmem:$0x10080] =	vst v63  }
.Ltmp31:
0x75d: {  	s5 =	sadd.s32 $0x50, s4;
	s6 =	sadd.s32 $0x6800, s7;
	(pc) =	sbr.rel @p1 .LBB2_64-.Ltmp31, $4  }
0x75e: {  	[tilespmem:s6], [sflag:$0x1] =	stream.linear.gather [hbm4b:s5+s17], $0x80, $0x38;
	[tilespmem:$0x10080] =	vst v63  }
0x75f: {  	s5 =	sadd.s32 $0x60, s4;
	s6 =	sadd.s32 $0x7000, s7;
	s7 =	sadd.s32 $0x7800, s7  }
0x760: {  	[tilespmem:s6], [sflag:$0x1] =	stream.linear.gather [hbm4b:s5+s17], $0x80, $0x38;
	[tilespmem:$0x10080] =	vst v63  }
0x761: {  	s6 =	sadd.s32 $0x70, s4;
	s4 =	sadd.s32 $0x80, s4;
	s5 =	smov.u32 s10  }
0x762: {  	[tilespmem:s7], [sflag:$0x1] =	stream.linear.gather [hbm4b:s6+s17], $0x80, $0x38;
	[tilespmem:$0x10080] =	vst v63  }
0x763: {  	s5 =	sadd.s32 $0x4000, s2  }
0x764: {  	[tilespmem:s5], [sflag:$0x1] =	stream.linear.gather [hbm4b:s4+s17], $0x80, $0x38;
	[tilespmem:$0x10080] =	vst v63  }
0x765: {  	s7 =	sadd.s32 $0x10, s4;
	s10 =	sadd.s32 $0x4800, s2  }
0x766: {  	[tilespmem:s10], [sflag:$0x1] =	stream.linear.gather [hbm4b:s7+s17], $0x80, $0x38;
	[tilespmem:$0x10080] =	vst v63  }
0x767: {  	s20 =	sadd.s32 $0x20, s4;
	s22 =	sadd.s32 $0x5000, s2  }
0x768: {  	[tilespmem:s22], [sflag:$0x1] =	stream.linear.gather [hbm4b:s20+s17], $0x80, $0x38;
	[tilespmem:$0x10080] =	vst v63  }
0x769: {  	s23 =	sadd.s32 $0x30, s4;
	s26 =	sadd.s32 $0x5800, s2  }
0x76a: {  	[tilespmem:s26], [sflag:$0x1] =	stream.linear.gather [hbm4b:s23+s17], $0x80, $0x38;
	[tilespmem:$0x10080] =	vst v63  }
0x76b: {  	s7 =	sadd.s32 $0x40, s4;
	s10 =	sadd.s32 $0x6000, s2  }
0x76c: {  	[tilespmem:s10], [sflag:$0x1] =	stream.linear.gather [hbm4b:s7+s17], $0x80, $0x38;
	[tilespmem:$0x10080] =	vst v63  }
0x76d: {  	s20 =	sadd.s32 $0x50, s4;
	s22 =	sadd.s32 $0x6800, s2  }
0x76e: {  	[tilespmem:s22], [sflag:$0x1] =	stream.linear.gather [hbm4b:s20+s17], $0x80, $0x38;
	[tilespmem:$0x10080] =	vst v63  }
0x76f: {  	s23 =	sadd.s32 $0x60, s4;
	s26 =	sadd.s32 $0x7000, s2  }
0x770: {  	[tilespmem:s26], [sflag:$0x1] =	stream.linear.gather [hbm4b:s23+s17], $0x80, $0x38;
	[tilespmem:$0x10080] =	vst v63  }
0x771: {  	s6 =	sadd.s32 $0x70, s4;
	s7 =	sadd.s32 $0x7800, s2  }
0x772: {  	[tilespmem:s7], [sflag:$0x1] =	stream.linear.gather [hbm4b:s6+s17], $0x80, $0x38;
	[tilespmem:$0x10080] =	vst v63  }
0x773: {  	_ =	swait.ge [sflag:s12], $0x4000  }
0x774: {  	[sflag:s12] =	ssyncset.done $0x0  }
0x775: {  	s10 =	simm.s32 $0x8000;
	[sflag:s12] =	ssyncadd.s32 $0xFFFFC000  }
0x776: {  	[hbm4b:s30+s8] =	stream.strided.scatter [tilespmem:s10], [sflag:$0x4], $0x800, s9, s8, $0x38;
	[tilespmem:$0x10080] =	vst v63  }
0x777: {  	s20 =	sadd.s32 $0x20, s30;
	s22 =	simm.s32 $0x8800  }
0x778: {  	[hbm4b:s20+s8] =	stream.strided.scatter [tilespmem:s22], [sflag:$0x4], $0x800, s9, s8, $0x38;
	[tilespmem:$0x10080] =	vst v63  }
0x779: {  	s23 =	sadd.s32 $0x40, s30;
	s26 =	simm.s32 $0x9000  }
0x77a: {  	[hbm4b:s23+s8] =	stream.strided.scatter [tilespmem:s26], [sflag:$0x4], $0x800, s9, s8, $0x38;
	[tilespmem:$0x10080] =	vst v63  }
0x77b: {  	s5 =	sadd.s32 $0x60, s30;
	s6 =	simm.s32 $0x9800  }
0x77c: {  	[hbm4b:s5+s8] =	stream.strided.scatter [tilespmem:s6], [sflag:$0x4], $0x800, s9, s8, $0x38;
	[tilespmem:$0x10080] =	vst v63  }
0x77d: {  	s7 =	sadd.s32 $0x400, s30;
	s10 =	simm.s32 $0xA000  }
0x77e: {  	[hbm4b:s7+s8] =	stream.strided.scatter [tilespmem:s10], [sflag:$0x4], $0x800, s9, s8, $0x38;
	[tilespmem:$0x10080] =	vst v63  }
0x77f: {  	s20 =	sadd.s32 $0x420, s30;
	s22 =	simm.s32 $0xA800  }
0x780: {  	[hbm4b:s20+s8] =	stream.strided.scatter [tilespmem:s22], [sflag:$0x4], $0x800, s9, s8, $0x38;
	[tilespmem:$0x10080] =	vst v63  }
0x781: {  	s23 =	sadd.s32 $0x440, s30;
	s26 =	simm.s32 $0xB000  }
0x782: {  	[hbm4b:s23+s8] =	stream.strided.scatter [tilespmem:s26], [sflag:$0x4], $0x800, s9, s8, $0x38;
	[tilespmem:$0x10080] =	vst v63  }
0x783: {  	s5 =	sadd.s32 $0x460, s30;
	s6 =	simm.s32 $0xB800  }
0x784: {  	[hbm4b:s5+s8] =	stream.strided.scatter [tilespmem:s6], [sflag:$0x4], $0x800, s9, s8, $0x38;
	[tilespmem:$0x10080] =	vst v63  }
0x785: {  	s7 =	sadd.s32 $0x800, s30;
	s10 =	simm.s32 $0xC000  }
0x786: {  	[hbm4b:s7+s8] =	stream.strided.scatter [tilespmem:s10], [sflag:$0x4], $0x800, s9, s8, $0x38;
	[tilespmem:$0x10080] =	vst v63  }
0x787: {  	s20 =	sadd.s32 $0x820, s30;
	s22 =	simm.s32 $0xC800  }
0x788: {  	[hbm4b:s20+s8] =	stream.strided.scatter [tilespmem:s22], [sflag:$0x4], $0x800, s9, s8, $0x38;
	[tilespmem:$0x10080] =	vst v63  }
0x789: {  	s23 =	sadd.s32 $0x840, s30;
	s26 =	simm.s32 $0xD000  }
0x78a: {  	[hbm4b:s23+s8] =	stream.strided.scatter [tilespmem:s26], [sflag:$0x4], $0x800, s9, s8, $0x38;
	[tilespmem:$0x10080] =	vst v63  }
0x78b: {  	s5 =	sadd.s32 $0x860, s30;
	s6 =	simm.s32 $0xD800  }
0x78c: {  	[hbm4b:s5+s8] =	stream.strided.scatter [tilespmem:s6], [sflag:$0x4], $0x800, s9, s8, $0x38;
	[tilespmem:$0x10080] =	vst v63  }
0x78d: {  	s7 =	sadd.s32 $0xC00, s30;
	s10 =	simm.s32 $0xE000  }
0x78e: {  	[hbm4b:s7+s8] =	stream.strided.scatter [tilespmem:s10], [sflag:$0x4], $0x800, s9, s8, $0x38;
	[tilespmem:$0x10080] =	vst v63  }
0x78f: {  	s20 =	sadd.s32 $0xC20, s30;
	s22 =	simm.s32 $0xE800  }
0x790: {  	[hbm4b:s20+s8] =	stream.strided.scatter [tilespmem:s22], [sflag:$0x4], $0x800, s9, s8, $0x38;
	[tilespmem:$0x10080] =	vst v63  }
0x791: {  	s23 =	sadd.s32 $0xC40, s30;
	s26 =	simm.s32 $0xF000  }
0x792: {  	[hbm4b:s23+s8] =	stream.strided.scatter [tilespmem:s26], [sflag:$0x4], $0x800, s9, s8, $0x38;
	[tilespmem:$0x10080] =	vst v63  }
0x793: {  	s4 =	sadd.s32 $0xC60, s30;
	s5 =	simm.s32 $0xF800;
	s6 =	simm.s32 $0x4  }
0x794: {  	[hbm4b:s4+s8] =	stream.strided.scatter [tilespmem:s5], [sflag:$0x4], $0x800, s9, s8, $0x38;
	[tilespmem:$0x10080] =	vst v63  }
0x795: {  	_ =	swait.ge [sflag:s6], $0x8000  }
0x796: {  	[sflag:s6] =	ssyncset.done $0x0  }
0x797: {  	s7 =	simm.s32 $0x8000;
	s10 =	rddreg [dreg:$0x11];
	[sflag:s6] =	ssyncadd.s32 $0xFFFF8000  }
0x798: {  	[tilespmem:s7], [sflag:$0x2] =	stream.linear.gather [hbm4b:s10+s17], $0x80, $0x38;
	[tilespmem:$0x10080] =	vst v63  }
0x799: {  	s22 =	simm.s32 $0x8800;
	s20 =	sadd.s32 $0x10, s10  }
0x79a: {  	[tilespmem:s22], [sflag:$0x2] =	stream.linear.gather [hbm4b:s20+s17], $0x80, $0x38;
	[tilespmem:$0x10080] =	vst v63  }
0x79b: {  	s2 =	simm.s32 $0x100;
	s26 =	simm.s32 $0x9000;
	s23 =	sadd.s32 $0x20, s10  }
0x79c: {  	[tilespmem:s26], [sflag:$0x2] =	stream.linear.gather [hbm4b:s23+s17], $0x80, $0x38;
	[tilespmem:$0x10080] =	vst v63  }
0x79d: {  	s5 =	simm.s32 $0x9800;
	s4 =	sadd.s32 $0x30, s10;
	s6 =	sadd.s32 $0x40, s10  }
0x79e: {  	[tilespmem:s5], [sflag:$0x2] =	stream.linear.gather [hbm4b:s4+s17], $0x80, $0x38;
	[tilespmem:$0x10080] =	vst v63  }
0x79f: {  	s7 =	simm.s32 $0xA000;
	s20 =	sadd.s32 $0x50, s10;
	s22 =	simm.s32 $0xA800  }
0x7a0: {  	[tilespmem:s7], [sflag:$0x2] =	stream.linear.gather [hbm4b:s6+s17], $0x80, $0x38;
	[tilespmem:$0x10080] =	vst v63  }
0x7a1: {  	s23 =	sadd.s32 $0x60, s10;
	s26 =	simm.s32 $0xB000;
	s5 =	simm.s32 $0x800  }
0x7a2: {  	[tilespmem:s22], [sflag:$0x2] =	stream.linear.gather [hbm4b:s20+s17], $0x80, $0x38;
	[tilespmem:$0x10080] =	vst v63  }
0x7a3: {  	s4 =	sadd.s32 $0x80, s10;
	s6 =	sadd.s32 $0x70, s10;
	s7 =	simm.s32 $0xB800  }
0x7a4: {  	[tilespmem:s26], [sflag:$0x2] =	stream.linear.gather [hbm4b:s23+s17], $0x80, $0x38;
	[tilespmem:$0x10080] =	vst v63  }
.LBB2_66:
0x7a5: {  	[tilespmem:s7], [sflag:$0x2] =	stream.linear.gather [hbm4b:s6+s17], $0x80, $0x38;
	[tilespmem:$0x10080] =	vst v63  }
0x7a6: {  	s7 =	smov.u32 s2;
	s2 =	smov.u32 s5  }
0x7a7: {  	s10 =	sadd.s32 $0x400, s5;
	s2 =	sshra.s32 s2, $0x2;
	s6 =	sadd.s32 $0x8000, s7  }
0x7a8: {  	[tilespmem:s6], [sflag:$0x2] =	stream.linear.gather [hbm4b:s4+s17], $0x80, $0x38;
	[tilespmem:$0x10080] =	vst v63  }
0x7a9: {  	p1 =	sne.s32 s5, $0x1C00;
	s5 =	sadd.s32 $0x10, s4;
	s6 =	sadd.s32 $0x8800, s7  }
0x7aa: {  	[tilespmem:s6], [sflag:$0x2] =	stream.linear.gather [hbm4b:s5+s17], $0x80, $0x38;
	[tilespmem:$0x10080] =	vst v63  }
0x7ab: {  	s5 =	sadd.s32 $0x20, s4;
	s6 =	sadd.s32 $0x9000, s7  }
0x7ac: {  	[tilespmem:s6], [sflag:$0x2] =	stream.linear.gather [hbm4b:s5+s17], $0x80, $0x38;
	[tilespmem:$0x10080] =	vst v63  }
0x7ad: {  	s5 =	sadd.s32 $0x30, s4;
	s6 =	sadd.s32 $0x9800, s7  }
0x7ae: {  	[tilespmem:s6], [sflag:$0x2] =	stream.linear.gather [hbm4b:s5+s17], $0x80, $0x38;
	[tilespmem:$0x10080] =	vst v63  }
0x7af: {  	s5 =	sadd.s32 $0x40, s4;
	s6 =	sadd.s32 $0xA000, s7  }
0x7b0: {  	[tilespmem:s6], [sflag:$0x2] =	stream.linear.gather [hbm4b:s5+s17], $0x80, $0x38;
	[tilespmem:$0x10080] =	vst v63  }
.Ltmp32:
0x7b1: {  	s5 =	sadd.s32 $0x50, s4;
	s6 =	sadd.s32 $0xA800, s7;
	(pc) =	sbr.rel @p1 .LBB2_66-.Ltmp32, $4  }
0x7b2: {  	[tilespmem:s6], [sflag:$0x2] =	stream.linear.gather [hbm4b:s5+s17], $0x80, $0x38;
	[tilespmem:$0x10080] =	vst v63  }
0x7b3: {  	s5 =	sadd.s32 $0x60, s4;
	s6 =	sadd.s32 $0xB000, s7;
	s7 =	sadd.s32 $0xB800, s7  }
0x7b4: {  	[tilespmem:s6], [sflag:$0x2] =	stream.linear.gather [hbm4b:s5+s17], $0x80, $0x38;
	[tilespmem:$0x10080] =	vst v63  }
0x7b5: {  	s6 =	sadd.s32 $0x70, s4;
	s4 =	sadd.s32 $0x80, s4;
	s5 =	smov.u32 s10  }
0x7b6: {  	[tilespmem:s7], [sflag:$0x2] =	stream.linear.gather [hbm4b:s6+s17], $0x80, $0x38;
	[tilespmem:$0x10080] =	vst v63  }
0x7b7: {  	s5 =	sadd.s32 $0x8000, s2  }
0x7b8: {  	[tilespmem:s5], [sflag:$0x2] =	stream.linear.gather [hbm4b:s4+s17], $0x80, $0x38;
	[tilespmem:$0x10080] =	vst v63  }
0x7b9: {  	s7 =	sadd.s32 $0x10, s4;
	s10 =	sadd.s32 $0x8800, s2  }
0x7ba: {  	[tilespmem:s10], [sflag:$0x2] =	stream.linear.gather [hbm4b:s7+s17], $0x80, $0x38;
	[tilespmem:$0x10080] =	vst v63  }
0x7bb: {  	s20 =	sadd.s32 $0x20, s4;
	s22 =	sadd.s32 $0x9000, s2  }
0x7bc: {  	[tilespmem:s22], [sflag:$0x2] =	stream.linear.gather [hbm4b:s20+s17], $0x80, $0x38;
	[tilespmem:$0x10080] =	vst v63  }
0x7bd: {  	s23 =	sadd.s32 $0x30, s4;
	s26 =	sadd.s32 $0x9800, s2  }
0x7be: {  	[tilespmem:s26], [sflag:$0x2] =	stream.linear.gather [hbm4b:s23+s17], $0x80, $0x38;
	[tilespmem:$0x10080] =	vst v63  }
0x7bf: {  	s7 =	sadd.s32 $0x40, s4;
	s10 =	sadd.s32 $0xA000, s2  }
0x7c0: {  	[tilespmem:s10], [sflag:$0x2] =	stream.linear.gather [hbm4b:s7+s17], $0x80, $0x38;
	[tilespmem:$0x10080] =	vst v63  }
0x7c1: {  	s20 =	sadd.s32 $0x50, s4;
	s22 =	sadd.s32 $0xA800, s2  }
0x7c2: {  	[tilespmem:s22], [sflag:$0x2] =	stream.linear.gather [hbm4b:s20+s17], $0x80, $0x38;
	[tilespmem:$0x10080] =	vst v63  }
0x7c3: {  	s23 =	sadd.s32 $0x60, s4;
	s26 =	sadd.s32 $0xB000, s2  }
0x7c4: {  	[tilespmem:s26], [sflag:$0x2] =	stream.linear.gather [hbm4b:s23+s17], $0x80, $0x38;
	[tilespmem:$0x10080] =	vst v63  }
0x7c5: {  	s6 =	sadd.s32 $0xB800, s2;
	s5 =	sadd.s32 $0x70, s4;
	s7 =	rddreg [dreg:$0x11]  }
0x7c6: {  	[tilespmem:s6], [sflag:$0x2] =	stream.linear.gather [hbm4b:s5+s17], $0x80, $0x38;
	[tilespmem:$0x10080] =	vst v63  }
0x7c7: {  	s10 =	simm.s32 $0xC000;
	s4 =	sadd.s32 $0x400, s7  }
0x7c8: {  	[tilespmem:s10], [sflag:$0x2] =	stream.linear.gather [hbm4b:s4+s17], $0x80, $0x38;
	[tilespmem:$0x10080] =	vst v63  }
0x7c9: {  	s20 =	sadd.s32 $0x10, s4;
	s22 =	simm.s32 $0xC800  }
0x7ca: {  	[tilespmem:s22], [sflag:$0x2] =	stream.linear.gather [hbm4b:s20+s17], $0x80, $0x38;
	[tilespmem:$0x10080] =	vst v63  }
0x7cb: {  	s2 =	simm.s32 $0x100;
	s23 =	sadd.s32 $0x20, s4;
	s26 =	simm.s32 $0xD000  }
0x7cc: {  	[tilespmem:s26], [sflag:$0x2] =	stream.linear.gather [hbm4b:s23+s17], $0x80, $0x38;
	[tilespmem:$0x10080] =	vst v63  }
0x7cd: {  	s7 =	sadd.s32 $0x40, s4;
	s5 =	sadd.s32 $0x30, s4;
	s6 =	simm.s32 $0xD800  }
0x7ce: {  	[tilespmem:s6], [sflag:$0x2] =	stream.linear.gather [hbm4b:s5+s17], $0x80, $0x38;
	[tilespmem:$0x10080] =	vst v63  }
0x7cf: {  	s10 =	simm.s32 $0xE000;
	s20 =	sadd.s32 $0x50, s4;
	s22 =	simm.s32 $0xE800  }
0x7d0: {  	[tilespmem:s10], [sflag:$0x2] =	stream.linear.gather [hbm4b:s7+s17], $0x80, $0x38;
	[tilespmem:$0x10080] =	vst v63  }
0x7d1: {  	s23 =	sadd.s32 $0x60, s4;
	s26 =	simm.s32 $0xF000;
	s5 =	simm.s32 $0x800  }
0x7d2: {  	[tilespmem:s22], [sflag:$0x2] =	stream.linear.gather [hbm4b:s20+s17], $0x80, $0x38;
	[tilespmem:$0x10080] =	vst v63  }
0x7d3: {  	s6 =	sadd.s32 $0x70, s4;
	s4 =	sadd.s32 $0x80, s4;
	s7 =	simm.s32 $0xF800  }
0x7d4: {  	[tilespmem:s26], [sflag:$0x2] =	stream.linear.gather [hbm4b:s23+s17], $0x80, $0x38;
	[tilespmem:$0x10080] =	vst v63  }
.LBB2_68:
0x7d5: {  	[tilespmem:s7], [sflag:$0x2] =	stream.linear.gather [hbm4b:s6+s17], $0x80, $0x38;
	[tilespmem:$0x10080] =	vst v63  }
0x7d6: {  	s7 =	smov.u32 s2;
	s2 =	smov.u32 s5  }
0x7d7: {  	s10 =	sadd.s32 $0x400, s5;
	s2 =	sshra.s32 s2, $0x2;
	s6 =	sadd.s32 $0xC000, s7  }
0x7d8: {  	[tilespmem:s6], [sflag:$0x2] =	stream.linear.gather [hbm4b:s4+s17], $0x80, $0x38;
	[tilespmem:$0x10080] =	vst v63  }
0x7d9: {  	p1 =	sne.s32 s5, $0x1C00;
	s5 =	sadd.s32 $0x10, s4;
	s6 =	sadd.s32 $0xC800, s7  }
0x7da: {  	[tilespmem:s6], [sflag:$0x2] =	stream.linear.gather [hbm4b:s5+s17], $0x80, $0x38;
	[tilespmem:$0x10080] =	vst v63  }
0x7db: {  	s5 =	sadd.s32 $0x20, s4;
	s6 =	sadd.s32 $0xD000, s7  }
0x7dc: {  	[tilespmem:s6], [sflag:$0x2] =	stream.linear.gather [hbm4b:s5+s17], $0x80, $0x38;
	[tilespmem:$0x10080] =	vst v63  }
0x7dd: {  	s5 =	sadd.s32 $0x30, s4;
	s6 =	sadd.s32 $0xD800, s7  }
0x7de: {  	[tilespmem:s6], [sflag:$0x2] =	stream.linear.gather [hbm4b:s5+s17], $0x80, $0x38;
	[tilespmem:$0x10080] =	vst v63  }
0x7df: {  	s5 =	sadd.s32 $0x40, s4;
	s6 =	sadd.s32 $0xE000, s7  }
0x7e0: {  	[tilespmem:s6], [sflag:$0x2] =	stream.linear.gather [hbm4b:s5+s17], $0x80, $0x38;
	[tilespmem:$0x10080] =	vst v63  }
.Ltmp33:
0x7e1: {  	s5 =	sadd.s32 $0x50, s4;
	s6 =	sadd.s32 $0xE800, s7;
	(pc) =	sbr.rel @p1 .LBB2_68-.Ltmp33, $4  }
0x7e2: {  	[tilespmem:s6], [sflag:$0x2] =	stream.linear.gather [hbm4b:s5+s17], $0x80, $0x38;
	[tilespmem:$0x10080] =	vst v63  }
0x7e3: {  	s5 =	sadd.s32 $0x60, s4;
	s6 =	sadd.s32 $0xF000, s7;
	s7 =	sadd.s32 $0xF800, s7  }
0x7e4: {  	[tilespmem:s6], [sflag:$0x2] =	stream.linear.gather [hbm4b:s5+s17], $0x80, $0x38;
	[tilespmem:$0x10080] =	vst v63  }
0x7e5: {  	s6 =	sadd.s32 $0x70, s4;
	s4 =	sadd.s32 $0x80, s4;
	s5 =	smov.u32 s10  }
0x7e6: {  	[tilespmem:s7], [sflag:$0x2] =	stream.linear.gather [hbm4b:s6+s17], $0x80, $0x38;
	[tilespmem:$0x10080] =	vst v63  }
0x7e7: {  	s5 =	sadd.s32 $0xC000, s2  }
0x7e8: {  	[tilespmem:s5], [sflag:$0x2] =	stream.linear.gather [hbm4b:s4+s17], $0x80, $0x38;
	[tilespmem:$0x10080] =	vst v63  }
0x7e9: {  	s7 =	sadd.s32 $0x10, s4;
	s10 =	sadd.s32 $0xC800, s2  }
0x7ea: {  	[tilespmem:s10], [sflag:$0x2] =	stream.linear.gather [hbm4b:s7+s17], $0x80, $0x38;
	[tilespmem:$0x10080] =	vst v63  }
0x7eb: {  	s20 =	sadd.s32 $0x20, s4;
	s22 =	sadd.s32 $0xD000, s2  }
0x7ec: {  	[tilespmem:s22], [sflag:$0x2] =	stream.linear.gather [hbm4b:s20+s17], $0x80, $0x38;
	[tilespmem:$0x10080] =	vst v63  }
0x7ed: {  	s23 =	sadd.s32 $0x30, s4;
	s26 =	sadd.s32 $0xD800, s2  }
0x7ee: {  	[tilespmem:s26], [sflag:$0x2] =	stream.linear.gather [hbm4b:s23+s17], $0x80, $0x38;
	[tilespmem:$0x10080] =	vst v63  }
0x7ef: {  	s7 =	sadd.s32 $0x40, s4;
	s10 =	sadd.s32 $0xE000, s2  }
0x7f0: {  	[tilespmem:s10], [sflag:$0x2] =	stream.linear.gather [hbm4b:s7+s17], $0x80, $0x38;
	[tilespmem:$0x10080] =	vst v63  }
0x7f1: {  	s20 =	sadd.s32 $0x50, s4;
	s22 =	sadd.s32 $0xE800, s2  }
0x7f2: {  	[tilespmem:s22], [sflag:$0x2] =	stream.linear.gather [hbm4b:s20+s17], $0x80, $0x38;
	[tilespmem:$0x10080] =	vst v63  }
0x7f3: {  	s23 =	sadd.s32 $0x60, s4;
	s26 =	sadd.s32 $0xF000, s2  }
0x7f4: {  	[tilespmem:s26], [sflag:$0x2] =	stream.linear.gather [hbm4b:s23+s17], $0x80, $0x38;
	[tilespmem:$0x10080] =	vst v63  }
0x7f5: {  	s6 =	sadd.s32 $0x70, s4;
	s7 =	sadd.s32 $0xF800, s2  }
0x7f6: {  	[tilespmem:s7], [sflag:$0x2] =	stream.linear.gather [hbm4b:s6+s17], $0x80, $0x38;
	[tilespmem:$0x10080] =	vst v63  }
0x7f7: {  	_ =	swait.ge [sflag:s11], $0x4000  }
0x7f8: {  	[sflag:s11] =	ssyncset.done $0x0  }
0x7f9: {  	s10 =	simm.s32 $0x0;
	[sflag:s11] =	ssyncadd.s32 $0xFFFFC000  }
0x7fa: {  	[hbm4b:s31+s8] =	stream.strided.scatter [tilespmem:s10], [sflag:$0x3], $0x800, s9, s8, $0x38;
	[tilespmem:$0x10080] =	vst v63  }
0x7fb: {  	s20 =	sadd.s32 $0x20, s31  }
0x7fc: {  	[hbm4b:s20+s8] =	stream.strided.scatter [tilespmem:s13], [sflag:$0x3], $0x800, s9, s8, $0x38;
	[tilespmem:$0x10080] =	vst v63  }
0x7fd: {  	s22 =	sadd.s32 $0x40, s31  }
0x7fe: {  	[hbm4b:s22+s8] =	stream.strided.scatter [tilespmem:s14], [sflag:$0x3], $0x800, s9, s8, $0x38;
	[tilespmem:$0x10080] =	vst v63  }
0x7ff: {  	s23 =	sadd.s32 $0x60, s31  }
0x800: {  	[hbm4b:s23+s8] =	stream.strided.scatter [tilespmem:s15], [sflag:$0x3], $0x800, s9, s8, $0x38;
	[tilespmem:$0x10080] =	vst v63  }
0x801: {  	s26 =	sadd.s32 $0x400, s31  }
0x802: {  	[hbm4b:s26+s8] =	stream.strided.scatter [tilespmem:s16], [sflag:$0x3], $0x800, s9, s8, $0x38;
	[tilespmem:$0x10080] =	vst v63  }
0x803: {  	s4 =	sadd.s32 $0x420, s31  }
0x804: {  	[hbm4b:s4+s8] =	stream.strided.scatter [tilespmem:s18], [sflag:$0x3], $0x800, s9, s8, $0x38;
	[tilespmem:$0x10080] =	vst v63  }
0x805: {  	s5 =	sadd.s32 $0x440, s31  }
0x806: {  	[hbm4b:s5+s8] =	stream.strided.scatter [tilespmem:s19], [sflag:$0x3], $0x800, s9, s8, $0x38;
	[tilespmem:$0x10080] =	vst v63  }
0x807: {  	s6 =	sadd.s32 $0x460, s31  }
0x808: {  	[hbm4b:s6+s8] =	stream.strided.scatter [tilespmem:s21], [sflag:$0x3], $0x800, s9, s8, $0x38;
	[tilespmem:$0x10080] =	vst v63  }
0x809: {  	s7 =	sadd.s32 $0x800, s31;
	s10 =	simm.s32 $0x4000  }
0x80a: {  	[hbm4b:s7+s8] =	stream.strided.scatter [tilespmem:s10], [sflag:$0x3], $0x800, s9, s8, $0x38;
	[tilespmem:$0x10080] =	vst v63  }
0x80b: {  	s20 =	sadd.s32 $0x820, s31;
	s22 =	simm.s32 $0x4800  }
0x80c: {  	[hbm4b:s20+s8] =	stream.strided.scatter [tilespmem:s22], [sflag:$0x3], $0x800, s9, s8, $0x38;
	[tilespmem:$0x10080] =	vst v63  }
0x80d: {  	s23 =	sadd.s32 $0x840, s31;
	s26 =	simm.s32 $0x5000  }
0x80e: {  	[hbm4b:s23+s8] =	stream.strided.scatter [tilespmem:s26], [sflag:$0x3], $0x800, s9, s8, $0x38;
	[tilespmem:$0x10080] =	vst v63  }
0x80f: {  	s5 =	sadd.s32 $0x860, s31;
	s6 =	simm.s32 $0x5800  }
0x810: {  	[hbm4b:s5+s8] =	stream.strided.scatter [tilespmem:s6], [sflag:$0x3], $0x800, s9, s8, $0x38;
	[tilespmem:$0x10080] =	vst v63  }
0x811: {  	s7 =	sadd.s32 $0xC00, s31;
	s10 =	simm.s32 $0x6000  }
0x812: {  	[hbm4b:s7+s8] =	stream.strided.scatter [tilespmem:s10], [sflag:$0x3], $0x800, s9, s8, $0x38;
	[tilespmem:$0x10080] =	vst v63  }
0x813: {  	s20 =	sadd.s32 $0xC20, s31;
	s22 =	simm.s32 $0x6800  }
0x814: {  	[hbm4b:s20+s8] =	stream.strided.scatter [tilespmem:s22], [sflag:$0x3], $0x800, s9, s8, $0x38;
	[tilespmem:$0x10080] =	vst v63  }
0x815: {  	s23 =	sadd.s32 $0xC40, s31;
	s26 =	simm.s32 $0x7000  }
0x816: {  	[hbm4b:s23+s8] =	stream.strided.scatter [tilespmem:s26], [sflag:$0x3], $0x800, s9, s8, $0x38;
	[tilespmem:$0x10080] =	vst v63  }
0x817: {  	s5 =	sadd.s32 $0xC60, s31;
	s6 =	simm.s32 $0x7800;
	s7 =	simm.s32 $0x3  }
0x818: {  	[hbm4b:s5+s8] =	stream.strided.scatter [tilespmem:s6], [sflag:$0x3], $0x800, s9, s8, $0x38;
	[tilespmem:$0x10080] =	vst v63  }
0x819: {  	_ =	swait.ge [sflag:s7], $0x8000  }
0x81a: {  	[sflag:s7] =	ssyncset.done $0x0  }
0x81b: {  	s10 =	simm.s32 $0x0;
	[sflag:s7] =	ssyncadd.s32 $0xFFFF8000;
	s7 =	rddreg [dreg:$0x12]  }
0x81c: {  	[tilespmem:s10], [sflag:$0x1] =	stream.linear.gather [hbm4b:s7+s17], $0x80, $0x38;
	[tilespmem:$0x10080] =	vst v63  }
0x81d: {  	s22 =	simm.s32 $0x800;
	s20 =	sadd.s32 $0x10, s7  }
0x81e: {  	[tilespmem:s22], [sflag:$0x1] =	stream.linear.gather [hbm4b:s20+s17], $0x80, $0x38;
	[tilespmem:$0x10080] =	vst v63  }
0x81f: {  	s26 =	simm.s32 $0x1000;
	s23 =	sadd.s32 $0x20, s7  }
0x820: {  	[tilespmem:s26], [sflag:$0x1] =	stream.linear.gather [hbm4b:s23+s17], $0x80, $0x38;
	[tilespmem:$0x10080] =	vst v63  }
0x821: {  	s2 =	simm.s32 $0x400;
	s5 =	simm.s32 $0x1800;
	s4 =	sadd.s32 $0x30, s7  }
0x822: {  	[tilespmem:s5], [sflag:$0x1] =	stream.linear.gather [hbm4b:s4+s17], $0x80, $0x38;
	[tilespmem:$0x10080] =	vst v63  }
0x823: {  	s6 =	sadd.s32 $0x40, s7;
	s10 =	simm.s32 $0x2000;
	s20 =	sadd.s32 $0x50, s7  }
0x824: {  	[tilespmem:s10], [sflag:$0x1] =	stream.linear.gather [hbm4b:s6+s17], $0x80, $0x38;
	[tilespmem:$0x10080] =	vst v63  }
0x825: {  	s22 =	simm.s32 $0x2800;
	s23 =	sadd.s32 $0x60, s7;
	s26 =	simm.s32 $0x3000  }
0x826: {  	[tilespmem:s22], [sflag:$0x1] =	stream.linear.gather [hbm4b:s20+s17], $0x80, $0x38;
	[tilespmem:$0x10080] =	vst v63  }
0x827: {  	s5 =	sadd.s32 $0x70, s7;
	s4 =	sadd.s32 $0x80, s7;
	s6 =	simm.s32 $0x3800  }
0x828: {  	[tilespmem:s26], [sflag:$0x1] =	stream.linear.gather [hbm4b:s23+s17], $0x80, $0x38;
	[tilespmem:$0x10080] =	vst v63  }
.LBB2_70:
0x829: {  	[tilespmem:s6], [sflag:$0x1] =	stream.linear.gather [hbm4b:s5+s17], $0x80, $0x38;
	[tilespmem:$0x10080] =	vst v63  }
0x82a: {  	s6 =	sshra.s32 s2, $0x2;
	p1 =	sne.s32 s2, $0x1C00;
	s2 =	sadd.s32 $0x400, s2  }
0x82b: {  	[tilespmem:s6], [sflag:$0x1] =	stream.linear.gather [hbm4b:s4+s17], $0x80, $0x38;
	[tilespmem:$0x10080] =	vst v63  }
0x82c: {  	s5 =	sadd.s32 $0x10, s4;
	s7 =	sadd.s32 $0x800, s6  }
0x82d: {  	[tilespmem:s7], [sflag:$0x1] =	stream.linear.gather [hbm4b:s5+s17], $0x80, $0x38;
	[tilespmem:$0x10080] =	vst v63  }
0x82e: {  	s5 =	sadd.s32 $0x20, s4;
	s7 =	sadd.s32 $0x1000, s6  }
0x82f: {  	[tilespmem:s7], [sflag:$0x1] =	stream.linear.gather [hbm4b:s5+s17], $0x80, $0x38;
	[tilespmem:$0x10080] =	vst v63  }
0x830: {  	s5 =	sadd.s32 $0x30, s4;
	s7 =	sadd.s32 $0x1800, s6  }
0x831: {  	[tilespmem:s7], [sflag:$0x1] =	stream.linear.gather [hbm4b:s5+s17], $0x80, $0x38;
	[tilespmem:$0x10080] =	vst v63  }
0x832: {  	s5 =	sadd.s32 $0x40, s4;
	s7 =	sadd.s32 $0x2000, s6  }
0x833: {  	[tilespmem:s7], [sflag:$0x1] =	stream.linear.gather [hbm4b:s5+s17], $0x80, $0x38;
	[tilespmem:$0x10080] =	vst v63  }
.Ltmp34:
0x834: {  	s5 =	sadd.s32 $0x50, s4;
	s7 =	sadd.s32 $0x2800, s6;
	(pc) =	sbr.rel @p1 .LBB2_70-.Ltmp34, $4  }
0x835: {  	[tilespmem:s7], [sflag:$0x1] =	stream.linear.gather [hbm4b:s5+s17], $0x80, $0x38;
	[tilespmem:$0x10080] =	vst v63  }
0x836: {  	s5 =	sadd.s32 $0x60, s4;
	s7 =	sadd.s32 $0x3000, s6  }
0x837: {  	[tilespmem:s7], [sflag:$0x1] =	stream.linear.gather [hbm4b:s5+s17], $0x80, $0x38;
	[tilespmem:$0x10080] =	vst v63  }
0x838: {  	s6 =	sadd.s32 $0x3800, s6;
	s5 =	sadd.s32 $0x70, s4;
	s4 =	sadd.s32 $0x80, s4  }
0x839: {  	[tilespmem:s6], [sflag:$0x1] =	stream.linear.gather [hbm4b:s5+s17], $0x80, $0x38;
	[tilespmem:$0x10080] =	vst v63  }
0x83a: {  	s2 =	rddreg [dreg:$0x12]  }
0x83b: {  	s10 =	simm.s32 $0x4000;
	s4 =	sadd.s32 $0x400, s2  }
0x83c: {  	[tilespmem:s10], [sflag:$0x1] =	stream.linear.gather [hbm4b:s4+s17], $0x80, $0x38;
	[tilespmem:$0x10080] =	vst v63  }
0x83d: {  	s22 =	simm.s32 $0x4800;
	s20 =	sadd.s32 $0x10, s4  }
0x83e: {  	[tilespmem:s22], [sflag:$0x1] =	stream.linear.gather [hbm4b:s20+s17], $0x80, $0x38;
	[tilespmem:$0x10080] =	vst v63  }
0x83f: {  	s26 =	simm.s32 $0x5000;
	s6 =	simm.s32 $0x5800;
	s23 =	sadd.s32 $0x20, s4  }
0x840: {  	[tilespmem:s26], [sflag:$0x1] =	stream.linear.gather [hbm4b:s23+s17], $0x80, $0x38;
	[tilespmem:$0x10080] =	vst v63  }
0x841: {  	s2 =	simm.s32 $0x100;
	s5 =	sadd.s32 $0x30, s4;
	s7 =	sadd.s32 $0x40, s4  }
0x842: {  	[tilespmem:s6], [sflag:$0x1] =	stream.linear.gather [hbm4b:s5+s17], $0x80, $0x38;
	[tilespmem:$0x10080] =	vst v63  }
0x843: {  	s10 =	simm.s32 $0x6000;
	s20 =	sadd.s32 $0x50, s4;
	s22 =	simm.s32 $0x6800  }
0x844: {  	[tilespmem:s10], [sflag:$0x1] =	stream.linear.gather [hbm4b:s7+s17], $0x80, $0x38;
	[tilespmem:$0x10080] =	vst v63  }
0x845: {  	s23 =	sadd.s32 $0x60, s4;
	s26 =	simm.s32 $0x7000;
	s5 =	simm.s32 $0x800  }
0x846: {  	[tilespmem:s22], [sflag:$0x1] =	stream.linear.gather [hbm4b:s20+s17], $0x80, $0x38;
	[tilespmem:$0x10080] =	vst v63  }
0x847: {  	s6 =	sadd.s32 $0x70, s4;
	s4 =	sadd.s32 $0x80, s4;
	s7 =	simm.s32 $0x7800  }
0x848: {  	[tilespmem:s26], [sflag:$0x1] =	stream.linear.gather [hbm4b:s23+s17], $0x80, $0x38;
	[tilespmem:$0x10080] =	vst v63  }
.LBB2_72:
0x849: {  	[tilespmem:s7], [sflag:$0x1] =	stream.linear.gather [hbm4b:s6+s17], $0x80, $0x38;
	[tilespmem:$0x10080] =	vst v63  }
0x84a: {  	s7 =	smov.u32 s2;
	s2 =	smov.u32 s5  }
0x84b: {  	s10 =	sadd.s32 $0x400, s5;
	s2 =	sshra.s32 s2, $0x2;
	s6 =	sadd.s32 $0x4000, s7  }
0x84c: {  	[tilespmem:s6], [sflag:$0x1] =	stream.linear.gather [hbm4b:s4+s17], $0x80, $0x38;
	[tilespmem:$0x10080] =	vst v63  }
0x84d: {  	p1 =	sne.s32 s5, $0x1C00;
	s5 =	sadd.s32 $0x10, s4;
	s6 =	sadd.s32 $0x4800, s7  }
0x84e: {  	[tilespmem:s6], [sflag:$0x1] =	stream.linear.gather [hbm4b:s5+s17], $0x80, $0x38;
	[tilespmem:$0x10080] =	vst v63  }
0x84f: {  	s5 =	sadd.s32 $0x20, s4;
	s6 =	sadd.s32 $0x5000, s7  }
0x850: {  	[tilespmem:s6], [sflag:$0x1] =	stream.linear.gather [hbm4b:s5+s17], $0x80, $0x38;
	[tilespmem:$0x10080] =	vst v63  }
0x851: {  	s5 =	sadd.s32 $0x30, s4;
	s6 =	sadd.s32 $0x5800, s7  }
0x852: {  	[tilespmem:s6], [sflag:$0x1] =	stream.linear.gather [hbm4b:s5+s17], $0x80, $0x38;
	[tilespmem:$0x10080] =	vst v63  }
0x853: {  	s5 =	sadd.s32 $0x40, s4;
	s6 =	sadd.s32 $0x6000, s7  }
0x854: {  	[tilespmem:s6], [sflag:$0x1] =	stream.linear.gather [hbm4b:s5+s17], $0x80, $0x38;
	[tilespmem:$0x10080] =	vst v63  }
.Ltmp35:
0x855: {  	s5 =	sadd.s32 $0x50, s4;
	s6 =	sadd.s32 $0x6800, s7;
	(pc) =	sbr.rel @p1 .LBB2_72-.Ltmp35, $4  }
0x856: {  	[tilespmem:s6], [sflag:$0x1] =	stream.linear.gather [hbm4b:s5+s17], $0x80, $0x38;
	[tilespmem:$0x10080] =	vst v63  }
0x857: {  	s5 =	sadd.s32 $0x60, s4;
	s6 =	sadd.s32 $0x7000, s7;
	s7 =	sadd.s32 $0x7800, s7  }
0x858: {  	[tilespmem:s6], [sflag:$0x1] =	stream.linear.gather [hbm4b:s5+s17], $0x80, $0x38;
	[tilespmem:$0x10080] =	vst v63  }
0x859: {  	s6 =	sadd.s32 $0x70, s4;
	s4 =	sadd.s32 $0x80, s4;
	s5 =	smov.u32 s10  }
0x85a: {  	[tilespmem:s7], [sflag:$0x1] =	stream.linear.gather [hbm4b:s6+s17], $0x80, $0x38;
	[tilespmem:$0x10080] =	vst v63  }
0x85b: {  	s5 =	sadd.s32 $0x4000, s2  }
0x85c: {  	[tilespmem:s5], [sflag:$0x1] =	stream.linear.gather [hbm4b:s4+s17], $0x80, $0x38;
	[tilespmem:$0x10080] =	vst v63  }
0x85d: {  	s7 =	sadd.s32 $0x10, s4;
	s10 =	sadd.s32 $0x4800, s2  }
0x85e: {  	[tilespmem:s10], [sflag:$0x1] =	stream.linear.gather [hbm4b:s7+s17], $0x80, $0x38;
	[tilespmem:$0x10080] =	vst v63  }
0x85f: {  	s20 =	sadd.s32 $0x20, s4;
	s22 =	sadd.s32 $0x5000, s2  }
0x860: {  	[tilespmem:s22], [sflag:$0x1] =	stream.linear.gather [hbm4b:s20+s17], $0x80, $0x38;
	[tilespmem:$0x10080] =	vst v63  }
0x861: {  	s23 =	sadd.s32 $0x30, s4;
	s26 =	sadd.s32 $0x5800, s2  }
0x862: {  	[tilespmem:s26], [sflag:$0x1] =	stream.linear.gather [hbm4b:s23+s17], $0x80, $0x38;
	[tilespmem:$0x10080] =	vst v63  }
0x863: {  	s7 =	sadd.s32 $0x40, s4;
	s10 =	sadd.s32 $0x6000, s2  }
0x864: {  	[tilespmem:s10], [sflag:$0x1] =	stream.linear.gather [hbm4b:s7+s17], $0x80, $0x38;
	[tilespmem:$0x10080] =	vst v63  }
0x865: {  	s20 =	sadd.s32 $0x50, s4;
	s22 =	sadd.s32 $0x6800, s2  }
0x866: {  	[tilespmem:s22], [sflag:$0x1] =	stream.linear.gather [hbm4b:s20+s17], $0x80, $0x38;
	[tilespmem:$0x10080] =	vst v63  }
0x867: {  	s23 =	sadd.s32 $0x60, s4;
	s26 =	sadd.s32 $0x7000, s2  }
0x868: {  	[tilespmem:s26], [sflag:$0x1] =	stream.linear.gather [hbm4b:s23+s17], $0x80, $0x38;
	[tilespmem:$0x10080] =	vst v63  }
0x869: {  	s6 =	sadd.s32 $0x70, s4;
	s7 =	sadd.s32 $0x7800, s2  }
0x86a: {  	[tilespmem:s7], [sflag:$0x1] =	stream.linear.gather [hbm4b:s6+s17], $0x80, $0x38;
	[tilespmem:$0x10080] =	vst v63  }
0x86b: {  	_ =	swait.ge [sflag:s12], $0x4000  }
0x86c: {  	[sflag:s12] =	ssyncset.done $0x0  }
0x86d: {  	s10 =	simm.s32 $0x8000;
	[sflag:s12] =	ssyncadd.s32 $0xFFFFC000  }
0x86e: {  	[hbm4b:s0+s8] =	stream.strided.scatter [tilespmem:s10], [sflag:$0x4], $0x800, s9, s8, $0x38;
	[tilespmem:$0x10080] =	vst v63  }
0x86f: {  	s20 =	sadd.s32 $0x20, s0;
	s22 =	simm.s32 $0x8800  }
0x870: {  	[hbm4b:s20+s8] =	stream.strided.scatter [tilespmem:s22], [sflag:$0x4], $0x800, s9, s8, $0x38;
	[tilespmem:$0x10080] =	vst v63  }
0x871: {  	s23 =	sadd.s32 $0x40, s0;
	s26 =	simm.s32 $0x9000  }
0x872: {  	[hbm4b:s23+s8] =	stream.strided.scatter [tilespmem:s26], [sflag:$0x4], $0x800, s9, s8, $0x38;
	[tilespmem:$0x10080] =	vst v63  }
0x873: {  	s5 =	sadd.s32 $0x60, s0;
	s6 =	simm.s32 $0x9800  }
0x874: {  	[hbm4b:s5+s8] =	stream.strided.scatter [tilespmem:s6], [sflag:$0x4], $0x800, s9, s8, $0x38;
	[tilespmem:$0x10080] =	vst v63  }
0x875: {  	s7 =	sadd.s32 $0x400, s0;
	s10 =	simm.s32 $0xA000  }
0x876: {  	[hbm4b:s7+s8] =	stream.strided.scatter [tilespmem:s10], [sflag:$0x4], $0x800, s9, s8, $0x38;
	[tilespmem:$0x10080] =	vst v63  }
0x877: {  	s20 =	sadd.s32 $0x420, s0;
	s22 =	simm.s32 $0xA800  }
0x878: {  	[hbm4b:s20+s8] =	stream.strided.scatter [tilespmem:s22], [sflag:$0x4], $0x800, s9, s8, $0x38;
	[tilespmem:$0x10080] =	vst v63  }
0x879: {  	s23 =	sadd.s32 $0x440, s0;
	s26 =	simm.s32 $0xB000  }
0x87a: {  	[hbm4b:s23+s8] =	stream.strided.scatter [tilespmem:s26], [sflag:$0x4], $0x800, s9, s8, $0x38;
	[tilespmem:$0x10080] =	vst v63  }
0x87b: {  	s5 =	sadd.s32 $0x460, s0;
	s6 =	simm.s32 $0xB800  }
0x87c: {  	[hbm4b:s5+s8] =	stream.strided.scatter [tilespmem:s6], [sflag:$0x4], $0x800, s9, s8, $0x38;
	[tilespmem:$0x10080] =	vst v63  }
0x87d: {  	s7 =	sadd.s32 $0x800, s0;
	s10 =	simm.s32 $0xC000  }
0x87e: {  	[hbm4b:s7+s8] =	stream.strided.scatter [tilespmem:s10], [sflag:$0x4], $0x800, s9, s8, $0x38;
	[tilespmem:$0x10080] =	vst v63  }
0x87f: {  	s20 =	sadd.s32 $0x820, s0;
	s22 =	simm.s32 $0xC800  }
0x880: {  	[hbm4b:s20+s8] =	stream.strided.scatter [tilespmem:s22], [sflag:$0x4], $0x800, s9, s8, $0x38;
	[tilespmem:$0x10080] =	vst v63  }
0x881: {  	s23 =	sadd.s32 $0x840, s0;
	s26 =	simm.s32 $0xD000  }
0x882: {  	[hbm4b:s23+s8] =	stream.strided.scatter [tilespmem:s26], [sflag:$0x4], $0x800, s9, s8, $0x38;
	[tilespmem:$0x10080] =	vst v63  }
0x883: {  	s5 =	sadd.s32 $0x860, s0;
	s6 =	simm.s32 $0xD800  }
0x884: {  	[hbm4b:s5+s8] =	stream.strided.scatter [tilespmem:s6], [sflag:$0x4], $0x800, s9, s8, $0x38;
	[tilespmem:$0x10080] =	vst v63  }
0x885: {  	s7 =	sadd.s32 $0xC00, s0;
	s10 =	simm.s32 $0xE000  }
0x886: {  	[hbm4b:s7+s8] =	stream.strided.scatter [tilespmem:s10], [sflag:$0x4], $0x800, s9, s8, $0x38;
	[tilespmem:$0x10080] =	vst v63  }
0x887: {  	s20 =	sadd.s32 $0xC20, s0;
	s22 =	simm.s32 $0xE800  }
0x888: {  	[hbm4b:s20+s8] =	stream.strided.scatter [tilespmem:s22], [sflag:$0x4], $0x800, s9, s8, $0x38;
	[tilespmem:$0x10080] =	vst v63  }
0x889: {  	s23 =	sadd.s32 $0xC40, s0;
	s26 =	simm.s32 $0xF000  }
0x88a: {  	[hbm4b:s23+s8] =	stream.strided.scatter [tilespmem:s26], [sflag:$0x4], $0x800, s9, s8, $0x38;
	[tilespmem:$0x10080] =	vst v63  }
0x88b: {  	s4 =	sadd.s32 $0xC60, s0;
	s5 =	simm.s32 $0xF800;
	s6 =	simm.s32 $0x4  }
0x88c: {  	[hbm4b:s4+s8] =	stream.strided.scatter [tilespmem:s5], [sflag:$0x4], $0x800, s9, s8, $0x38;
	[tilespmem:$0x10080] =	vst v63  }
0x88d: {  	_ =	swait.ge [sflag:s6], $0x8000  }
0x88e: {  	[sflag:s6] =	ssyncset.done $0x0  }
0x88f: {  	s7 =	simm.s32 $0x8000;
	s10 =	rddreg [dreg:$0x13];
	[sflag:s6] =	ssyncadd.s32 $0xFFFF8000  }
0x890: {  	[tilespmem:s7], [sflag:$0x2] =	stream.linear.gather [hbm4b:s10+s17], $0x80, $0x38;
	[tilespmem:$0x10080] =	vst v63  }
0x891: {  	s22 =	simm.s32 $0x8800;
	s20 =	sadd.s32 $0x10, s10  }
0x892: {  	[tilespmem:s22], [sflag:$0x2] =	stream.linear.gather [hbm4b:s20+s17], $0x80, $0x38;
	[tilespmem:$0x10080] =	vst v63  }
0x893: {  	s2 =	simm.s32 $0x100;
	s26 =	simm.s32 $0x9000;
	s23 =	sadd.s32 $0x20, s10  }
0x894: {  	[tilespmem:s26], [sflag:$0x2] =	stream.linear.gather [hbm4b:s23+s17], $0x80, $0x38;
	[tilespmem:$0x10080] =	vst v63  }
0x895: {  	s5 =	simm.s32 $0x9800;
	s4 =	sadd.s32 $0x30, s10;
	s6 =	sadd.s32 $0x40, s10  }
0x896: {  	[tilespmem:s5], [sflag:$0x2] =	stream.linear.gather [hbm4b:s4+s17], $0x80, $0x38;
	[tilespmem:$0x10080] =	vst v63  }
0x897: {  	s7 =	simm.s32 $0xA000;
	s20 =	sadd.s32 $0x50, s10;
	s22 =	simm.s32 $0xA800  }
0x898: {  	[tilespmem:s7], [sflag:$0x2] =	stream.linear.gather [hbm4b:s6+s17], $0x80, $0x38;
	[tilespmem:$0x10080] =	vst v63  }
0x899: {  	s23 =	sadd.s32 $0x60, s10;
	s26 =	simm.s32 $0xB000;
	s5 =	simm.s32 $0x800  }
0x89a: {  	[tilespmem:s22], [sflag:$0x2] =	stream.linear.gather [hbm4b:s20+s17], $0x80, $0x38;
	[tilespmem:$0x10080] =	vst v63  }
0x89b: {  	s4 =	sadd.s32 $0x80, s10;
	s6 =	sadd.s32 $0x70, s10;
	s7 =	simm.s32 $0xB800  }
0x89c: {  	[tilespmem:s26], [sflag:$0x2] =	stream.linear.gather [hbm4b:s23+s17], $0x80, $0x38;
	[tilespmem:$0x10080] =	vst v63  }
.LBB2_74:
0x89d: {  	[tilespmem:s7], [sflag:$0x2] =	stream.linear.gather [hbm4b:s6+s17], $0x80, $0x38;
	[tilespmem:$0x10080] =	vst v63  }
0x89e: {  	s7 =	smov.u32 s2;
	s2 =	smov.u32 s5  }
0x89f: {  	s10 =	sadd.s32 $0x400, s5;
	s2 =	sshra.s32 s2, $0x2;
	s6 =	sadd.s32 $0x8000, s7  }
0x8a0: {  	[tilespmem:s6], [sflag:$0x2] =	stream.linear.gather [hbm4b:s4+s17], $0x80, $0x38;
	[tilespmem:$0x10080] =	vst v63  }
0x8a1: {  	p1 =	sne.s32 s5, $0x1C00;
	s5 =	sadd.s32 $0x10, s4;
	s6 =	sadd.s32 $0x8800, s7  }
0x8a2: {  	[tilespmem:s6], [sflag:$0x2] =	stream.linear.gather [hbm4b:s5+s17], $0x80, $0x38;
	[tilespmem:$0x10080] =	vst v63  }
0x8a3: {  	s5 =	sadd.s32 $0x20, s4;
	s6 =	sadd.s32 $0x9000, s7  }
0x8a4: {  	[tilespmem:s6], [sflag:$0x2] =	stream.linear.gather [hbm4b:s5+s17], $0x80, $0x38;
	[tilespmem:$0x10080] =	vst v63  }
0x8a5: {  	s5 =	sadd.s32 $0x30, s4;
	s6 =	sadd.s32 $0x9800, s7  }
0x8a6: {  	[tilespmem:s6], [sflag:$0x2] =	stream.linear.gather [hbm4b:s5+s17], $0x80, $0x38;
	[tilespmem:$0x10080] =	vst v63  }
0x8a7: {  	s5 =	sadd.s32 $0x40, s4;
	s6 =	sadd.s32 $0xA000, s7  }
0x8a8: {  	[tilespmem:s6], [sflag:$0x2] =	stream.linear.gather [hbm4b:s5+s17], $0x80, $0x38;
	[tilespmem:$0x10080] =	vst v63  }
.Ltmp36:
0x8a9: {  	s5 =	sadd.s32 $0x50, s4;
	s6 =	sadd.s32 $0xA800, s7;
	(pc) =	sbr.rel @p1 .LBB2_74-.Ltmp36, $4  }
0x8aa: {  	[tilespmem:s6], [sflag:$0x2] =	stream.linear.gather [hbm4b:s5+s17], $0x80, $0x38;
	[tilespmem:$0x10080] =	vst v63  }
0x8ab: {  	s5 =	sadd.s32 $0x60, s4;
	s6 =	sadd.s32 $0xB000, s7;
	s7 =	sadd.s32 $0xB800, s7  }
0x8ac: {  	[tilespmem:s6], [sflag:$0x2] =	stream.linear.gather [hbm4b:s5+s17], $0x80, $0x38;
	[tilespmem:$0x10080] =	vst v63  }
0x8ad: {  	s6 =	sadd.s32 $0x70, s4;
	s4 =	sadd.s32 $0x80, s4;
	s5 =	smov.u32 s10  }
0x8ae: {  	[tilespmem:s7], [sflag:$0x2] =	stream.linear.gather [hbm4b:s6+s17], $0x80, $0x38;
	[tilespmem:$0x10080] =	vst v63  }
0x8af: {  	s5 =	sadd.s32 $0x8000, s2  }
0x8b0: {  	[tilespmem:s5], [sflag:$0x2] =	stream.linear.gather [hbm4b:s4+s17], $0x80, $0x38;
	[tilespmem:$0x10080] =	vst v63  }
0x8b1: {  	s7 =	sadd.s32 $0x10, s4;
	s10 =	sadd.s32 $0x8800, s2  }
0x8b2: {  	[tilespmem:s10], [sflag:$0x2] =	stream.linear.gather [hbm4b:s7+s17], $0x80, $0x38;
	[tilespmem:$0x10080] =	vst v63  }
0x8b3: {  	s20 =	sadd.s32 $0x20, s4;
	s22 =	sadd.s32 $0x9000, s2  }
0x8b4: {  	[tilespmem:s22], [sflag:$0x2] =	stream.linear.gather [hbm4b:s20+s17], $0x80, $0x38;
	[tilespmem:$0x10080] =	vst v63  }
0x8b5: {  	s23 =	sadd.s32 $0x30, s4;
	s26 =	sadd.s32 $0x9800, s2  }
0x8b6: {  	[tilespmem:s26], [sflag:$0x2] =	stream.linear.gather [hbm4b:s23+s17], $0x80, $0x38;
	[tilespmem:$0x10080] =	vst v63  }
0x8b7: {  	s7 =	sadd.s32 $0x40, s4;
	s10 =	sadd.s32 $0xA000, s2  }
0x8b8: {  	[tilespmem:s10], [sflag:$0x2] =	stream.linear.gather [hbm4b:s7+s17], $0x80, $0x38;
	[tilespmem:$0x10080] =	vst v63  }
0x8b9: {  	s20 =	sadd.s32 $0x50, s4;
	s22 =	sadd.s32 $0xA800, s2  }
0x8ba: {  	[tilespmem:s22], [sflag:$0x2] =	stream.linear.gather [hbm4b:s20+s17], $0x80, $0x38;
	[tilespmem:$0x10080] =	vst v63  }
0x8bb: {  	s23 =	sadd.s32 $0x60, s4;
	s26 =	sadd.s32 $0xB000, s2  }
0x8bc: {  	[tilespmem:s26], [sflag:$0x2] =	stream.linear.gather [hbm4b:s23+s17], $0x80, $0x38;
	[tilespmem:$0x10080] =	vst v63  }
0x8bd: {  	s6 =	sadd.s32 $0xB800, s2;
	s5 =	sadd.s32 $0x70, s4;
	s7 =	rddreg [dreg:$0x13]  }
0x8be: {  	[tilespmem:s6], [sflag:$0x2] =	stream.linear.gather [hbm4b:s5+s17], $0x80, $0x38;
	[tilespmem:$0x10080] =	vst v63  }
0x8bf: {  	s10 =	simm.s32 $0xC000;
	s4 =	sadd.s32 $0x400, s7  }
0x8c0: {  	[tilespmem:s10], [sflag:$0x2] =	stream.linear.gather [hbm4b:s4+s17], $0x80, $0x38;
	[tilespmem:$0x10080] =	vst v63  }
0x8c1: {  	s20 =	sadd.s32 $0x10, s4;
	s22 =	simm.s32 $0xC800  }
0x8c2: {  	[tilespmem:s22], [sflag:$0x2] =	stream.linear.gather [hbm4b:s20+s17], $0x80, $0x38;
	[tilespmem:$0x10080] =	vst v63  }
0x8c3: {  	s2 =	simm.s32 $0x100;
	s23 =	sadd.s32 $0x20, s4;
	s26 =	simm.s32 $0xD000  }
0x8c4: {  	[tilespmem:s26], [sflag:$0x2] =	stream.linear.gather [hbm4b:s23+s17], $0x80, $0x38;
	[tilespmem:$0x10080] =	vst v63  }
0x8c5: {  	s7 =	sadd.s32 $0x40, s4;
	s5 =	sadd.s32 $0x30, s4;
	s6 =	simm.s32 $0xD800  }
0x8c6: {  	[tilespmem:s6], [sflag:$0x2] =	stream.linear.gather [hbm4b:s5+s17], $0x80, $0x38;
	[tilespmem:$0x10080] =	vst v63  }
0x8c7: {  	s10 =	simm.s32 $0xE000;
	s20 =	sadd.s32 $0x50, s4;
	s22 =	simm.s32 $0xE800  }
0x8c8: {  	[tilespmem:s10], [sflag:$0x2] =	stream.linear.gather [hbm4b:s7+s17], $0x80, $0x38;
	[tilespmem:$0x10080] =	vst v63  }
0x8c9: {  	s23 =	sadd.s32 $0x60, s4;
	s26 =	simm.s32 $0xF000;
	s5 =	simm.s32 $0x800  }
0x8ca: {  	[tilespmem:s22], [sflag:$0x2] =	stream.linear.gather [hbm4b:s20+s17], $0x80, $0x38;
	[tilespmem:$0x10080] =	vst v63  }
0x8cb: {  	s6 =	sadd.s32 $0x70, s4;
	s4 =	sadd.s32 $0x80, s4;
	s7 =	simm.s32 $0xF800  }
0x8cc: {  	[tilespmem:s26], [sflag:$0x2] =	stream.linear.gather [hbm4b:s23+s17], $0x80, $0x38;
	[tilespmem:$0x10080] =	vst v63  }
.LBB2_76:
0x8cd: {  	[tilespmem:s7], [sflag:$0x2] =	stream.linear.gather [hbm4b:s6+s17], $0x80, $0x38;
	[tilespmem:$0x10080] =	vst v63  }
0x8ce: {  	s7 =	smov.u32 s2;
	s2 =	smov.u32 s5  }
0x8cf: {  	s10 =	sadd.s32 $0x400, s5;
	s2 =	sshra.s32 s2, $0x2;
	s6 =	sadd.s32 $0xC000, s7  }
0x8d0: {  	[tilespmem:s6], [sflag:$0x2] =	stream.linear.gather [hbm4b:s4+s17], $0x80, $0x38;
	[tilespmem:$0x10080] =	vst v63  }
0x8d1: {  	p1 =	sne.s32 s5, $0x1C00;
	s5 =	sadd.s32 $0x10, s4;
	s6 =	sadd.s32 $0xC800, s7  }
0x8d2: {  	[tilespmem:s6], [sflag:$0x2] =	stream.linear.gather [hbm4b:s5+s17], $0x80, $0x38;
	[tilespmem:$0x10080] =	vst v63  }
0x8d3: {  	s5 =	sadd.s32 $0x20, s4;
	s6 =	sadd.s32 $0xD000, s7  }
0x8d4: {  	[tilespmem:s6], [sflag:$0x2] =	stream.linear.gather [hbm4b:s5+s17], $0x80, $0x38;
	[tilespmem:$0x10080] =	vst v63  }
0x8d5: {  	s5 =	sadd.s32 $0x30, s4;
	s6 =	sadd.s32 $0xD800, s7  }
0x8d6: {  	[tilespmem:s6], [sflag:$0x2] =	stream.linear.gather [hbm4b:s5+s17], $0x80, $0x38;
	[tilespmem:$0x10080] =	vst v63  }
0x8d7: {  	s5 =	sadd.s32 $0x40, s4;
	s6 =	sadd.s32 $0xE000, s7  }
0x8d8: {  	[tilespmem:s6], [sflag:$0x2] =	stream.linear.gather [hbm4b:s5+s17], $0x80, $0x38;
	[tilespmem:$0x10080] =	vst v63  }
.Ltmp37:
0x8d9: {  	s5 =	sadd.s32 $0x50, s4;
	s6 =	sadd.s32 $0xE800, s7;
	(pc) =	sbr.rel @p1 .LBB2_76-.Ltmp37, $4  }
0x8da: {  	[tilespmem:s6], [sflag:$0x2] =	stream.linear.gather [hbm4b:s5+s17], $0x80, $0x38;
	[tilespmem:$0x10080] =	vst v63  }
0x8db: {  	s5 =	sadd.s32 $0x60, s4;
	s6 =	sadd.s32 $0xF000, s7;
	s7 =	sadd.s32 $0xF800, s7  }
0x8dc: {  	[tilespmem:s6], [sflag:$0x2] =	stream.linear.gather [hbm4b:s5+s17], $0x80, $0x38;
	[tilespmem:$0x10080] =	vst v63  }
0x8dd: {  	s6 =	sadd.s32 $0x70, s4;
	s4 =	sadd.s32 $0x80, s4;
	s5 =	smov.u32 s10  }
0x8de: {  	[tilespmem:s7], [sflag:$0x2] =	stream.linear.gather [hbm4b:s6+s17], $0x80, $0x38;
	[tilespmem:$0x10080] =	vst v63  }
0x8df: {  	s5 =	sadd.s32 $0xC000, s2  }
0x8e0: {  	[tilespmem:s5], [sflag:$0x2] =	stream.linear.gather [hbm4b:s4+s17], $0x80, $0x38;
	[tilespmem:$0x10080] =	vst v63  }
0x8e1: {  	s7 =	sadd.s32 $0x10, s4;
	s10 =	sadd.s32 $0xC800, s2  }
0x8e2: {  	[tilespmem:s10], [sflag:$0x2] =	stream.linear.gather [hbm4b:s7+s17], $0x80, $0x38;
	[tilespmem:$0x10080] =	vst v63  }
0x8e3: {  	s20 =	sadd.s32 $0x20, s4;
	s22 =	sadd.s32 $0xD000, s2  }
0x8e4: {  	[tilespmem:s22], [sflag:$0x2] =	stream.linear.gather [hbm4b:s20+s17], $0x80, $0x38;
	[tilespmem:$0x10080] =	vst v63  }
0x8e5: {  	s23 =	sadd.s32 $0x30, s4;
	s26 =	sadd.s32 $0xD800, s2  }
0x8e6: {  	[tilespmem:s26], [sflag:$0x2] =	stream.linear.gather [hbm4b:s23+s17], $0x80, $0x38;
	[tilespmem:$0x10080] =	vst v63  }
0x8e7: {  	s7 =	sadd.s32 $0x40, s4;
	s10 =	sadd.s32 $0xE000, s2  }
0x8e8: {  	[tilespmem:s10], [sflag:$0x2] =	stream.linear.gather [hbm4b:s7+s17], $0x80, $0x38;
	[tilespmem:$0x10080] =	vst v63  }
0x8e9: {  	s20 =	sadd.s32 $0x50, s4;
	s22 =	sadd.s32 $0xE800, s2  }
0x8ea: {  	[tilespmem:s22], [sflag:$0x2] =	stream.linear.gather [hbm4b:s20+s17], $0x80, $0x38;
	[tilespmem:$0x10080] =	vst v63  }
0x8eb: {  	s23 =	sadd.s32 $0x60, s4;
	s26 =	sadd.s32 $0xF000, s2  }
0x8ec: {  	[tilespmem:s26], [sflag:$0x2] =	stream.linear.gather [hbm4b:s23+s17], $0x80, $0x38;
	[tilespmem:$0x10080] =	vst v63  }
0x8ed: {  	s7 =	sadd.s32 $0x70, s4;
	s10 =	sadd.s32 $0xF800, s2  }
0x8ee: {  	[tilespmem:s10], [sflag:$0x2] =	stream.linear.gather [hbm4b:s7+s17], $0x80, $0x38;
	[tilespmem:$0x10080] =	vst v63  }
0x8ef: {  	_ =	swait.ge [sflag:s11], $0x4000  }
0x8f0: {  	[sflag:s11] =	ssyncset.done $0x0  }
0x8f1: {  	[sflag:s11] =	ssyncadd.s32 $0xFFFFC000  }
0x8f2: {  	[hbm4b:s1+s8] =	stream.strided.scatter [tilespmem:s17], [sflag:$0x3], $0x800, s9, s8, $0x38;
	[tilespmem:$0x10080] =	vst v63  }
0x8f3: {  	s11 =	sadd.s32 $0x20, s1  }
0x8f4: {  	[hbm4b:s11+s8] =	stream.strided.scatter [tilespmem:s13], [sflag:$0x3], $0x800, s9, s8, $0x38;
	[tilespmem:$0x10080] =	vst v63  }
0x8f5: {  	s13 =	sadd.s32 $0x40, s1  }
0x8f6: {  	[hbm4b:s13+s8] =	stream.strided.scatter [tilespmem:s14], [sflag:$0x3], $0x800, s9, s8, $0x38;
	[tilespmem:$0x10080] =	vst v63  }
0x8f7: {  	s20 =	sadd.s32 $0x60, s1  }
0x8f8: {  	[hbm4b:s20+s8] =	stream.strided.scatter [tilespmem:s15], [sflag:$0x3], $0x800, s9, s8, $0x38;
	[tilespmem:$0x10080] =	vst v63  }
0x8f9: {  	s22 =	sadd.s32 $0x400, s1  }
0x8fa: {  	[hbm4b:s22+s8] =	stream.strided.scatter [tilespmem:s16], [sflag:$0x3], $0x800, s9, s8, $0x38;
	[tilespmem:$0x10080] =	vst v63  }
0x8fb: {  	s23 =	sadd.s32 $0x420, s1  }
0x8fc: {  	[hbm4b:s23+s8] =	stream.strided.scatter [tilespmem:s18], [sflag:$0x3], $0x800, s9, s8, $0x38;
	[tilespmem:$0x10080] =	vst v63  }
0x8fd: {  	s26 =	sadd.s32 $0x440, s1  }
0x8fe: {  	[hbm4b:s26+s8] =	stream.strided.scatter [tilespmem:s19], [sflag:$0x3], $0x800, s9, s8, $0x38;
	[tilespmem:$0x10080] =	vst v63  }
0x8ff: {  	s4 =	sadd.s32 $0x460, s1  }
0x900: {  	[hbm4b:s4+s8] =	stream.strided.scatter [tilespmem:s21], [sflag:$0x3], $0x800, s9, s8, $0x38;
	[tilespmem:$0x10080] =	vst v63  }
0x901: {  	s6 =	simm.s32 $0x4000;
	s5 =	sadd.s32 $0x800, s1  }
0x902: {  	[hbm4b:s5+s8] =	stream.strided.scatter [tilespmem:s6], [sflag:$0x3], $0x800, s9, s8, $0x38;
	[tilespmem:$0x10080] =	vst v63  }
0x903: {  	s7 =	sadd.s32 $0x820, s1;
	s10 =	simm.s32 $0x4800  }
0x904: {  	[hbm4b:s7+s8] =	stream.strided.scatter [tilespmem:s10], [sflag:$0x3], $0x800, s9, s8, $0x38;
	[tilespmem:$0x10080] =	vst v63  }
0x905: {  	s11 =	sadd.s32 $0x840, s1;
	s13 =	simm.s32 $0x5000  }
0x906: {  	[hbm4b:s11+s8] =	stream.strided.scatter [tilespmem:s13], [sflag:$0x3], $0x800, s9, s8, $0x38;
	[tilespmem:$0x10080] =	vst v63  }
0x907: {  	s14 =	sadd.s32 $0x860, s1;
	s15 =	simm.s32 $0x5800  }
0x908: {  	[hbm4b:s14+s8] =	stream.strided.scatter [tilespmem:s15], [sflag:$0x3], $0x800, s9, s8, $0x38;
	[tilespmem:$0x10080] =	vst v63  }
0x909: {  	s16 =	sadd.s32 $0xC00, s1;
	s18 =	simm.s32 $0x6000  }
0x90a: {  	[hbm4b:s16+s8] =	stream.strided.scatter [tilespmem:s18], [sflag:$0x3], $0x800, s9, s8, $0x38;
	[tilespmem:$0x10080] =	vst v63  }
0x90b: {  	s20 =	simm.s32 $0x6800;
	s19 =	sadd.s32 $0xC20, s1  }
0x90c: {  	[hbm4b:s19+s8] =	stream.strided.scatter [tilespmem:s20], [sflag:$0x3], $0x800, s9, s8, $0x38;
	[tilespmem:$0x10080] =	vst v63  }
0x90d: {  	s22 =	simm.s32 $0x7000;
	s21 =	sadd.s32 $0xC40, s1  }
0x90e: {  	[hbm4b:s21+s8] =	stream.strided.scatter [tilespmem:s22], [sflag:$0x3], $0x800, s9, s8, $0x38;
	[tilespmem:$0x10080] =	vst v63  }
0x90f: {  	s23 =	sadd.s32 $0xC60, s1;
	s26 =	simm.s32 $0x7800  }
0x910: {  	[hbm4b:s23+s8] =	stream.strided.scatter [tilespmem:s26], [sflag:$0x3], $0x800, s9, s8, $0x38;
	[tilespmem:$0x10080] =	vst v63  }
0x911: {  	_ =	swait.ge [sflag:s12], $0x4000  }
0x912: {  	[sflag:s12] =	ssyncset.done $0x0  }
0x913: {  	s5 =	simm.s32 $0x8000;
	[sflag:s12] =	ssyncadd.s32 $0xFFFFC000  }
0x914: {  	[hbm4b:s3+s8] =	stream.strided.scatter [tilespmem:s5], [sflag:$0x4], $0x800, s9, s8, $0x38;
	[tilespmem:$0x10080] =	vst v63  }
0x915: {  	s6 =	sadd.s32 $0x20, s3;
	s7 =	simm.s32 $0x8800  }
0x916: {  	[hbm4b:s6+s8] =	stream.strided.scatter [tilespmem:s7], [sflag:$0x4], $0x800, s9, s8, $0x38;
	[tilespmem:$0x10080] =	vst v63  }
0x917: {  	s10 =	sadd.s32 $0x40, s3;
	s11 =	simm.s32 $0x9000  }
0x918: {  	[hbm4b:s10+s8] =	stream.strided.scatter [tilespmem:s11], [sflag:$0x4], $0x800, s9, s8, $0x38;
	[tilespmem:$0x10080] =	vst v63  }
0x919: {  	s13 =	simm.s32 $0x9800;
	s12 =	sadd.s32 $0x60, s3  }
0x91a: {  	[hbm4b:s12+s8] =	stream.strided.scatter [tilespmem:s13], [sflag:$0x4], $0x800, s9, s8, $0x38;
	[tilespmem:$0x10080] =	vst v63  }
0x91b: {  	s14 =	sadd.s32 $0x400, s3;
	s15 =	simm.s32 $0xA000  }
0x91c: {  	[hbm4b:s14+s8] =	stream.strided.scatter [tilespmem:s15], [sflag:$0x4], $0x800, s9, s8, $0x38;
	[tilespmem:$0x10080] =	vst v63  }
0x91d: {  	s16 =	sadd.s32 $0x420, s3;
	s18 =	simm.s32 $0xA800  }
0x91e: {  	[hbm4b:s16+s8] =	stream.strided.scatter [tilespmem:s18], [sflag:$0x4], $0x800, s9, s8, $0x38;
	[tilespmem:$0x10080] =	vst v63  }
0x91f: {  	s19 =	sadd.s32 $0x440, s3;
	s20 =	simm.s32 $0xB000  }
0x920: {  	[hbm4b:s19+s8] =	stream.strided.scatter [tilespmem:s20], [sflag:$0x4], $0x800, s9, s8, $0x38;
	[tilespmem:$0x10080] =	vst v63  }
0x921: {  	s21 =	sadd.s32 $0x460, s3;
	s22 =	simm.s32 $0xB800  }
0x922: {  	[hbm4b:s21+s8] =	stream.strided.scatter [tilespmem:s22], [sflag:$0x4], $0x800, s9, s8, $0x38;
	[tilespmem:$0x10080] =	vst v63  }
0x923: {  	s23 =	sadd.s32 $0x800, s3;
	s26 =	simm.s32 $0xC000  }
0x924: {  	[hbm4b:s23+s8] =	stream.strided.scatter [tilespmem:s26], [sflag:$0x4], $0x800, s9, s8, $0x38;
	[tilespmem:$0x10080] =	vst v63  }
0x925: {  	s4 =	sadd.s32 $0x820, s3;
	s5 =	simm.s32 $0xC800  }
0x926: {  	[hbm4b:s4+s8] =	stream.strided.scatter [tilespmem:s5], [sflag:$0x4], $0x800, s9, s8, $0x38;
	[tilespmem:$0x10080] =	vst v63  }
0x927: {  	s6 =	sadd.s32 $0x840, s3;
	s7 =	simm.s32 $0xD000  }
0x928: {  	[hbm4b:s6+s8] =	stream.strided.scatter [tilespmem:s7], [sflag:$0x4], $0x800, s9, s8, $0x38;
	[tilespmem:$0x10080] =	vst v63  }
0x929: {  	s10 =	sadd.s32 $0x860, s3;
	s11 =	simm.s32 $0xD800  }
0x92a: {  	[hbm4b:s10+s8] =	stream.strided.scatter [tilespmem:s11], [sflag:$0x4], $0x800, s9, s8, $0x38;
	[tilespmem:$0x10080] =	vst v63  }
0x92b: {  	s12 =	sadd.s32 $0xC00, s3;
	s13 =	simm.s32 $0xE000  }
0x92c: {  	[hbm4b:s12+s8] =	stream.strided.scatter [tilespmem:s13], [sflag:$0x4], $0x800, s9, s8, $0x38;
	[tilespmem:$0x10080] =	vst v63  }
0x92d: {  	s14 =	sadd.s32 $0xC20, s3;
	s15 =	simm.s32 $0xE800  }
0x92e: {  	[hbm4b:s14+s8] =	stream.strided.scatter [tilespmem:s15], [sflag:$0x4], $0x800, s9, s8, $0x38;
	[tilespmem:$0x10080] =	vst v63  }
0x92f: {  	s16 =	sadd.s32 $0xC40, s3;
	s18 =	simm.s32 $0xF000  }
0x930: {  	[hbm4b:s16+s8] =	stream.strided.scatter [tilespmem:s18], [sflag:$0x4], $0x800, s9, s8, $0x38;
	[tilespmem:$0x10080] =	vst v63  }
0x931: {  	s19 =	sadd.s32 $0xC60, s3;
	s20 =	simm.s32 $0xF800;
	s21 =	simm.s32 $0x3  }
0x932: {  	[hbm4b:s19+s8] =	stream.strided.scatter [tilespmem:s20], [sflag:$0x4], $0x800, s9, s8, $0x38;
	[tilespmem:$0x10080] =	vst v63  }
0x933: {  	_ =	swait.ge [sflag:s21], $0x8000  }
0x934: {  	[sflag:s21] =	ssyncset.done $0x0  }
0x935: {  	s22 =	simm.s32 $0x4;
	[sflag:s21] =	ssyncadd.s32 $0xFFFF8000  }
0x936: {  	_ =	swait.ge [sflag:s22], $0x8000  }
0x937: {  	[sflag:s22] =	ssyncset.done $0x0  }
0x938: {  	[sflag:s22] =	ssyncadd.s32 $0xFFFF8000  }
0x939: {  	s2 =	simm.s32 @!p0 $0x0;
	s4 =	simm.s32 @!p0 $0x10000;
	s5 =	rddreg [dreg:$0x2]  }
0x93a: {  	[tilespmem:s4], [sflag:$0x5] =	stream.linear.gather @!p0 [hbm4b:s5+s2], $0x80, $0x38;
	[tilespmem:$0x10080] =	vst v63  }
0x93b: {  	s5 =	simm.s32 @!p0 $0x5  }
0x93c: {  	_ =	swait.ge @!p0 [sflag:s5], $0x80  }
0x93d: {  	[sflag:s5] =	ssyncset.done @!p0 $0x0  }
0x93e: {  	[sflag:s5] =	ssyncadd.s32 @!p0 $0xFFFFFF80  }
0x93f: {  	v0 =	vld @!p0 [tilespmem:$0x10000];
	_ =	sdelay $0x4  }
0x940: {  	v0 =	vshll.u32 @!p0 v0, $0x1  }
0x941: {  	s6 =	rddreg [dreg:$0x4];
	[tilespmem:$0x10000] =	vst @!p0 v0  }
0x942: {  	[hbm4b:s6+s2] =	stream.linear.scatter @!p0 [tilespmem:s4], [sflag:$0x5], $0x80, $0x38;
	[tilespmem:$0x10080] =	vst v63  }
0x943: {  	_ =	swait.ge @!p0 [sflag:s5], $0x80  }
0x944: {  	s23 =	sld [smem:$0x7F7];
	_ =	sdelay $0x2  }
0x945: {  	s26 =	rddreg [dreg:$0x1d];
	s4 =	sadd.s32 $0x1, s23  }
0x946: {  	p1 =	sne.s32 s4, s26  }
.Ltmp38:
0x947: {  	_ = 	snop;
	(pc) =	sbr.rel @p1 .LBB2_1-.Ltmp38, $3  }
0x948: {  	_ =	sdelay $0x1  }
0x949: {  	[sflag:s5] =	ssyncset.done @!p0 $0x0  }
0x94a: {  	[sflag:s5] =	ssyncadd.s32 @!p0 $0xFFFFFF80  }
0x94b: {  	_ =	sfence.sel $0x180000  }
0x94c: {  	[bflag:$0x0] =	sbarrier.arrive $0xFFFF  }
0x94d: {  	_ =	strace $0x90000047  }
0x94e: {  	s0 =	stileid.u32;
	[bflag:$0x2] =	sbarrier.arrive $0xFFFF  }
0x94f: {  	p0 =	sne.s32 s0, $0x0;
	s0 =	rddreg [dreg:$0x5]  }
0x950: {  	s0 =	sadd.s32 @!p0 $0x100000, s0  }
0x951: {  	[sflag:s0] =	ssyncadd.tile.s32 @!p0 $0x1;
	_ =	shalt  }
.Lfunc_end2:
_tile_overlayer_lowered:
.L_overlay_start_2:
0x952: {  	(tag) =	ssettag $0x2  }
0x953: {  	s0 =	rddreg [dreg:$0x0];
	s2 =	stileid.u32  }
0x954: {  	s1 =	rddreg [dreg:$0x1];
	p0 =	sne.s32 s2, $0x0  }
0x955: {  	s3 =	rddreg [dreg:$0x2];
	[bflag:$0x3] =	sbarrier.arrive $0xFFFF;
	s2 =	simm.s32 @!p0 $0x1C05  }
0x956: {  	[timem:s3], [sflag:s2] =	dma.local @!p0 [hbm:s0], s1  }
0x957: {  	s0 =	simm.s32 @!p0 $0x5  }
0x958: {  	_ =	swait.ge @!p0 [sflag:s0], s1  }
0x959: {  	s1 =	ssub.s32 @!p0 $0x0, s1;
	[sflag:s0] =	ssyncset.done @!p0 $0x0  }
0x95a: {  	[sflag:s0] =	ssyncadd.s32 @!p0 s1  }
0x95b: {  	[bflag:$0x3] =	sbarrier.arrive $0xFFFF  }
0x95c: {  	_ =	shalt  }

</sc_bundles>
